<compile_context>
chip_gen: v7x
topology: tpu7x:2x2x1
jax: 0.10.2.dev20260603
libtpu: 0.0.44.dev20260713+nightly
codegen_flags: <defaults>
</compile_context>

<pallas_src>
import jax
import jax.numpy as jnp
from jax import lax
from jax.experimental import pallas as pl
from jax.experimental.pallas import tpu as pltpu
from jax.experimental.pallas import tpu_sc as plsc

_N0, _N1, _N2 = 10000, 4000, 1000
_E0, _E1 = 160000, 64000
_NUM_NODES, _HID, _OUT = 100000, 256, 4
_NC, _NS, _L = 2, 16, 16
_DH = _HID // _NC

_N0P = _NS * 5 * 128
_N1P = _NS * 256
_N2P = _NS * 64
_C0 = 80
_C1 = 32
_E0P = _NS * _C0 * 128
_E1P = _NS * _C1 * 128

_F32 = jnp.float32
_I32 = jnp.int32


def _rsqrt16(x):
    i = lax.bitcast_convert_type(x, _I32)
    y = lax.bitcast_convert_type(jnp.int32(0x5F3759DF) - (i >> 1), _F32)
    for _ in range(3):
        y = y * (1.5 - 0.5 * x * y * y)
    return y


def _zero_vmem_2d(buf, rows):
    zv = jnp.zeros((16,), _F32)

    @pl.loop(0, rows)
    def _(i):
        for k in range(8):
            buf[i, pl.ds(k * 16, 16)] = zv


def _zero_vmem_1d(buf, n):
    zv = jnp.zeros((16,), _F32)

    @pl.loop(0, n // 16)
    def _(i):
        buf[pl.ds(i * 16, 16)] = zv


def _hist_chunks(idx_b, n_chunks, hist_sp, ones_b, sem):
    assert n_chunks % 16 == 0

    @pl.loop(0, n_chunks // 16)
    def _(i):
        descs = [
            pltpu.async_copy(ones_b, hist_sp.at[idx_b.at[i * 16 + k]], sem,
                             add=True)
            for k in range(16)
        ]
        for d in descs:
            d.wait()


def _edge_pipeline4(n_chunks, src, esrc_b, edst_b, agg_sp,
                    gbs, gsems, ssems, extra=None):
    assert n_chunks % 4 == 0
    nq = n_chunks // 4
    for k in range(4):
        pltpu.async_copy(src.at[esrc_b.at[k]], gbs[k], gsems[k])

    @pl.loop(0, nq)
    def _(i):
        base = i * 4
        ds = []
        for k in range(4):
            pltpu.make_async_copy(src.at[esrc_b.at[base + k]],
                                  gbs[k], gsems[k]).wait()
            ds.append(pltpu.async_copy(gbs[k], agg_sp.at[edst_b.at[base + k]],
                                       ssems[k], add=True))
        if extra is not None:
            extra(i)
        for k in range(4):
            ds[k].wait()

            @pl.when(base + k + 4 < n_chunks)
            def _(_k=k):
                pltpu.async_copy(src.at[esrc_b.at[base + 4 + _k]],
                                 gbs[_k], gsems[_k])


def _sc1_body(emb2, inp, esrc0, edst0, esrc1,
              agg_out, din0_out, dout1_out, h0_out,
              esrc_b, edst_b, esrc1_b, inp_b,
              gb0, gb1, gb2, gb3, scale_b, ones_b,
              agg_sp, hsrc_sp, hdst_sp, hout1_sp,
              gsem0, gsem1, gsem2, gsem3,
              ssem0, ssem1, ssem2, ssem3, wsem, hsem, stsem):
    c = lax.axis_index("c")
    s = lax.axis_index("s")
    gbs = (gb0, gb1, gb2, gb3)
    gsems = (gsem0, gsem1, gsem2, gsem3)
    ssems = (ssem0, ssem1, ssem2, ssem3)

    pltpu.sync_copy(esrc0.at[s], esrc_b)
    d_ed = pltpu.async_copy(edst0.at[s], edst_b, stsem)
    d_e1 = pltpu.async_copy(esrc1.at[s], esrc1_b, stsem)
    d_in = pltpu.async_copy(inp.at[s], inp_b, stsem)

    _zero_vmem_2d(gb0, 128)
    _zero_vmem_1d(scale_b, 640)

    @pl.loop(0, 8)
    def _(i):
        ones_b[pl.ds(i * 16, 16)] = jnp.ones((16,), _F32)

    pltpu.sync_copy(gb0, agg_sp.at[pl.ds(s * 256, 128)])
    pltpu.sync_copy(gb0, agg_sp.at[pl.ds(s * 256 + 128, 128)])
    pltpu.sync_copy(scale_b, hsrc_sp.at[pl.ds(s * 640, 640)])
    pltpu.sync_copy(scale_b.at[pl.ds(0, 256)], hdst_sp.at[pl.ds(s * 256, 256)])
    pltpu.sync_copy(scale_b.at[pl.ds(0, 256)], hout1_sp.at[pl.ds(s * 256, 256)])

    d_ed.wait()
    d_e1.wait()
    d_in.wait()

    @pl.loop(0, 5)
    def _(r):
        for k in range(8):
            v = inp_b[r, pl.ds(k * 16, 16)]
            inp_b[r, pl.ds(k * 16, 16)] = v * 2 + c

    plsc.subcore_barrier()

    for r in range(4):
        pltpu.async_copy(emb2.at[inp_b.at[r]], gbs[r], gsems[r])

    _hist_chunks(esrc_b, _C0, hsrc_sp, ones_b, hsem)
    plsc.subcore_barrier()

    pltpu.sync_copy(hsrc_sp.at[pl.ds(s * 640, 640)], scale_b)

    @pl.loop(0, 40)
    def _(i):
        d = scale_b[pl.ds(i * 16, 16)]
        scale_b[pl.ds(i * 16, 16)] = _rsqrt16(jnp.maximum(d, 1.0))

    wdescs = []
    for r in range(5):
        b, g = gbs[r % 4], gsems[r % 4]
        pltpu.make_async_copy(emb2.at[inp_b.at[r]], b, g).wait()

        @pl.loop(0, 128)
        def _(i, _r=r, _b=b):
            sc = plsc.load_gather(
                scale_b, [jnp.full((16,), _r * 128 + i, _I32)])
            for k in range(8):
                _b[i, pl.ds(k * 16, 16)] = _b[i, pl.ds(k * 16, 16)] * sc

        wdescs.append(pltpu.async_copy(
            b, h0_out.at[pl.ds(c * _N0P + s * 640 + r * 128, 128)], wsem))
        if r == 0:
            wdescs[0].wait()
            pltpu.async_copy(emb2.at[inp_b.at[4]], gb0, gsem0)

    @pl.loop(0, _C0)
    def _(j):
        for k in range(8):
            v = esrc_b[j, pl.ds(k * 16, 16)]
            esrc_b[j, pl.ds(k * 16, 16)] = v + c * _N0P

    for d in wdescs[1:]:
        d.wait()
    plsc.subcore_barrier()

    def _extra(i):
        dh = [
            pltpu.async_copy(ones_b, hdst_sp.at[edst_b.at[i * 4 + k]], hsem,
                             add=True)
            for k in range(4)
        ]

        @pl.when(i < _C1 // 4)
        def _():
            d1 = [
                pltpu.async_copy(ones_b, hout1_sp.at[esrc1_b.at[i * 4 + k]],
                                 hsem, add=True)
                for k in range(4)
            ]
            for d in d1:
                d.wait()

        for d in dh:
            d.wait()

    _edge_pipeline4(_C0, h0_out, esrc_b, edst_b, agg_sp,
                    gbs, gsems, ssems, extra=_extra)
    plsc.subcore_barrier()

    pltpu.sync_copy(agg_sp.at[pl.ds(s * 256, 256)],
                    agg_out.at[c, pl.ds(s * 256, 256)])

    @pl.when(jnp.logical_and(c == 0, s == 0))
    def _():
        pltpu.sync_copy(hdst_sp, din0_out)
        pltpu.sync_copy(hout1_sp, dout1_out)


def _sc2_body(h1p, esrc1, edst1,
              agg_out, din1_out,
              esrc_b, edst_b, gb0, gb1, gb2, gb3, zb, ones_b,
              h1_sp, agg_sp, hdst_sp,
              gsem0, gsem1, gsem2, gsem3,
              ssem0, ssem1, ssem2, ssem3, hsem):
    c = lax.axis_index("c")
    s = lax.axis_index("s")
    gbs = (gb0, gb1, gb2, gb3)
    gsems = (gsem0, gsem1, gsem2, gsem3)
    ssems = (ssem0, ssem1, ssem2, ssem3)

    pltpu.sync_copy(esrc1.at[s], esrc_b)
    pltpu.sync_copy(edst1.at[s], edst_b)

    d_h1 = pltpu.async_copy(h1p.at[c, pl.ds(s * 256, 256)],
                            h1_sp.at[pl.ds(s * 256, 256)], gsem0)

    _zero_vmem_2d(gb1, 64)
    _zero_vmem_1d(zb, 64)

    @pl.loop(0, 8)
    def _(i):
        ones_b[pl.ds(i * 16, 16)] = jnp.ones((16,), _F32)

    pltpu.sync_copy(gb1.at[pl.ds(0, 64)], agg_sp.at[pl.ds(s * 64, 64)])
    pltpu.sync_copy(zb, hdst_sp.at[pl.ds(s * 64, 64)])
    plsc.subcore_barrier()

    _hist_chunks(edst_b, _C1, hdst_sp, ones_b, hsem)
    d_h1.wait()
    plsc.subcore_barrier()

    _edge_pipeline4(_C1, h1_sp, esrc_b, edst_b, agg_sp,
                    gbs, gsems, ssems)
    plsc.subcore_barrier()

    pltpu.sync_copy(agg_sp.at[pl.ds(s * 64, 64)],
                    agg_out.at[c, pl.ds(s * 64, 64)])

    @pl.when(jnp.logical_and(c == 0, s == 0))
    def _():
        pltpu.sync_copy(hdst_sp, din1_out)


_MESH = plsc.VectorSubcoreMesh(core_axis_name="c", subcore_axis_name="s",
                               num_cores=_NC, num_subcores=_NS)
_SC_PARAMS = pltpu.CompilerParams(needs_layout_passes=False)

_sc1 = pl.kernel(
    _sc1_body,
    out_type=[
        jax.ShapeDtypeStruct((_NC, _N1P, _DH), _F32),
        jax.ShapeDtypeStruct((_N1P,), _F32),
        jax.ShapeDtypeStruct((_N1P,), _F32),
        jax.ShapeDtypeStruct((_NC * _N0P, _DH), _F32),
    ],
    mesh=_MESH,
    compiler_params=_SC_PARAMS,
    scratch_types=[
        pltpu.VMEM((_C0, 128), _I32),
        pltpu.VMEM((_C0, 128), _I32),
        pltpu.VMEM((_C1, 128), _I32),
        pltpu.VMEM((5, 128), _I32),
        pltpu.VMEM((128, 128), _F32),
        pltpu.VMEM((128, 128), _F32),
        pltpu.VMEM((128, 128), _F32),
        pltpu.VMEM((128, 128), _F32),
        pltpu.VMEM((640,), _F32),
        pltpu.VMEM((128,), _F32),
        pltpu.VMEM_SHARED((_N1P, _DH), _F32),
        pltpu.VMEM_SHARED((_N0P,), _F32),
        pltpu.VMEM_SHARED((_N1P,), _F32),
        pltpu.VMEM_SHARED((_N1P,), _F32),
        pltpu.SemaphoreType.DMA,
        pltpu.SemaphoreType.DMA,
        pltpu.SemaphoreType.DMA,
        pltpu.SemaphoreType.DMA,
        pltpu.SemaphoreType.DMA,
        pltpu.SemaphoreType.DMA,
        pltpu.SemaphoreType.DMA,
        pltpu.SemaphoreType.DMA,
        pltpu.SemaphoreType.DMA,
        pltpu.SemaphoreType.DMA,
        pltpu.SemaphoreType.DMA,
    ],
)

_sc2 = pl.kernel(
    _sc2_body,
    out_type=[
        jax.ShapeDtypeStruct((_NC, _N2P, _DH), _F32),
        jax.ShapeDtypeStruct((_N2P,), _F32),
    ],
    mesh=_MESH,
    compiler_params=_SC_PARAMS,
    scratch_types=[
        pltpu.VMEM((_C1, 128), _I32),
        pltpu.VMEM((_C1, 128), _I32),
        pltpu.VMEM((128, 128), _F32),
        pltpu.VMEM((128, 128), _F32),
        pltpu.VMEM((128, 128), _F32),
        pltpu.VMEM((128, 128), _F32),
        pltpu.VMEM((64,), _F32),
        pltpu.VMEM((128,), _F32),
        pltpu.VMEM_SHARED((_N1P, _DH), _F32),
        pltpu.VMEM_SHARED((_N2P, _DH), _F32),
        pltpu.VMEM_SHARED((_N2P,), _F32),
        pltpu.SemaphoreType.DMA,
        pltpu.SemaphoreType.DMA,
        pltpu.SemaphoreType.DMA,
        pltpu.SemaphoreType.DMA,
        pltpu.SemaphoreType.DMA,
        pltpu.SemaphoreType.DMA,
        pltpu.SemaphoreType.DMA,
        pltpu.SemaphoreType.DMA,
        pltpu.SemaphoreType.DMA,
    ],
)


def _tc1_body(agg_ref, din_ref, dout_ref, w_ref, b_ref, out_ref):
    x = jnp.concatenate([agg_ref[0], agg_ref[1]], axis=-1)
    x = x * lax.rsqrt(jnp.maximum(din_ref[...], 1.0))
    y = jnp.dot(x, w_ref[...], preferred_element_type=_F32) + b_ref[...]
    y = jnp.maximum(y, 0.0) * lax.rsqrt(jnp.maximum(dout_ref[...], 1.0))
    out_ref[0] = y[:, :_DH]
    out_ref[1] = y[:, _DH:]


def _tc2_body(agg_ref, din_ref, w1_ref, b1_ref, wo_ref, bo_ref, out_ref):
    x = jnp.concatenate([agg_ref[0], agg_ref[1]], axis=-1)
    x = x * lax.rsqrt(jnp.maximum(din_ref[...], 1.0))
    h = jnp.dot(x, w1_ref[...], preferred_element_type=_F32) + b1_ref[...]
    y = jnp.dot(h, wo_ref[...], preferred_element_type=_F32) + bo_ref[...]
    out_ref[...] = y[:_N2]


_tc1 = pl.pallas_call(
    _tc1_body,
    out_shape=jax.ShapeDtypeStruct((_NC, _N1P, _DH), _F32),
)

_tc2 = pl.pallas_call(
    _tc2_body,
    out_shape=jax.ShapeDtypeStruct((_N2, _OUT), _F32),
)


def kernel(input_nodes, edge_src0, edge_dst0, edge_src1, edge_dst1,
           emb, W0, b0, W1, b1, Wout, bout):
    emb2 = emb.reshape(_NUM_NODES * _NC, _DH)
    inp = jnp.concatenate(
        [input_nodes.astype(_I32), jnp.zeros((_N0P - _N0,), _I32)]
    ).reshape(_NS, 5, 128)
    es0 = jnp.concatenate(
        [edge_src0.astype(_I32), jnp.full((_E0P - _E0,), _N0, _I32)]
    ).reshape(_NS, _C0, 128)
    ed0 = jnp.concatenate(
        [edge_dst0.astype(_I32), jnp.full((_E0P - _E0,), _N1, _I32)]
    ).reshape(_NS, _C0, 128)
    es1 = jnp.concatenate(
        [edge_src1.astype(_I32), jnp.full((_E1P - _E1,), _N1, _I32)]
    ).reshape(_NS, _C1, 128)
    ed1 = jnp.concatenate(
        [edge_dst1.astype(_I32), jnp.full((_E1P - _E1,), _N2, _I32)]
    ).reshape(_NS, _C1, 128)

    agg0, din0, dout1, _ = _sc1(emb2, inp, es0, ed0, es1)
    h1 = _tc1(agg0, din0.reshape(_N1P, 1), dout1.reshape(_N1P, 1),
              W0, b0.reshape(1, _HID))
    agg1, din1 = _sc2(h1, es1, ed1)
    logits = _tc2(agg1, din1.reshape(_N2P, 1),
                  W1, b1.reshape(1, _HID), Wout, bout.reshape(1, _OUT))
    return logits

# --- scband reference (transcript-rebuilt; emitter-appended) ---
"""Pipeline reference for scband-gcn-45294725104182 (READ-ONLY COPY).

The authoritative reference and input builder live on the scoring server;
editing this copy changes nothing except your own understanding.
"""

import jax, jax.numpy as jnp
import numpy as np

N0, N1, N2 = 10000, 4000, 1000
E0, E1 = 160000, 64000
NUM_NODES, HID, OUT = 100000, 256, 4


def _gconv(h_src, esrc, edst, n_dst, W, b):
    # DGL GraphConv, norm='both', in_feats == out_feats -> aggregate first, then weight.
    n_src = h_src.shape[0]
    deg_out = jax.ops.segment_sum(jnp.ones(esrc.shape, jnp.float32), esrc, num_segments=n_src)
    deg_out = jnp.maximum(deg_out, 1.0)
    h = h_src * (deg_out ** -0.5)[:, None]
    agg = jax.ops.segment_sum(h[esrc], edst, num_segments=n_dst)
    deg_in = jax.ops.segment_sum(jnp.ones(edst.shape, jnp.float32), edst, num_segments=n_dst)
    deg_in = jnp.maximum(deg_in, 1.0)
    agg = agg * (deg_in ** -0.5)[:, None]
    return agg @ W + b


def setup_inputs(seed: int = 0) -> dict:
    key = jax.random.key(seed)
    ks = jax.random.split(key, 12)
    input_nodes = jax.random.randint(ks[0], (N0,), 0, NUM_NODES, dtype=jnp.int64 if jax.config.jax_enable_x64 else jnp.int32)
    edge_src0 = jax.random.randint(ks[1], (E0,), 0, N0)
    edge_dst0 = jax.random.randint(ks[2], (E0,), 0, N1)
    edge_src1 = jax.random.randint(ks[3], (E1,), 0, N1)
    edge_dst1 = jax.random.randint(ks[4], (E1,), 0, N2)
    # Parameters (xavier-ish scales)
    emb = jax.random.normal(ks[5], (NUM_NODES, HID), jnp.float32) * (6.0 / (NUM_NODES + HID)) ** 0.5
    W0 = jax.random.normal(ks[6], (HID, HID), jnp.float32) * (6.0 / (2 * HID)) ** 0.5
    b0 = jnp.zeros((HID,), jnp.float32)
    W1 = jax.random.normal(ks[7], (HID, HID), jnp.float32) * (6.0 / (2 * HID)) ** 0.5
    b1 = jnp.zeros((HID,), jnp.float32)
    Wout = jax.random.normal(ks[8], (HID, OUT), jnp.float32) * (6.0 / (HID + OUT)) ** 0.5
    bout = jnp.zeros((OUT,), jnp.float32)
    return {
        "input_nodes": input_nodes,
        "edge_src0": edge_src0, "edge_dst0": edge_dst0,
        "edge_src1": edge_src1, "edge_dst1": edge_dst1,
        "emb": emb, "W0": W0, "b0": b0, "W1": W1, "b1": b1,
        "Wout": Wout, "bout": bout,
    }


def reference(input_nodes, edge_src0, edge_dst0, edge_src1, edge_dst1,
              emb, W0, b0, W1, b1, Wout, bout):
    h = jnp.take(emb, input_nodes, axis=0)
    h = _gconv(h, edge_src0, edge_dst0, N1, W0, b0)
    h = jax.nn.relu(h)  # dropout omitted (inference)
    h = _gconv(h, edge_src1, edge_dst1, N2, W1, b1)
    logits = h @ Wout + bout
    return logits

if __name__ == "__main__":
    import jax
    _d = setup_inputs()
    print(jax.jit(kernel)(*tuple(_d.values())))

</pallas_src>

<mosaic_0001>
#map = affine_map<(d0, d1) -> (0, 0, 0)>
#map1 = affine_map<(d0, d1) -> (0)>
module attributes {stable_mosaic.version = 14 : i64} {
  func.func @_sc2_body(%arg0: i32, %arg1: i32, %arg2: memref<2x4096x128xf32, #tpu.memory_space<hbm>>, %arg3: memref<16x32x128xi32, #tpu.memory_space<hbm>>, %arg4: memref<16x32x128xi32, #tpu.memory_space<hbm>>, %arg5: memref<2x1024x128xf32, #tpu.memory_space<hbm>>, %arg6: memref<1024xf32, #tpu.memory_space<hbm>>, %arg7: memref<32x128xi32, #tpu.memory_space<vmem>>, %arg8: memref<32x128xi32, #tpu.memory_space<vmem>>, %arg9: memref<128x128xf32, #tpu.memory_space<vmem>>, %arg10: memref<128x128xf32, #tpu.memory_space<vmem>>, %arg11: memref<128x128xf32, #tpu.memory_space<vmem>>, %arg12: memref<128x128xf32, #tpu.memory_space<vmem>>, %arg13: memref<64xf32, #tpu.memory_space<vmem>>, %arg14: memref<128xf32, #tpu.memory_space<vmem>>, %arg15: memref<4096x128xf32, #tpu.memory_space<vmem_shared>>, %arg16: memref<1024x128xf32, #tpu.memory_space<vmem_shared>>, %arg17: memref<1024xf32, #tpu.memory_space<vmem_shared>>, %arg18: memref<!tpu.dma_semaphore, #tpu.memory_space<semaphore_mem>>, %arg19: memref<!tpu.dma_semaphore, #tpu.memory_space<semaphore_mem>>, %arg20: memref<!tpu.dma_semaphore, #tpu.memory_space<semaphore_mem>>, %arg21: memref<!tpu.dma_semaphore, #tpu.memory_space<semaphore_mem>>, %arg22: memref<!tpu.dma_semaphore, #tpu.memory_space<semaphore_mem>>, %arg23: memref<!tpu.dma_semaphore, #tpu.memory_space<semaphore_mem>>, %arg24: memref<!tpu.dma_semaphore, #tpu.memory_space<semaphore_mem>>, %arg25: memref<!tpu.dma_semaphore, #tpu.memory_space<semaphore_mem>>, %arg26: memref<!tpu.dma_semaphore, #tpu.memory_space<semaphore_mem>>) attributes {dimension_semantics = [#tpu.dimension_semantics<core_parallel>, #tpu.dimension_semantics<subcore_parallel>], iteration_bounds = array<i64: 2, 16>, scalar_prefetch = 0 : i64, scratch_operands = 20 : i64, tpu.core_type = #tpu.core_type<sc_vector_subcore>, window_params = [{transform_indices = #map}, {transform_indices = #map}, {transform_indices = #map}, {transform_indices = #map}, {transform_indices = #map1}]} {
    "tpu.region"() ({
      %run_scoped3A = tpu.sem_alloc : memref<!tpu.dma_semaphore, #tpu.memory_space<semaphore_mem>>
      %dma_start3A_80 = arith.constant 0 : i32
      %dma_start3A_81 = arith.constant 0 : i32
      %dma_start3A_82 = tpu.memref_slice %arg3[%arg1, %dma_start3A_80, %dma_start3A_81] : memref<16x32x128xi32, #tpu.memory_space<hbm>> -> memref<1x32x128xi32, #tpu.memory_space<hbm>>
      %dma_start3A_83 = tpu.memref_squeeze %dma_start3A_82 : memref<1x32x128xi32, #tpu.memory_space<hbm>> -> memref<32x128xi32, #tpu.memory_space<hbm>>
      %dma_start3A_84 = arith.constant 0 : i32
      %dma_start3A_85 = arith.constant 0 : i32
      %dma_start3A_86 = tpu.memref_slice %arg3[%arg1, %dma_start3A_84, %dma_start3A_85] : memref<16x32x128xi32, #tpu.memory_space<hbm>> -> memref<1x32x128xi32, #tpu.memory_space<hbm>>
      %dma_start3A_87 = tpu.memref_squeeze %dma_start3A_86 : memref<1x32x128xi32, #tpu.memory_space<hbm>> -> memref<32x128xi32, #tpu.memory_space<hbm>>
      tpu.enqueue_dma source(%dma_start3A_87 : memref<32x128xi32, #tpu.memory_space<hbm>>) target(%arg7 : memref<32x128xi32, #tpu.memory_space<vmem>>) target_semaphore(%run_scoped3A : memref<!tpu.dma_semaphore, #tpu.memory_space<semaphore_mem>>)
      %dma_wait3A_88 = arith.constant 0 : i32
      %dma_wait3A_89 = arith.constant 0 : i32
      %dma_wait3A_90 = tpu.memref_slice %arg3[%arg1, %dma_wait3A_88, %dma_wait3A_89] : memref<16x32x128xi32, #tpu.memory_space<hbm>> -> memref<1x32x128xi32, #tpu.memory_space<hbm>>
      %dma_wait3A_91 = tpu.memref_squeeze %dma_wait3A_90 : memref<1x32x128xi32, #tpu.memory_space<hbm>> -> memref<32x128xi32, #tpu.memory_space<hbm>>
      %dma_wait3A_92 = arith.constant 0 : i32
      %dma_wait3A_93 = arith.constant 0 : i32
      %dma_wait3A_94 = tpu.memref_slice %arg3[%arg1, %dma_wait3A_92, %dma_wait3A_93] : memref<16x32x128xi32, #tpu.memory_space<hbm>> -> memref<1x32x128xi32, #tpu.memory_space<hbm>>
      %dma_wait3A_95 = tpu.memref_squeeze %dma_wait3A_94 : memref<1x32x128xi32, #tpu.memory_space<hbm>> -> memref<32x128xi32, #tpu.memory_space<hbm>>
      tpu.wait_dma2 semaphore(%run_scoped3A : memref<!tpu.dma_semaphore, #tpu.memory_space<semaphore_mem>>) src(%dma_wait3A_95 : memref<32x128xi32, #tpu.memory_space<hbm>>) dst(%arg7 : memref<32x128xi32, #tpu.memory_space<vmem>>)
      tpu.yield
    }) : () -> ()
    "tpu.region"() ({
      %run_scoped3A = tpu.sem_alloc : memref<!tpu.dma_semaphore, #tpu.memory_space<semaphore_mem>>
      %dma_start3A_80 = arith.constant 0 : i32
      %dma_start3A_81 = arith.constant 0 : i32
      %dma_start3A_82 = tpu.memref_slice %arg4[%arg1, %dma_start3A_80, %dma_start3A_81] : memref<16x32x128xi32, #tpu.memory_space<hbm>> -> memref<1x32x128xi32, #tpu.memory_space<hbm>>
      %dma_start3A_83 = tpu.memref_squeeze %dma_start3A_82 : memref<1x32x128xi32, #tpu.memory_space<hbm>> -> memref<32x128xi32, #tpu.memory_space<hbm>>
      %dma_start3A_84 = arith.constant 0 : i32
      %dma_start3A_85 = arith.constant 0 : i32
      %dma_start3A_86 = tpu.memref_slice %arg4[%arg1, %dma_start3A_84, %dma_start3A_85] : memref<16x32x128xi32, #tpu.memory_space<hbm>> -> memref<1x32x128xi32, #tpu.memory_space<hbm>>
      %dma_start3A_87 = tpu.memref_squeeze %dma_start3A_86 : memref<1x32x128xi32, #tpu.memory_space<hbm>> -> memref<32x128xi32, #tpu.memory_space<hbm>>
      tpu.enqueue_dma source(%dma_start3A_87 : memref<32x128xi32, #tpu.memory_space<hbm>>) target(%arg8 : memref<32x128xi32, #tpu.memory_space<vmem>>) target_semaphore(%run_scoped3A : memref<!tpu.dma_semaphore, #tpu.memory_space<semaphore_mem>>)
      %dma_wait3A_88 = arith.constant 0 : i32
      %dma_wait3A_89 = arith.constant 0 : i32
      %dma_wait3A_90 = tpu.memref_slice %arg4[%arg1, %dma_wait3A_88, %dma_wait3A_89] : memref<16x32x128xi32, #tpu.memory_space<hbm>> -> memref<1x32x128xi32, #tpu.memory_space<hbm>>
      %dma_wait3A_91 = tpu.memref_squeeze %dma_wait3A_90 : memref<1x32x128xi32, #tpu.memory_space<hbm>> -> memref<32x128xi32, #tpu.memory_space<hbm>>
      %dma_wait3A_92 = arith.constant 0 : i32
      %dma_wait3A_93 = arith.constant 0 : i32
      %dma_wait3A_94 = tpu.memref_slice %arg4[%arg1, %dma_wait3A_92, %dma_wait3A_93] : memref<16x32x128xi32, #tpu.memory_space<hbm>> -> memref<1x32x128xi32, #tpu.memory_space<hbm>>
      %dma_wait3A_95 = tpu.memref_squeeze %dma_wait3A_94 : memref<1x32x128xi32, #tpu.memory_space<hbm>> -> memref<32x128xi32, #tpu.memory_space<hbm>>
      tpu.wait_dma2 semaphore(%run_scoped3A : memref<!tpu.dma_semaphore, #tpu.memory_space<semaphore_mem>>) src(%dma_wait3A_95 : memref<32x128xi32, #tpu.memory_space<hbm>>) dst(%arg8 : memref<32x128xi32, #tpu.memory_space<vmem>>)
      tpu.yield
    }) : () -> ()
    %mul3A = arith.constant 256 : i32
    %mul3A_0 = arith.muli %arg1, %mul3A : i32
    %mul3A_1 = arith.constant 256 : i32
    %mul3A_2 = arith.muli %arg1, %mul3A_1 : i32
    %dma_start3A = arith.constant 0 : i32
    %dma_start3A_3 = tpu.memref_slice %arg15[%mul3A_2, %dma_start3A] : memref<4096x128xf32, #tpu.memory_space<vmem_shared>> -> memref<256x128xf32, #tpu.memory_space<vmem_shared>>
    %dma_start3A_4 = arith.constant 0 : i32
    %dma_start3A_5 = tpu.memref_slice %arg2[%arg0, %mul3A_0, %dma_start3A_4] : memref<2x4096x128xf32, #tpu.memory_space<hbm>> -> memref<1x256x128xf32, #tpu.memory_space<hbm>>
    %dma_start3A_6 = tpu.memref_squeeze %dma_start3A_5 : memref<1x256x128xf32, #tpu.memory_space<hbm>> -> memref<256x128xf32, #tpu.memory_space<hbm>>
    tpu.enqueue_dma source(%dma_start3A_6 : memref<256x128xf32, #tpu.memory_space<hbm>>) target(%dma_start3A_3 : memref<256x128xf32, #tpu.memory_space<vmem_shared>>) target_semaphore(%arg18 : memref<!tpu.dma_semaphore, #tpu.memory_space<semaphore_mem>>)
    %broadcast_in_dim3A = arith.constant 0.000000e+00 : f32
    %broadcast_in_dim3A_7 = vector.broadcast %broadcast_in_dim3A : f32 to vector<16xf32>
    %scan3A = arith.constant 0 : i32
    %scan3A_8 = arith.constant 64 : i32
    %scan3A_9 = arith.addi %scan3A, %scan3A_8 : i32
    %scan3A_10 = arith.constant 1 : i32
    scf.for %scan3A_80 = %scan3A to %scan3A_9 step %scan3A_10  : i32 {
      %mul3A_81 = arith.constant 1 : i32
      %mul3A_82 = arith.muli %scan3A_80, %mul3A_81 : i32
      %add3A = arith.constant 0 : i32
      %add3A_83 = arith.addi %add3A, %mul3A_82 : i32
      %swap3A = arith.index_cast %add3A_83 : i32 to index
      %swap3A_84 = arith.constant 0 : index
      %swap3A_85 = tpu.vector_load %arg10[%swap3A, %swap3A_84] {strides = array<i32>} : memref<128x128xf32, #tpu.memory_space<vmem>>, vector<16xf32>,
      tpu.vector_store %arg10[%swap3A, %swap3A_84], %broadcast_in_dim3A_7 {strides = array<i32>} : memref<128x128xf32, #tpu.memory_space<vmem>>, vector<16xf32>,
      %swap3A_86 = arith.index_cast %add3A_83 : i32 to index
      %swap3A_87 = arith.constant 16 : index
      %swap3A_88 = tpu.vector_load %arg10[%swap3A_86, %swap3A_87] {strides = array<i32>} : memref<128x128xf32, #tpu.memory_space<vmem>>, vector<16xf32>,
      tpu.vector_store %arg10[%swap3A_86, %swap3A_87], %broadcast_in_dim3A_7 {strides = array<i32>} : memref<128x128xf32, #tpu.memory_space<vmem>>, vector<16xf32>,
      %swap3A_89 = arith.index_cast %add3A_83 : i32 to index
      %swap3A_90 = arith.constant 32 : index
      %swap3A_91 = tpu.vector_load %arg10[%swap3A_89, %swap3A_90] {strides = array<i32>} : memref<128x128xf32, #tpu.memory_space<vmem>>, vector<16xf32>,
      tpu.vector_store %arg10[%swap3A_89, %swap3A_90], %broadcast_in_dim3A_7 {strides = array<i32>} : memref<128x128xf32, #tpu.memory_space<vmem>>, vector<16xf32>,
      %swap3A_92 = arith.index_cast %add3A_83 : i32 to index
      %swap3A_93 = arith.constant 48 : index
      %swap3A_94 = tpu.vector_load %arg10[%swap3A_92, %swap3A_93] {strides = array<i32>} : memref<128x128xf32, #tpu.memory_space<vmem>>, vector<16xf32>,
      tpu.vector_store %arg10[%swap3A_92, %swap3A_93], %broadcast_in_dim3A_7 {strides = array<i32>} : memref<128x128xf32, #tpu.memory_space<vmem>>, vector<16xf32>,
      %swap3A_95 = arith.index_cast %add3A_83 : i32 to index
      %swap3A_96 = arith.constant 64 : index
      %swap3A_97 = tpu.vector_load %arg10[%swap3A_95, %swap3A_96] {strides = array<i32>} : memref<128x128xf32, #tpu.memory_space<vmem>>, vector<16xf32>,
      tpu.vector_store %arg10[%swap3A_95, %swap3A_96], %broadcast_in_dim3A_7 {strides = array<i32>} : memref<128x128xf32, #tpu.memory_space<vmem>>, vector<16xf32>,
      %swap3A_98 = arith.index_cast %add3A_83 : i32 to index
      %swap3A_99 = arith.constant 80 : index
      %swap3A_100 = tpu.vector_load %arg10[%swap3A_98, %swap3A_99] {strides = array<i32>} : memref<128x128xf32, #tpu.memory_space<vmem>>, vector<16xf32>,
      tpu.vector_store %arg10[%swap3A_98, %swap3A_99], %broadcast_in_dim3A_7 {strides = array<i32>} : memref<128x128xf32, #tpu.memory_space<vmem>>, vector<16xf32>,
      %swap3A_101 = arith.index_cast %add3A_83 : i32 to index
      %swap3A_102 = arith.constant 96 : index
      %swap3A_103 = tpu.vector_load %arg10[%swap3A_101, %swap3A_102] {strides = array<i32>} : memref<128x128xf32, #tpu.memory_space<vmem>>, vector<16xf32>,
      tpu.vector_store %arg10[%swap3A_101, %swap3A_102], %broadcast_in_dim3A_7 {strides = array<i32>} : memref<128x128xf32, #tpu.memory_space<vmem>>, vector<16xf32>,
      %swap3A_104 = arith.index_cast %add3A_83 : i32 to index
      %swap3A_105 = arith.constant 112 : index
      %swap3A_106 = tpu.vector_load %arg10[%swap3A_104, %swap3A_105] {strides = array<i32>} : memref<128x128xf32, #tpu.memory_space<vmem>>, vector<16xf32>,
      tpu.vector_store %arg10[%swap3A_104, %swap3A_105], %broadcast_in_dim3A_7 {strides = array<i32>} : memref<128x128xf32, #tpu.memory_space<vmem>>, vector<16xf32>,
    }
    %scan3A_11 = arith.constant 64 : i32
    %broadcast_in_dim3A_12 = arith.constant 0.000000e+00 : f32
    %broadcast_in_dim3A_13 = vector.broadcast %broadcast_in_dim3A_12 : f32 to vector<16xf32>
    %scan3A_14 = arith.constant 0 : i32
    %scan3A_15 = arith.constant 4 : i32
    %scan3A_16 = arith.addi %scan3A_14, %scan3A_15 : i32
    %scan3A_17 = arith.constant 1 : i32
    scf.for %scan3A_80 = %scan3A_14 to %scan3A_16 step %scan3A_17  : i32 {
      %mul3A_81 = arith.constant 1 : i32
      %mul3A_82 = arith.muli %scan3A_80, %mul3A_81 : i32
      %add3A = arith.constant 0 : i32
      %add3A_83 = arith.addi %add3A, %mul3A_82 : i32
      %mul3A_84 = arith.constant 16 : i32
      %mul3A_85 = arith.muli %add3A_83, %mul3A_84 : i32
      %swap3A = arith.index_cast %mul3A_85 : i32 to index
      %swap3A_86 = tpu.vector_load %arg13[%swap3A] {strides = array<i32>} : memref<64xf32, #tpu.memory_space<vmem>>, vector<16xf32>,
      tpu.vector_store %arg13[%swap3A], %broadcast_in_dim3A_13 {strides = array<i32>} : memref<64xf32, #tpu.memory_space<vmem>>, vector<16xf32>,
    }
    %scan3A_18 = arith.constant 4 : i32
    %scan3A_19 = arith.constant 0 : i32
    %scan3A_20 = arith.constant 8 : i32
    %scan3A_21 = arith.addi %scan3A_19, %scan3A_20 : i32
    %scan3A_22 = arith.constant 1 : i32
    scf.for %scan3A_80 = %scan3A_19 to %scan3A_21 step %scan3A_22  : i32 {
      %mul3A_81 = arith.constant 1 : i32
      %mul3A_82 = arith.muli %scan3A_80, %mul3A_81 : i32
      %add3A = arith.constant 0 : i32
      %add3A_83 = arith.addi %add3A, %mul3A_82 : i32
      %broadcast_in_dim3A_84 = arith.constant 1.000000e+00 : f32
      %broadcast_in_dim3A_85 = vector.broadcast %broadcast_in_dim3A_84 : f32 to vector<16xf32>
      %mul3A_86 = arith.constant 16 : i32
      %mul3A_87 = arith.muli %add3A_83, %mul3A_86 : i32
      %swap3A = arith.index_cast %mul3A_87 : i32 to index
      %swap3A_88 = tpu.vector_load %arg14[%swap3A] {strides = array<i32>} : memref<128xf32, #tpu.memory_space<vmem>>, vector<16xf32>,
      tpu.vector_store %arg14[%swap3A], %broadcast_in_dim3A_85 {strides = array<i32>} : memref<128xf32, #tpu.memory_space<vmem>>, vector<16xf32>,
    }
    %scan3A_23 = arith.constant 8 : i32
    %mul3A_24 = arith.constant 64 : i32
    %mul3A_25 = arith.muli %arg1, %mul3A_24 : i32
    "tpu.region"() ({
      %run_scoped3A = tpu.sem_alloc : memref<!tpu.dma_semaphore, #tpu.memory_space<semaphore_mem>>
      %dma_start3A_80 = arith.constant 0 : i32
      %dma_start3A_81 = arith.constant 0 : i32
      %dma_start3A_82 = tpu.memref_slice %arg10[%dma_start3A_80, %dma_start3A_81] : memref<128x128xf32, #tpu.memory_space<vmem>> -> memref<64x128xf32, #tpu.memory_space<vmem>>
      %dma_start3A_83 = arith.constant 0 : i32
      %dma_start3A_84 = tpu.memref_slice %arg16[%mul3A_25, %dma_start3A_83] : memref<1024x128xf32, #tpu.memory_space<vmem_shared>> -> memref<64x128xf32, #tpu.memory_space<vmem_shared>>
      %dma_start3A_85 = arith.constant 0 : i32
      %dma_start3A_86 = tpu.memref_slice %arg16[%mul3A_25, %dma_start3A_85] : memref<1024x128xf32, #tpu.memory_space<vmem_shared>> -> memref<64x128xf32, #tpu.memory_space<vmem_shared>>
      %dma_start3A_87 = arith.constant 0 : i32
      %dma_start3A_88 = arith.constant 0 : i32
      %dma_start3A_89 = tpu.memref_slice %arg10[%dma_start3A_87, %dma_start3A_88] : memref<128x128xf32, #tpu.memory_space<vmem>> -> memref<64x128xf32, #tpu.memory_space<vmem>>
      tpu.enqueue_dma source(%dma_start3A_89 : memref<64x128xf32, #tpu.memory_space<vmem>>) target(%dma_start3A_86 : memref<64x128xf32, #tpu.memory_space<vmem_shared>>) target_semaphore(%run_scoped3A : memref<!tpu.dma_semaphore, #tpu.memory_space<semaphore_mem>>)
      %dma_wait3A_90 = arith.constant 0 : i32
      %dma_wait3A_91 = arith.constant 0 : i32
      %dma_wait3A_92 = tpu.memref_slice %arg10[%dma_wait3A_90, %dma_wait3A_91] : memref<128x128xf32, #tpu.memory_space<vmem>> -> memref<64x128xf32, #tpu.memory_space<vmem>>
      %dma_wait3A_93 = arith.constant 0 : i32
      %dma_wait3A_94 = tpu.memref_slice %arg16[%mul3A_25, %dma_wait3A_93] : memref<1024x128xf32, #tpu.memory_space<vmem_shared>> -> memref<64x128xf32, #tpu.memory_space<vmem_shared>>
      %dma_wait3A_95 = arith.constant 0 : i32
      %dma_wait3A_96 = tpu.memref_slice %arg16[%mul3A_25, %dma_wait3A_95] : memref<1024x128xf32, #tpu.memory_space<vmem_shared>> -> memref<64x128xf32, #tpu.memory_space<vmem_shared>>
      %dma_wait3A_97 = arith.constant 0 : i32
      %dma_wait3A_98 = arith.constant 0 : i32
      %dma_wait3A_99 = tpu.memref_slice %arg10[%dma_wait3A_97, %dma_wait3A_98] : memref<128x128xf32, #tpu.memory_space<vmem>> -> memref<64x128xf32, #tpu.memory_space<vmem>>
      tpu.wait_dma2 semaphore(%run_scoped3A : memref<!tpu.dma_semaphore, #tpu.memory_space<semaphore_mem>>) src(%dma_wait3A_99 : memref<64x128xf32, #tpu.memory_space<vmem>>) dst(%dma_wait3A_96 : memref<64x128xf32, #tpu.memory_space<vmem_shared>>)
      tpu.yield
    }) : () -> ()
    %mul3A_26 = arith.constant 64 : i32
    %mul3A_27 = arith.muli %arg1, %mul3A_26 : i32
    "tpu.region"() ({
      %run_scoped3A = tpu.sem_alloc : memref<!tpu.dma_semaphore, #tpu.memory_space<semaphore_mem>>
      %dma_start3A_80 = tpu.memref_slice %arg17[%mul3A_27] : memref<1024xf32, #tpu.memory_space<vmem_shared>> -> memref<64xf32, #tpu.memory_space<vmem_shared>>
      %dma_start3A_81 = tpu.memref_slice %arg17[%mul3A_27] : memref<1024xf32, #tpu.memory_space<vmem_shared>> -> memref<64xf32, #tpu.memory_space<vmem_shared>>
      tpu.enqueue_dma source(%arg13 : memref<64xf32, #tpu.memory_space<vmem>>) target(%dma_start3A_81 : memref<64xf32, #tpu.memory_space<vmem_shared>>) target_semaphore(%run_scoped3A : memref<!tpu.dma_semaphore, #tpu.memory_space<semaphore_mem>>)
      %dma_wait3A_82 = tpu.memref_slice %arg17[%mul3A_27] : memref<1024xf32, #tpu.memory_space<vmem_shared>> -> memref<64xf32, #tpu.memory_space<vmem_shared>>
      %dma_wait3A_83 = tpu.memref_slice %arg17[%mul3A_27] : memref<1024xf32, #tpu.memory_space<vmem_shared>> -> memref<64xf32, #tpu.memory_space<vmem_shared>>
      tpu.wait_dma2 semaphore(%run_scoped3A : memref<!tpu.dma_semaphore, #tpu.memory_space<semaphore_mem>>) src(%arg13 : memref<64xf32, #tpu.memory_space<vmem>>) dst(%dma_wait3A_83 : memref<64xf32, #tpu.memory_space<vmem_shared>>)
      tpu.yield
    }) : () -> ()
    %barrier3A = arith.constant 0 : index
    tpu.barrier barrier_id(%barrier3A)
    %scan3A_28 = arith.constant 0 : i32
    %scan3A_29 = arith.constant 2 : i32
    %scan3A_30 = arith.addi %scan3A_28, %scan3A_29 : i32
    %scan3A_31 = arith.constant 1 : i32
    scf.for %scan3A_80 = %scan3A_28 to %scan3A_30 step %scan3A_31  : i32 {
      %mul3A_81 = arith.constant 1 : i32
      %mul3A_82 = arith.muli %scan3A_80, %mul3A_81 : i32
      %add3A = arith.constant 0 : i32
      %add3A_83 = arith.addi %add3A, %mul3A_82 : i32
      %mul3A_84 = arith.constant 16 : i32
      %mul3A_85 = arith.muli %add3A_83, %mul3A_84 : i32
      %add3A_86 = arith.constant 0 : i32
      %add3A_87 = arith.addi %mul3A_85, %add3A_86 : i32
      %dma_start3A_88 = arith.constant 0 : i32
      %dma_start3A_89 = tpu.memref_slice %arg8[%add3A_87, %dma_start3A_88] : memref<32x128xi32, #tpu.memory_space<vmem>> -> memref<1x128xi32, #tpu.memory_space<vmem>>
      %dma_start3A_90 = tpu.memref_squeeze %dma_start3A_89 : memref<1x128xi32, #tpu.memory_space<vmem>> -> memref<128xi32, #tpu.memory_space<vmem>>
      %dma_start3A_91 = arith.constant 0 : i32
      %dma_start3A_92 = tpu.memref_slice %arg17[%dma_start3A_91] : memref<1024xf32, #tpu.memory_space<vmem_shared>> -> memref<1024xf32, #tpu.memory_space<vmem_shared>>
      tpu.enqueue_indirect_dma source(%arg14 : memref<128xf32, #tpu.memory_space<vmem>>) target(%dma_start3A_92 : memref<1024xf32, #tpu.memory_space<vmem_shared>>) offsets(%dma_start3A_90 : memref<128xi32, #tpu.memory_space<vmem>>) semaphore(%arg26 : memref<!tpu.dma_semaphore, #tpu.memory_space<semaphore_mem>>) {add = true}
      %mul3A_93 = arith.constant 16 : i32
      %mul3A_94 = arith.muli %add3A_83, %mul3A_93 : i32
      %add3A_95 = arith.constant 1 : i32
      %add3A_96 = arith.addi %mul3A_94, %add3A_95 : i32
      %dma_start3A_97 = arith.constant 0 : i32
      %dma_start3A_98 = tpu.memref_slice %arg8[%add3A_96, %dma_start3A_97] : memref<32x128xi32, #tpu.memory_space<vmem>> -> memref<1x128xi32, #tpu.memory_space<vmem>>
      %dma_start3A_99 = tpu.memref_squeeze %dma_start3A_98 : memref<1x128xi32, #tpu.memory_space<vmem>> -> memref<128xi32, #tpu.memory_space<vmem>>
      %dma_start3A_100 = arith.constant 0 : i32
      %dma_start3A_101 = tpu.memref_slice %arg17[%dma_start3A_100] : memref<1024xf32, #tpu.memory_space<vmem_shared>> -> memref<1024xf32, #tpu.memory_space<vmem_shared>>
      tpu.enqueue_indirect_dma source(%arg14 : memref<128xf32, #tpu.memory_space<vmem>>) target(%dma_start3A_101 : memref<1024xf32, #tpu.memory_space<vmem_shared>>) offsets(%dma_start3A_99 : memref<128xi32, #tpu.memory_space<vmem>>) semaphore(%arg26 : memref<!tpu.dma_semaphore, #tpu.memory_space<semaphore_mem>>) {add = true}
      %mul3A_102 = arith.constant 16 : i32
      %mul3A_103 = arith.muli %add3A_83, %mul3A_102 : i32
      %add3A_104 = arith.constant 2 : i32
      %add3A_105 = arith.addi %mul3A_103, %add3A_104 : i32
      %dma_start3A_106 = arith.constant 0 : i32
      %dma_start3A_107 = tpu.memref_slice %arg8[%add3A_105, %dma_start3A_106] : memref<32x128xi32, #tpu.memory_space<vmem>> -> memref<1x128xi32, #tpu.memory_space<vmem>>
      %dma_start3A_108 = tpu.memref_squeeze %dma_start3A_107 : memref<1x128xi32, #tpu.memory_space<vmem>> -> memref<128xi32, #tpu.memory_space<vmem>>
      %dma_start3A_109 = arith.constant 0 : i32
      %dma_start3A_110 = tpu.memref_slice %arg17[%dma_start3A_109] : memref<1024xf32, #tpu.memory_space<vmem_shared>> -> memref<1024xf32, #tpu.memory_space<vmem_shared>>
      tpu.enqueue_indirect_dma source(%arg14 : memref<128xf32, #tpu.memory_space<vmem>>) target(%dma_start3A_110 : memref<1024xf32, #tpu.memory_space<vmem_shared>>) offsets(%dma_start3A_108 : memref<128xi32, #tpu.memory_space<vmem>>) semaphore(%arg26 : memref<!tpu.dma_semaphore, #tpu.memory_space<semaphore_mem>>) {add = true}
      %mul3A_111 = arith.constant 16 : i32
      %mul3A_112 = arith.muli %add3A_83, %mul3A_111 : i32
      %add3A_113 = arith.constant 3 : i32
      %add3A_114 = arith.addi %mul3A_112, %add3A_113 : i32
      %dma_start3A_115 = arith.constant 0 : i32
      %dma_start3A_116 = tpu.memref_slice %arg8[%add3A_114, %dma_start3A_115] : memref<32x128xi32, #tpu.memory_space<vmem>> -> memref<1x128xi32, #tpu.memory_space<vmem>>
      %dma_start3A_117 = tpu.memref_squeeze %dma_start3A_116 : memref<1x128xi32, #tpu.memory_space<vmem>> -> memref<128xi32, #tpu.memory_space<vmem>>
      %dma_start3A_118 = arith.constant 0 : i32
      %dma_start3A_119 = tpu.memref_slice %arg17[%dma_start3A_118] : memref<1024xf32, #tpu.memory_space<vmem_shared>> -> memref<1024xf32, #tpu.memory_space<vmem_shared>>
      tpu.enqueue_indirect_dma source(%arg14 : memref<128xf32, #tpu.memory_space<vmem>>) target(%dma_start3A_119 : memref<1024xf32, #tpu.memory_space<vmem_shared>>) offsets(%dma_start3A_117 : memref<128xi32, #tpu.memory_space<vmem>>) semaphore(%arg26 : memref<!tpu.dma_semaphore, #tpu.memory_space<semaphore_mem>>) {add = true}
      %mul3A_120 = arith.constant 16 : i32
      %mul3A_121 = arith.muli %add3A_83, %mul3A_120 : i32
      %add3A_122 = arith.constant 4 : i32
      %add3A_123 = arith.addi %mul3A_121, %add3A_122 : i32
      %dma_start3A_124 = arith.constant 0 : i32
      %dma_start3A_125 = tpu.memref_slice %arg8[%add3A_123, %dma_start3A_124] : memref<32x128xi32, #tpu.memory_space<vmem>> -> memref<1x128xi32, #tpu.memory_space<vmem>>
      %dma_start3A_126 = tpu.memref_squeeze %dma_start3A_125 : memref<1x128xi32, #tpu.memory_space<vmem>> -> memref<128xi32, #tpu.memory_space<vmem>>
      %dma_start3A_127 = arith.constant 0 : i32
      %dma_start3A_128 = tpu.memref_slice %arg17[%dma_start3A_127] : memref<1024xf32, #tpu.memory_space<vmem_shared>> -> memref<1024xf32, #tpu.memory_space<vmem_shared>>
      tpu.enqueue_indirect_dma source(%arg14 : memref<128xf32, #tpu.memory_space<vmem>>) target(%dma_start3A_128 : memref<1024xf32, #tpu.memory_space<vmem_shared>>) offsets(%dma_start3A_126 : memref<128xi32, #tpu.memory_space<vmem>>) semaphore(%arg26 : memref<!tpu.dma_semaphore, #tpu.memory_space<semaphore_mem>>) {add = true}
      %mul3A_129 = arith.constant 16 : i32
      %mul3A_130 = arith.muli %add3A_83, %mul3A_129 : i32
      %add3A_131 = arith.constant 5 : i32
      %add3A_132 = arith.addi %mul3A_130, %add3A_131 : i32
      %dma_start3A_133 = arith.constant 0 : i32
      %dma_start3A_134 = tpu.memref_slice %arg8[%add3A_132, %dma_start3A_133] : memref<32x128xi32, #tpu.memory_space<vmem>> -> memref<1x128xi32, #tpu.memory_space<vmem>>
      %dma_start3A_135 = tpu.memref_squeeze %dma_start3A_134 : memref<1x128xi32, #tpu.memory_space<vmem>> -> memref<128xi32, #tpu.memory_space<vmem>>
      %dma_start3A_136 = arith.constant 0 : i32
      %dma_start3A_137 = tpu.memref_slice %arg17[%dma_start3A_136] : memref<1024xf32, #tpu.memory_space<vmem_shared>> -> memref<1024xf32, #tpu.memory_space<vmem_shared>>
      tpu.enqueue_indirect_dma source(%arg14 : memref<128xf32, #tpu.memory_space<vmem>>) target(%dma_start3A_137 : memref<1024xf32, #tpu.memory_space<vmem_shared>>) offsets(%dma_start3A_135 : memref<128xi32, #tpu.memory_space<vmem>>) semaphore(%arg26 : memref<!tpu.dma_semaphore, #tpu.memory_space<semaphore_mem>>) {add = true}
      %mul3A_138 = arith.constant 16 : i32
      %mul3A_139 = arith.muli %add3A_83, %mul3A_138 : i32
      %add3A_140 = arith.constant 6 : i32
      %add3A_141 = arith.addi %mul3A_139, %add3A_140 : i32
      %dma_start3A_142 = arith.constant 0 : i32
      %dma_start3A_143 = tpu.memref_slice %arg8[%add3A_141, %dma_start3A_142] : memref<32x128xi32, #tpu.memory_space<vmem>> -> memref<1x128xi32, #tpu.memory_space<vmem>>
      %dma_start3A_144 = tpu.memref_squeeze %dma_start3A_143 : memref<1x128xi32, #tpu.memory_space<vmem>> -> memref<128xi32, #tpu.memory_space<vmem>>
      %dma_start3A_145 = arith.constant 0 : i32
      %dma_start3A_146 = tpu.memref_slice %arg17[%dma_start3A_145] : memref<1024xf32, #tpu.memory_space<vmem_shared>> -> memref<1024xf32, #tpu.memory_space<vmem_shared>>
      tpu.enqueue_indirect_dma source(%arg14 : memref<128xf32, #tpu.memory_space<vmem>>) target(%dma_start3A_146 : memref<1024xf32, #tpu.memory_space<vmem_shared>>) offsets(%dma_start3A_144 : memref<128xi32, #tpu.memory_space<vmem>>) semaphore(%arg26 : memref<!tpu.dma_semaphore, #tpu.memory_space<semaphore_mem>>) {add = true}
      %mul3A_147 = arith.constant 16 : i32
      %mul3A_148 = arith.muli %add3A_83, %mul3A_147 : i32
      %add3A_149 = arith.constant 7 : i32
      %add3A_150 = arith.addi %mul3A_148, %add3A_149 : i32
      %dma_start3A_151 = arith.constant 0 : i32
      %dma_start3A_152 = tpu.memref_slice %arg8[%add3A_150, %dma_start3A_151] : memref<32x128xi32, #tpu.memory_space<vmem>> -> memref<1x128xi32, #tpu.memory_space<vmem>>
      %dma_start3A_153 = tpu.memref_squeeze %dma_start3A_152 : memref<1x128xi32, #tpu.memory_space<vmem>> -> memref<128xi32, #tpu.memory_space<vmem>>
      %dma_start3A_154 = arith.constant 0 : i32
      %dma_start3A_155 = tpu.memref_slice %arg17[%dma_start3A_154] : memref<1024xf32, #tpu.memory_space<vmem_shared>> -> memref<1024xf32, #tpu.memory_space<vmem_shared>>
      tpu.enqueue_indirect_dma source(%arg14 : memref<128xf32, #tpu.memory_space<vmem>>) target(%dma_start3A_155 : memref<1024xf32, #tpu.memory_space<vmem_shared>>) offsets(%dma_start3A_153 : memref<128xi32, #tpu.memory_space<vmem>>) semaphore(%arg26 : memref<!tpu.dma_semaphore, #tpu.memory_space<semaphore_mem>>) {add = true}
      %mul3A_156 = arith.constant 16 : i32
      %mul3A_157 = arith.muli %add3A_83, %mul3A_156 : i32
      %add3A_158 = arith.constant 8 : i32
      %add3A_159 = arith.addi %mul3A_157, %add3A_158 : i32
      %dma_start3A_160 = arith.constant 0 : i32
      %dma_start3A_161 = tpu.memref_slice %arg8[%add3A_159, %dma_start3A_160] : memref<32x128xi32, #tpu.memory_space<vmem>> -> memref<1x128xi32, #tpu.memory_space<vmem>>
      %dma_start3A_162 = tpu.memref_squeeze %dma_start3A_161 : memref<1x128xi32, #tpu.memory_space<vmem>> -> memref<128xi32, #tpu.memory_space<vmem>>
      %dma_start3A_163 = arith.constant 0 : i32
      %dma_start3A_164 = tpu.memref_slice %arg17[%dma_start3A_163] : memref<1024xf32, #tpu.memory_space<vmem_shared>> -> memref<1024xf32, #tpu.memory_space<vmem_shared>>
      tpu.enqueue_indirect_dma source(%arg14 : memref<128xf32, #tpu.memory_space<vmem>>) target(%dma_start3A_164 : memref<1024xf32, #tpu.memory_space<vmem_shared>>) offsets(%dma_start3A_162 : memref<128xi32, #tpu.memory_space<vmem>>) semaphore(%arg26 : memref<!tpu.dma_semaphore, #tpu.memory_space<semaphore_mem>>) {add = true}
      %mul3A_165 = arith.constant 16 : i32
      %mul3A_166 = arith.muli %add3A_83, %mul3A_165 : i32
      %add3A_167 = arith.constant 9 : i32
      %add3A_168 = arith.addi %mul3A_166, %add3A_167 : i32
      %dma_start3A_169 = arith.constant 0 : i32
      %dma_start3A_170 = tpu.memref_slice %arg8[%add3A_168, %dma_start3A_169] : memref<32x128xi32, #tpu.memory_space<vmem>> -> memref<1x128xi32, #tpu.memory_space<vmem>>
      %dma_start3A_171 = tpu.memref_squeeze %dma_start3A_170 : memref<1x128xi32, #tpu.memory_space<vmem>> -> memref<128xi32, #tpu.memory_space<vmem>>
      %dma_start3A_172 = arith.constant 0 : i32
      %dma_start3A_173 = tpu.memref_slice %arg17[%dma_start3A_172] : memref<1024xf32, #tpu.memory_space<vmem_shared>> -> memref<1024xf32, #tpu.memory_space<vmem_shared>>
      tpu.enqueue_indirect_dma source(%arg14 : memref<128xf32, #tpu.memory_space<vmem>>) target(%dma_start3A_173 : memref<1024xf32, #tpu.memory_space<vmem_shared>>) offsets(%dma_start3A_171 : memref<128xi32, #tpu.memory_space<vmem>>) semaphore(%arg26 : memref<!tpu.dma_semaphore, #tpu.memory_space<semaphore_mem>>) {add = true}
      %mul3A_174 = arith.constant 16 : i32
      %mul3A_175 = arith.muli %add3A_83, %mul3A_174 : i32
      %add3A_176 = arith.constant 10 : i32
      %add3A_177 = arith.addi %mul3A_175, %add3A_176 : i32
      %dma_start3A_178 = arith.constant 0 : i32
      %dma_start3A_179 = tpu.memref_slice %arg8[%add3A_177, %dma_start3A_178] : memref<32x128xi32, #tpu.memory_space<vmem>> -> memref<1x128xi32, #tpu.memory_space<vmem>>
      %dma_start3A_180 = tpu.memref_squeeze %dma_start3A_179 : memref<1x128xi32, #tpu.memory_space<vmem>> -> memref<128xi32, #tpu.memory_space<vmem>>
      %dma_start3A_181 = arith.constant 0 : i32
      %dma_start3A_182 = tpu.memref_slice %arg17[%dma_start3A_181] : memref<1024xf32, #tpu.memory_space<vmem_shared>> -> memref<1024xf32, #tpu.memory_space<vmem_shared>>
      tpu.enqueue_indirect_dma source(%arg14 : memref<128xf32, #tpu.memory_space<vmem>>) target(%dma_start3A_182 : memref<1024xf32, #tpu.memory_space<vmem_shared>>) offsets(%dma_start3A_180 : memref<128xi32, #tpu.memory_space<vmem>>) semaphore(%arg26 : memref<!tpu.dma_semaphore, #tpu.memory_space<semaphore_mem>>) {add = true}
      %mul3A_183 = arith.constant 16 : i32
      %mul3A_184 = arith.muli %add3A_83, %mul3A_183 : i32
      %add3A_185 = arith.constant 11 : i32
      %add3A_186 = arith.addi %mul3A_184, %add3A_185 : i32
      %dma_start3A_187 = arith.constant 0 : i32
      %dma_start3A_188 = tpu.memref_slice %arg8[%add3A_186, %dma_start3A_187] : memref<32x128xi32, #tpu.memory_space<vmem>> -> memref<1x128xi32, #tpu.memory_space<vmem>>
      %dma_start3A_189 = tpu.memref_squeeze %dma_start3A_188 : memref<1x128xi32, #tpu.memory_space<vmem>> -> memref<128xi32, #tpu.memory_space<vmem>>
      %dma_start3A_190 = arith.constant 0 : i32
      %dma_start3A_191 = tpu.memref_slice %arg17[%dma_start3A_190] : memref<1024xf32, #tpu.memory_space<vmem_shared>> -> memref<1024xf32, #tpu.memory_space<vmem_shared>>
      tpu.enqueue_indirect_dma source(%arg14 : memref<128xf32, #tpu.memory_space<vmem>>) target(%dma_start3A_191 : memref<1024xf32, #tpu.memory_space<vmem_shared>>) offsets(%dma_start3A_189 : memref<128xi32, #tpu.memory_space<vmem>>) semaphore(%arg26 : memref<!tpu.dma_semaphore, #tpu.memory_space<semaphore_mem>>) {add = true}
      %mul3A_192 = arith.constant 16 : i32
      %mul3A_193 = arith.muli %add3A_83, %mul3A_192 : i32
      %add3A_194 = arith.constant 12 : i32
      %add3A_195 = arith.addi %mul3A_193, %add3A_194 : i32
      %dma_start3A_196 = arith.constant 0 : i32
      %dma_start3A_197 = tpu.memref_slice %arg8[%add3A_195, %dma_start3A_196] : memref<32x128xi32, #tpu.memory_space<vmem>> -> memref<1x128xi32, #tpu.memory_space<vmem>>
      %dma_start3A_198 = tpu.memref_squeeze %dma_start3A_197 : memref<1x128xi32, #tpu.memory_space<vmem>> -> memref<128xi32, #tpu.memory_space<vmem>>
      %dma_start3A_199 = arith.constant 0 : i32
      %dma_start3A_200 = tpu.memref_slice %arg17[%dma_start3A_199] : memref<1024xf32, #tpu.memory_space<vmem_shared>> -> memref<1024xf32, #tpu.memory_space<vmem_shared>>
      tpu.enqueue_indirect_dma source(%arg14 : memref<128xf32, #tpu.memory_space<vmem>>) target(%dma_start3A_200 : memref<1024xf32, #tpu.memory_space<vmem_shared>>) offsets(%dma_start3A_198 : memref<128xi32, #tpu.memory_space<vmem>>) semaphore(%arg26 : memref<!tpu.dma_semaphore, #tpu.memory_space<semaphore_mem>>) {add = true}
      %mul3A_201 = arith.constant 16 : i32
      %mul3A_202 = arith.muli %add3A_83, %mul3A_201 : i32
      %add3A_203 = arith.constant 13 : i32
      %add3A_204 = arith.addi %mul3A_202, %add3A_203 : i32
      %dma_start3A_205 = arith.constant 0 : i32
      %dma_start3A_206 = tpu.memref_slice %arg8[%add3A_204, %dma_start3A_205] : memref<32x128xi32, #tpu.memory_space<vmem>> -> memref<1x128xi32, #tpu.memory_space<vmem>>
      %dma_start3A_207 = tpu.memref_squeeze %dma_start3A_206 : memref<1x128xi32, #tpu.memory_space<vmem>> -> memref<128xi32, #tpu.memory_space<vmem>>
      %dma_start3A_208 = arith.constant 0 : i32
      %dma_start3A_209 = tpu.memref_slice %arg17[%dma_start3A_208] : memref<1024xf32, #tpu.memory_space<vmem_shared>> -> memref<1024xf32, #tpu.memory_space<vmem_shared>>
      tpu.enqueue_indirect_dma source(%arg14 : memref<128xf32, #tpu.memory_space<vmem>>) target(%dma_start3A_209 : memref<1024xf32, #tpu.memory_space<vmem_shared>>) offsets(%dma_start3A_207 : memref<128xi32, #tpu.memory_space<vmem>>) semaphore(%arg26 : memref<!tpu.dma_semaphore, #tpu.memory_space<semaphore_mem>>) {add = true}
      %mul3A_210 = arith.constant 16 : i32
      %mul3A_211 = arith.muli %add3A_83, %mul3A_210 : i32
      %add3A_212 = arith.constant 14 : i32
      %add3A_213 = arith.addi %mul3A_211, %add3A_212 : i32
      %dma_start3A_214 = arith.constant 0 : i32
      %dma_start3A_215 = tpu.memref_slice %arg8[%add3A_213, %dma_start3A_214] : memref<32x128xi32, #tpu.memory_space<vmem>> -> memref<1x128xi32, #tpu.memory_space<vmem>>
      %dma_start3A_216 = tpu.memref_squeeze %dma_start3A_215 : memref<1x128xi32, #tpu.memory_space<vmem>> -> memref<128xi32, #tpu.memory_space<vmem>>
      %dma_start3A_217 = arith.constant 0 : i32
      %dma_start3A_218 = tpu.memref_slice %arg17[%dma_start3A_217] : memref<1024xf32, #tpu.memory_space<vmem_shared>> -> memref<1024xf32, #tpu.memory_space<vmem_shared>>
      tpu.enqueue_indirect_dma source(%arg14 : memref<128xf32, #tpu.memory_space<vmem>>) target(%dma_start3A_218 : memref<1024xf32, #tpu.memory_space<vmem_shared>>) offsets(%dma_start3A_216 : memref<128xi32, #tpu.memory_space<vmem>>) semaphore(%arg26 : memref<!tpu.dma_semaphore, #tpu.memory_space<semaphore_mem>>) {add = true}
      %mul3A_219 = arith.constant 16 : i32
      %mul3A_220 = arith.muli %add3A_83, %mul3A_219 : i32
      %add3A_221 = arith.constant 15 : i32
      %add3A_222 = arith.addi %mul3A_220, %add3A_221 : i32
      %dma_start3A_223 = arith.constant 0 : i32
      %dma_start3A_224 = tpu.memref_slice %arg8[%add3A_222, %dma_start3A_223] : memref<32x128xi32, #tpu.memory_space<vmem>> -> memref<1x128xi32, #tpu.memory_space<vmem>>
      %dma_start3A_225 = tpu.memref_squeeze %dma_start3A_224 : memref<1x128xi32, #tpu.memory_space<vmem>> -> memref<128xi32, #tpu.memory_space<vmem>>
      %dma_start3A_226 = arith.constant 0 : i32
      %dma_start3A_227 = tpu.memref_slice %arg17[%dma_start3A_226] : memref<1024xf32, #tpu.memory_space<vmem_shared>> -> memref<1024xf32, #tpu.memory_space<vmem_shared>>
      tpu.enqueue_indirect_dma source(%arg14 : memref<128xf32, #tpu.memory_space<vmem>>) target(%dma_start3A_227 : memref<1024xf32, #tpu.memory_space<vmem_shared>>) offsets(%dma_start3A_225 : memref<128xi32, #tpu.memory_space<vmem>>) semaphore(%arg26 : memref<!tpu.dma_semaphore, #tpu.memory_space<semaphore_mem>>) {add = true}
      %dma_wait3A_228 = arith.constant 0 : i32
      %dma_wait3A_229 = tpu.memref_slice %arg8[%add3A_87, %dma_wait3A_228] : memref<32x128xi32, #tpu.memory_space<vmem>> -> memref<1x128xi32, #tpu.memory_space<vmem>>
      %dma_wait3A_230 = tpu.memref_squeeze %dma_wait3A_229 : memref<1x128xi32, #tpu.memory_space<vmem>> -> memref<128xi32, #tpu.memory_space<vmem>>
      %dma_wait3A_231 = arith.constant 0 : i32
      %dma_wait3A_232 = tpu.memref_slice %arg17[%dma_wait3A_231] : memref<1024xf32, #tpu.memory_space<vmem_shared>> -> memref<1024xf32, #tpu.memory_space<vmem_shared>>
      tpu.wait_indirect_dma semaphore(%arg26 : memref<!tpu.dma_semaphore, #tpu.memory_space<semaphore_mem>>) src(%arg14 : memref<128xf32, #tpu.memory_space<vmem>>) dst(%dma_wait3A_232 : memref<1024xf32, #tpu.memory_space<vmem_shared>>)
      %dma_wait3A_233 = arith.constant 0 : i32
      %dma_wait3A_234 = tpu.memref_slice %arg8[%add3A_96, %dma_wait3A_233] : memref<32x128xi32, #tpu.memory_space<vmem>> -> memref<1x128xi32, #tpu.memory_space<vmem>>
      %dma_wait3A_235 = tpu.memref_squeeze %dma_wait3A_234 : memref<1x128xi32, #tpu.memory_space<vmem>> -> memref<128xi32, #tpu.memory_space<vmem>>
      %dma_wait3A_236 = arith.constant 0 : i32
      %dma_wait3A_237 = tpu.memref_slice %arg17[%dma_wait3A_236] : memref<1024xf32, #tpu.memory_space<vmem_shared>> -> memref<1024xf32, #tpu.memory_space<vmem_shared>>
      tpu.wait_indirect_dma semaphore(%arg26 : memref<!tpu.dma_semaphore, #tpu.memory_space<semaphore_mem>>) src(%arg14 : memref<128xf32, #tpu.memory_space<vmem>>) dst(%dma_wait3A_237 : memref<1024xf32, #tpu.memory_space<vmem_shared>>)
      %dma_wait3A_238 = arith.constant 0 : i32
      %dma_wait3A_239 = tpu.memref_slice %arg8[%add3A_105, %dma_wait3A_238] : memref<32x128xi32, #tpu.memory_space<vmem>> -> memref<1x128xi32, #tpu.memory_space<vmem>>
      %dma_wait3A_240 = tpu.memref_squeeze %dma_wait3A_239 : memref<1x128xi32, #tpu.memory_space<vmem>> -> memref<128xi32, #tpu.memory_space<vmem>>
      %dma_wait3A_241 = arith.constant 0 : i32
      %dma_wait3A_242 = tpu.memref_slice %arg17[%dma_wait3A_241] : memref<1024xf32, #tpu.memory_space<vmem_shared>> -> memref<1024xf32, #tpu.memory_space<vmem_shared>>
      tpu.wait_indirect_dma semaphore(%arg26 : memref<!tpu.dma_semaphore, #tpu.memory_space<semaphore_mem>>) src(%arg14 : memref<128xf32, #tpu.memory_space<vmem>>) dst(%dma_wait3A_242 : memref<1024xf32, #tpu.memory_space<vmem_shared>>)
      %dma_wait3A_243 = arith.constant 0 : i32
      %dma_wait3A_244 = tpu.memref_slice %arg8[%add3A_114, %dma_wait3A_243] : memref<32x128xi32, #tpu.memory_space<vmem>> -> memref<1x128xi32, #tpu.memory_space<vmem>>
      %dma_wait3A_245 = tpu.memref_squeeze %dma_wait3A_244 : memref<1x128xi32, #tpu.memory_space<vmem>> -> memref<128xi32, #tpu.memory_space<vmem>>
      %dma_wait3A_246 = arith.constant 0 : i32
      %dma_wait3A_247 = tpu.memref_slice %arg17[%dma_wait3A_246] : memref<1024xf32, #tpu.memory_space<vmem_shared>> -> memref<1024xf32, #tpu.memory_space<vmem_shared>>
      tpu.wait_indirect_dma semaphore(%arg26 : memref<!tpu.dma_semaphore, #tpu.memory_space<semaphore_mem>>) src(%arg14 : memref<128xf32, #tpu.memory_space<vmem>>) dst(%dma_wait3A_247 : memref<1024xf32, #tpu.memory_space<vmem_shared>>)
      %dma_wait3A_248 = arith.constant 0 : i32
      %dma_wait3A_249 = tpu.memref_slice %arg8[%add3A_123, %dma_wait3A_248] : memref<32x128xi32, #tpu.memory_space<vmem>> -> memref<1x128xi32, #tpu.memory_space<vmem>>
      %dma_wait3A_250 = tpu.memref_squeeze %dma_wait3A_249 : memref<1x128xi32, #tpu.memory_space<vmem>> -> memref<128xi32, #tpu.memory_space<vmem>>
      %dma_wait3A_251 = arith.constant 0 : i32
      %dma_wait3A_252 = tpu.memref_slice %arg17[%dma_wait3A_251] : memref<1024xf32, #tpu.memory_space<vmem_shared>> -> memref<1024xf32, #tpu.memory_space<vmem_shared>>
      tpu.wait_indirect_dma semaphore(%arg26 : memref<!tpu.dma_semaphore, #tpu.memory_space<semaphore_mem>>) src(%arg14 : memref<128xf32, #tpu.memory_space<vmem>>) dst(%dma_wait3A_252 : memref<1024xf32, #tpu.memory_space<vmem_shared>>)
      %dma_wait3A_253 = arith.constant 0 : i32
      %dma_wait3A_254 = tpu.memref_slice %arg8[%add3A_132, %dma_wait3A_253] : memref<32x128xi32, #tpu.memory_space<vmem>> -> memref<1x128xi32, #tpu.memory_space<vmem>>
      %dma_wait3A_255 = tpu.memref_squeeze %dma_wait3A_254 : memref<1x128xi32, #tpu.memory_space<vmem>> -> memref<128xi32, #tpu.memory_space<vmem>>
      %dma_wait3A_256 = arith.constant 0 : i32
      %dma_wait3A_257 = tpu.memref_slice %arg17[%dma_wait3A_256] : memref<1024xf32, #tpu.memory_space<vmem_shared>> -> memref<1024xf32, #tpu.memory_space<vmem_shared>>
      tpu.wait_indirect_dma semaphore(%arg26 : memref<!tpu.dma_semaphore, #tpu.memory_space<semaphore_mem>>) src(%arg14 : memref<128xf32, #tpu.memory_space<vmem>>) dst(%dma_wait3A_257 : memref<1024xf32, #tpu.memory_space<vmem_shared>>)
      %dma_wait3A_258 = arith.constant 0 : i32
      %dma_wait3A_259 = tpu.memref_slice %arg8[%add3A_141, %dma_wait3A_258] : memref<32x128xi32, #tpu.memory_space<vmem>> -> memref<1x128xi32, #tpu.memory_space<vmem>>
      %dma_wait3A_260 = tpu.memref_squeeze %dma_wait3A_259 : memref<1x128xi32, #tpu.memory_space<vmem>> -> memref<128xi32, #tpu.memory_space<vmem>>
      %dma_wait3A_261 = arith.constant 0 : i32
      %dma_wait3A_262 = tpu.memref_slice %arg17[%dma_wait3A_261] : memref<1024xf32, #tpu.memory_space<vmem_shared>> -> memref<1024xf32, #tpu.memory_space<vmem_shared>>
      tpu.wait_indirect_dma semaphore(%arg26 : memref<!tpu.dma_semaphore, #tpu.memory_space<semaphore_mem>>) src(%arg14 : memref<128xf32, #tpu.memory_space<vmem>>) dst(%dma_wait3A_262 : memref<1024xf32, #tpu.memory_space<vmem_shared>>)
      %dma_wait3A_263 = arith.constant 0 : i32
      %dma_wait3A_264 = tpu.memref_slice %arg8[%add3A_150, %dma_wait3A_263] : memref<32x128xi32, #tpu.memory_space<vmem>> -> memref<1x128xi32, #tpu.memory_space<vmem>>
      %dma_wait3A_265 = tpu.memref_squeeze %dma_wait3A_264 : memref<1x128xi32, #tpu.memory_space<vmem>> -> memref<128xi32, #tpu.memory_space<vmem>>
      %dma_wait3A_266 = arith.constant 0 : i32
      %dma_wait3A_267 = tpu.memref_slice %arg17[%dma_wait3A_266] : memref<1024xf32, #tpu.memory_space<vmem_shared>> -> memref<1024xf32, #tpu.memory_space<vmem_shared>>
      tpu.wait_indirect_dma semaphore(%arg26 : memref<!tpu.dma_semaphore, #tpu.memory_space<semaphore_mem>>) src(%arg14 : memref<128xf32, #tpu.memory_space<vmem>>) dst(%dma_wait3A_267 : memref<1024xf32, #tpu.memory_space<vmem_shared>>)
      %dma_wait3A_268 = arith.constant 0 : i32
      %dma_wait3A_269 = tpu.memref_slice %arg8[%add3A_159, %dma_wait3A_268] : memref<32x128xi32, #tpu.memory_space<vmem>> -> memref<1x128xi32, #tpu.memory_space<vmem>>
      %dma_wait3A_270 = tpu.memref_squeeze %dma_wait3A_269 : memref<1x128xi32, #tpu.memory_space<vmem>> -> memref<128xi32, #tpu.memory_space<vmem>>
      %dma_wait3A_271 = arith.constant 0 : i32
      %dma_wait3A_272 = tpu.memref_slice %arg17[%dma_wait3A_271] : memref<1024xf32, #tpu.memory_space<vmem_shared>> -> memref<1024xf32, #tpu.memory_space<vmem_shared>>
      tpu.wait_indirect_dma semaphore(%arg26 : memref<!tpu.dma_semaphore, #tpu.memory_space<semaphore_mem>>) src(%arg14 : memref<128xf32, #tpu.memory_space<vmem>>) dst(%dma_wait3A_272 : memref<1024xf32, #tpu.memory_space<vmem_shared>>)
      %dma_wait3A_273 = arith.constant 0 : i32
      %dma_wait3A_274 = tpu.memref_slice %arg8[%add3A_168, %dma_wait3A_273] : memref<32x128xi32, #tpu.memory_space<vmem>> -> memref<1x128xi32, #tpu.memory_space<vmem>>
      %dma_wait3A_275 = tpu.memref_squeeze %dma_wait3A_274 : memref<1x128xi32, #tpu.memory_space<vmem>> -> memref<128xi32, #tpu.memory_space<vmem>>
      %dma_wait3A_276 = arith.constant 0 : i32
      %dma_wait3A_277 = tpu.memref_slice %arg17[%dma_wait3A_276] : memref<1024xf32, #tpu.memory_space<vmem_shared>> -> memref<1024xf32, #tpu.memory_space<vmem_shared>>
      tpu.wait_indirect_dma semaphore(%arg26 : memref<!tpu.dma_semaphore, #tpu.memory_space<semaphore_mem>>) src(%arg14 : memref<128xf32, #tpu.memory_space<vmem>>) dst(%dma_wait3A_277 : memref<1024xf32, #tpu.memory_space<vmem_shared>>)
      %dma_wait3A_278 = arith.constant 0 : i32
      %dma_wait3A_279 = tpu.memref_slice %arg8[%add3A_177, %dma_wait3A_278] : memref<32x128xi32, #tpu.memory_space<vmem>> -> memref<1x128xi32, #tpu.memory_space<vmem>>
      %dma_wait3A_280 = tpu.memref_squeeze %dma_wait3A_279 : memref<1x128xi32, #tpu.memory_space<vmem>> -> memref<128xi32, #tpu.memory_space<vmem>>
      %dma_wait3A_281 = arith.constant 0 : i32
      %dma_wait3A_282 = tpu.memref_slice %arg17[%dma_wait3A_281] : memref<1024xf32, #tpu.memory_space<vmem_shared>> -> memref<1024xf32, #tpu.memory_space<vmem_shared>>
      tpu.wait_indirect_dma semaphore(%arg26 : memref<!tpu.dma_semaphore, #tpu.memory_space<semaphore_mem>>) src(%arg14 : memref<128xf32, #tpu.memory_space<vmem>>) dst(%dma_wait3A_282 : memref<1024xf32, #tpu.memory_space<vmem_shared>>)
      %dma_wait3A_283 = arith.constant 0 : i32
      %dma_wait3A_284 = tpu.memref_slice %arg8[%add3A_186, %dma_wait3A_283] : memref<32x128xi32, #tpu.memory_space<vmem>> -> memref<1x128xi32, #tpu.memory_space<vmem>>
      %dma_wait3A_285 = tpu.memref_squeeze %dma_wait3A_284 : memref<1x128xi32, #tpu.memory_space<vmem>> -> memref<128xi32, #tpu.memory_space<vmem>>
      %dma_wait3A_286 = arith.constant 0 : i32
      %dma_wait3A_287 = tpu.memref_slice %arg17[%dma_wait3A_286] : memref<1024xf32, #tpu.memory_space<vmem_shared>> -> memref<1024xf32, #tpu.memory_space<vmem_shared>>
      tpu.wait_indirect_dma semaphore(%arg26 : memref<!tpu.dma_semaphore, #tpu.memory_space<semaphore_mem>>) src(%arg14 : memref<128xf32, #tpu.memory_space<vmem>>) dst(%dma_wait3A_287 : memref<1024xf32, #tpu.memory_space<vmem_shared>>)
      %dma_wait3A_288 = arith.constant 0 : i32
      %dma_wait3A_289 = tpu.memref_slice %arg8[%add3A_195, %dma_wait3A_288] : memref<32x128xi32, #tpu.memory_space<vmem>> -> memref<1x128xi32, #tpu.memory_space<vmem>>
      %dma_wait3A_290 = tpu.memref_squeeze %dma_wait3A_289 : memref<1x128xi32, #tpu.memory_space<vmem>> -> memref<128xi32, #tpu.memory_space<vmem>>
      %dma_wait3A_291 = arith.constant 0 : i32
      %dma_wait3A_292 = tpu.memref_slice %arg17[%dma_wait3A_291] : memref<1024xf32, #tpu.memory_space<vmem_shared>> -> memref<1024xf32, #tpu.memory_space<vmem_shared>>
      tpu.wait_indirect_dma semaphore(%arg26 : memref<!tpu.dma_semaphore, #tpu.memory_space<semaphore_mem>>) src(%arg14 : memref<128xf32, #tpu.memory_space<vmem>>) dst(%dma_wait3A_292 : memref<1024xf32, #tpu.memory_space<vmem_shared>>)
      %dma_wait3A_293 = arith.constant 0 : i32
      %dma_wait3A_294 = tpu.memref_slice %arg8[%add3A_204, %dma_wait3A_293] : memref<32x128xi32, #tpu.memory_space<vmem>> -> memref<1x128xi32, #tpu.memory_space<vmem>>
      %dma_wait3A_295 = tpu.memref_squeeze %dma_wait3A_294 : memref<1x128xi32, #tpu.memory_space<vmem>> -> memref<128xi32, #tpu.memory_space<vmem>>
      %dma_wait3A_296 = arith.constant 0 : i32
      %dma_wait3A_297 = tpu.memref_slice %arg17[%dma_wait3A_296] : memref<1024xf32, #tpu.memory_space<vmem_shared>> -> memref<1024xf32, #tpu.memory_space<vmem_shared>>
      tpu.wait_indirect_dma semaphore(%arg26 : memref<!tpu.dma_semaphore, #tpu.memory_space<semaphore_mem>>) src(%arg14 : memref<128xf32, #tpu.memory_space<vmem>>) dst(%dma_wait3A_297 : memref<1024xf32, #tpu.memory_space<vmem_shared>>)
      %dma_wait3A_298 = arith.constant 0 : i32
      %dma_wait3A_299 = tpu.memref_slice %arg8[%add3A_213, %dma_wait3A_298] : memref<32x128xi32, #tpu.memory_space<vmem>> -> memref<1x128xi32, #tpu.memory_space<vmem>>
      %dma_wait3A_300 = tpu.memref_squeeze %dma_wait3A_299 : memref<1x128xi32, #tpu.memory_space<vmem>> -> memref<128xi32, #tpu.memory_space<vmem>>
      %dma_wait3A_301 = arith.constant 0 : i32
      %dma_wait3A_302 = tpu.memref_slice %arg17[%dma_wait3A_301] : memref<1024xf32, #tpu.memory_space<vmem_shared>> -> memref<1024xf32, #tpu.memory_space<vmem_shared>>
      tpu.wait_indirect_dma semaphore(%arg26 : memref<!tpu.dma_semaphore, #tpu.memory_space<semaphore_mem>>) src(%arg14 : memref<128xf32, #tpu.memory_space<vmem>>) dst(%dma_wait3A_302 : memref<1024xf32, #tpu.memory_space<vmem_shared>>)
      %dma_wait3A_303 = arith.constant 0 : i32
      %dma_wait3A_304 = tpu.memref_slice %arg8[%add3A_222, %dma_wait3A_303] : memref<32x128xi32, #tpu.memory_space<vmem>> -> memref<1x128xi32, #tpu.memory_space<vmem>>
      %dma_wait3A_305 = tpu.memref_squeeze %dma_wait3A_304 : memref<1x128xi32, #tpu.memory_space<vmem>> -> memref<128xi32, #tpu.memory_space<vmem>>
      %dma_wait3A_306 = arith.constant 0 : i32
      %dma_wait3A_307 = tpu.memref_slice %arg17[%dma_wait3A_306] : memref<1024xf32, #tpu.memory_space<vmem_shared>> -> memref<1024xf32, #tpu.memory_space<vmem_shared>>
      tpu.wait_indirect_dma semaphore(%arg26 : memref<!tpu.dma_semaphore, #tpu.memory_space<semaphore_mem>>) src(%arg14 : memref<128xf32, #tpu.memory_space<vmem>>) dst(%dma_wait3A_307 : memref<1024xf32, #tpu.memory_space<vmem_shared>>)
    }
    %scan3A_32 = arith.constant 2 : i32
    %dma_wait3A = arith.constant 0 : i32
    %dma_wait3A_33 = tpu.memref_slice %arg15[%mul3A_2, %dma_wait3A] : memref<4096x128xf32, #tpu.memory_space<vmem_shared>> -> memref<256x128xf32, #tpu.memory_space<vmem_shared>>
    %dma_wait3A_34 = arith.constant 0 : i32
    %dma_wait3A_35 = tpu.memref_slice %arg2[%arg0, %mul3A_0, %dma_wait3A_34] : memref<2x4096x128xf32, #tpu.memory_space<hbm>> -> memref<1x256x128xf32, #tpu.memory_space<hbm>>
    %dma_wait3A_36 = tpu.memref_squeeze %dma_wait3A_35 : memref<1x256x128xf32, #tpu.memory_space<hbm>> -> memref<256x128xf32, #tpu.memory_space<hbm>>
    tpu.wait_dma2 semaphore(%arg18 : memref<!tpu.dma_semaphore, #tpu.memory_space<semaphore_mem>>) src(%dma_wait3A_36 : memref<256x128xf32, #tpu.memory_space<hbm>>) dst(%dma_wait3A_33 : memref<256x128xf32, #tpu.memory_space<vmem_shared>>)
    %barrier3A_37 = arith.constant 0 : index
    tpu.barrier barrier_id(%barrier3A_37)
    %dma_start3A_38 = arith.constant 0 : i32
    %dma_start3A_39 = arith.constant 0 : i32
    %dma_start3A_40 = tpu.memref_slice %arg7[%dma_start3A_38, %dma_start3A_39] : memref<32x128xi32, #tpu.memory_space<vmem>> -> memref<1x128xi32, #tpu.memory_space<vmem>>
    %dma_start3A_41 = tpu.memref_squeeze %dma_start3A_40 : memref<1x128xi32, #tpu.memory_space<vmem>> -> memref<128xi32, #tpu.memory_space<vmem>>
    %dma_start3A_42 = arith.constant 0 : i32
    %dma_start3A_43 = arith.constant 0 : i32
    %dma_start3A_44 = tpu.memref_slice %arg15[%dma_start3A_42, %dma_start3A_43] : memref<4096x128xf32, #tpu.memory_space<vmem_shared>> -> memref<4096x128xf32, #tpu.memory_space<vmem_shared>>
    tpu.enqueue_indirect_dma source(%dma_start3A_44 : memref<4096x128xf32, #tpu.memory_space<vmem_shared>>) target(%arg9 : memref<128x128xf32, #tpu.memory_space<vmem>>) offsets(%dma_start3A_41 : memref<128xi32, #tpu.memory_space<vmem>>) semaphore(%arg18 : memref<!tpu.dma_semaphore, #tpu.memory_space<semaphore_mem>>)
    %dma_start3A_45 = arith.constant 1 : i32
    %dma_start3A_46 = arith.constant 0 : i32
    %dma_start3A_47 = tpu.memref_slice %arg7[%dma_start3A_45, %dma_start3A_46] : memref<32x128xi32, #tpu.memory_space<vmem>> -> memref<1x128xi32, #tpu.memory_space<vmem>>
    %dma_start3A_48 = tpu.memref_squeeze %dma_start3A_47 : memref<1x128xi32, #tpu.memory_space<vmem>> -> memref<128xi32, #tpu.memory_space<vmem>>
    %dma_start3A_49 = arith.constant 0 : i32
    %dma_start3A_50 = arith.constant 0 : i32
    %dma_start3A_51 = tpu.memref_slice %arg15[%dma_start3A_49, %dma_start3A_50] : memref<4096x128xf32, #tpu.memory_space<vmem_shared>> -> memref<4096x128xf32, #tpu.memory_space<vmem_shared>>
    tpu.enqueue_indirect_dma source(%dma_start3A_51 : memref<4096x128xf32, #tpu.memory_space<vmem_shared>>) target(%arg10 : memref<128x128xf32, #tpu.memory_space<vmem>>) offsets(%dma_start3A_48 : memref<128xi32, #tpu.memory_space<vmem>>) semaphore(%arg19 : memref<!tpu.dma_semaphore, #tpu.memory_space<semaphore_mem>>)
    %dma_start3A_52 = arith.constant 2 : i32
    %dma_start3A_53 = arith.constant 0 : i32
    %dma_start3A_54 = tpu.memref_slice %arg7[%dma_start3A_52, %dma_start3A_53] : memref<32x128xi32, #tpu.memory_space<vmem>> -> memref<1x128xi32, #tpu.memory_space<vmem>>
    %dma_start3A_55 = tpu.memref_squeeze %dma_start3A_54 : memref<1x128xi32, #tpu.memory_space<vmem>> -> memref<128xi32, #tpu.memory_space<vmem>>
    %dma_start3A_56 = arith.constant 0 : i32
    %dma_start3A_57 = arith.constant 0 : i32
    %dma_start3A_58 = tpu.memref_slice %arg15[%dma_start3A_56, %dma_start3A_57] : memref<4096x128xf32, #tpu.memory_space<vmem_shared>> -> memref<4096x128xf32, #tpu.memory_space<vmem_shared>>
    tpu.enqueue_indirect_dma source(%dma_start3A_58 : memref<4096x128xf32, #tpu.memory_space<vmem_shared>>) target(%arg11 : memref<128x128xf32, #tpu.memory_space<vmem>>) offsets(%dma_start3A_55 : memref<128xi32, #tpu.memory_space<vmem>>) semaphore(%arg20 : memref<!tpu.dma_semaphore, #tpu.memory_space<semaphore_mem>>)
    %dma_start3A_59 = arith.constant 3 : i32
    %dma_start3A_60 = arith.constant 0 : i32
    %dma_start3A_61 = tpu.memref_slice %arg7[%dma_start3A_59, %dma_start3A_60] : memref<32x128xi32, #tpu.memory_space<vmem>> -> memref<1x128xi32, #tpu.memory_space<vmem>>
    %dma_start3A_62 = tpu.memref_squeeze %dma_start3A_61 : memref<1x128xi32, #tpu.memory_space<vmem>> -> memref<128xi32, #tpu.memory_space<vmem>>
    %dma_start3A_63 = arith.constant 0 : i32
    %dma_start3A_64 = arith.constant 0 : i32
    %dma_start3A_65 = tpu.memref_slice %arg15[%dma_start3A_63, %dma_start3A_64] : memref<4096x128xf32, #tpu.memory_space<vmem_shared>> -> memref<4096x128xf32, #tpu.memory_space<vmem_shared>>
    tpu.enqueue_indirect_dma source(%dma_start3A_65 : memref<4096x128xf32, #tpu.memory_space<vmem_shared>>) target(%arg12 : memref<128x128xf32, #tpu.memory_space<vmem>>) offsets(%dma_start3A_62 : memref<128xi32, #tpu.memory_space<vmem>>) semaphore(%arg21 : memref<!tpu.dma_semaphore, #tpu.memory_space<semaphore_mem>>)
    %scan3A_66 = arith.constant 0 : i32
    %scan3A_67 = arith.constant 8 : i32
    %scan3A_68 = arith.addi %scan3A_66, %scan3A_67 : i32
    %scan3A_69 = arith.constant 1 : i32
    scf.for %scan3A_80 = %scan3A_66 to %scan3A_68 step %scan3A_69  : i32 {
      %mul3A_81 = arith.constant 1 : i32
      %mul3A_82 = arith.muli %scan3A_80, %mul3A_81 : i32
      %add3A = arith.constant 0 : i32
      %add3A_83 = arith.addi %add3A, %mul3A_82 : i32
      %mul3A_84 = arith.constant 4 : i32
      %mul3A_85 = arith.muli %add3A_83, %mul3A_84 : i32
      %add3A_86 = arith.constant 0 : i32
      %add3A_87 = arith.addi %mul3A_85, %add3A_86 : i32
      %dma_wait3A_88 = arith.constant 0 : i32
      %dma_wait3A_89 = tpu.memref_slice %arg7[%add3A_87, %dma_wait3A_88] : memref<32x128xi32, #tpu.memory_space<vmem>> -> memref<1x128xi32, #tpu.memory_space<vmem>>
      %dma_wait3A_90 = tpu.memref_squeeze %dma_wait3A_89 : memref<1x128xi32, #tpu.memory_space<vmem>> -> memref<128xi32, #tpu.memory_space<vmem>>
      %dma_wait3A_91 = arith.constant 0 : i32
      %dma_wait3A_92 = arith.constant 0 : i32
      %dma_wait3A_93 = tpu.memref_slice %arg15[%dma_wait3A_91, %dma_wait3A_92] : memref<4096x128xf32, #tpu.memory_space<vmem_shared>> -> memref<4096x128xf32, #tpu.memory_space<vmem_shared>>
      tpu.wait_indirect_dma semaphore(%arg18 : memref<!tpu.dma_semaphore, #tpu.memory_space<semaphore_mem>>) src(%dma_wait3A_93 : memref<4096x128xf32, #tpu.memory_space<vmem_shared>>) dst(%arg9 : memref<128x128xf32, #tpu.memory_space<vmem>>)
      %add3A_94 = arith.constant 0 : i32
      %add3A_95 = arith.addi %mul3A_85, %add3A_94 : i32
      %dma_start3A_96 = arith.constant 0 : i32
      %dma_start3A_97 = tpu.memref_slice %arg8[%add3A_95, %dma_start3A_96] : memref<32x128xi32, #tpu.memory_space<vmem>> -> memref<1x128xi32, #tpu.memory_space<vmem>>
      %dma_start3A_98 = tpu.memref_squeeze %dma_start3A_97 : memref<1x128xi32, #tpu.memory_space<vmem>> -> memref<128xi32, #tpu.memory_space<vmem>>
      %dma_start3A_99 = arith.constant 0 : i32
      %dma_start3A_100 = arith.constant 0 : i32
      %dma_start3A_101 = tpu.memref_slice %arg16[%dma_start3A_99, %dma_start3A_100] : memref<1024x128xf32, #tpu.memory_space<vmem_shared>> -> memref<1024x128xf32, #tpu.memory_space<vmem_shared>>
      tpu.enqueue_indirect_dma source(%arg9 : memref<128x128xf32, #tpu.memory_space<vmem>>) target(%dma_start3A_101 : memref<1024x128xf32, #tpu.memory_space<vmem_shared>>) offsets(%dma_start3A_98 : memref<128xi32, #tpu.memory_space<vmem>>) semaphore(%arg22 : memref<!tpu.dma_semaphore, #tpu.memory_space<semaphore_mem>>) {add = true}
      %add3A_102 = arith.constant 1 : i32
      %add3A_103 = arith.addi %mul3A_85, %add3A_102 : i32
      %dma_wait3A_104 = arith.constant 0 : i32
      %dma_wait3A_105 = tpu.memref_slice %arg7[%add3A_103, %dma_wait3A_104] : memref<32x128xi32, #tpu.memory_space<vmem>> -> memref<1x128xi32, #tpu.memory_space<vmem>>
      %dma_wait3A_106 = tpu.memref_squeeze %dma_wait3A_105 : memref<1x128xi32, #tpu.memory_space<vmem>> -> memref<128xi32, #tpu.memory_space<vmem>>
      %dma_wait3A_107 = arith.constant 0 : i32
      %dma_wait3A_108 = arith.constant 0 : i32
      %dma_wait3A_109 = tpu.memref_slice %arg15[%dma_wait3A_107, %dma_wait3A_108] : memref<4096x128xf32, #tpu.memory_space<vmem_shared>> -> memref<4096x128xf32, #tpu.memory_space<vmem_shared>>
      tpu.wait_indirect_dma semaphore(%arg19 : memref<!tpu.dma_semaphore, #tpu.memory_space<semaphore_mem>>) src(%dma_wait3A_109 : memref<4096x128xf32, #tpu.memory_space<vmem_shared>>) dst(%arg10 : memref<128x128xf32, #tpu.memory_space<vmem>>)
      %add3A_110 = arith.constant 1 : i32
      %add3A_111 = arith.addi %mul3A_85, %add3A_110 : i32
      %dma_start3A_112 = arith.constant 0 : i32
      %dma_start3A_113 = tpu.memref_slice %arg8[%add3A_111, %dma_start3A_112] : memref<32x128xi32, #tpu.memory_space<vmem>> -> memref<1x128xi32, #tpu.memory_space<vmem>>
      %dma_start3A_114 = tpu.memref_squeeze %dma_start3A_113 : memref<1x128xi32, #tpu.memory_space<vmem>> -> memref<128xi32, #tpu.memory_space<vmem>>
      %dma_start3A_115 = arith.constant 0 : i32
      %dma_start3A_116 = arith.constant 0 : i32
      %dma_start3A_117 = tpu.memref_slice %arg16[%dma_start3A_115, %dma_start3A_116] : memref<1024x128xf32, #tpu.memory_space<vmem_shared>> -> memref<1024x128xf32, #tpu.memory_space<vmem_shared>>
      tpu.enqueue_indirect_dma source(%arg10 : memref<128x128xf32, #tpu.memory_space<vmem>>) target(%dma_start3A_117 : memref<1024x128xf32, #tpu.memory_space<vmem_shared>>) offsets(%dma_start3A_114 : memref<128xi32, #tpu.memory_space<vmem>>) semaphore(%arg23 : memref<!tpu.dma_semaphore, #tpu.memory_space<semaphore_mem>>) {add = true}
      %add3A_118 = arith.constant 2 : i32
      %add3A_119 = arith.addi %mul3A_85, %add3A_118 : i32
      %dma_wait3A_120 = arith.constant 0 : i32
      %dma_wait3A_121 = tpu.memref_slice %arg7[%add3A_119, %dma_wait3A_120] : memref<32x128xi32, #tpu.memory_space<vmem>> -> memref<1x128xi32, #tpu.memory_space<vmem>>
      %dma_wait3A_122 = tpu.memref_squeeze %dma_wait3A_121 : memref<1x128xi32, #tpu.memory_space<vmem>> -> memref<128xi32, #tpu.memory_space<vmem>>
      %dma_wait3A_123 = arith.constant 0 : i32
      %dma_wait3A_124 = arith.constant 0 : i32
      %dma_wait3A_125 = tpu.memref_slice %arg15[%dma_wait3A_123, %dma_wait3A_124] : memref<4096x128xf32, #tpu.memory_space<vmem_shared>> -> memref<4096x128xf32, #tpu.memory_space<vmem_shared>>
      tpu.wait_indirect_dma semaphore(%arg20 : memref<!tpu.dma_semaphore, #tpu.memory_space<semaphore_mem>>) src(%dma_wait3A_125 : memref<4096x128xf32, #tpu.memory_space<vmem_shared>>) dst(%arg11 : memref<128x128xf32, #tpu.memory_space<vmem>>)
      %add3A_126 = arith.constant 2 : i32
      %add3A_127 = arith.addi %mul3A_85, %add3A_126 : i32
      %dma_start3A_128 = arith.constant 0 : i32
      %dma_start3A_129 = tpu.memref_slice %arg8[%add3A_127, %dma_start3A_128] : memref<32x128xi32, #tpu.memory_space<vmem>> -> memref<1x128xi32, #tpu.memory_space<vmem>>
      %dma_start3A_130 = tpu.memref_squeeze %dma_start3A_129 : memref<1x128xi32, #tpu.memory_space<vmem>> -> memref<128xi32, #tpu.memory_space<vmem>>
      %dma_start3A_131 = arith.constant 0 : i32
      %dma_start3A_132 = arith.constant 0 : i32
      %dma_start3A_133 = tpu.memref_slice %arg16[%dma_start3A_131, %dma_start3A_132] : memref<1024x128xf32, #tpu.memory_space<vmem_shared>> -> memref<1024x128xf32, #tpu.memory_space<vmem_shared>>
      tpu.enqueue_indirect_dma source(%arg11 : memref<128x128xf32, #tpu.memory_space<vmem>>) target(%dma_start3A_133 : memref<1024x128xf32, #tpu.memory_space<vmem_shared>>) offsets(%dma_start3A_130 : memref<128xi32, #tpu.memory_space<vmem>>) semaphore(%arg24 : memref<!tpu.dma_semaphore, #tpu.memory_space<semaphore_mem>>) {add = true}
      %add3A_134 = arith.constant 3 : i32
      %add3A_135 = arith.addi %mul3A_85, %add3A_134 : i32
      %dma_wait3A_136 = arith.constant 0 : i32
      %dma_wait3A_137 = tpu.memref_slice %arg7[%add3A_135, %dma_wait3A_136] : memref<32x128xi32, #tpu.memory_space<vmem>> -> memref<1x128xi32, #tpu.memory_space<vmem>>
      %dma_wait3A_138 = tpu.memref_squeeze %dma_wait3A_137 : memref<1x128xi32, #tpu.memory_space<vmem>> -> memref<128xi32, #tpu.memory_space<vmem>>
      %dma_wait3A_139 = arith.constant 0 : i32
      %dma_wait3A_140 = arith.constant 0 : i32
      %dma_wait3A_141 = tpu.memref_slice %arg15[%dma_wait3A_139, %dma_wait3A_140] : memref<4096x128xf32, #tpu.memory_space<vmem_shared>> -> memref<4096x128xf32, #tpu.memory_space<vmem_shared>>
      tpu.wait_indirect_dma semaphore(%arg21 : memref<!tpu.dma_semaphore, #tpu.memory_space<semaphore_mem>>) src(%dma_wait3A_141 : memref<4096x128xf32, #tpu.memory_space<vmem_shared>>) dst(%arg12 : memref<128x128xf32, #tpu.memory_space<vmem>>)
      %add3A_142 = arith.constant 3 : i32
      %add3A_143 = arith.addi %mul3A_85, %add3A_142 : i32
      %dma_start3A_144 = arith.constant 0 : i32
      %dma_start3A_145 = tpu.memref_slice %arg8[%add3A_143, %dma_start3A_144] : memref<32x128xi32, #tpu.memory_space<vmem>> -> memref<1x128xi32, #tpu.memory_space<vmem>>
      %dma_start3A_146 = tpu.memref_squeeze %dma_start3A_145 : memref<1x128xi32, #tpu.memory_space<vmem>> -> memref<128xi32, #tpu.memory_space<vmem>>
      %dma_start3A_147 = arith.constant 0 : i32
      %dma_start3A_148 = arith.constant 0 : i32
      %dma_start3A_149 = tpu.memref_slice %arg16[%dma_start3A_147, %dma_start3A_148] : memref<1024x128xf32, #tpu.memory_space<vmem_shared>> -> memref<1024x128xf32, #tpu.memory_space<vmem_shared>>
      tpu.enqueue_indirect_dma source(%arg12 : memref<128x128xf32, #tpu.memory_space<vmem>>) target(%dma_start3A_149 : memref<1024x128xf32, #tpu.memory_space<vmem_shared>>) offsets(%dma_start3A_146 : memref<128xi32, #tpu.memory_space<vmem>>) semaphore(%arg25 : memref<!tpu.dma_semaphore, #tpu.memory_space<semaphore_mem>>) {add = true}
      %dma_wait3A_150 = arith.constant 0 : i32
      %dma_wait3A_151 = tpu.memref_slice %arg8[%add3A_95, %dma_wait3A_150] : memref<32x128xi32, #tpu.memory_space<vmem>> -> memref<1x128xi32, #tpu.memory_space<vmem>>
      %dma_wait3A_152 = tpu.memref_squeeze %dma_wait3A_151 : memref<1x128xi32, #tpu.memory_space<vmem>> -> memref<128xi32, #tpu.memory_space<vmem>>
      %dma_wait3A_153 = arith.constant 0 : i32
      %dma_wait3A_154 = arith.constant 0 : i32
      %dma_wait3A_155 = tpu.memref_slice %arg16[%dma_wait3A_153, %dma_wait3A_154] : memref<1024x128xf32, #tpu.memory_space<vmem_shared>> -> memref<1024x128xf32, #tpu.memory_space<vmem_shared>>
      tpu.wait_indirect_dma semaphore(%arg22 : memref<!tpu.dma_semaphore, #tpu.memory_space<semaphore_mem>>) src(%arg9 : memref<128x128xf32, #tpu.memory_space<vmem>>) dst(%dma_wait3A_155 : memref<1024x128xf32, #tpu.memory_space<vmem_shared>>)
      %add3A_156 = arith.constant 0 : i32
      %add3A_157 = arith.addi %mul3A_85, %add3A_156 : i32
      %add3A_158 = arith.constant 4 : i32
      %add3A_159 = arith.addi %add3A_157, %add3A_158 : i32
      %lt3A = arith.constant 32 : i32
      %lt3A_160 = arith.cmpi slt, %add3A_159, %lt3A : i32
      %convert_element_type3A_161 = arith.extui %lt3A_160 : i1 to i32
      %cond3A_162 = arith.constant 0 : i32
      %cond3A_163 = arith.cmpi ne, %convert_element_type3A_161, %cond3A_162 : i32
      scf.if %cond3A_163 {
        %add3A_209 = arith.constant 4 : i32
        %add3A_210 = arith.addi %mul3A_85, %add3A_209 : i32
        %add3A_211 = arith.constant 0 : i32
        %add3A_212 = arith.addi %add3A_210, %add3A_211 : i32
        %dma_start3A_213 = arith.constant 0 : i32
        %dma_start3A_214 = tpu.memref_slice %arg7[%add3A_212, %dma_start3A_213] : memref<32x128xi32, #tpu.memory_space<vmem>> -> memref<1x128xi32, #tpu.memory_space<vmem>>
        %dma_start3A_215 = tpu.memref_squeeze %dma_start3A_214 : memref<1x128xi32, #tpu.memory_space<vmem>> -> memref<128xi32, #tpu.memory_space<vmem>>
        %dma_start3A_216 = arith.constant 0 : i32
        %dma_start3A_217 = arith.constant 0 : i32
        %dma_start3A_218 = tpu.memref_slice %arg15[%dma_start3A_216, %dma_start3A_217] : memref<4096x128xf32, #tpu.memory_space<vmem_shared>> -> memref<4096x128xf32, #tpu.memory_space<vmem_shared>>
        tpu.enqueue_indirect_dma source(%dma_start3A_218 : memref<4096x128xf32, #tpu.memory_space<vmem_shared>>) target(%arg9 : memref<128x128xf32, #tpu.memory_space<vmem>>) offsets(%dma_start3A_215 : memref<128xi32, #tpu.memory_space<vmem>>) semaphore(%arg18 : memref<!tpu.dma_semaphore, #tpu.memory_space<semaphore_mem>>)
      } else {
      }
      %dma_wait3A_164 = arith.constant 0 : i32
      %dma_wait3A_165 = tpu.memref_slice %arg8[%add3A_111, %dma_wait3A_164] : memref<32x128xi32, #tpu.memory_space<vmem>> -> memref<1x128xi32, #tpu.memory_space<vmem>>
      %dma_wait3A_166 = tpu.memref_squeeze %dma_wait3A_165 : memref<1x128xi32, #tpu.memory_space<vmem>> -> memref<128xi32, #tpu.memory_space<vmem>>
      %dma_wait3A_167 = arith.constant 0 : i32
      %dma_wait3A_168 = arith.constant 0 : i32
      %dma_wait3A_169 = tpu.memref_slice %arg16[%dma_wait3A_167, %dma_wait3A_168] : memref<1024x128xf32, #tpu.memory_space<vmem_shared>> -> memref<1024x128xf32, #tpu.memory_space<vmem_shared>>
      tpu.wait_indirect_dma semaphore(%arg23 : memref<!tpu.dma_semaphore, #tpu.memory_space<semaphore_mem>>) src(%arg10 : memref<128x128xf32, #tpu.memory_space<vmem>>) dst(%dma_wait3A_169 : memref<1024x128xf32, #tpu.memory_space<vmem_shared>>)
      %add3A_170 = arith.constant 1 : i32
      %add3A_171 = arith.addi %mul3A_85, %add3A_170 : i32
      %add3A_172 = arith.constant 4 : i32
      %add3A_173 = arith.addi %add3A_171, %add3A_172 : i32
      %lt3A_174 = arith.constant 32 : i32
      %lt3A_175 = arith.cmpi slt, %add3A_173, %lt3A_174 : i32
      %convert_element_type3A_176 = arith.extui %lt3A_175 : i1 to i32
      %cond3A_177 = arith.constant 0 : i32
      %cond3A_178 = arith.cmpi ne, %convert_element_type3A_176, %cond3A_177 : i32
      scf.if %cond3A_178 {
        %add3A_209 = arith.constant 4 : i32
        %add3A_210 = arith.addi %mul3A_85, %add3A_209 : i32
        %add3A_211 = arith.constant 1 : i32
        %add3A_212 = arith.addi %add3A_210, %add3A_211 : i32
        %dma_start3A_213 = arith.constant 0 : i32
        %dma_start3A_214 = tpu.memref_slice %arg7[%add3A_212, %dma_start3A_213] : memref<32x128xi32, #tpu.memory_space<vmem>> -> memref<1x128xi32, #tpu.memory_space<vmem>>
        %dma_start3A_215 = tpu.memref_squeeze %dma_start3A_214 : memref<1x128xi32, #tpu.memory_space<vmem>> -> memref<128xi32, #tpu.memory_space<vmem>>
        %dma_start3A_216 = arith.constant 0 : i32
        %dma_start3A_217 = arith.constant 0 : i32
        %dma_start3A_218 = tpu.memref_slice %arg15[%dma_start3A_216, %dma_start3A_217] : memref<4096x128xf32, #tpu.memory_space<vmem_shared>> -> memref<4096x128xf32, #tpu.memory_space<vmem_shared>>
        tpu.enqueue_indirect_dma source(%dma_start3A_218 : memref<4096x128xf32, #tpu.memory_space<vmem_shared>>) target(%arg10 : memref<128x128xf32, #tpu.memory_space<vmem>>) offsets(%dma_start3A_215 : memref<128xi32, #tpu.memory_space<vmem>>) semaphore(%arg19 : memref<!tpu.dma_semaphore, #tpu.memory_space<semaphore_mem>>)
      } else {
      }
      %dma_wait3A_179 = arith.constant 0 : i32
      %dma_wait3A_180 = tpu.memref_slice %arg8[%add3A_127, %dma_wait3A_179] : memref<32x128xi32, #tpu.memory_space<vmem>> -> memref<1x128xi32, #tpu.memory_space<vmem>>
      %dma_wait3A_181 = tpu.memref_squeeze %dma_wait3A_180 : memref<1x128xi32, #tpu.memory_space<vmem>> -> memref<128xi32, #tpu.memory_space<vmem>>
      %dma_wait3A_182 = arith.constant 0 : i32
      %dma_wait3A_183 = arith.constant 0 : i32
      %dma_wait3A_184 = tpu.memref_slice %arg16[%dma_wait3A_182, %dma_wait3A_183] : memref<1024x128xf32, #tpu.memory_space<vmem_shared>> -> memref<1024x128xf32, #tpu.memory_space<vmem_shared>>
      tpu.wait_indirect_dma semaphore(%arg24 : memref<!tpu.dma_semaphore, #tpu.memory_space<semaphore_mem>>) src(%arg11 : memref<128x128xf32, #tpu.memory_space<vmem>>) dst(%dma_wait3A_184 : memref<1024x128xf32, #tpu.memory_space<vmem_shared>>)
      %add3A_185 = arith.constant 2 : i32
      %add3A_186 = arith.addi %mul3A_85, %add3A_185 : i32
      %add3A_187 = arith.constant 4 : i32
      %add3A_188 = arith.addi %add3A_186, %add3A_187 : i32
      %lt3A_189 = arith.constant 32 : i32
      %lt3A_190 = arith.cmpi slt, %add3A_188, %lt3A_189 : i32
      %convert_element_type3A_191 = arith.extui %lt3A_190 : i1 to i32
      %cond3A_192 = arith.constant 0 : i32
      %cond3A_193 = arith.cmpi ne, %convert_element_type3A_191, %cond3A_192 : i32
      scf.if %cond3A_193 {
        %add3A_209 = arith.constant 4 : i32
        %add3A_210 = arith.addi %mul3A_85, %add3A_209 : i32
        %add3A_211 = arith.constant 2 : i32
        %add3A_212 = arith.addi %add3A_210, %add3A_211 : i32
        %dma_start3A_213 = arith.constant 0 : i32
        %dma_start3A_214 = tpu.memref_slice %arg7[%add3A_212, %dma_start3A_213] : memref<32x128xi32, #tpu.memory_space<vmem>> -> memref<1x128xi32, #tpu.memory_space<vmem>>
        %dma_start3A_215 = tpu.memref_squeeze %dma_start3A_214 : memref<1x128xi32, #tpu.memory_space<vmem>> -> memref<128xi32, #tpu.memory_space<vmem>>
        %dma_start3A_216 = arith.constant 0 : i32
        %dma_start3A_217 = arith.constant 0 : i32
        %dma_start3A_218 = tpu.memref_slice %arg15[%dma_start3A_216, %dma_start3A_217] : memref<4096x128xf32, #tpu.memory_space<vmem_shared>> -> memref<4096x128xf32, #tpu.memory_space<vmem_shared>>
        tpu.enqueue_indirect_dma source(%dma_start3A_218 : memref<4096x128xf32, #tpu.memory_space<vmem_shared>>) target(%arg11 : memref<128x128xf32, #tpu.memory_space<vmem>>) offsets(%dma_start3A_215 : memref<128xi32, #tpu.memory_space<vmem>>) semaphore(%arg20 : memref<!tpu.dma_semaphore, #tpu.memory_space<semaphore_mem>>)
      } else {
      }
      %dma_wait3A_194 = arith.constant 0 : i32
      %dma_wait3A_195 = tpu.memref_slice %arg8[%add3A_143, %dma_wait3A_194] : memref<32x128xi32, #tpu.memory_space<vmem>> -> memref<1x128xi32, #tpu.memory_space<vmem>>
      %dma_wait3A_196 = tpu.memref_squeeze %dma_wait3A_195 : memref<1x128xi32, #tpu.memory_space<vmem>> -> memref<128xi32, #tpu.memory_space<vmem>>
      %dma_wait3A_197 = arith.constant 0 : i32
      %dma_wait3A_198 = arith.constant 0 : i32
      %dma_wait3A_199 = tpu.memref_slice %arg16[%dma_wait3A_197, %dma_wait3A_198] : memref<1024x128xf32, #tpu.memory_space<vmem_shared>> -> memref<1024x128xf32, #tpu.memory_space<vmem_shared>>
      tpu.wait_indirect_dma semaphore(%arg25 : memref<!tpu.dma_semaphore, #tpu.memory_space<semaphore_mem>>) src(%arg12 : memref<128x128xf32, #tpu.memory_space<vmem>>) dst(%dma_wait3A_199 : memref<1024x128xf32, #tpu.memory_space<vmem_shared>>)
      %add3A_200 = arith.constant 3 : i32
      %add3A_201 = arith.addi %mul3A_85, %add3A_200 : i32
      %add3A_202 = arith.constant 4 : i32
      %add3A_203 = arith.addi %add3A_201, %add3A_202 : i32
      %lt3A_204 = arith.constant 32 : i32
      %lt3A_205 = arith.cmpi slt, %add3A_203, %lt3A_204 : i32
      %convert_element_type3A_206 = arith.extui %lt3A_205 : i1 to i32
      %cond3A_207 = arith.constant 0 : i32
      %cond3A_208 = arith.cmpi ne, %convert_element_type3A_206, %cond3A_207 : i32
      scf.if %cond3A_208 {
        %add3A_209 = arith.constant 4 : i32
        %add3A_210 = arith.addi %mul3A_85, %add3A_209 : i32
        %add3A_211 = arith.constant 3 : i32
        %add3A_212 = arith.addi %add3A_210, %add3A_211 : i32
        %dma_start3A_213 = arith.constant 0 : i32
        %dma_start3A_214 = tpu.memref_slice %arg7[%add3A_212, %dma_start3A_213] : memref<32x128xi32, #tpu.memory_space<vmem>> -> memref<1x128xi32, #tpu.memory_space<vmem>>
        %dma_start3A_215 = tpu.memref_squeeze %dma_start3A_214 : memref<1x128xi32, #tpu.memory_space<vmem>> -> memref<128xi32, #tpu.memory_space<vmem>>
        %dma_start3A_216 = arith.constant 0 : i32
        %dma_start3A_217 = arith.constant 0 : i32
        %dma_start3A_218 = tpu.memref_slice %arg15[%dma_start3A_216, %dma_start3A_217] : memref<4096x128xf32, #tpu.memory_space<vmem_shared>> -> memref<4096x128xf32, #tpu.memory_space<vmem_shared>>
        tpu.enqueue_indirect_dma source(%dma_start3A_218 : memref<4096x128xf32, #tpu.memory_space<vmem_shared>>) target(%arg12 : memref<128x128xf32, #tpu.memory_space<vmem>>) offsets(%dma_start3A_215 : memref<128xi32, #tpu.memory_space<vmem>>) semaphore(%arg21 : memref<!tpu.dma_semaphore, #tpu.memory_space<semaphore_mem>>)
      } else {
      }
    }
    %scan3A_70 = arith.constant 8 : i32
    %barrier3A_71 = arith.constant 0 : index
    tpu.barrier barrier_id(%barrier3A_71)
    %mul3A_72 = arith.constant 64 : i32
    %mul3A_73 = arith.muli %arg1, %mul3A_72 : i32
    %mul3A_74 = arith.constant 64 : i32
    %mul3A_75 = arith.muli %arg1, %mul3A_74 : i32
    "tpu.region"() ({
      %run_scoped3A = tpu.sem_alloc : memref<!tpu.dma_semaphore, #tpu.memory_space<semaphore_mem>>
      %dma_start3A_80 = arith.constant 0 : i32
      %dma_start3A_81 = tpu.memref_slice %arg5[%arg0, %mul3A_75, %dma_start3A_80] : memref<2x1024x128xf32, #tpu.memory_space<hbm>> -> memref<1x64x128xf32, #tpu.memory_space<hbm>>
      %dma_start3A_82 = tpu.memref_squeeze %dma_start3A_81 : memref<1x64x128xf32, #tpu.memory_space<hbm>> -> memref<64x128xf32, #tpu.memory_space<hbm>>
      %dma_start3A_83 = arith.constant 0 : i32
      %dma_start3A_84 = tpu.memref_slice %arg16[%mul3A_73, %dma_start3A_83] : memref<1024x128xf32, #tpu.memory_space<vmem_shared>> -> memref<64x128xf32, #tpu.memory_space<vmem_shared>>
      tpu.enqueue_dma source(%dma_start3A_84 : memref<64x128xf32, #tpu.memory_space<vmem_shared>>) target(%dma_start3A_82 : memref<64x128xf32, #tpu.memory_space<hbm>>) target_semaphore(%run_scoped3A : memref<!tpu.dma_semaphore, #tpu.memory_space<semaphore_mem>>)
      %dma_wait3A_85 = arith.constant 0 : i32
      %dma_wait3A_86 = tpu.memref_slice %arg5[%arg0, %mul3A_75, %dma_wait3A_85] : memref<2x1024x128xf32, #tpu.memory_space<hbm>> -> memref<1x64x128xf32, #tpu.memory_space<hbm>>
      %dma_wait3A_87 = tpu.memref_squeeze %dma_wait3A_86 : memref<1x64x128xf32, #tpu.memory_space<hbm>> -> memref<64x128xf32, #tpu.memory_space<hbm>>
      %dma_wait3A_88 = arith.constant 0 : i32
      %dma_wait3A_89 = tpu.memref_slice %arg16[%mul3A_73, %dma_wait3A_88] : memref<1024x128xf32, #tpu.memory_space<vmem_shared>> -> memref<64x128xf32, #tpu.memory_space<vmem_shared>>
      tpu.wait_dma2 semaphore(%run_scoped3A : memref<!tpu.dma_semaphore, #tpu.memory_space<semaphore_mem>>) src(%dma_wait3A_89 : memref<64x128xf32, #tpu.memory_space<vmem_shared>>) dst(%dma_wait3A_87 : memref<64x128xf32, #tpu.memory_space<hbm>>)
      tpu.yield
    }) : () -> ()
    %eq3A = arith.constant 0 : i32
    %eq3A_76 = arith.cmpi eq, %arg0, %eq3A : i32
    %eq3A_77 = arith.constant 0 : i32
    %eq3A_78 = arith.cmpi eq, %arg1, %eq3A_77 : i32
    %and3A = arith.andi %eq3A_76, %eq3A_78 : i1
    %convert_element_type3A = arith.extui %and3A : i1 to i32
    %cond3A = arith.constant 0 : i32
    %cond3A_79 = arith.cmpi ne, %convert_element_type3A, %cond3A : i32
    scf.if %cond3A_79 {
      "tpu.region"() ({
        %run_scoped3A = tpu.sem_alloc : memref<!tpu.dma_semaphore, #tpu.memory_space<semaphore_mem>>
        tpu.enqueue_dma source(%arg17 : memref<1024xf32, #tpu.memory_space<vmem_shared>>) target(%arg6 : memref<1024xf32, #tpu.memory_space<hbm>>) target_semaphore(%run_scoped3A : memref<!tpu.dma_semaphore, #tpu.memory_space<semaphore_mem>>)
        tpu.wait_dma2 semaphore(%run_scoped3A : memref<!tpu.dma_semaphore, #tpu.memory_space<semaphore_mem>>) src(%arg17 : memref<1024xf32, #tpu.memory_space<vmem_shared>>) dst(%arg6 : memref<1024xf32, #tpu.memory_space<hbm>>)
        tpu.yield
      }) : () -> ()
    } else {
    }
    return
  }
}

#map = affine_map<(d0, d1) -> (0, 0)>
#map1 = affine_map<(d0, d1) -> (0, 0, 0)>
#map2 = affine_map<(d0, d1) -> (0)>
module attributes {stable_mosaic.version = 14 : i64} {
  func.func @_sc1_body(%arg0: i32, %arg1: i32, %arg2: memref<200000x128xf32, #tpu.memory_space<hbm>>, %arg3: memref<16x5x128xi32, #tpu.memory_space<hbm>>, %arg4: memref<16x80x128xi32, #tpu.memory_space<hbm>>, %arg5: memref<16x80x128xi32, #tpu.memory_space<hbm>>, %arg6: memref<16x32x128xi32, #tpu.memory_space<hbm>>, %arg7: memref<2x4096x128xf32, #tpu.memory_space<hbm>>, %arg8: memref<4096xf32, #tpu.memory_space<hbm>>, %arg9: memref<4096xf32, #tpu.memory_space<hbm>>, %arg10: memref<20480x128xf32, #tpu.memory_space<hbm>>, %arg11: memref<80x128xi32, #tpu.memory_space<vmem>>, %arg12: memref<80x128xi32, #tpu.memory_space<vmem>>, %arg13: memref<32x128xi32, #tpu.memory_space<vmem>>, %arg14: memref<5x128xi32, #tpu.memory_space<vmem>>, %arg15: memref<128x128xf32, #tpu.memory_space<vmem>>, %arg16: memref<128x128xf32, #tpu.memory_space<vmem>>, %arg17: memref<128x128xf32, #tpu.memory_space<vmem>>, %arg18: memref<128x128xf32, #tpu.memory_space<vmem>>, %arg19: memref<640xf32, #tpu.memory_space<vmem>>, %arg20: memref<128xf32, #tpu.memory_space<vmem>>, %arg21: memref<4096x128xf32, #tpu.memory_space<vmem_shared>>, %arg22: memref<10240xf32, #tpu.memory_space<vmem_shared>>, %arg23: memref<4096xf32, #tpu.memory_space<vmem_shared>>, %arg24: memref<4096xf32, #tpu.memory_space<vmem_shared>>, %arg25: memref<!tpu.dma_semaphore, #tpu.memory_space<semaphore_mem>>, %arg26: memref<!tpu.dma_semaphore, #tpu.memory_space<semaphore_mem>>, %arg27: memref<!tpu.dma_semaphore, #tpu.memory_space<semaphore_mem>>, %arg28: memref<!tpu.dma_semaphore, #tpu.memory_space<semaphore_mem>>, %arg29: memref<!tpu.dma_semaphore, #tpu.memory_space<semaphore_mem>>, %arg30: memref<!tpu.dma_semaphore, #tpu.memory_space<semaphore_mem>>, %arg31: memref<!tpu.dma_semaphore, #tpu.memory_space<semaphore_mem>>, %arg32: memref<!tpu.dma_semaphore, #tpu.memory_space<semaphore_mem>>, %arg33: memref<!tpu.dma_semaphore, #tpu.memory_space<semaphore_mem>>, %arg34: memref<!tpu.dma_semaphore, #tpu.memory_space<semaphore_mem>>, %arg35: memref<!tpu.dma_semaphore, #tpu.memory_space<semaphore_mem>>) attributes {dimension_semantics = [#tpu.dimension_semantics<core_parallel>, #tpu.dimension_semantics<subcore_parallel>], iteration_bounds = array<i64: 2, 16>, scalar_prefetch = 0 : i64, scratch_operands = 25 : i64, tpu.core_type = #tpu.core_type<sc_vector_subcore>, window_params = [{transform_indices = #map}, {transform_indices = #map1}, {transform_indices = #map1}, {transform_indices = #map1}, {transform_indices = #map1}, {transform_indices = #map1}, {transform_indices = #map2}, {transform_indices = #map2}, {transform_indices = #map}]} {
    "tpu.region"() ({
      %run_scoped3A = tpu.sem_alloc : memref<!tpu.dma_semaphore, #tpu.memory_space<semaphore_mem>>
      %dma_start3A_309 = arith.constant 0 : i32
      %dma_start3A_310 = arith.constant 0 : i32
      %dma_start3A_311 = tpu.memref_slice %arg4[%arg1, %dma_start3A_309, %dma_start3A_310] : memref<16x80x128xi32, #tpu.memory_space<hbm>> -> memref<1x80x128xi32, #tpu.memory_space<hbm>>
      %dma_start3A_312 = tpu.memref_squeeze %dma_start3A_311 : memref<1x80x128xi32, #tpu.memory_space<hbm>> -> memref<80x128xi32, #tpu.memory_space<hbm>>
      %dma_start3A_313 = arith.constant 0 : i32
      %dma_start3A_314 = arith.constant 0 : i32
      %dma_start3A_315 = tpu.memref_slice %arg4[%arg1, %dma_start3A_313, %dma_start3A_314] : memref<16x80x128xi32, #tpu.memory_space<hbm>> -> memref<1x80x128xi32, #tpu.memory_space<hbm>>
      %dma_start3A_316 = tpu.memref_squeeze %dma_start3A_315 : memref<1x80x128xi32, #tpu.memory_space<hbm>> -> memref<80x128xi32, #tpu.memory_space<hbm>>
      tpu.enqueue_dma source(%dma_start3A_316 : memref<80x128xi32, #tpu.memory_space<hbm>>) target(%arg11 : memref<80x128xi32, #tpu.memory_space<vmem>>) target_semaphore(%run_scoped3A : memref<!tpu.dma_semaphore, #tpu.memory_space<semaphore_mem>>)
      %dma_wait3A_317 = arith.constant 0 : i32
      %dma_wait3A_318 = arith.constant 0 : i32
      %dma_wait3A_319 = tpu.memref_slice %arg4[%arg1, %dma_wait3A_317, %dma_wait3A_318] : memref<16x80x128xi32, #tpu.memory_space<hbm>> -> memref<1x80x128xi32, #tpu.memory_space<hbm>>
      %dma_wait3A_320 = tpu.memref_squeeze %dma_wait3A_319 : memref<1x80x128xi32, #tpu.memory_space<hbm>> -> memref<80x128xi32, #tpu.memory_space<hbm>>
      %dma_wait3A_321 = arith.constant 0 : i32
      %dma_wait3A_322 = arith.constant 0 : i32
      %dma_wait3A_323 = tpu.memref_slice %arg4[%arg1, %dma_wait3A_321, %dma_wait3A_322] : memref<16x80x128xi32, #tpu.memory_space<hbm>> -> memref<1x80x128xi32, #tpu.memory_space<hbm>>
      %dma_wait3A_324 = tpu.memref_squeeze %dma_wait3A_323 : memref<1x80x128xi32, #tpu.memory_space<hbm>> -> memref<80x128xi32, #tpu.memory_space<hbm>>
      tpu.wait_dma2 semaphore(%run_scoped3A : memref<!tpu.dma_semaphore, #tpu.memory_space<semaphore_mem>>) src(%dma_wait3A_324 : memref<80x128xi32, #tpu.memory_space<hbm>>) dst(%arg11 : memref<80x128xi32, #tpu.memory_space<vmem>>)
      tpu.yield
    }) : () -> ()
    %dma_start3A = arith.constant 0 : i32
    %dma_start3A_0 = arith.constant 0 : i32
    %dma_start3A_1 = tpu.memref_slice %arg5[%arg1, %dma_start3A, %dma_start3A_0] : memref<16x80x128xi32, #tpu.memory_space<hbm>> -> memref<1x80x128xi32, #tpu.memory_space<hbm>>
    %dma_start3A_2 = tpu.memref_squeeze %dma_start3A_1 : memref<1x80x128xi32, #tpu.memory_space<hbm>> -> memref<80x128xi32, #tpu.memory_space<hbm>>
    %dma_start3A_3 = arith.constant 0 : i32
    %dma_start3A_4 = arith.constant 0 : i32
    %dma_start3A_5 = tpu.memref_slice %arg5[%arg1, %dma_start3A_3, %dma_start3A_4] : memref<16x80x128xi32, #tpu.memory_space<hbm>> -> memref<1x80x128xi32, #tpu.memory_space<hbm>>
    %dma_start3A_6 = tpu.memref_squeeze %dma_start3A_5 : memref<1x80x128xi32, #tpu.memory_space<hbm>> -> memref<80x128xi32, #tpu.memory_space<hbm>>
    tpu.enqueue_dma source(%dma_start3A_6 : memref<80x128xi32, #tpu.memory_space<hbm>>) target(%arg12 : memref<80x128xi32, #tpu.memory_space<vmem>>) target_semaphore(%arg35 : memref<!tpu.dma_semaphore, #tpu.memory_space<semaphore_mem>>)
    %dma_start3A_7 = arith.constant 0 : i32
    %dma_start3A_8 = arith.constant 0 : i32
    %dma_start3A_9 = tpu.memref_slice %arg6[%arg1, %dma_start3A_7, %dma_start3A_8] : memref<16x32x128xi32, #tpu.memory_space<hbm>> -> memref<1x32x128xi32, #tpu.memory_space<hbm>>
    %dma_start3A_10 = tpu.memref_squeeze %dma_start3A_9 : memref<1x32x128xi32, #tpu.memory_space<hbm>> -> memref<32x128xi32, #tpu.memory_space<hbm>>
    %dma_start3A_11 = arith.constant 0 : i32
    %dma_start3A_12 = arith.constant 0 : i32
    %dma_start3A_13 = tpu.memref_slice %arg6[%arg1, %dma_start3A_11, %dma_start3A_12] : memref<16x32x128xi32, #tpu.memory_space<hbm>> -> memref<1x32x128xi32, #tpu.memory_space<hbm>>
    %dma_start3A_14 = tpu.memref_squeeze %dma_start3A_13 : memref<1x32x128xi32, #tpu.memory_space<hbm>> -> memref<32x128xi32, #tpu.memory_space<hbm>>
    tpu.enqueue_dma source(%dma_start3A_14 : memref<32x128xi32, #tpu.memory_space<hbm>>) target(%arg13 : memref<32x128xi32, #tpu.memory_space<vmem>>) target_semaphore(%arg35 : memref<!tpu.dma_semaphore, #tpu.memory_space<semaphore_mem>>)
    %dma_start3A_15 = arith.constant 0 : i32
    %dma_start3A_16 = arith.constant 0 : i32
    %dma_start3A_17 = tpu.memref_slice %arg3[%arg1, %dma_start3A_15, %dma_start3A_16] : memref<16x5x128xi32, #tpu.memory_space<hbm>> -> memref<1x5x128xi32, #tpu.memory_space<hbm>>
    %dma_start3A_18 = tpu.memref_squeeze %dma_start3A_17 : memref<1x5x128xi32, #tpu.memory_space<hbm>> -> memref<5x128xi32, #tpu.memory_space<hbm>>
    %dma_start3A_19 = arith.constant 0 : i32
    %dma_start3A_20 = arith.constant 0 : i32
    %dma_start3A_21 = tpu.memref_slice %arg3[%arg1, %dma_start3A_19, %dma_start3A_20] : memref<16x5x128xi32, #tpu.memory_space<hbm>> -> memref<1x5x128xi32, #tpu.memory_space<hbm>>
    %dma_start3A_22 = tpu.memref_squeeze %dma_start3A_21 : memref<1x5x128xi32, #tpu.memory_space<hbm>> -> memref<5x128xi32, #tpu.memory_space<hbm>>
    tpu.enqueue_dma source(%dma_start3A_22 : memref<5x128xi32, #tpu.memory_space<hbm>>) target(%arg14 : memref<5x128xi32, #tpu.memory_space<vmem>>) target_semaphore(%arg35 : memref<!tpu.dma_semaphore, #tpu.memory_space<semaphore_mem>>)
    %broadcast_in_dim3A = arith.constant 0.000000e+00 : f32
    %broadcast_in_dim3A_23 = vector.broadcast %broadcast_in_dim3A : f32 to vector<16xf32>
    %scan3A = arith.constant 0 : i32
    %scan3A_24 = arith.constant 128 : i32
    %scan3A_25 = arith.addi %scan3A, %scan3A_24 : i32
    %scan3A_26 = arith.constant 1 : i32
    scf.for %scan3A_309 = %scan3A to %scan3A_25 step %scan3A_26  : i32 {
      %mul3A_310 = arith.constant 1 : i32
      %mul3A_311 = arith.muli %scan3A_309, %mul3A_310 : i32
      %add3A_312 = arith.constant 0 : i32
      %add3A_313 = arith.addi %add3A_312, %mul3A_311 : i32
      %swap3A = arith.index_cast %add3A_313 : i32 to index
      %swap3A_314 = arith.constant 0 : index
      %swap3A_315 = tpu.vector_load %arg15[%swap3A, %swap3A_314] {strides = array<i32>} : memref<128x128xf32, #tpu.memory_space<vmem>>, vector<16xf32>,
      tpu.vector_store %arg15[%swap3A, %swap3A_314], %broadcast_in_dim3A_23 {strides = array<i32>} : memref<128x128xf32, #tpu.memory_space<vmem>>, vector<16xf32>,
      %swap3A_316 = arith.index_cast %add3A_313 : i32 to index
      %swap3A_317 = arith.constant 16 : index
      %swap3A_318 = tpu.vector_load %arg15[%swap3A_316, %swap3A_317] {strides = array<i32>} : memref<128x128xf32, #tpu.memory_space<vmem>>, vector<16xf32>,
      tpu.vector_store %arg15[%swap3A_316, %swap3A_317], %broadcast_in_dim3A_23 {strides = array<i32>} : memref<128x128xf32, #tpu.memory_space<vmem>>, vector<16xf32>,
      %swap3A_319 = arith.index_cast %add3A_313 : i32 to index
      %swap3A_320 = arith.constant 32 : index
      %swap3A_321 = tpu.vector_load %arg15[%swap3A_319, %swap3A_320] {strides = array<i32>} : memref<128x128xf32, #tpu.memory_space<vmem>>, vector<16xf32>,
      tpu.vector_store %arg15[%swap3A_319, %swap3A_320], %broadcast_in_dim3A_23 {strides = array<i32>} : memref<128x128xf32, #tpu.memory_space<vmem>>, vector<16xf32>,
      %swap3A_322 = arith.index_cast %add3A_313 : i32 to index
      %swap3A_323 = arith.constant 48 : index
      %swap3A_324 = tpu.vector_load %arg15[%swap3A_322, %swap3A_323] {strides = array<i32>} : memref<128x128xf32, #tpu.memory_space<vmem>>, vector<16xf32>,
      tpu.vector_store %arg15[%swap3A_322, %swap3A_323], %broadcast_in_dim3A_23 {strides = array<i32>} : memref<128x128xf32, #tpu.memory_space<vmem>>, vector<16xf32>,
      %swap3A_325 = arith.index_cast %add3A_313 : i32 to index
      %swap3A_326 = arith.constant 64 : index
      %swap3A_327 = tpu.vector_load %arg15[%swap3A_325, %swap3A_326] {strides = array<i32>} : memref<128x128xf32, #tpu.memory_space<vmem>>, vector<16xf32>,
      tpu.vector_store %arg15[%swap3A_325, %swap3A_326], %broadcast_in_dim3A_23 {strides = array<i32>} : memref<128x128xf32, #tpu.memory_space<vmem>>, vector<16xf32>,
      %swap3A_328 = arith.index_cast %add3A_313 : i32 to index
      %swap3A_329 = arith.constant 80 : index
      %swap3A_330 = tpu.vector_load %arg15[%swap3A_328, %swap3A_329] {strides = array<i32>} : memref<128x128xf32, #tpu.memory_space<vmem>>, vector<16xf32>,
      tpu.vector_store %arg15[%swap3A_328, %swap3A_329], %broadcast_in_dim3A_23 {strides = array<i32>} : memref<128x128xf32, #tpu.memory_space<vmem>>, vector<16xf32>,
      %swap3A_331 = arith.index_cast %add3A_313 : i32 to index
      %swap3A_332 = arith.constant 96 : index
      %swap3A_333 = tpu.vector_load %arg15[%swap3A_331, %swap3A_332] {strides = array<i32>} : memref<128x128xf32, #tpu.memory_space<vmem>>, vector<16xf32>,
      tpu.vector_store %arg15[%swap3A_331, %swap3A_332], %broadcast_in_dim3A_23 {strides = array<i32>} : memref<128x128xf32, #tpu.memory_space<vmem>>, vector<16xf32>,
      %swap3A_334 = arith.index_cast %add3A_313 : i32 to index
      %swap3A_335 = arith.constant 112 : index
      %swap3A_336 = tpu.vector_load %arg15[%swap3A_334, %swap3A_335] {strides = array<i32>} : memref<128x128xf32, #tpu.memory_space<vmem>>, vector<16xf32>,
      tpu.vector_store %arg15[%swap3A_334, %swap3A_335], %broadcast_in_dim3A_23 {strides = array<i32>} : memref<128x128xf32, #tpu.memory_space<vmem>>, vector<16xf32>,
    }
    %scan3A_27 = arith.constant 128 : i32
    %broadcast_in_dim3A_28 = arith.constant 0.000000e+00 : f32
    %broadcast_in_dim3A_29 = vector.broadcast %broadcast_in_dim3A_28 : f32 to vector<16xf32>
    %scan3A_30 = arith.constant 0 : i32
    %scan3A_31 = arith.constant 40 : i32
    %scan3A_32 = arith.addi %scan3A_30, %scan3A_31 : i32
    %scan3A_33 = arith.constant 1 : i32
    scf.for %scan3A_309 = %scan3A_30 to %scan3A_32 step %scan3A_33  : i32 {
      %mul3A_310 = arith.constant 1 : i32
      %mul3A_311 = arith.muli %scan3A_309, %mul3A_310 : i32
      %add3A_312 = arith.constant 0 : i32
      %add3A_313 = arith.addi %add3A_312, %mul3A_311 : i32
      %mul3A_314 = arith.constant 16 : i32
      %mul3A_315 = arith.muli %add3A_313, %mul3A_314 : i32
      %swap3A = arith.index_cast %mul3A_315 : i32 to index
      %swap3A_316 = tpu.vector_load %arg19[%swap3A] {strides = array<i32>} : memref<640xf32, #tpu.memory_space<vmem>>, vector<16xf32>,
      tpu.vector_store %arg19[%swap3A], %broadcast_in_dim3A_29 {strides = array<i32>} : memref<640xf32, #tpu.memory_space<vmem>>, vector<16xf32>,
    }
    %scan3A_34 = arith.constant 40 : i32
    %scan3A_35 = arith.constant 0 : i32
    %scan3A_36 = arith.constant 8 : i32
    %scan3A_37 = arith.addi %scan3A_35, %scan3A_36 : i32
    %scan3A_38 = arith.constant 1 : i32
    scf.for %scan3A_309 = %scan3A_35 to %scan3A_37 step %scan3A_38  : i32 {
      %mul3A_310 = arith.constant 1 : i32
      %mul3A_311 = arith.muli %scan3A_309, %mul3A_310 : i32
      %add3A_312 = arith.constant 0 : i32
      %add3A_313 = arith.addi %add3A_312, %mul3A_311 : i32
      %broadcast_in_dim3A_314 = arith.constant 1.000000e+00 : f32
      %broadcast_in_dim3A_315 = vector.broadcast %broadcast_in_dim3A_314 : f32 to vector<16xf32>
      %mul3A_316 = arith.constant 16 : i32
      %mul3A_317 = arith.muli %add3A_313, %mul3A_316 : i32
      %swap3A = arith.index_cast %mul3A_317 : i32 to index
      %swap3A_318 = tpu.vector_load %arg20[%swap3A] {strides = array<i32>} : memref<128xf32, #tpu.memory_space<vmem>>, vector<16xf32>,
      tpu.vector_store %arg20[%swap3A], %broadcast_in_dim3A_315 {strides = array<i32>} : memref<128xf32, #tpu.memory_space<vmem>>, vector<16xf32>,
    }
    %scan3A_39 = arith.constant 8 : i32
    %mul3A = arith.constant 256 : i32
    %mul3A_40 = arith.muli %arg1, %mul3A : i32
    "tpu.region"() ({
      %run_scoped3A = tpu.sem_alloc : memref<!tpu.dma_semaphore, #tpu.memory_space<semaphore_mem>>
      %dma_start3A_309 = arith.constant 0 : i32
      %dma_start3A_310 = tpu.memref_slice %arg21[%mul3A_40, %dma_start3A_309] : memref<4096x128xf32, #tpu.memory_space<vmem_shared>> -> memref<128x128xf32, #tpu.memory_space<vmem_shared>>
      %dma_start3A_311 = arith.constant 0 : i32
      %dma_start3A_312 = tpu.memref_slice %arg21[%mul3A_40, %dma_start3A_311] : memref<4096x128xf32, #tpu.memory_space<vmem_shared>> -> memref<128x128xf32, #tpu.memory_space<vmem_shared>>
      tpu.enqueue_dma source(%arg15 : memref<128x128xf32, #tpu.memory_space<vmem>>) target(%dma_start3A_312 : memref<128x128xf32, #tpu.memory_space<vmem_shared>>) target_semaphore(%run_scoped3A : memref<!tpu.dma_semaphore, #tpu.memory_space<semaphore_mem>>)
      %dma_wait3A_313 = arith.constant 0 : i32
      %dma_wait3A_314 = tpu.memref_slice %arg21[%mul3A_40, %dma_wait3A_313] : memref<4096x128xf32, #tpu.memory_space<vmem_shared>> -> memref<128x128xf32, #tpu.memory_space<vmem_shared>>
      %dma_wait3A_315 = arith.constant 0 : i32
      %dma_wait3A_316 = tpu.memref_slice %arg21[%mul3A_40, %dma_wait3A_315] : memref<4096x128xf32, #tpu.memory_space<vmem_shared>> -> memref<128x128xf32, #tpu.memory_space<vmem_shared>>
      tpu.wait_dma2 semaphore(%run_scoped3A : memref<!tpu.dma_semaphore, #tpu.memory_space<semaphore_mem>>) src(%arg15 : memref<128x128xf32, #tpu.memory_space<vmem>>) dst(%dma_wait3A_316 : memref<128x128xf32, #tpu.memory_space<vmem_shared>>)
      tpu.yield
    }) : () -> ()
    %mul3A_41 = arith.constant 256 : i32
    %mul3A_42 = arith.muli %arg1, %mul3A_41 : i32
    %add3A = arith.constant 128 : i32
    %add3A_43 = arith.addi %mul3A_42, %add3A : i32
    "tpu.region"() ({
      %run_scoped3A = tpu.sem_alloc : memref<!tpu.dma_semaphore, #tpu.memory_space<semaphore_mem>>
      %dma_start3A_309 = arith.constant 0 : i32
      %dma_start3A_310 = tpu.memref_slice %arg21[%add3A_43, %dma_start3A_309] : memref<4096x128xf32, #tpu.memory_space<vmem_shared>> -> memref<128x128xf32, #tpu.memory_space<vmem_shared>>
      %dma_start3A_311 = arith.constant 0 : i32
      %dma_start3A_312 = tpu.memref_slice %arg21[%add3A_43, %dma_start3A_311] : memref<4096x128xf32, #tpu.memory_space<vmem_shared>> -> memref<128x128xf32, #tpu.memory_space<vmem_shared>>
      tpu.enqueue_dma source(%arg15 : memref<128x128xf32, #tpu.memory_space<vmem>>) target(%dma_start3A_312 : memref<128x128xf32, #tpu.memory_space<vmem_shared>>) target_semaphore(%run_scoped3A : memref<!tpu.dma_semaphore, #tpu.memory_space<semaphore_mem>>)
      %dma_wait3A_313 = arith.constant 0 : i32
      %dma_wait3A_314 = tpu.memref_slice %arg21[%add3A_43, %dma_wait3A_313] : memref<4096x128xf32, #tpu.memory_space<vmem_shared>> -> memref<128x128xf32, #tpu.memory_space<vmem_shared>>
      %dma_wait3A_315 = arith.constant 0 : i32
      %dma_wait3A_316 = tpu.memref_slice %arg21[%add3A_43, %dma_wait3A_315] : memref<4096x128xf32, #tpu.memory_space<vmem_shared>> -> memref<128x128xf32, #tpu.memory_space<vmem_shared>>
      tpu.wait_dma2 semaphore(%run_scoped3A : memref<!tpu.dma_semaphore, #tpu.memory_space<semaphore_mem>>) src(%arg15 : memref<128x128xf32, #tpu.memory_space<vmem>>) dst(%dma_wait3A_316 : memref<128x128xf32, #tpu.memory_space<vmem_shared>>)
      tpu.yield
    }) : () -> ()
    %mul3A_44 = arith.constant 640 : i32
    %mul3A_45 = arith.muli %arg1, %mul3A_44 : i32
    "tpu.region"() ({
      %run_scoped3A = tpu.sem_alloc : memref<!tpu.dma_semaphore, #tpu.memory_space<semaphore_mem>>
      %dma_start3A_309 = tpu.memref_slice %arg22[%mul3A_45] : memref<10240xf32, #tpu.memory_space<vmem_shared>> -> memref<640xf32, #tpu.memory_space<vmem_shared>>
      %dma_start3A_310 = tpu.memref_slice %arg22[%mul3A_45] : memref<10240xf32, #tpu.memory_space<vmem_shared>> -> memref<640xf32, #tpu.memory_space<vmem_shared>>
      tpu.enqueue_dma source(%arg19 : memref<640xf32, #tpu.memory_space<vmem>>) target(%dma_start3A_310 : memref<640xf32, #tpu.memory_space<vmem_shared>>) target_semaphore(%run_scoped3A : memref<!tpu.dma_semaphore, #tpu.memory_space<semaphore_mem>>)
      %dma_wait3A_311 = tpu.memref_slice %arg22[%mul3A_45] : memref<10240xf32, #tpu.memory_space<vmem_shared>> -> memref<640xf32, #tpu.memory_space<vmem_shared>>
      %dma_wait3A_312 = tpu.memref_slice %arg22[%mul3A_45] : memref<10240xf32, #tpu.memory_space<vmem_shared>> -> memref<640xf32, #tpu.memory_space<vmem_shared>>
      tpu.wait_dma2 semaphore(%run_scoped3A : memref<!tpu.dma_semaphore, #tpu.memory_space<semaphore_mem>>) src(%arg19 : memref<640xf32, #tpu.memory_space<vmem>>) dst(%dma_wait3A_312 : memref<640xf32, #tpu.memory_space<vmem_shared>>)
      tpu.yield
    }) : () -> ()
    %mul3A_46 = arith.constant 256 : i32
    %mul3A_47 = arith.muli %arg1, %mul3A_46 : i32
    "tpu.region"() ({
      %run_scoped3A = tpu.sem_alloc : memref<!tpu.dma_semaphore, #tpu.memory_space<semaphore_mem>>
      %dma_start3A_309 = arith.constant 0 : i32
      %dma_start3A_310 = tpu.memref_slice %arg19[%dma_start3A_309] : memref<640xf32, #tpu.memory_space<vmem>> -> memref<256xf32, #tpu.memory_space<vmem>>
      %dma_start3A_311 = tpu.memref_slice %arg23[%mul3A_47] : memref<4096xf32, #tpu.memory_space<vmem_shared>> -> memref<256xf32, #tpu.memory_space<vmem_shared>>
      %dma_start3A_312 = tpu.memref_slice %arg23[%mul3A_47] : memref<4096xf32, #tpu.memory_space<vmem_shared>> -> memref<256xf32, #tpu.memory_space<vmem_shared>>
      %dma_start3A_313 = arith.constant 0 : i32
      %dma_start3A_314 = tpu.memref_slice %arg19[%dma_start3A_313] : memref<640xf32, #tpu.memory_space<vmem>> -> memref<256xf32, #tpu.memory_space<vmem>>
      tpu.enqueue_dma source(%dma_start3A_314 : memref<256xf32, #tpu.memory_space<vmem>>) target(%dma_start3A_312 : memref<256xf32, #tpu.memory_space<vmem_shared>>) target_semaphore(%run_scoped3A : memref<!tpu.dma_semaphore, #tpu.memory_space<semaphore_mem>>)
      %dma_wait3A_315 = arith.constant 0 : i32
      %dma_wait3A_316 = tpu.memref_slice %arg19[%dma_wait3A_315] : memref<640xf32, #tpu.memory_space<vmem>> -> memref<256xf32, #tpu.memory_space<vmem>>
      %dma_wait3A_317 = tpu.memref_slice %arg23[%mul3A_47] : memref<4096xf32, #tpu.memory_space<vmem_shared>> -> memref<256xf32, #tpu.memory_space<vmem_shared>>
      %dma_wait3A_318 = tpu.memref_slice %arg23[%mul3A_47] : memref<4096xf32, #tpu.memory_space<vmem_shared>> -> memref<256xf32, #tpu.memory_space<vmem_shared>>
      %dma_wait3A_319 = arith.constant 0 : i32
      %dma_wait3A_320 = tpu.memref_slice %arg19[%dma_wait3A_319] : memref<640xf32, #tpu.memory_space<vmem>> -> memref<256xf32, #tpu.memory_space<vmem>>
      tpu.wait_dma2 semaphore(%run_scoped3A : memref<!tpu.dma_semaphore, #tpu.memory_space<semaphore_mem>>) src(%dma_wait3A_320 : memref<256xf32, #tpu.memory_space<vmem>>) dst(%dma_wait3A_318 : memref<256xf32, #tpu.memory_space<vmem_shared>>)
      tpu.yield
    }) : () -> ()
    %mul3A_48 = arith.constant 256 : i32
    %mul3A_49 = arith.muli %arg1, %mul3A_48 : i32
    "tpu.region"() ({
      %run_scoped3A = tpu.sem_alloc : memref<!tpu.dma_semaphore, #tpu.memory_space<semaphore_mem>>
      %dma_start3A_309 = arith.constant 0 : i32
      %dma_start3A_310 = tpu.memref_slice %arg19[%dma_start3A_309] : memref<640xf32, #tpu.memory_space<vmem>> -> memref<256xf32, #tpu.memory_space<vmem>>
      %dma_start3A_311 = tpu.memref_slice %arg24[%mul3A_49] : memref<4096xf32, #tpu.memory_space<vmem_shared>> -> memref<256xf32, #tpu.memory_space<vmem_shared>>
      %dma_start3A_312 = tpu.memref_slice %arg24[%mul3A_49] : memref<4096xf32, #tpu.memory_space<vmem_shared>> -> memref<256xf32, #tpu.memory_space<vmem_shared>>
      %dma_start3A_313 = arith.constant 0 : i32
      %dma_start3A_314 = tpu.memref_slice %arg19[%dma_start3A_313] : memref<640xf32, #tpu.memory_space<vmem>> -> memref<256xf32, #tpu.memory_space<vmem>>
      tpu.enqueue_dma source(%dma_start3A_314 : memref<256xf32, #tpu.memory_space<vmem>>) target(%dma_start3A_312 : memref<256xf32, #tpu.memory_space<vmem_shared>>) target_semaphore(%run_scoped3A : memref<!tpu.dma_semaphore, #tpu.memory_space<semaphore_mem>>)
      %dma_wait3A_315 = arith.constant 0 : i32
      %dma_wait3A_316 = tpu.memref_slice %arg19[%dma_wait3A_315] : memref<640xf32, #tpu.memory_space<vmem>> -> memref<256xf32, #tpu.memory_space<vmem>>
      %dma_wait3A_317 = tpu.memref_slice %arg24[%mul3A_49] : memref<4096xf32, #tpu.memory_space<vmem_shared>> -> memref<256xf32, #tpu.memory_space<vmem_shared>>
      %dma_wait3A_318 = tpu.memref_slice %arg24[%mul3A_49] : memref<4096xf32, #tpu.memory_space<vmem_shared>> -> memref<256xf32, #tpu.memory_space<vmem_shared>>
      %dma_wait3A_319 = arith.constant 0 : i32
      %dma_wait3A_320 = tpu.memref_slice %arg19[%dma_wait3A_319] : memref<640xf32, #tpu.memory_space<vmem>> -> memref<256xf32, #tpu.memory_space<vmem>>
      tpu.wait_dma2 semaphore(%run_scoped3A : memref<!tpu.dma_semaphore, #tpu.memory_space<semaphore_mem>>) src(%dma_wait3A_320 : memref<256xf32, #tpu.memory_space<vmem>>) dst(%dma_wait3A_318 : memref<256xf32, #tpu.memory_space<vmem_shared>>)
      tpu.yield
    }) : () -> ()
    %dma_wait3A = arith.constant 0 : i32
    %dma_wait3A_50 = arith.constant 0 : i32
    %dma_wait3A_51 = tpu.memref_slice %arg5[%arg1, %dma_wait3A, %dma_wait3A_50] : memref<16x80x128xi32, #tpu.memory_space<hbm>> -> memref<1x80x128xi32, #tpu.memory_space<hbm>>
    %dma_wait3A_52 = tpu.memref_squeeze %dma_wait3A_51 : memref<1x80x128xi32, #tpu.memory_space<hbm>> -> memref<80x128xi32, #tpu.memory_space<hbm>>
    %dma_wait3A_53 = arith.constant 0 : i32
    %dma_wait3A_54 = arith.constant 0 : i32
    %dma_wait3A_55 = tpu.memref_slice %arg5[%arg1, %dma_wait3A_53, %dma_wait3A_54] : memref<16x80x128xi32, #tpu.memory_space<hbm>> -> memref<1x80x128xi32, #tpu.memory_space<hbm>>
    %dma_wait3A_56 = tpu.memref_squeeze %dma_wait3A_55 : memref<1x80x128xi32, #tpu.memory_space<hbm>> -> memref<80x128xi32, #tpu.memory_space<hbm>>
    tpu.wait_dma2 semaphore(%arg35 : memref<!tpu.dma_semaphore, #tpu.memory_space<semaphore_mem>>) src(%dma_wait3A_56 : memref<80x128xi32, #tpu.memory_space<hbm>>) dst(%arg12 : memref<80x128xi32, #tpu.memory_space<vmem>>)
    %dma_wait3A_57 = arith.constant 0 : i32
    %dma_wait3A_58 = arith.constant 0 : i32
    %dma_wait3A_59 = tpu.memref_slice %arg6[%arg1, %dma_wait3A_57, %dma_wait3A_58] : memref<16x32x128xi32, #tpu.memory_space<hbm>> -> memref<1x32x128xi32, #tpu.memory_space<hbm>>
    %dma_wait3A_60 = tpu.memref_squeeze %dma_wait3A_59 : memref<1x32x128xi32, #tpu.memory_space<hbm>> -> memref<32x128xi32, #tpu.memory_space<hbm>>
    %dma_wait3A_61 = arith.constant 0 : i32
    %dma_wait3A_62 = arith.constant 0 : i32
    %dma_wait3A_63 = tpu.memref_slice %arg6[%arg1, %dma_wait3A_61, %dma_wait3A_62] : memref<16x32x128xi32, #tpu.memory_space<hbm>> -> memref<1x32x128xi32, #tpu.memory_space<hbm>>
    %dma_wait3A_64 = tpu.memref_squeeze %dma_wait3A_63 : memref<1x32x128xi32, #tpu.memory_space<hbm>> -> memref<32x128xi32, #tpu.memory_space<hbm>>
    tpu.wait_dma2 semaphore(%arg35 : memref<!tpu.dma_semaphore, #tpu.memory_space<semaphore_mem>>) src(%dma_wait3A_64 : memref<32x128xi32, #tpu.memory_space<hbm>>) dst(%arg13 : memref<32x128xi32, #tpu.memory_space<vmem>>)
    %dma_wait3A_65 = arith.constant 0 : i32
    %dma_wait3A_66 = arith.constant 0 : i32
    %dma_wait3A_67 = tpu.memref_slice %arg3[%arg1, %dma_wait3A_65, %dma_wait3A_66] : memref<16x5x128xi32, #tpu.memory_space<hbm>> -> memref<1x5x128xi32, #tpu.memory_space<hbm>>
    %dma_wait3A_68 = tpu.memref_squeeze %dma_wait3A_67 : memref<1x5x128xi32, #tpu.memory_space<hbm>> -> memref<5x128xi32, #tpu.memory_space<hbm>>
    %dma_wait3A_69 = arith.constant 0 : i32
    %dma_wait3A_70 = arith.constant 0 : i32
    %dma_wait3A_71 = tpu.memref_slice %arg3[%arg1, %dma_wait3A_69, %dma_wait3A_70] : memref<16x5x128xi32, #tpu.memory_space<hbm>> -> memref<1x5x128xi32, #tpu.memory_space<hbm>>
    %dma_wait3A_72 = tpu.memref_squeeze %dma_wait3A_71 : memref<1x5x128xi32, #tpu.memory_space<hbm>> -> memref<5x128xi32, #tpu.memory_space<hbm>>
    tpu.wait_dma2 semaphore(%arg35 : memref<!tpu.dma_semaphore, #tpu.memory_space<semaphore_mem>>) src(%dma_wait3A_72 : memref<5x128xi32, #tpu.memory_space<hbm>>) dst(%arg14 : memref<5x128xi32, #tpu.memory_space<vmem>>)
    %scan3A_73 = arith.constant 0 : i32
    %scan3A_74 = arith.constant 5 : i32
    %scan3A_75 = arith.addi %scan3A_73, %scan3A_74 : i32
    %scan3A_76 = arith.constant 1 : i32
    scf.for %scan3A_309 = %scan3A_73 to %scan3A_75 step %scan3A_76  : i32 {
      %mul3A_310 = arith.constant 1 : i32
      %mul3A_311 = arith.muli %scan3A_309, %mul3A_310 : i32
      %add3A_312 = arith.constant 0 : i32
      %add3A_313 = arith.addi %add3A_312, %mul3A_311 : i32
      %get3A = arith.index_cast %add3A_313 : i32 to index
      %get3A_314 = arith.constant 0 : index
      %get3A_315 = tpu.vector_load %arg14[%get3A, %get3A_314] {strides = array<i32>} : memref<5x128xi32, #tpu.memory_space<vmem>>, vector<16xi32>,
      %mul3A_316 = arith.constant 2 : i32
      %mul3A_317 = vector.broadcast %mul3A_316 : i32 to vector<16xi32>
      %mul3A_318 = arith.muli %get3A_315, %mul3A_317 : vector<16xi32>
      %add3A_319 = vector.broadcast %arg0 : i32 to vector<16xi32>
      %add3A_320 = arith.addi %mul3A_318, %add3A_319 : vector<16xi32>
      %swap3A = arith.index_cast %add3A_313 : i32 to index
      %swap3A_321 = arith.constant 0 : index
      %swap3A_322 = tpu.vector_load %arg14[%swap3A, %swap3A_321] {strides = array<i32>} : memref<5x128xi32, #tpu.memory_space<vmem>>, vector<16xi32>,
      tpu.vector_store %arg14[%swap3A, %swap3A_321], %add3A_320 {strides = array<i32>} : memref<5x128xi32, #tpu.memory_space<vmem>>, vector<16xi32>,
      %get3A_323 = arith.index_cast %add3A_313 : i32 to index
      %get3A_324 = arith.constant 16 : index
      %get3A_325 = tpu.vector_load %arg14[%get3A_323, %get3A_324] {strides = array<i32>} : memref<5x128xi32, #tpu.memory_space<vmem>>, vector<16xi32>,
      %mul3A_326 = arith.constant 2 : i32
      %mul3A_327 = vector.broadcast %mul3A_326 : i32 to vector<16xi32>
      %mul3A_328 = arith.muli %get3A_325, %mul3A_327 : vector<16xi32>
      %add3A_329 = vector.broadcast %arg0 : i32 to vector<16xi32>
      %add3A_330 = arith.addi %mul3A_328, %add3A_329 : vector<16xi32>
      %swap3A_331 = arith.index_cast %add3A_313 : i32 to index
      %swap3A_332 = arith.constant 16 : index
      %swap3A_333 = tpu.vector_load %arg14[%swap3A_331, %swap3A_332] {strides = array<i32>} : memref<5x128xi32, #tpu.memory_space<vmem>>, vector<16xi32>,
      tpu.vector_store %arg14[%swap3A_331, %swap3A_332], %add3A_330 {strides = array<i32>} : memref<5x128xi32, #tpu.memory_space<vmem>>, vector<16xi32>,
      %get3A_334 = arith.index_cast %add3A_313 : i32 to index
      %get3A_335 = arith.constant 32 : index
      %get3A_336 = tpu.vector_load %arg14[%get3A_334, %get3A_335] {strides = array<i32>} : memref<5x128xi32, #tpu.memory_space<vmem>>, vector<16xi32>,
      %mul3A_337 = arith.constant 2 : i32
      %mul3A_338 = vector.broadcast %mul3A_337 : i32 to vector<16xi32>
      %mul3A_339 = arith.muli %get3A_336, %mul3A_338 : vector<16xi32>
      %add3A_340 = vector.broadcast %arg0 : i32 to vector<16xi32>
      %add3A_341 = arith.addi %mul3A_339, %add3A_340 : vector<16xi32>
      %swap3A_342 = arith.index_cast %add3A_313 : i32 to index
      %swap3A_343 = arith.constant 32 : index
      %swap3A_344 = tpu.vector_load %arg14[%swap3A_342, %swap3A_343] {strides = array<i32>} : memref<5x128xi32, #tpu.memory_space<vmem>>, vector<16xi32>,
      tpu.vector_store %arg14[%swap3A_342, %swap3A_343], %add3A_341 {strides = array<i32>} : memref<5x128xi32, #tpu.memory_space<vmem>>, vector<16xi32>,
      %get3A_345 = arith.index_cast %add3A_313 : i32 to index
      %get3A_346 = arith.constant 48 : index
      %get3A_347 = tpu.vector_load %arg14[%get3A_345, %get3A_346] {strides = array<i32>} : memref<5x128xi32, #tpu.memory_space<vmem>>, vector<16xi32>,
      %mul3A_348 = arith.constant 2 : i32
      %mul3A_349 = vector.broadcast %mul3A_348 : i32 to vector<16xi32>
      %mul3A_350 = arith.muli %get3A_347, %mul3A_349 : vector<16xi32>
      %add3A_351 = vector.broadcast %arg0 : i32 to vector<16xi32>
      %add3A_352 = arith.addi %mul3A_350, %add3A_351 : vector<16xi32>
      %swap3A_353 = arith.index_cast %add3A_313 : i32 to index
      %swap3A_354 = arith.constant 48 : index
      %swap3A_355 = tpu.vector_load %arg14[%swap3A_353, %swap3A_354] {strides = array<i32>} : memref<5x128xi32, #tpu.memory_space<vmem>>, vector<16xi32>,
      tpu.vector_store %arg14[%swap3A_353, %swap3A_354], %add3A_352 {strides = array<i32>} : memref<5x128xi32, #tpu.memory_space<vmem>>, vector<16xi32>,
      %get3A_356 = arith.index_cast %add3A_313 : i32 to index
      %get3A_357 = arith.constant 64 : index
      %get3A_358 = tpu.vector_load %arg14[%get3A_356, %get3A_357] {strides = array<i32>} : memref<5x128xi32, #tpu.memory_space<vmem>>, vector<16xi32>,
      %mul3A_359 = arith.constant 2 : i32
      %mul3A_360 = vector.broadcast %mul3A_359 : i32 to vector<16xi32>
      %mul3A_361 = arith.muli %get3A_358, %mul3A_360 : vector<16xi32>
      %add3A_362 = vector.broadcast %arg0 : i32 to vector<16xi32>
      %add3A_363 = arith.addi %mul3A_361, %add3A_362 : vector<16xi32>
      %swap3A_364 = arith.index_cast %add3A_313 : i32 to index
      %swap3A_365 = arith.constant 64 : index
      %swap3A_366 = tpu.vector_load %arg14[%swap3A_364, %swap3A_365] {strides = array<i32>} : memref<5x128xi32, #tpu.memory_space<vmem>>, vector<16xi32>,
      tpu.vector_store %arg14[%swap3A_364, %swap3A_365], %add3A_363 {strides = array<i32>} : memref<5x128xi32, #tpu.memory_space<vmem>>, vector<16xi32>,
      %get3A_367 = arith.index_cast %add3A_313 : i32 to index
      %get3A_368 = arith.constant 80 : index
      %get3A_369 = tpu.vector_load %arg14[%get3A_367, %get3A_368] {strides = array<i32>} : memref<5x128xi32, #tpu.memory_space<vmem>>, vector<16xi32>,
      %mul3A_370 = arith.constant 2 : i32
      %mul3A_371 = vector.broadcast %mul3A_370 : i32 to vector<16xi32>
      %mul3A_372 = arith.muli %get3A_369, %mul3A_371 : vector<16xi32>
      %add3A_373 = vector.broadcast %arg0 : i32 to vector<16xi32>
      %add3A_374 = arith.addi %mul3A_372, %add3A_373 : vector<16xi32>
      %swap3A_375 = arith.index_cast %add3A_313 : i32 to index
      %swap3A_376 = arith.constant 80 : index
      %swap3A_377 = tpu.vector_load %arg14[%swap3A_375, %swap3A_376] {strides = array<i32>} : memref<5x128xi32, #tpu.memory_space<vmem>>, vector<16xi32>,
      tpu.vector_store %arg14[%swap3A_375, %swap3A_376], %add3A_374 {strides = array<i32>} : memref<5x128xi32, #tpu.memory_space<vmem>>, vector<16xi32>,
      %get3A_378 = arith.index_cast %add3A_313 : i32 to index
      %get3A_379 = arith.constant 96 : index
      %get3A_380 = tpu.vector_load %arg14[%get3A_378, %get3A_379] {strides = array<i32>} : memref<5x128xi32, #tpu.memory_space<vmem>>, vector<16xi32>,
      %mul3A_381 = arith.constant 2 : i32
      %mul3A_382 = vector.broadcast %mul3A_381 : i32 to vector<16xi32>
      %mul3A_383 = arith.muli %get3A_380, %mul3A_382 : vector<16xi32>
      %add3A_384 = vector.broadcast %arg0 : i32 to vector<16xi32>
      %add3A_385 = arith.addi %mul3A_383, %add3A_384 : vector<16xi32>
      %swap3A_386 = arith.index_cast %add3A_313 : i32 to index
      %swap3A_387 = arith.constant 96 : index
      %swap3A_388 = tpu.vector_load %arg14[%swap3A_386, %swap3A_387] {strides = array<i32>} : memref<5x128xi32, #tpu.memory_space<vmem>>, vector<16xi32>,
      tpu.vector_store %arg14[%swap3A_386, %swap3A_387], %add3A_385 {strides = array<i32>} : memref<5x128xi32, #tpu.memory_space<vmem>>, vector<16xi32>,
      %get3A_389 = arith.index_cast %add3A_313 : i32 to index
      %get3A_390 = arith.constant 112 : index
      %get3A_391 = tpu.vector_load %arg14[%get3A_389, %get3A_390] {strides = array<i32>} : memref<5x128xi32, #tpu.memory_space<vmem>>, vector<16xi32>,
      %mul3A_392 = arith.constant 2 : i32
      %mul3A_393 = vector.broadcast %mul3A_392 : i32 to vector<16xi32>
      %mul3A_394 = arith.muli %get3A_391, %mul3A_393 : vector<16xi32>
      %add3A_395 = vector.broadcast %arg0 : i32 to vector<16xi32>
      %add3A_396 = arith.addi %mul3A_394, %add3A_395 : vector<16xi32>
      %swap3A_397 = arith.index_cast %add3A_313 : i32 to index
      %swap3A_398 = arith.constant 112 : index
      %swap3A_399 = tpu.vector_load %arg14[%swap3A_397, %swap3A_398] {strides = array<i32>} : memref<5x128xi32, #tpu.memory_space<vmem>>, vector<16xi32>,
      tpu.vector_store %arg14[%swap3A_397, %swap3A_398], %add3A_396 {strides = array<i32>} : memref<5x128xi32, #tpu.memory_space<vmem>>, vector<16xi32>,
    }
    %scan3A_77 = arith.constant 5 : i32
    %barrier3A = arith.constant 0 : index
    tpu.barrier barrier_id(%barrier3A)
    %dma_start3A_78 = arith.constant 0 : i32
    %dma_start3A_79 = arith.constant 0 : i32
    %dma_start3A_80 = tpu.memref_slice %arg14[%dma_start3A_78, %dma_start3A_79] : memref<5x128xi32, #tpu.memory_space<vmem>> -> memref<1x128xi32, #tpu.memory_space<vmem>>
    %dma_start3A_81 = tpu.memref_squeeze %dma_start3A_80 : memref<1x128xi32, #tpu.memory_space<vmem>> -> memref<128xi32, #tpu.memory_space<vmem>>
    %dma_start3A_82 = arith.constant 0 : i32
    %dma_start3A_83 = arith.constant 0 : i32
    %dma_start3A_84 = tpu.memref_slice %arg2[%dma_start3A_82, %dma_start3A_83] : memref<200000x128xf32, #tpu.memory_space<hbm>> -> memref<200000x128xf32, #tpu.memory_space<hbm>>
    tpu.enqueue_indirect_dma source(%dma_start3A_84 : memref<200000x128xf32, #tpu.memory_space<hbm>>) target(%arg15 : memref<128x128xf32, #tpu.memory_space<vmem>>) offsets(%dma_start3A_81 : memref<128xi32, #tpu.memory_space<vmem>>) semaphore(%arg25 : memref<!tpu.dma_semaphore, #tpu.memory_space<semaphore_mem>>)
    %dma_start3A_85 = arith.constant 1 : i32
    %dma_start3A_86 = arith.constant 0 : i32
    %dma_start3A_87 = tpu.memref_slice %arg14[%dma_start3A_85, %dma_start3A_86] : memref<5x128xi32, #tpu.memory_space<vmem>> -> memref<1x128xi32, #tpu.memory_space<vmem>>
    %dma_start3A_88 = tpu.memref_squeeze %dma_start3A_87 : memref<1x128xi32, #tpu.memory_space<vmem>> -> memref<128xi32, #tpu.memory_space<vmem>>
    %dma_start3A_89 = arith.constant 0 : i32
    %dma_start3A_90 = arith.constant 0 : i32
    %dma_start3A_91 = tpu.memref_slice %arg2[%dma_start3A_89, %dma_start3A_90] : memref<200000x128xf32, #tpu.memory_space<hbm>> -> memref<200000x128xf32, #tpu.memory_space<hbm>>
    tpu.enqueue_indirect_dma source(%dma_start3A_91 : memref<200000x128xf32, #tpu.memory_space<hbm>>) target(%arg16 : memref<128x128xf32, #tpu.memory_space<vmem>>) offsets(%dma_start3A_88 : memref<128xi32, #tpu.memory_space<vmem>>) semaphore(%arg26 : memref<!tpu.dma_semaphore, #tpu.memory_space<semaphore_mem>>)
    %dma_start3A_92 = arith.constant 2 : i32
    %dma_start3A_93 = arith.constant 0 : i32
    %dma_start3A_94 = tpu.memref_slice %arg14[%dma_start3A_92, %dma_start3A_93] : memref<5x128xi32, #tpu.memory_space<vmem>> -> memref<1x128xi32, #tpu.memory_space<vmem>>
    %dma_start3A_95 = tpu.memref_squeeze %dma_start3A_94 : memref<1x128xi32, #tpu.memory_space<vmem>> -> memref<128xi32, #tpu.memory_space<vmem>>
    %dma_start3A_96 = arith.constant 0 : i32
    %dma_start3A_97 = arith.constant 0 : i32
    %dma_start3A_98 = tpu.memref_slice %arg2[%dma_start3A_96, %dma_start3A_97] : memref<200000x128xf32, #tpu.memory_space<hbm>> -> memref<200000x128xf32, #tpu.memory_space<hbm>>
    tpu.enqueue_indirect_dma source(%dma_start3A_98 : memref<200000x128xf32, #tpu.memory_space<hbm>>) target(%arg17 : memref<128x128xf32, #tpu.memory_space<vmem>>) offsets(%dma_start3A_95 : memref<128xi32, #tpu.memory_space<vmem>>) semaphore(%arg27 : memref<!tpu.dma_semaphore, #tpu.memory_space<semaphore_mem>>)
    %dma_start3A_99 = arith.constant 3 : i32
    %dma_start3A_100 = arith.constant 0 : i32
    %dma_start3A_101 = tpu.memref_slice %arg14[%dma_start3A_99, %dma_start3A_100] : memref<5x128xi32, #tpu.memory_space<vmem>> -> memref<1x128xi32, #tpu.memory_space<vmem>>
    %dma_start3A_102 = tpu.memref_squeeze %dma_start3A_101 : memref<1x128xi32, #tpu.memory_space<vmem>> -> memref<128xi32, #tpu.memory_space<vmem>>
    %dma_start3A_103 = arith.constant 0 : i32
    %dma_start3A_104 = arith.constant 0 : i32
    %dma_start3A_105 = tpu.memref_slice %arg2[%dma_start3A_103, %dma_start3A_104] : memref<200000x128xf32, #tpu.memory_space<hbm>> -> memref<200000x128xf32, #tpu.memory_space<hbm>>
    tpu.enqueue_indirect_dma source(%dma_start3A_105 : memref<200000x128xf32, #tpu.memory_space<hbm>>) target(%arg18 : memref<128x128xf32, #tpu.memory_space<vmem>>) offsets(%dma_start3A_102 : memref<128xi32, #tpu.memory_space<vmem>>) semaphore(%arg28 : memref<!tpu.dma_semaphore, #tpu.memory_space<semaphore_mem>>)
    %scan3A_106 = arith.constant 0 : i32
    %scan3A_107 = arith.constant 5 : i32
    %scan3A_108 = arith.addi %scan3A_106, %scan3A_107 : i32
    %scan3A_109 = arith.constant 1 : i32
    scf.for %scan3A_309 = %scan3A_106 to %scan3A_108 step %scan3A_109  : i32 {
      %mul3A_310 = arith.constant 1 : i32
      %mul3A_311 = arith.muli %scan3A_309, %mul3A_310 : i32
      %add3A_312 = arith.constant 0 : i32
      %add3A_313 = arith.addi %add3A_312, %mul3A_311 : i32
      %mul3A_314 = arith.constant 16 : i32
      %mul3A_315 = arith.muli %add3A_313, %mul3A_314 : i32
      %add3A_316 = arith.constant 0 : i32
      %add3A_317 = arith.addi %mul3A_315, %add3A_316 : i32
      %dma_start3A_318 = arith.constant 0 : i32
      %dma_start3A_319 = tpu.memref_slice %arg11[%add3A_317, %dma_start3A_318] : memref<80x128xi32, #tpu.memory_space<vmem>> -> memref<1x128xi32, #tpu.memory_space<vmem>>
      %dma_start3A_320 = tpu.memref_squeeze %dma_start3A_319 : memref<1x128xi32, #tpu.memory_space<vmem>> -> memref<128xi32, #tpu.memory_space<vmem>>
      %dma_start3A_321 = arith.constant 0 : i32
      %dma_start3A_322 = tpu.memref_slice %arg22[%dma_start3A_321] : memref<10240xf32, #tpu.memory_space<vmem_shared>> -> memref<10240xf32, #tpu.memory_space<vmem_shared>>
      tpu.enqueue_indirect_dma source(%arg20 : memref<128xf32, #tpu.memory_space<vmem>>) target(%dma_start3A_322 : memref<10240xf32, #tpu.memory_space<vmem_shared>>) offsets(%dma_start3A_320 : memref<128xi32, #tpu.memory_space<vmem>>) semaphore(%arg34 : memref<!tpu.dma_semaphore, #tpu.memory_space<semaphore_mem>>) {add = true}
      %mul3A_323 = arith.constant 16 : i32
      %mul3A_324 = arith.muli %add3A_313, %mul3A_323 : i32
      %add3A_325 = arith.constant 1 : i32
      %add3A_326 = arith.addi %mul3A_324, %add3A_325 : i32
      %dma_start3A_327 = arith.constant 0 : i32
      %dma_start3A_328 = tpu.memref_slice %arg11[%add3A_326, %dma_start3A_327] : memref<80x128xi32, #tpu.memory_space<vmem>> -> memref<1x128xi32, #tpu.memory_space<vmem>>
      %dma_start3A_329 = tpu.memref_squeeze %dma_start3A_328 : memref<1x128xi32, #tpu.memory_space<vmem>> -> memref<128xi32, #tpu.memory_space<vmem>>
      %dma_start3A_330 = arith.constant 0 : i32
      %dma_start3A_331 = tpu.memref_slice %arg22[%dma_start3A_330] : memref<10240xf32, #tpu.memory_space<vmem_shared>> -> memref<10240xf32, #tpu.memory_space<vmem_shared>>
      tpu.enqueue_indirect_dma source(%arg20 : memref<128xf32, #tpu.memory_space<vmem>>) target(%dma_start3A_331 : memref<10240xf32, #tpu.memory_space<vmem_shared>>) offsets(%dma_start3A_329 : memref<128xi32, #tpu.memory_space<vmem>>) semaphore(%arg34 : memref<!tpu.dma_semaphore, #tpu.memory_space<semaphore_mem>>) {add = true}
      %mul3A_332 = arith.constant 16 : i32
      %mul3A_333 = arith.muli %add3A_313, %mul3A_332 : i32
      %add3A_334 = arith.constant 2 : i32
      %add3A_335 = arith.addi %mul3A_333, %add3A_334 : i32
      %dma_start3A_336 = arith.constant 0 : i32
      %dma_start3A_337 = tpu.memref_slice %arg11[%add3A_335, %dma_start3A_336] : memref<80x128xi32, #tpu.memory_space<vmem>> -> memref<1x128xi32, #tpu.memory_space<vmem>>
      %dma_start3A_338 = tpu.memref_squeeze %dma_start3A_337 : memref<1x128xi32, #tpu.memory_space<vmem>> -> memref<128xi32, #tpu.memory_space<vmem>>
      %dma_start3A_339 = arith.constant 0 : i32
      %dma_start3A_340 = tpu.memref_slice %arg22[%dma_start3A_339] : memref<10240xf32, #tpu.memory_space<vmem_shared>> -> memref<10240xf32, #tpu.memory_space<vmem_shared>>
      tpu.enqueue_indirect_dma source(%arg20 : memref<128xf32, #tpu.memory_space<vmem>>) target(%dma_start3A_340 : memref<10240xf32, #tpu.memory_space<vmem_shared>>) offsets(%dma_start3A_338 : memref<128xi32, #tpu.memory_space<vmem>>) semaphore(%arg34 : memref<!tpu.dma_semaphore, #tpu.memory_space<semaphore_mem>>) {add = true}
      %mul3A_341 = arith.constant 16 : i32
      %mul3A_342 = arith.muli %add3A_313, %mul3A_341 : i32
      %add3A_343 = arith.constant 3 : i32
      %add3A_344 = arith.addi %mul3A_342, %add3A_343 : i32
      %dma_start3A_345 = arith.constant 0 : i32
      %dma_start3A_346 = tpu.memref_slice %arg11[%add3A_344, %dma_start3A_345] : memref<80x128xi32, #tpu.memory_space<vmem>> -> memref<1x128xi32, #tpu.memory_space<vmem>>
      %dma_start3A_347 = tpu.memref_squeeze %dma_start3A_346 : memref<1x128xi32, #tpu.memory_space<vmem>> -> memref<128xi32, #tpu.memory_space<vmem>>
      %dma_start3A_348 = arith.constant 0 : i32
      %dma_start3A_349 = tpu.memref_slice %arg22[%dma_start3A_348] : memref<10240xf32, #tpu.memory_space<vmem_shared>> -> memref<10240xf32, #tpu.memory_space<vmem_shared>>
      tpu.enqueue_indirect_dma source(%arg20 : memref<128xf32, #tpu.memory_space<vmem>>) target(%dma_start3A_349 : memref<10240xf32, #tpu.memory_space<vmem_shared>>) offsets(%dma_start3A_347 : memref<128xi32, #tpu.memory_space<vmem>>) semaphore(%arg34 : memref<!tpu.dma_semaphore, #tpu.memory_space<semaphore_mem>>) {add = true}
      %mul3A_350 = arith.constant 16 : i32
      %mul3A_351 = arith.muli %add3A_313, %mul3A_350 : i32
      %add3A_352 = arith.constant 4 : i32
      %add3A_353 = arith.addi %mul3A_351, %add3A_352 : i32
      %dma_start3A_354 = arith.constant 0 : i32
      %dma_start3A_355 = tpu.memref_slice %arg11[%add3A_353, %dma_start3A_354] : memref<80x128xi32, #tpu.memory_space<vmem>> -> memref<1x128xi32, #tpu.memory_space<vmem>>
      %dma_start3A_356 = tpu.memref_squeeze %dma_start3A_355 : memref<1x128xi32, #tpu.memory_space<vmem>> -> memref<128xi32, #tpu.memory_space<vmem>>
      %dma_start3A_357 = arith.constant 0 : i32
      %dma_start3A_358 = tpu.memref_slice %arg22[%dma_start3A_357] : memref<10240xf32, #tpu.memory_space<vmem_shared>> -> memref<10240xf32, #tpu.memory_space<vmem_shared>>
      tpu.enqueue_indirect_dma source(%arg20 : memref<128xf32, #tpu.memory_space<vmem>>) target(%dma_start3A_358 : memref<10240xf32, #tpu.memory_space<vmem_shared>>) offsets(%dma_start3A_356 : memref<128xi32, #tpu.memory_space<vmem>>) semaphore(%arg34 : memref<!tpu.dma_semaphore, #tpu.memory_space<semaphore_mem>>) {add = true}
      %mul3A_359 = arith.constant 16 : i32
      %mul3A_360 = arith.muli %add3A_313, %mul3A_359 : i32
      %add3A_361 = arith.constant 5 : i32
      %add3A_362 = arith.addi %mul3A_360, %add3A_361 : i32
      %dma_start3A_363 = arith.constant 0 : i32
      %dma_start3A_364 = tpu.memref_slice %arg11[%add3A_362, %dma_start3A_363] : memref<80x128xi32, #tpu.memory_space<vmem>> -> memref<1x128xi32, #tpu.memory_space<vmem>>
      %dma_start3A_365 = tpu.memref_squeeze %dma_start3A_364 : memref<1x128xi32, #tpu.memory_space<vmem>> -> memref<128xi32, #tpu.memory_space<vmem>>
      %dma_start3A_366 = arith.constant 0 : i32
      %dma_start3A_367 = tpu.memref_slice %arg22[%dma_start3A_366] : memref<10240xf32, #tpu.memory_space<vmem_shared>> -> memref<10240xf32, #tpu.memory_space<vmem_shared>>
      tpu.enqueue_indirect_dma source(%arg20 : memref<128xf32, #tpu.memory_space<vmem>>) target(%dma_start3A_367 : memref<10240xf32, #tpu.memory_space<vmem_shared>>) offsets(%dma_start3A_365 : memref<128xi32, #tpu.memory_space<vmem>>) semaphore(%arg34 : memref<!tpu.dma_semaphore, #tpu.memory_space<semaphore_mem>>) {add = true}
      %mul3A_368 = arith.constant 16 : i32
      %mul3A_369 = arith.muli %add3A_313, %mul3A_368 : i32
      %add3A_370 = arith.constant 6 : i32
      %add3A_371 = arith.addi %mul3A_369, %add3A_370 : i32
      %dma_start3A_372 = arith.constant 0 : i32
      %dma_start3A_373 = tpu.memref_slice %arg11[%add3A_371, %dma_start3A_372] : memref<80x128xi32, #tpu.memory_space<vmem>> -> memref<1x128xi32, #tpu.memory_space<vmem>>
      %dma_start3A_374 = tpu.memref_squeeze %dma_start3A_373 : memref<1x128xi32, #tpu.memory_space<vmem>> -> memref<128xi32, #tpu.memory_space<vmem>>
      %dma_start3A_375 = arith.constant 0 : i32
      %dma_start3A_376 = tpu.memref_slice %arg22[%dma_start3A_375] : memref<10240xf32, #tpu.memory_space<vmem_shared>> -> memref<10240xf32, #tpu.memory_space<vmem_shared>>
      tpu.enqueue_indirect_dma source(%arg20 : memref<128xf32, #tpu.memory_space<vmem>>) target(%dma_start3A_376 : memref<10240xf32, #tpu.memory_space<vmem_shared>>) offsets(%dma_start3A_374 : memref<128xi32, #tpu.memory_space<vmem>>) semaphore(%arg34 : memref<!tpu.dma_semaphore, #tpu.memory_space<semaphore_mem>>) {add = true}
      %mul3A_377 = arith.constant 16 : i32
      %mul3A_378 = arith.muli %add3A_313, %mul3A_377 : i32
      %add3A_379 = arith.constant 7 : i32
      %add3A_380 = arith.addi %mul3A_378, %add3A_379 : i32
      %dma_start3A_381 = arith.constant 0 : i32
      %dma_start3A_382 = tpu.memref_slice %arg11[%add3A_380, %dma_start3A_381] : memref<80x128xi32, #tpu.memory_space<vmem>> -> memref<1x128xi32, #tpu.memory_space<vmem>>
      %dma_start3A_383 = tpu.memref_squeeze %dma_start3A_382 : memref<1x128xi32, #tpu.memory_space<vmem>> -> memref<128xi32, #tpu.memory_space<vmem>>
      %dma_start3A_384 = arith.constant 0 : i32
      %dma_start3A_385 = tpu.memref_slice %arg22[%dma_start3A_384] : memref<10240xf32, #tpu.memory_space<vmem_shared>> -> memref<10240xf32, #tpu.memory_space<vmem_shared>>
      tpu.enqueue_indirect_dma source(%arg20 : memref<128xf32, #tpu.memory_space<vmem>>) target(%dma_start3A_385 : memref<10240xf32, #tpu.memory_space<vmem_shared>>) offsets(%dma_start3A_383 : memref<128xi32, #tpu.memory_space<vmem>>) semaphore(%arg34 : memref<!tpu.dma_semaphore, #tpu.memory_space<semaphore_mem>>) {add = true}
      %mul3A_386 = arith.constant 16 : i32
      %mul3A_387 = arith.muli %add3A_313, %mul3A_386 : i32
      %add3A_388 = arith.constant 8 : i32
      %add3A_389 = arith.addi %mul3A_387, %add3A_388 : i32
      %dma_start3A_390 = arith.constant 0 : i32
      %dma_start3A_391 = tpu.memref_slice %arg11[%add3A_389, %dma_start3A_390] : memref<80x128xi32, #tpu.memory_space<vmem>> -> memref<1x128xi32, #tpu.memory_space<vmem>>
      %dma_start3A_392 = tpu.memref_squeeze %dma_start3A_391 : memref<1x128xi32, #tpu.memory_space<vmem>> -> memref<128xi32, #tpu.memory_space<vmem>>
      %dma_start3A_393 = arith.constant 0 : i32
      %dma_start3A_394 = tpu.memref_slice %arg22[%dma_start3A_393] : memref<10240xf32, #tpu.memory_space<vmem_shared>> -> memref<10240xf32, #tpu.memory_space<vmem_shared>>
      tpu.enqueue_indirect_dma source(%arg20 : memref<128xf32, #tpu.memory_space<vmem>>) target(%dma_start3A_394 : memref<10240xf32, #tpu.memory_space<vmem_shared>>) offsets(%dma_start3A_392 : memref<128xi32, #tpu.memory_space<vmem>>) semaphore(%arg34 : memref<!tpu.dma_semaphore, #tpu.memory_space<semaphore_mem>>) {add = true}
      %mul3A_395 = arith.constant 16 : i32
      %mul3A_396 = arith.muli %add3A_313, %mul3A_395 : i32
      %add3A_397 = arith.constant 9 : i32
      %add3A_398 = arith.addi %mul3A_396, %add3A_397 : i32
      %dma_start3A_399 = arith.constant 0 : i32
      %dma_start3A_400 = tpu.memref_slice %arg11[%add3A_398, %dma_start3A_399] : memref<80x128xi32, #tpu.memory_space<vmem>> -> memref<1x128xi32, #tpu.memory_space<vmem>>
      %dma_start3A_401 = tpu.memref_squeeze %dma_start3A_400 : memref<1x128xi32, #tpu.memory_space<vmem>> -> memref<128xi32, #tpu.memory_space<vmem>>
      %dma_start3A_402 = arith.constant 0 : i32
      %dma_start3A_403 = tpu.memref_slice %arg22[%dma_start3A_402] : memref<10240xf32, #tpu.memory_space<vmem_shared>> -> memref<10240xf32, #tpu.memory_space<vmem_shared>>
      tpu.enqueue_indirect_dma source(%arg20 : memref<128xf32, #tpu.memory_space<vmem>>) target(%dma_start3A_403 : memref<10240xf32, #tpu.memory_space<vmem_shared>>) offsets(%dma_start3A_401 : memref<128xi32, #tpu.memory_space<vmem>>) semaphore(%arg34 : memref<!tpu.dma_semaphore, #tpu.memory_space<semaphore_mem>>) {add = true}
      %mul3A_404 = arith.constant 16 : i32
      %mul3A_405 = arith.muli %add3A_313, %mul3A_404 : i32
      %add3A_406 = arith.constant 10 : i32
      %add3A_407 = arith.addi %mul3A_405, %add3A_406 : i32
      %dma_start3A_408 = arith.constant 0 : i32
      %dma_start3A_409 = tpu.memref_slice %arg11[%add3A_407, %dma_start3A_408] : memref<80x128xi32, #tpu.memory_space<vmem>> -> memref<1x128xi32, #tpu.memory_space<vmem>>
      %dma_start3A_410 = tpu.memref_squeeze %dma_start3A_409 : memref<1x128xi32, #tpu.memory_space<vmem>> -> memref<128xi32, #tpu.memory_space<vmem>>
      %dma_start3A_411 = arith.constant 0 : i32
      %dma_start3A_412 = tpu.memref_slice %arg22[%dma_start3A_411] : memref<10240xf32, #tpu.memory_space<vmem_shared>> -> memref<10240xf32, #tpu.memory_space<vmem_shared>>
      tpu.enqueue_indirect_dma source(%arg20 : memref<128xf32, #tpu.memory_space<vmem>>) target(%dma_start3A_412 : memref<10240xf32, #tpu.memory_space<vmem_shared>>) offsets(%dma_start3A_410 : memref<128xi32, #tpu.memory_space<vmem>>) semaphore(%arg34 : memref<!tpu.dma_semaphore, #tpu.memory_space<semaphore_mem>>) {add = true}
      %mul3A_413 = arith.constant 16 : i32
      %mul3A_414 = arith.muli %add3A_313, %mul3A_413 : i32
      %add3A_415 = arith.constant 11 : i32
      %add3A_416 = arith.addi %mul3A_414, %add3A_415 : i32
      %dma_start3A_417 = arith.constant 0 : i32
      %dma_start3A_418 = tpu.memref_slice %arg11[%add3A_416, %dma_start3A_417] : memref<80x128xi32, #tpu.memory_space<vmem>> -> memref<1x128xi32, #tpu.memory_space<vmem>>
      %dma_start3A_419 = tpu.memref_squeeze %dma_start3A_418 : memref<1x128xi32, #tpu.memory_space<vmem>> -> memref<128xi32, #tpu.memory_space<vmem>>
      %dma_start3A_420 = arith.constant 0 : i32
      %dma_start3A_421 = tpu.memref_slice %arg22[%dma_start3A_420] : memref<10240xf32, #tpu.memory_space<vmem_shared>> -> memref<10240xf32, #tpu.memory_space<vmem_shared>>
      tpu.enqueue_indirect_dma source(%arg20 : memref<128xf32, #tpu.memory_space<vmem>>) target(%dma_start3A_421 : memref<10240xf32, #tpu.memory_space<vmem_shared>>) offsets(%dma_start3A_419 : memref<128xi32, #tpu.memory_space<vmem>>) semaphore(%arg34 : memref<!tpu.dma_semaphore, #tpu.memory_space<semaphore_mem>>) {add = true}
      %mul3A_422 = arith.constant 16 : i32
      %mul3A_423 = arith.muli %add3A_313, %mul3A_422 : i32
      %add3A_424 = arith.constant 12 : i32
      %add3A_425 = arith.addi %mul3A_423, %add3A_424 : i32
      %dma_start3A_426 = arith.constant 0 : i32
      %dma_start3A_427 = tpu.memref_slice %arg11[%add3A_425, %dma_start3A_426] : memref<80x128xi32, #tpu.memory_space<vmem>> -> memref<1x128xi32, #tpu.memory_space<vmem>>
      %dma_start3A_428 = tpu.memref_squeeze %dma_start3A_427 : memref<1x128xi32, #tpu.memory_space<vmem>> -> memref<128xi32, #tpu.memory_space<vmem>>
      %dma_start3A_429 = arith.constant 0 : i32
      %dma_start3A_430 = tpu.memref_slice %arg22[%dma_start3A_429] : memref<10240xf32, #tpu.memory_space<vmem_shared>> -> memref<10240xf32, #tpu.memory_space<vmem_shared>>
      tpu.enqueue_indirect_dma source(%arg20 : memref<128xf32, #tpu.memory_space<vmem>>) target(%dma_start3A_430 : memref<10240xf32, #tpu.memory_space<vmem_shared>>) offsets(%dma_start3A_428 : memref<128xi32, #tpu.memory_space<vmem>>) semaphore(%arg34 : memref<!tpu.dma_semaphore, #tpu.memory_space<semaphore_mem>>) {add = true}
      %mul3A_431 = arith.constant 16 : i32
      %mul3A_432 = arith.muli %add3A_313, %mul3A_431 : i32
      %add3A_433 = arith.constant 13 : i32
      %add3A_434 = arith.addi %mul3A_432, %add3A_433 : i32
      %dma_start3A_435 = arith.constant 0 : i32
      %dma_start3A_436 = tpu.memref_slice %arg11[%add3A_434, %dma_start3A_435] : memref<80x128xi32, #tpu.memory_space<vmem>> -> memref<1x128xi32, #tpu.memory_space<vmem>>
      %dma_start3A_437 = tpu.memref_squeeze %dma_start3A_436 : memref<1x128xi32, #tpu.memory_space<vmem>> -> memref<128xi32, #tpu.memory_space<vmem>>
      %dma_start3A_438 = arith.constant 0 : i32
      %dma_start3A_439 = tpu.memref_slice %arg22[%dma_start3A_438] : memref<10240xf32, #tpu.memory_space<vmem_shared>> -> memref<10240xf32, #tpu.memory_space<vmem_shared>>
      tpu.enqueue_indirect_dma source(%arg20 : memref<128xf32, #tpu.memory_space<vmem>>) target(%dma_start3A_439 : memref<10240xf32, #tpu.memory_space<vmem_shared>>) offsets(%dma_start3A_437 : memref<128xi32, #tpu.memory_space<vmem>>) semaphore(%arg34 : memref<!tpu.dma_semaphore, #tpu.memory_space<semaphore_mem>>) {add = true}
      %mul3A_440 = arith.constant 16 : i32
      %mul3A_441 = arith.muli %add3A_313, %mul3A_440 : i32
      %add3A_442 = arith.constant 14 : i32
      %add3A_443 = arith.addi %mul3A_441, %add3A_442 : i32
      %dma_start3A_444 = arith.constant 0 : i32
      %dma_start3A_445 = tpu.memref_slice %arg11[%add3A_443, %dma_start3A_444] : memref<80x128xi32, #tpu.memory_space<vmem>> -> memref<1x128xi32, #tpu.memory_space<vmem>>
      %dma_start3A_446 = tpu.memref_squeeze %dma_start3A_445 : memref<1x128xi32, #tpu.memory_space<vmem>> -> memref<128xi32, #tpu.memory_space<vmem>>
      %dma_start3A_447 = arith.constant 0 : i32
      %dma_start3A_448 = tpu.memref_slice %arg22[%dma_start3A_447] : memref<10240xf32, #tpu.memory_space<vmem_shared>> -> memref<10240xf32, #tpu.memory_space<vmem_shared>>
      tpu.enqueue_indirect_dma source(%arg20 : memref<128xf32, #tpu.memory_space<vmem>>) target(%dma_start3A_448 : memref<10240xf32, #tpu.memory_space<vmem_shared>>) offsets(%dma_start3A_446 : memref<128xi32, #tpu.memory_space<vmem>>) semaphore(%arg34 : memref<!tpu.dma_semaphore, #tpu.memory_space<semaphore_mem>>) {add = true}
      %mul3A_449 = arith.constant 16 : i32
      %mul3A_450 = arith.muli %add3A_313, %mul3A_449 : i32
      %add3A_451 = arith.constant 15 : i32
      %add3A_452 = arith.addi %mul3A_450, %add3A_451 : i32
      %dma_start3A_453 = arith.constant 0 : i32
      %dma_start3A_454 = tpu.memref_slice %arg11[%add3A_452, %dma_start3A_453] : memref<80x128xi32, #tpu.memory_space<vmem>> -> memref<1x128xi32, #tpu.memory_space<vmem>>
      %dma_start3A_455 = tpu.memref_squeeze %dma_start3A_454 : memref<1x128xi32, #tpu.memory_space<vmem>> -> memref<128xi32, #tpu.memory_space<vmem>>
      %dma_start3A_456 = arith.constant 0 : i32
      %dma_start3A_457 = tpu.memref_slice %arg22[%dma_start3A_456] : memref<10240xf32, #tpu.memory_space<vmem_shared>> -> memref<10240xf32, #tpu.memory_space<vmem_shared>>
      tpu.enqueue_indirect_dma source(%arg20 : memref<128xf32, #tpu.memory_space<vmem>>) target(%dma_start3A_457 : memref<10240xf32, #tpu.memory_space<vmem_shared>>) offsets(%dma_start3A_455 : memref<128xi32, #tpu.memory_space<vmem>>) semaphore(%arg34 : memref<!tpu.dma_semaphore, #tpu.memory_space<semaphore_mem>>) {add = true}
      %dma_wait3A_458 = arith.constant 0 : i32
      %dma_wait3A_459 = tpu.memref_slice %arg11[%add3A_317, %dma_wait3A_458] : memref<80x128xi32, #tpu.memory_space<vmem>> -> memref<1x128xi32, #tpu.memory_space<vmem>>
      %dma_wait3A_460 = tpu.memref_squeeze %dma_wait3A_459 : memref<1x128xi32, #tpu.memory_space<vmem>> -> memref<128xi32, #tpu.memory_space<vmem>>
      %dma_wait3A_461 = arith.constant 0 : i32
      %dma_wait3A_462 = tpu.memref_slice %arg22[%dma_wait3A_461] : memref<10240xf32, #tpu.memory_space<vmem_shared>> -> memref<10240xf32, #tpu.memory_space<vmem_shared>>
      tpu.wait_indirect_dma semaphore(%arg34 : memref<!tpu.dma_semaphore, #tpu.memory_space<semaphore_mem>>) src(%arg20 : memref<128xf32, #tpu.memory_space<vmem>>) dst(%dma_wait3A_462 : memref<10240xf32, #tpu.memory_space<vmem_shared>>)
      %dma_wait3A_463 = arith.constant 0 : i32
      %dma_wait3A_464 = tpu.memref_slice %arg11[%add3A_326, %dma_wait3A_463] : memref<80x128xi32, #tpu.memory_space<vmem>> -> memref<1x128xi32, #tpu.memory_space<vmem>>
      %dma_wait3A_465 = tpu.memref_squeeze %dma_wait3A_464 : memref<1x128xi32, #tpu.memory_space<vmem>> -> memref<128xi32, #tpu.memory_space<vmem>>
      %dma_wait3A_466 = arith.constant 0 : i32
      %dma_wait3A_467 = tpu.memref_slice %arg22[%dma_wait3A_466] : memref<10240xf32, #tpu.memory_space<vmem_shared>> -> memref<10240xf32, #tpu.memory_space<vmem_shared>>
      tpu.wait_indirect_dma semaphore(%arg34 : memref<!tpu.dma_semaphore, #tpu.memory_space<semaphore_mem>>) src(%arg20 : memref<128xf32, #tpu.memory_space<vmem>>) dst(%dma_wait3A_467 : memref<10240xf32, #tpu.memory_space<vmem_shared>>)
      %dma_wait3A_468 = arith.constant 0 : i32
      %dma_wait3A_469 = tpu.memref_slice %arg11[%add3A_335, %dma_wait3A_468] : memref<80x128xi32, #tpu.memory_space<vmem>> -> memref<1x128xi32, #tpu.memory_space<vmem>>
      %dma_wait3A_470 = tpu.memref_squeeze %dma_wait3A_469 : memref<1x128xi32, #tpu.memory_space<vmem>> -> memref<128xi32, #tpu.memory_space<vmem>>
      %dma_wait3A_471 = arith.constant 0 : i32
      %dma_wait3A_472 = tpu.memref_slice %arg22[%dma_wait3A_471] : memref<10240xf32, #tpu.memory_space<vmem_shared>> -> memref<10240xf32, #tpu.memory_space<vmem_shared>>
      tpu.wait_indirect_dma semaphore(%arg34 : memref<!tpu.dma_semaphore, #tpu.memory_space<semaphore_mem>>) src(%arg20 : memref<128xf32, #tpu.memory_space<vmem>>) dst(%dma_wait3A_472 : memref<10240xf32, #tpu.memory_space<vmem_shared>>)
      %dma_wait3A_473 = arith.constant 0 : i32
      %dma_wait3A_474 = tpu.memref_slice %arg11[%add3A_344, %dma_wait3A_473] : memref<80x128xi32, #tpu.memory_space<vmem>> -> memref<1x128xi32, #tpu.memory_space<vmem>>
      %dma_wait3A_475 = tpu.memref_squeeze %dma_wait3A_474 : memref<1x128xi32, #tpu.memory_space<vmem>> -> memref<128xi32, #tpu.memory_space<vmem>>
      %dma_wait3A_476 = arith.constant 0 : i32
      %dma_wait3A_477 = tpu.memref_slice %arg22[%dma_wait3A_476] : memref<10240xf32, #tpu.memory_space<vmem_shared>> -> memref<10240xf32, #tpu.memory_space<vmem_shared>>
      tpu.wait_indirect_dma semaphore(%arg34 : memref<!tpu.dma_semaphore, #tpu.memory_space<semaphore_mem>>) src(%arg20 : memref<128xf32, #tpu.memory_space<vmem>>) dst(%dma_wait3A_477 : memref<10240xf32, #tpu.memory_space<vmem_shared>>)
      %dma_wait3A_478 = arith.constant 0 : i32
      %dma_wait3A_479 = tpu.memref_slice %arg11[%add3A_353, %dma_wait3A_478] : memref<80x128xi32, #tpu.memory_space<vmem>> -> memref<1x128xi32, #tpu.memory_space<vmem>>
      %dma_wait3A_480 = tpu.memref_squeeze %dma_wait3A_479 : memref<1x128xi32, #tpu.memory_space<vmem>> -> memref<128xi32, #tpu.memory_space<vmem>>
      %dma_wait3A_481 = arith.constant 0 : i32
      %dma_wait3A_482 = tpu.memref_slice %arg22[%dma_wait3A_481] : memref<10240xf32, #tpu.memory_space<vmem_shared>> -> memref<10240xf32, #tpu.memory_space<vmem_shared>>
      tpu.wait_indirect_dma semaphore(%arg34 : memref<!tpu.dma_semaphore, #tpu.memory_space<semaphore_mem>>) src(%arg20 : memref<128xf32, #tpu.memory_space<vmem>>) dst(%dma_wait3A_482 : memref<10240xf32, #tpu.memory_space<vmem_shared>>)
      %dma_wait3A_483 = arith.constant 0 : i32
      %dma_wait3A_484 = tpu.memref_slice %arg11[%add3A_362, %dma_wait3A_483] : memref<80x128xi32, #tpu.memory_space<vmem>> -> memref<1x128xi32, #tpu.memory_space<vmem>>
      %dma_wait3A_485 = tpu.memref_squeeze %dma_wait3A_484 : memref<1x128xi32, #tpu.memory_space<vmem>> -> memref<128xi32, #tpu.memory_space<vmem>>
      %dma_wait3A_486 = arith.constant 0 : i32
      %dma_wait3A_487 = tpu.memref_slice %arg22[%dma_wait3A_486] : memref<10240xf32, #tpu.memory_space<vmem_shared>> -> memref<10240xf32, #tpu.memory_space<vmem_shared>>
      tpu.wait_indirect_dma semaphore(%arg34 : memref<!tpu.dma_semaphore, #tpu.memory_space<semaphore_mem>>) src(%arg20 : memref<128xf32, #tpu.memory_space<vmem>>) dst(%dma_wait3A_487 : memref<10240xf32, #tpu.memory_space<vmem_shared>>)
      %dma_wait3A_488 = arith.constant 0 : i32
      %dma_wait3A_489 = tpu.memref_slice %arg11[%add3A_371, %dma_wait3A_488] : memref<80x128xi32, #tpu.memory_space<vmem>> -> memref<1x128xi32, #tpu.memory_space<vmem>>
      %dma_wait3A_490 = tpu.memref_squeeze %dma_wait3A_489 : memref<1x128xi32, #tpu.memory_space<vmem>> -> memref<128xi32, #tpu.memory_space<vmem>>
      %dma_wait3A_491 = arith.constant 0 : i32
      %dma_wait3A_492 = tpu.memref_slice %arg22[%dma_wait3A_491] : memref<10240xf32, #tpu.memory_space<vmem_shared>> -> memref<10240xf32, #tpu.memory_space<vmem_shared>>
      tpu.wait_indirect_dma semaphore(%arg34 : memref<!tpu.dma_semaphore, #tpu.memory_space<semaphore_mem>>) src(%arg20 : memref<128xf32, #tpu.memory_space<vmem>>) dst(%dma_wait3A_492 : memref<10240xf32, #tpu.memory_space<vmem_shared>>)
      %dma_wait3A_493 = arith.constant 0 : i32
      %dma_wait3A_494 = tpu.memref_slice %arg11[%add3A_380, %dma_wait3A_493] : memref<80x128xi32, #tpu.memory_space<vmem>> -> memref<1x128xi32, #tpu.memory_space<vmem>>
      %dma_wait3A_495 = tpu.memref_squeeze %dma_wait3A_494 : memref<1x128xi32, #tpu.memory_space<vmem>> -> memref<128xi32, #tpu.memory_space<vmem>>
      %dma_wait3A_496 = arith.constant 0 : i32
      %dma_wait3A_497 = tpu.memref_slice %arg22[%dma_wait3A_496] : memref<10240xf32, #tpu.memory_space<vmem_shared>> -> memref<10240xf32, #tpu.memory_space<vmem_shared>>
      tpu.wait_indirect_dma semaphore(%arg34 : memref<!tpu.dma_semaphore, #tpu.memory_space<semaphore_mem>>) src(%arg20 : memref<128xf32, #tpu.memory_space<vmem>>) dst(%dma_wait3A_497 : memref<10240xf32, #tpu.memory_space<vmem_shared>>)
      %dma_wait3A_498 = arith.constant 0 : i32
      %dma_wait3A_499 = tpu.memref_slice %arg11[%add3A_389, %dma_wait3A_498] : memref<80x128xi32, #tpu.memory_space<vmem>> -> memref<1x128xi32, #tpu.memory_space<vmem>>
      %dma_wait3A_500 = tpu.memref_squeeze %dma_wait3A_499 : memref<1x128xi32, #tpu.memory_space<vmem>> -> memref<128xi32, #tpu.memory_space<vmem>>
      %dma_wait3A_501 = arith.constant 0 : i32
      %dma_wait3A_502 = tpu.memref_slice %arg22[%dma_wait3A_501] : memref<10240xf32, #tpu.memory_space<vmem_shared>> -> memref<10240xf32, #tpu.memory_space<vmem_shared>>
      tpu.wait_indirect_dma semaphore(%arg34 : memref<!tpu.dma_semaphore, #tpu.memory_space<semaphore_mem>>) src(%arg20 : memref<128xf32, #tpu.memory_space<vmem>>) dst(%dma_wait3A_502 : memref<10240xf32, #tpu.memory_space<vmem_shared>>)
      %dma_wait3A_503 = arith.constant 0 : i32
      %dma_wait3A_504 = tpu.memref_slice %arg11[%add3A_398, %dma_wait3A_503] : memref<80x128xi32, #tpu.memory_space<vmem>> -> memref<1x128xi32, #tpu.memory_space<vmem>>
      %dma_wait3A_505 = tpu.memref_squeeze %dma_wait3A_504 : memref<1x128xi32, #tpu.memory_space<vmem>> -> memref<128xi32, #tpu.memory_space<vmem>>
      %dma_wait3A_506 = arith.constant 0 : i32
      %dma_wait3A_507 = tpu.memref_slice %arg22[%dma_wait3A_506] : memref<10240xf32, #tpu.memory_space<vmem_shared>> -> memref<10240xf32, #tpu.memory_space<vmem_shared>>
      tpu.wait_indirect_dma semaphore(%arg34 : memref<!tpu.dma_semaphore, #tpu.memory_space<semaphore_mem>>) src(%arg20 : memref<128xf32, #tpu.memory_space<vmem>>) dst(%dma_wait3A_507 : memref<10240xf32, #tpu.memory_space<vmem_shared>>)
      %dma_wait3A_508 = arith.constant 0 : i32
      %dma_wait3A_509 = tpu.memref_slice %arg11[%add3A_407, %dma_wait3A_508] : memref<80x128xi32, #tpu.memory_space<vmem>> -> memref<1x128xi32, #tpu.memory_space<vmem>>
      %dma_wait3A_510 = tpu.memref_squeeze %dma_wait3A_509 : memref<1x128xi32, #tpu.memory_space<vmem>> -> memref<128xi32, #tpu.memory_space<vmem>>
      %dma_wait3A_511 = arith.constant 0 : i32
      %dma_wait3A_512 = tpu.memref_slice %arg22[%dma_wait3A_511] : memref<10240xf32, #tpu.memory_space<vmem_shared>> -> memref<10240xf32, #tpu.memory_space<vmem_shared>>
      tpu.wait_indirect_dma semaphore(%arg34 : memref<!tpu.dma_semaphore, #tpu.memory_space<semaphore_mem>>) src(%arg20 : memref<128xf32, #tpu.memory_space<vmem>>) dst(%dma_wait3A_512 : memref<10240xf32, #tpu.memory_space<vmem_shared>>)
      %dma_wait3A_513 = arith.constant 0 : i32
      %dma_wait3A_514 = tpu.memref_slice %arg11[%add3A_416, %dma_wait3A_513] : memref<80x128xi32, #tpu.memory_space<vmem>> -> memref<1x128xi32, #tpu.memory_space<vmem>>
      %dma_wait3A_515 = tpu.memref_squeeze %dma_wait3A_514 : memref<1x128xi32, #tpu.memory_space<vmem>> -> memref<128xi32, #tpu.memory_space<vmem>>
      %dma_wait3A_516 = arith.constant 0 : i32
      %dma_wait3A_517 = tpu.memref_slice %arg22[%dma_wait3A_516] : memref<10240xf32, #tpu.memory_space<vmem_shared>> -> memref<10240xf32, #tpu.memory_space<vmem_shared>>
      tpu.wait_indirect_dma semaphore(%arg34 : memref<!tpu.dma_semaphore, #tpu.memory_space<semaphore_mem>>) src(%arg20 : memref<128xf32, #tpu.memory_space<vmem>>) dst(%dma_wait3A_517 : memref<10240xf32, #tpu.memory_space<vmem_shared>>)
      %dma_wait3A_518 = arith.constant 0 : i32
      %dma_wait3A_519 = tpu.memref_slice %arg11[%add3A_425, %dma_wait3A_518] : memref<80x128xi32, #tpu.memory_space<vmem>> -> memref<1x128xi32, #tpu.memory_space<vmem>>
      %dma_wait3A_520 = tpu.memref_squeeze %dma_wait3A_519 : memref<1x128xi32, #tpu.memory_space<vmem>> -> memref<128xi32, #tpu.memory_space<vmem>>
      %dma_wait3A_521 = arith.constant 0 : i32
      %dma_wait3A_522 = tpu.memref_slice %arg22[%dma_wait3A_521] : memref<10240xf32, #tpu.memory_space<vmem_shared>> -> memref<10240xf32, #tpu.memory_space<vmem_shared>>
      tpu.wait_indirect_dma semaphore(%arg34 : memref<!tpu.dma_semaphore, #tpu.memory_space<semaphore_mem>>) src(%arg20 : memref<128xf32, #tpu.memory_space<vmem>>) dst(%dma_wait3A_522 : memref<10240xf32, #tpu.memory_space<vmem_shared>>)
      %dma_wait3A_523 = arith.constant 0 : i32
      %dma_wait3A_524 = tpu.memref_slice %arg11[%add3A_434, %dma_wait3A_523] : memref<80x128xi32, #tpu.memory_space<vmem>> -> memref<1x128xi32, #tpu.memory_space<vmem>>
      %dma_wait3A_525 = tpu.memref_squeeze %dma_wait3A_524 : memref<1x128xi32, #tpu.memory_space<vmem>> -> memref<128xi32, #tpu.memory_space<vmem>>
      %dma_wait3A_526 = arith.constant 0 : i32
      %dma_wait3A_527 = tpu.memref_slice %arg22[%dma_wait3A_526] : memref<10240xf32, #tpu.memory_space<vmem_shared>> -> memref<10240xf32, #tpu.memory_space<vmem_shared>>
      tpu.wait_indirect_dma semaphore(%arg34 : memref<!tpu.dma_semaphore, #tpu.memory_space<semaphore_mem>>) src(%arg20 : memref<128xf32, #tpu.memory_space<vmem>>) dst(%dma_wait3A_527 : memref<10240xf32, #tpu.memory_space<vmem_shared>>)
      %dma_wait3A_528 = arith.constant 0 : i32
      %dma_wait3A_529 = tpu.memref_slice %arg11[%add3A_443, %dma_wait3A_528] : memref<80x128xi32, #tpu.memory_space<vmem>> -> memref<1x128xi32, #tpu.memory_space<vmem>>
      %dma_wait3A_530 = tpu.memref_squeeze %dma_wait3A_529 : memref<1x128xi32, #tpu.memory_space<vmem>> -> memref<128xi32, #tpu.memory_space<vmem>>
      %dma_wait3A_531 = arith.constant 0 : i32
      %dma_wait3A_532 = tpu.memref_slice %arg22[%dma_wait3A_531] : memref<10240xf32, #tpu.memory_space<vmem_shared>> -> memref<10240xf32, #tpu.memory_space<vmem_shared>>
      tpu.wait_indirect_dma semaphore(%arg34 : memref<!tpu.dma_semaphore, #tpu.memory_space<semaphore_mem>>) src(%arg20 : memref<128xf32, #tpu.memory_space<vmem>>) dst(%dma_wait3A_532 : memref<10240xf32, #tpu.memory_space<vmem_shared>>)
      %dma_wait3A_533 = arith.constant 0 : i32
      %dma_wait3A_534 = tpu.memref_slice %arg11[%add3A_452, %dma_wait3A_533] : memref<80x128xi32, #tpu.memory_space<vmem>> -> memref<1x128xi32, #tpu.memory_space<vmem>>
      %dma_wait3A_535 = tpu.memref_squeeze %dma_wait3A_534 : memref<1x128xi32, #tpu.memory_space<vmem>> -> memref<128xi32, #tpu.memory_space<vmem>>
      %dma_wait3A_536 = arith.constant 0 : i32
      %dma_wait3A_537 = tpu.memref_slice %arg22[%dma_wait3A_536] : memref<10240xf32, #tpu.memory_space<vmem_shared>> -> memref<10240xf32, #tpu.memory_space<vmem_shared>>
      tpu.wait_indirect_dma semaphore(%arg34 : memref<!tpu.dma_semaphore, #tpu.memory_space<semaphore_mem>>) src(%arg20 : memref<128xf32, #tpu.memory_space<vmem>>) dst(%dma_wait3A_537 : memref<10240xf32, #tpu.memory_space<vmem_shared>>)
    }
    %scan3A_110 = arith.constant 5 : i32
    %barrier3A_111 = arith.constant 0 : index
    tpu.barrier barrier_id(%barrier3A_111)
    %mul3A_112 = arith.constant 640 : i32
    %mul3A_113 = arith.muli %arg1, %mul3A_112 : i32
    "tpu.region"() ({
      %run_scoped3A = tpu.sem_alloc : memref<!tpu.dma_semaphore, #tpu.memory_space<semaphore_mem>>
      %dma_start3A_309 = tpu.memref_slice %arg22[%mul3A_113] : memref<10240xf32, #tpu.memory_space<vmem_shared>> -> memref<640xf32, #tpu.memory_space<vmem_shared>>
      %dma_start3A_310 = tpu.memref_slice %arg22[%mul3A_113] : memref<10240xf32, #tpu.memory_space<vmem_shared>> -> memref<640xf32, #tpu.memory_space<vmem_shared>>
      tpu.enqueue_dma source(%dma_start3A_310 : memref<640xf32, #tpu.memory_space<vmem_shared>>) target(%arg19 : memref<640xf32, #tpu.memory_space<vmem>>) target_semaphore(%run_scoped3A : memref<!tpu.dma_semaphore, #tpu.memory_space<semaphore_mem>>)
      %dma_wait3A_311 = tpu.memref_slice %arg22[%mul3A_113] : memref<10240xf32, #tpu.memory_space<vmem_shared>> -> memref<640xf32, #tpu.memory_space<vmem_shared>>
      %dma_wait3A_312 = tpu.memref_slice %arg22[%mul3A_113] : memref<10240xf32, #tpu.memory_space<vmem_shared>> -> memref<640xf32, #tpu.memory_space<vmem_shared>>
      tpu.wait_dma2 semaphore(%run_scoped3A : memref<!tpu.dma_semaphore, #tpu.memory_space<semaphore_mem>>) src(%dma_wait3A_312 : memref<640xf32, #tpu.memory_space<vmem_shared>>) dst(%arg19 : memref<640xf32, #tpu.memory_space<vmem>>)
      tpu.yield
    }) : () -> ()
    %scan3A_114 = arith.constant 0 : i32
    %scan3A_115 = arith.constant 40 : i32
    %scan3A_116 = arith.addi %scan3A_114, %scan3A_115 : i32
    %scan3A_117 = arith.constant 1 : i32
    scf.for %scan3A_309 = %scan3A_114 to %scan3A_116 step %scan3A_117  : i32 {
      %mul3A_310 = arith.constant 1 : i32
      %mul3A_311 = arith.muli %scan3A_309, %mul3A_310 : i32
      %add3A_312 = arith.constant 0 : i32
      %add3A_313 = arith.addi %add3A_312, %mul3A_311 : i32
      %mul3A_314 = arith.constant 16 : i32
      %mul3A_315 = arith.muli %add3A_313, %mul3A_314 : i32
      %get3A = arith.index_cast %mul3A_315 : i32 to index
      %get3A_316 = tpu.vector_load %arg19[%get3A] {strides = array<i32>} : memref<640xf32, #tpu.memory_space<vmem>>, vector<16xf32>,
      %max3A = arith.constant 1.000000e+00 : f32
      %max3A_317 = vector.broadcast %max3A : f32 to vector<16xf32>
      %max3A_318 = arith.maximumf %get3A_316, %max3A_317 : vector<16xf32>
      %bitcast_convert_type3A = tpu.bitcast %max3A_318 : vector<16xf32> -> vector<16xi32>
      %shift_right_arithmetic3A = arith.constant 1 : i32
      %shift_right_arithmetic3A_319 = vector.broadcast %shift_right_arithmetic3A : i32 to vector<16xi32>
      %shift_right_arithmetic3A_320 = arith.shrsi %bitcast_convert_type3A, %shift_right_arithmetic3A_319 : vector<16xi32>
      %sub3A = arith.constant 1597463007 : i32
      %sub3A_321 = vector.broadcast %sub3A : i32 to vector<16xi32>
      %sub3A_322 = arith.subi %sub3A_321, %shift_right_arithmetic3A_320 : vector<16xi32>
      %bitcast_convert_type3A_323 = tpu.bitcast %sub3A_322 : vector<16xi32> -> vector<16xf32>
      %mul3A_324 = arith.constant 5.000000e-01 : f32
      %mul3A_325 = vector.broadcast %mul3A_324 : f32 to vector<16xf32>
      %mul3A_326 = arith.mulf %mul3A_325, %max3A_318 : vector<16xf32>
      %mul3A_327 = arith.mulf %mul3A_326, %bitcast_convert_type3A_323 : vector<16xf32>
      %mul3A_328 = arith.mulf %mul3A_327, %bitcast_convert_type3A_323 : vector<16xf32>
      %sub3A_329 = arith.constant 1.500000e+00 : f32
      %sub3A_330 = vector.broadcast %sub3A_329 : f32 to vector<16xf32>
      %sub3A_331 = arith.subf %sub3A_330, %mul3A_328 : vector<16xf32>
      %mul3A_332 = arith.mulf %bitcast_convert_type3A_323, %sub3A_331 : vector<16xf32>
      %mul3A_333 = arith.constant 5.000000e-01 : f32
      %mul3A_334 = vector.broadcast %mul3A_333 : f32 to vector<16xf32>
      %mul3A_335 = arith.mulf %mul3A_334, %max3A_318 : vector<16xf32>
      %mul3A_336 = arith.mulf %mul3A_335, %mul3A_332 : vector<16xf32>
      %mul3A_337 = arith.mulf %mul3A_336, %mul3A_332 : vector<16xf32>
      %sub3A_338 = arith.constant 1.500000e+00 : f32
      %sub3A_339 = vector.broadcast %sub3A_338 : f32 to vector<16xf32>
      %sub3A_340 = arith.subf %sub3A_339, %mul3A_337 : vector<16xf32>
      %mul3A_341 = arith.mulf %mul3A_332, %sub3A_340 : vector<16xf32>
      %mul3A_342 = arith.constant 5.000000e-01 : f32
      %mul3A_343 = vector.broadcast %mul3A_342 : f32 to vector<16xf32>
      %mul3A_344 = arith.mulf %mul3A_343, %max3A_318 : vector<16xf32>
      %mul3A_345 = arith.mulf %mul3A_344, %mul3A_341 : vector<16xf32>
      %mul3A_346 = arith.mulf %mul3A_345, %mul3A_341 : vector<16xf32>
      %sub3A_347 = arith.constant 1.500000e+00 : f32
      %sub3A_348 = vector.broadcast %sub3A_347 : f32 to vector<16xf32>
      %sub3A_349 = arith.subf %sub3A_348, %mul3A_346 : vector<16xf32>
      %mul3A_350 = arith.mulf %mul3A_341, %sub3A_349 : vector<16xf32>
      %mul3A_351 = arith.constant 16 : i32
      %mul3A_352 = arith.muli %add3A_313, %mul3A_351 : i32
      %swap3A = arith.index_cast %mul3A_352 : i32 to index
      %swap3A_353 = tpu.vector_load %arg19[%swap3A] {strides = array<i32>} : memref<640xf32, #tpu.memory_space<vmem>>, vector<16xf32>,
      tpu.vector_store %arg19[%swap3A], %mul3A_350 {strides = array<i32>} : memref<640xf32, #tpu.memory_space<vmem>>, vector<16xf32>,
    }
    %scan3A_118 = arith.constant 40 : i32
    %dma_wait3A_119 = arith.constant 0 : i32
    %dma_wait3A_120 = arith.constant 0 : i32
    %dma_wait3A_121 = tpu.memref_slice %arg14[%dma_wait3A_119, %dma_wait3A_120] : memref<5x128xi32, #tpu.memory_space<vmem>> -> memref<1x128xi32, #tpu.memory_space<vmem>>
    %dma_wait3A_122 = tpu.memref_squeeze %dma_wait3A_121 : memref<1x128xi32, #tpu.memory_space<vmem>> -> memref<128xi32, #tpu.memory_space<vmem>>
    %dma_wait3A_123 = arith.constant 0 : i32
    %dma_wait3A_124 = arith.constant 0 : i32
    %dma_wait3A_125 = tpu.memref_slice %arg2[%dma_wait3A_123, %dma_wait3A_124] : memref<200000x128xf32, #tpu.memory_space<hbm>> -> memref<200000x128xf32, #tpu.memory_space<hbm>>
    tpu.wait_indirect_dma semaphore(%arg25 : memref<!tpu.dma_semaphore, #tpu.memory_space<semaphore_mem>>) src(%dma_wait3A_125 : memref<200000x128xf32, #tpu.memory_space<hbm>>) dst(%arg15 : memref<128x128xf32, #tpu.memory_space<vmem>>)
    %scan3A_126 = arith.constant 0 : i32
    %scan3A_127 = arith.constant 128 : i32
    %scan3A_128 = arith.addi %scan3A_126, %scan3A_127 : i32
    %scan3A_129 = arith.constant 1 : i32
    scf.for %scan3A_309 = %scan3A_126 to %scan3A_128 step %scan3A_129  : i32 {
      %mul3A_310 = arith.constant 1 : i32
      %mul3A_311 = arith.muli %scan3A_309, %mul3A_310 : i32
      %add3A_312 = arith.constant 0 : i32
      %add3A_313 = arith.addi %add3A_312, %mul3A_311 : i32
      %add3A_314 = arith.constant 0 : i32
      %add3A_315 = arith.addi %add3A_314, %add3A_313 : i32
      %broadcast_in_dim3A_316 = vector.broadcast %add3A_315 : i32 to vector<16xi32>
      %gather3A = tpu.vector_load_idx %arg19[%broadcast_in_dim3A_316] : memref<640xf32, #tpu.memory_space<vmem>>[vector<16xi32>], vector<16xf32>,
      %get3A = arith.index_cast %add3A_313 : i32 to index
      %get3A_317 = arith.constant 0 : index
      %get3A_318 = tpu.vector_load %arg15[%get3A, %get3A_317] {strides = array<i32>} : memref<128x128xf32, #tpu.memory_space<vmem>>, vector<16xf32>,
      %mul3A_319 = arith.mulf %get3A_318, %gather3A : vector<16xf32>
      %swap3A = arith.index_cast %add3A_313 : i32 to index
      %swap3A_320 = arith.constant 0 : index
      %swap3A_321 = tpu.vector_load %arg15[%swap3A, %swap3A_320] {strides = array<i32>} : memref<128x128xf32, #tpu.memory_space<vmem>>, vector<16xf32>,
      tpu.vector_store %arg15[%swap3A, %swap3A_320], %mul3A_319 {strides = array<i32>} : memref<128x128xf32, #tpu.memory_space<vmem>>, vector<16xf32>,
      %get3A_322 = arith.index_cast %add3A_313 : i32 to index
      %get3A_323 = arith.constant 16 : index
      %get3A_324 = tpu.vector_load %arg15[%get3A_322, %get3A_323] {strides = array<i32>} : memref<128x128xf32, #tpu.memory_space<vmem>>, vector<16xf32>,
      %mul3A_325 = arith.mulf %get3A_324, %gather3A : vector<16xf32>
      %swap3A_326 = arith.index_cast %add3A_313 : i32 to index
      %swap3A_327 = arith.constant 16 : index
      %swap3A_328 = tpu.vector_load %arg15[%swap3A_326, %swap3A_327] {strides = array<i32>} : memref<128x128xf32, #tpu.memory_space<vmem>>, vector<16xf32>,
      tpu.vector_store %arg15[%swap3A_326, %swap3A_327], %mul3A_325 {strides = array<i32>} : memref<128x128xf32, #tpu.memory_space<vmem>>, vector<16xf32>,
      %get3A_329 = arith.index_cast %add3A_313 : i32 to index
      %get3A_330 = arith.constant 32 : index
      %get3A_331 = tpu.vector_load %arg15[%get3A_329, %get3A_330] {strides = array<i32>} : memref<128x128xf32, #tpu.memory_space<vmem>>, vector<16xf32>,
      %mul3A_332 = arith.mulf %get3A_331, %gather3A : vector<16xf32>
      %swap3A_333 = arith.index_cast %add3A_313 : i32 to index
      %swap3A_334 = arith.constant 32 : index
      %swap3A_335 = tpu.vector_load %arg15[%swap3A_333, %swap3A_334] {strides = array<i32>} : memref<128x128xf32, #tpu.memory_space<vmem>>, vector<16xf32>,
      tpu.vector_store %arg15[%swap3A_333, %swap3A_334], %mul3A_332 {strides = array<i32>} : memref<128x128xf32, #tpu.memory_space<vmem>>, vector<16xf32>,
      %get3A_336 = arith.index_cast %add3A_313 : i32 to index
      %get3A_337 = arith.constant 48 : index
      %get3A_338 = tpu.vector_load %arg15[%get3A_336, %get3A_337] {strides = array<i32>} : memref<128x128xf32, #tpu.memory_space<vmem>>, vector<16xf32>,
      %mul3A_339 = arith.mulf %get3A_338, %gather3A : vector<16xf32>
      %swap3A_340 = arith.index_cast %add3A_313 : i32 to index
      %swap3A_341 = arith.constant 48 : index
      %swap3A_342 = tpu.vector_load %arg15[%swap3A_340, %swap3A_341] {strides = array<i32>} : memref<128x128xf32, #tpu.memory_space<vmem>>, vector<16xf32>,
      tpu.vector_store %arg15[%swap3A_340, %swap3A_341], %mul3A_339 {strides = array<i32>} : memref<128x128xf32, #tpu.memory_space<vmem>>, vector<16xf32>,
      %get3A_343 = arith.index_cast %add3A_313 : i32 to index
      %get3A_344 = arith.constant 64 : index
      %get3A_345 = tpu.vector_load %arg15[%get3A_343, %get3A_344] {strides = array<i32>} : memref<128x128xf32, #tpu.memory_space<vmem>>, vector<16xf32>,
      %mul3A_346 = arith.mulf %get3A_345, %gather3A : vector<16xf32>
      %swap3A_347 = arith.index_cast %add3A_313 : i32 to index
      %swap3A_348 = arith.constant 64 : index
      %swap3A_349 = tpu.vector_load %arg15[%swap3A_347, %swap3A_348] {strides = array<i32>} : memref<128x128xf32, #tpu.memory_space<vmem>>, vector<16xf32>,
      tpu.vector_store %arg15[%swap3A_347, %swap3A_348], %mul3A_346 {strides = array<i32>} : memref<128x128xf32, #tpu.memory_space<vmem>>, vector<16xf32>,
      %get3A_350 = arith.index_cast %add3A_313 : i32 to index
      %get3A_351 = arith.constant 80 : index
      %get3A_352 = tpu.vector_load %arg15[%get3A_350, %get3A_351] {strides = array<i32>} : memref<128x128xf32, #tpu.memory_space<vmem>>, vector<16xf32>,
      %mul3A_353 = arith.mulf %get3A_352, %gather3A : vector<16xf32>
      %swap3A_354 = arith.index_cast %add3A_313 : i32 to index
      %swap3A_355 = arith.constant 80 : index
      %swap3A_356 = tpu.vector_load %arg15[%swap3A_354, %swap3A_355] {strides = array<i32>} : memref<128x128xf32, #tpu.memory_space<vmem>>, vector<16xf32>,
      tpu.vector_store %arg15[%swap3A_354, %swap3A_355], %mul3A_353 {strides = array<i32>} : memref<128x128xf32, #tpu.memory_space<vmem>>, vector<16xf32>,
      %get3A_357 = arith.index_cast %add3A_313 : i32 to index
      %get3A_358 = arith.constant 96 : index
      %get3A_359 = tpu.vector_load %arg15[%get3A_357, %get3A_358] {strides = array<i32>} : memref<128x128xf32, #tpu.memory_space<vmem>>, vector<16xf32>,
      %mul3A_360 = arith.mulf %get3A_359, %gather3A : vector<16xf32>
      %swap3A_361 = arith.index_cast %add3A_313 : i32 to index
      %swap3A_362 = arith.constant 96 : index
      %swap3A_363 = tpu.vector_load %arg15[%swap3A_361, %swap3A_362] {strides = array<i32>} : memref<128x128xf32, #tpu.memory_space<vmem>>, vector<16xf32>,
      tpu.vector_store %arg15[%swap3A_361, %swap3A_362], %mul3A_360 {strides = array<i32>} : memref<128x128xf32, #tpu.memory_space<vmem>>, vector<16xf32>,
      %get3A_364 = arith.index_cast %add3A_313 : i32 to index
      %get3A_365 = arith.constant 112 : index
      %get3A_366 = tpu.vector_load %arg15[%get3A_364, %get3A_365] {strides = array<i32>} : memref<128x128xf32, #tpu.memory_space<vmem>>, vector<16xf32>,
      %mul3A_367 = arith.mulf %get3A_366, %gather3A : vector<16xf32>
      %swap3A_368 = arith.index_cast %add3A_313 : i32 to index
      %swap3A_369 = arith.constant 112 : index
      %swap3A_370 = tpu.vector_load %arg15[%swap3A_368, %swap3A_369] {strides = array<i32>} : memref<128x128xf32, #tpu.memory_space<vmem>>, vector<16xf32>,
      tpu.vector_store %arg15[%swap3A_368, %swap3A_369], %mul3A_367 {strides = array<i32>} : memref<128x128xf32, #tpu.memory_space<vmem>>, vector<16xf32>,
    }
    %scan3A_130 = arith.constant 128 : i32
    %mul3A_131 = arith.constant 10240 : i32
    %mul3A_132 = arith.muli %arg0, %mul3A_131 : i32
    %mul3A_133 = arith.constant 640 : i32
    %mul3A_134 = arith.muli %arg1, %mul3A_133 : i32
    %add3A_135 = arith.addi %mul3A_132, %mul3A_134 : i32
    %add3A_136 = arith.constant 0 : i32
    %add3A_137 = arith.addi %add3A_135, %add3A_136 : i32
    %dma_start3A_138 = arith.constant 0 : i32
    %dma_start3A_139 = tpu.memref_slice %arg10[%add3A_137, %dma_start3A_138] : memref<20480x128xf32, #tpu.memory_space<hbm>> -> memref<128x128xf32, #tpu.memory_space<hbm>>
    %dma_start3A_140 = arith.constant 0 : i32
    %dma_start3A_141 = tpu.memref_slice %arg10[%add3A_137, %dma_start3A_140] : memref<20480x128xf32, #tpu.memory_space<hbm>> -> memref<128x128xf32, #tpu.memory_space<hbm>>
    tpu.enqueue_dma source(%arg15 : memref<128x128xf32, #tpu.memory_space<vmem>>) target(%dma_start3A_141 : memref<128x128xf32, #tpu.memory_space<hbm>>) target_semaphore(%arg33 : memref<!tpu.dma_semaphore, #tpu.memory_space<semaphore_mem>>)
    %dma_wait3A_142 = arith.constant 0 : i32
    %dma_wait3A_143 = tpu.memref_slice %arg10[%add3A_137, %dma_wait3A_142] : memref<20480x128xf32, #tpu.memory_space<hbm>> -> memref<128x128xf32, #tpu.memory_space<hbm>>
    %dma_wait3A_144 = arith.constant 0 : i32
    %dma_wait3A_145 = tpu.memref_slice %arg10[%add3A_137, %dma_wait3A_144] : memref<20480x128xf32, #tpu.memory_space<hbm>> -> memref<128x128xf32, #tpu.memory_space<hbm>>
    tpu.wait_dma2 semaphore(%arg33 : memref<!tpu.dma_semaphore, #tpu.memory_space<semaphore_mem>>) src(%arg15 : memref<128x128xf32, #tpu.memory_space<vmem>>) dst(%dma_wait3A_145 : memref<128x128xf32, #tpu.memory_space<hbm>>)
    %dma_start3A_146 = arith.constant 4 : i32
    %dma_start3A_147 = arith.constant 0 : i32
    %dma_start3A_148 = tpu.memref_slice %arg14[%dma_start3A_146, %dma_start3A_147] : memref<5x128xi32, #tpu.memory_space<vmem>> -> memref<1x128xi32, #tpu.memory_space<vmem>>
    %dma_start3A_149 = tpu.memref_squeeze %dma_start3A_148 : memref<1x128xi32, #tpu.memory_space<vmem>> -> memref<128xi32, #tpu.memory_space<vmem>>
    %dma_start3A_150 = arith.constant 0 : i32
    %dma_start3A_151 = arith.constant 0 : i32
    %dma_start3A_152 = tpu.memref_slice %arg2[%dma_start3A_150, %dma_start3A_151] : memref<200000x128xf32, #tpu.memory_space<hbm>> -> memref<200000x128xf32, #tpu.memory_space<hbm>>
    tpu.enqueue_indirect_dma source(%dma_start3A_152 : memref<200000x128xf32, #tpu.memory_space<hbm>>) target(%arg15 : memref<128x128xf32, #tpu.memory_space<vmem>>) offsets(%dma_start3A_149 : memref<128xi32, #tpu.memory_space<vmem>>) semaphore(%arg25 : memref<!tpu.dma_semaphore, #tpu.memory_space<semaphore_mem>>)
    %dma_wait3A_153 = arith.constant 1 : i32
    %dma_wait3A_154 = arith.constant 0 : i32
    %dma_wait3A_155 = tpu.memref_slice %arg14[%dma_wait3A_153, %dma_wait3A_154] : memref<5x128xi32, #tpu.memory_space<vmem>> -> memref<1x128xi32, #tpu.memory_space<vmem>>
    %dma_wait3A_156 = tpu.memref_squeeze %dma_wait3A_155 : memref<1x128xi32, #tpu.memory_space<vmem>> -> memref<128xi32, #tpu.memory_space<vmem>>
    %dma_wait3A_157 = arith.constant 0 : i32
    %dma_wait3A_158 = arith.constant 0 : i32
    %dma_wait3A_159 = tpu.memref_slice %arg2[%dma_wait3A_157, %dma_wait3A_158] : memref<200000x128xf32, #tpu.memory_space<hbm>> -> memref<200000x128xf32, #tpu.memory_space<hbm>>
    tpu.wait_indirect_dma semaphore(%arg26 : memref<!tpu.dma_semaphore, #tpu.memory_space<semaphore_mem>>) src(%dma_wait3A_159 : memref<200000x128xf32, #tpu.memory_space<hbm>>) dst(%arg16 : memref<128x128xf32, #tpu.memory_space<vmem>>)
    %scan3A_160 = arith.constant 0 : i32
    %scan3A_161 = arith.constant 128 : i32
    %scan3A_162 = arith.addi %scan3A_160, %scan3A_161 : i32
    %scan3A_163 = arith.constant 1 : i32
    scf.for %scan3A_309 = %scan3A_160 to %scan3A_162 step %scan3A_163  : i32 {
      %mul3A_310 = arith.constant 1 : i32
      %mul3A_311 = arith.muli %scan3A_309, %mul3A_310 : i32
      %add3A_312 = arith.constant 0 : i32
      %add3A_313 = arith.addi %add3A_312, %mul3A_311 : i32
      %add3A_314 = arith.constant 128 : i32
      %add3A_315 = arith.addi %add3A_314, %add3A_313 : i32
      %broadcast_in_dim3A_316 = vector.broadcast %add3A_315 : i32 to vector<16xi32>
      %gather3A = tpu.vector_load_idx %arg19[%broadcast_in_dim3A_316] : memref<640xf32, #tpu.memory_space<vmem>>[vector<16xi32>], vector<16xf32>,
      %get3A = arith.index_cast %add3A_313 : i32 to index
      %get3A_317 = arith.constant 0 : index
      %get3A_318 = tpu.vector_load %arg16[%get3A, %get3A_317] {strides = array<i32>} : memref<128x128xf32, #tpu.memory_space<vmem>>, vector<16xf32>,
      %mul3A_319 = arith.mulf %get3A_318, %gather3A : vector<16xf32>
      %swap3A = arith.index_cast %add3A_313 : i32 to index
      %swap3A_320 = arith.constant 0 : index
      %swap3A_321 = tpu.vector_load %arg16[%swap3A, %swap3A_320] {strides = array<i32>} : memref<128x128xf32, #tpu.memory_space<vmem>>, vector<16xf32>,
      tpu.vector_store %arg16[%swap3A, %swap3A_320], %mul3A_319 {strides = array<i32>} : memref<128x128xf32, #tpu.memory_space<vmem>>, vector<16xf32>,
      %get3A_322 = arith.index_cast %add3A_313 : i32 to index
      %get3A_323 = arith.constant 16 : index
      %get3A_324 = tpu.vector_load %arg16[%get3A_322, %get3A_323] {strides = array<i32>} : memref<128x128xf32, #tpu.memory_space<vmem>>, vector<16xf32>,
      %mul3A_325 = arith.mulf %get3A_324, %gather3A : vector<16xf32>
      %swap3A_326 = arith.index_cast %add3A_313 : i32 to index
      %swap3A_327 = arith.constant 16 : index
      %swap3A_328 = tpu.vector_load %arg16[%swap3A_326, %swap3A_327] {strides = array<i32>} : memref<128x128xf32, #tpu.memory_space<vmem>>, vector<16xf32>,
      tpu.vector_store %arg16[%swap3A_326, %swap3A_327], %mul3A_325 {strides = array<i32>} : memref<128x128xf32, #tpu.memory_space<vmem>>, vector<16xf32>,
      %get3A_329 = arith.index_cast %add3A_313 : i32 to index
      %get3A_330 = arith.constant 32 : index
      %get3A_331 = tpu.vector_load %arg16[%get3A_329, %get3A_330] {strides = array<i32>} : memref<128x128xf32, #tpu.memory_space<vmem>>, vector<16xf32>,
      %mul3A_332 = arith.mulf %get3A_331, %gather3A : vector<16xf32>
      %swap3A_333 = arith.index_cast %add3A_313 : i32 to index
      %swap3A_334 = arith.constant 32 : index
      %swap3A_335 = tpu.vector_load %arg16[%swap3A_333, %swap3A_334] {strides = array<i32>} : memref<128x128xf32, #tpu.memory_space<vmem>>, vector<16xf32>,
      tpu.vector_store %arg16[%swap3A_333, %swap3A_334], %mul3A_332 {strides = array<i32>} : memref<128x128xf32, #tpu.memory_space<vmem>>, vector<16xf32>,
      %get3A_336 = arith.index_cast %add3A_313 : i32 to index
      %get3A_337 = arith.constant 48 : index
      %get3A_338 = tpu.vector_load %arg16[%get3A_336, %get3A_337] {strides = array<i32>} : memref<128x128xf32, #tpu.memory_space<vmem>>, vector<16xf32>,
      %mul3A_339 = arith.mulf %get3A_338, %gather3A : vector<16xf32>
      %swap3A_340 = arith.index_cast %add3A_313 : i32 to index
      %swap3A_341 = arith.constant 48 : index
      %swap3A_342 = tpu.vector_load %arg16[%swap3A_340, %swap3A_341] {strides = array<i32>} : memref<128x128xf32, #tpu.memory_space<vmem>>, vector<16xf32>,
      tpu.vector_store %arg16[%swap3A_340, %swap3A_341], %mul3A_339 {strides = array<i32>} : memref<128x128xf32, #tpu.memory_space<vmem>>, vector<16xf32>,
      %get3A_343 = arith.index_cast %add3A_313 : i32 to index
      %get3A_344 = arith.constant 64 : index
      %get3A_345 = tpu.vector_load %arg16[%get3A_343, %get3A_344] {strides = array<i32>} : memref<128x128xf32, #tpu.memory_space<vmem>>, vector<16xf32>,
      %mul3A_346 = arith.mulf %get3A_345, %gather3A : vector<16xf32>
      %swap3A_347 = arith.index_cast %add3A_313 : i32 to index
      %swap3A_348 = arith.constant 64 : index
      %swap3A_349 = tpu.vector_load %arg16[%swap3A_347, %swap3A_348] {strides = array<i32>} : memref<128x128xf32, #tpu.memory_space<vmem>>, vector<16xf32>,
      tpu.vector_store %arg16[%swap3A_347, %swap3A_348], %mul3A_346 {strides = array<i32>} : memref<128x128xf32, #tpu.memory_space<vmem>>, vector<16xf32>,
      %get3A_350 = arith.index_cast %add3A_313 : i32 to index
      %get3A_351 = arith.constant 80 : index
      %get3A_352 = tpu.vector_load %arg16[%get3A_350, %get3A_351] {strides = array<i32>} : memref<128x128xf32, #tpu.memory_space<vmem>>, vector<16xf32>,
      %mul3A_353 = arith.mulf %get3A_352, %gather3A : vector<16xf32>
      %swap3A_354 = arith.index_cast %add3A_313 : i32 to index
      %swap3A_355 = arith.constant 80 : index
      %swap3A_356 = tpu.vector_load %arg16[%swap3A_354, %swap3A_355] {strides = array<i32>} : memref<128x128xf32, #tpu.memory_space<vmem>>, vector<16xf32>,
      tpu.vector_store %arg16[%swap3A_354, %swap3A_355], %mul3A_353 {strides = array<i32>} : memref<128x128xf32, #tpu.memory_space<vmem>>, vector<16xf32>,
      %get3A_357 = arith.index_cast %add3A_313 : i32 to index
      %get3A_358 = arith.constant 96 : index
      %get3A_359 = tpu.vector_load %arg16[%get3A_357, %get3A_358] {strides = array<i32>} : memref<128x128xf32, #tpu.memory_space<vmem>>, vector<16xf32>,
      %mul3A_360 = arith.mulf %get3A_359, %gather3A : vector<16xf32>
      %swap3A_361 = arith.index_cast %add3A_313 : i32 to index
      %swap3A_362 = arith.constant 96 : index
      %swap3A_363 = tpu.vector_load %arg16[%swap3A_361, %swap3A_362] {strides = array<i32>} : memref<128x128xf32, #tpu.memory_space<vmem>>, vector<16xf32>,
      tpu.vector_store %arg16[%swap3A_361, %swap3A_362], %mul3A_360 {strides = array<i32>} : memref<128x128xf32, #tpu.memory_space<vmem>>, vector<16xf32>,
      %get3A_364 = arith.index_cast %add3A_313 : i32 to index
      %get3A_365 = arith.constant 112 : index
      %get3A_366 = tpu.vector_load %arg16[%get3A_364, %get3A_365] {strides = array<i32>} : memref<128x128xf32, #tpu.memory_space<vmem>>, vector<16xf32>,
      %mul3A_367 = arith.mulf %get3A_366, %gather3A : vector<16xf32>
      %swap3A_368 = arith.index_cast %add3A_313 : i32 to index
      %swap3A_369 = arith.constant 112 : index
      %swap3A_370 = tpu.vector_load %arg16[%swap3A_368, %swap3A_369] {strides = array<i32>} : memref<128x128xf32, #tpu.memory_space<vmem>>, vector<16xf32>,
      tpu.vector_store %arg16[%swap3A_368, %swap3A_369], %mul3A_367 {strides = array<i32>} : memref<128x128xf32, #tpu.memory_space<vmem>>, vector<16xf32>,
    }
    %scan3A_164 = arith.constant 128 : i32
    %mul3A_165 = arith.constant 10240 : i32
    %mul3A_166 = arith.muli %arg0, %mul3A_165 : i32
    %mul3A_167 = arith.constant 640 : i32
    %mul3A_168 = arith.muli %arg1, %mul3A_167 : i32
    %add3A_169 = arith.addi %mul3A_166, %mul3A_168 : i32
    %add3A_170 = arith.constant 128 : i32
    %add3A_171 = arith.addi %add3A_169, %add3A_170 : i32
    %dma_start3A_172 = arith.constant 0 : i32
    %dma_start3A_173 = tpu.memref_slice %arg10[%add3A_171, %dma_start3A_172] : memref<20480x128xf32, #tpu.memory_space<hbm>> -> memref<128x128xf32, #tpu.memory_space<hbm>>
    %dma_start3A_174 = arith.constant 0 : i32
    %dma_start3A_175 = tpu.memref_slice %arg10[%add3A_171, %dma_start3A_174] : memref<20480x128xf32, #tpu.memory_space<hbm>> -> memref<128x128xf32, #tpu.memory_space<hbm>>
    tpu.enqueue_dma source(%arg16 : memref<128x128xf32, #tpu.memory_space<vmem>>) target(%dma_start3A_175 : memref<128x128xf32, #tpu.memory_space<hbm>>) target_semaphore(%arg33 : memref<!tpu.dma_semaphore, #tpu.memory_space<semaphore_mem>>)
    %dma_wait3A_176 = arith.constant 2 : i32
    %dma_wait3A_177 = arith.constant 0 : i32
    %dma_wait3A_178 = tpu.memref_slice %arg14[%dma_wait3A_176, %dma_wait3A_177] : memref<5x128xi32, #tpu.memory_space<vmem>> -> memref<1x128xi32, #tpu.memory_space<vmem>>
    %dma_wait3A_179 = tpu.memref_squeeze %dma_wait3A_178 : memref<1x128xi32, #tpu.memory_space<vmem>> -> memref<128xi32, #tpu.memory_space<vmem>>
    %dma_wait3A_180 = arith.constant 0 : i32
    %dma_wait3A_181 = arith.constant 0 : i32
    %dma_wait3A_182 = tpu.memref_slice %arg2[%dma_wait3A_180, %dma_wait3A_181] : memref<200000x128xf32, #tpu.memory_space<hbm>> -> memref<200000x128xf32, #tpu.memory_space<hbm>>
    tpu.wait_indirect_dma semaphore(%arg27 : memref<!tpu.dma_semaphore, #tpu.memory_space<semaphore_mem>>) src(%dma_wait3A_182 : memref<200000x128xf32, #tpu.memory_space<hbm>>) dst(%arg17 : memref<128x128xf32, #tpu.memory_space<vmem>>)
    %scan3A_183 = arith.constant 0 : i32
    %scan3A_184 = arith.constant 128 : i32
    %scan3A_185 = arith.addi %scan3A_183, %scan3A_184 : i32
    %scan3A_186 = arith.constant 1 : i32
    scf.for %scan3A_309 = %scan3A_183 to %scan3A_185 step %scan3A_186  : i32 {
      %mul3A_310 = arith.constant 1 : i32
      %mul3A_311 = arith.muli %scan3A_309, %mul3A_310 : i32
      %add3A_312 = arith.constant 0 : i32
      %add3A_313 = arith.addi %add3A_312, %mul3A_311 : i32
      %add3A_314 = arith.constant 256 : i32
      %add3A_315 = arith.addi %add3A_314, %add3A_313 : i32
      %broadcast_in_dim3A_316 = vector.broadcast %add3A_315 : i32 to vector<16xi32>
      %gather3A = tpu.vector_load_idx %arg19[%broadcast_in_dim3A_316] : memref<640xf32, #tpu.memory_space<vmem>>[vector<16xi32>], vector<16xf32>,
      %get3A = arith.index_cast %add3A_313 : i32 to index
      %get3A_317 = arith.constant 0 : index
      %get3A_318 = tpu.vector_load %arg17[%get3A, %get3A_317] {strides = array<i32>} : memref<128x128xf32, #tpu.memory_space<vmem>>, vector<16xf32>,
      %mul3A_319 = arith.mulf %get3A_318, %gather3A : vector<16xf32>
      %swap3A = arith.index_cast %add3A_313 : i32 to index
      %swap3A_320 = arith.constant 0 : index
      %swap3A_321 = tpu.vector_load %arg17[%swap3A, %swap3A_320] {strides = array<i32>} : memref<128x128xf32, #tpu.memory_space<vmem>>, vector<16xf32>,
      tpu.vector_store %arg17[%swap3A, %swap3A_320], %mul3A_319 {strides = array<i32>} : memref<128x128xf32, #tpu.memory_space<vmem>>, vector<16xf32>,
      %get3A_322 = arith.index_cast %add3A_313 : i32 to index
      %get3A_323 = arith.constant 16 : index
      %get3A_324 = tpu.vector_load %arg17[%get3A_322, %get3A_323] {strides = array<i32>} : memref<128x128xf32, #tpu.memory_space<vmem>>, vector<16xf32>,
      %mul3A_325 = arith.mulf %get3A_324, %gather3A : vector<16xf32>
      %swap3A_326 = arith.index_cast %add3A_313 : i32 to index
      %swap3A_327 = arith.constant 16 : index
      %swap3A_328 = tpu.vector_load %arg17[%swap3A_326, %swap3A_327] {strides = array<i32>} : memref<128x128xf32, #tpu.memory_space<vmem>>, vector<16xf32>,
      tpu.vector_store %arg17[%swap3A_326, %swap3A_327], %mul3A_325 {strides = array<i32>} : memref<128x128xf32, #tpu.memory_space<vmem>>, vector<16xf32>,
      %get3A_329 = arith.index_cast %add3A_313 : i32 to index
      %get3A_330 = arith.constant 32 : index
      %get3A_331 = tpu.vector_load %arg17[%get3A_329, %get3A_330] {strides = array<i32>} : memref<128x128xf32, #tpu.memory_space<vmem>>, vector<16xf32>,
      %mul3A_332 = arith.mulf %get3A_331, %gather3A : vector<16xf32>
      %swap3A_333 = arith.index_cast %add3A_313 : i32 to index
      %swap3A_334 = arith.constant 32 : index
      %swap3A_335 = tpu.vector_load %arg17[%swap3A_333, %swap3A_334] {strides = array<i32>} : memref<128x128xf32, #tpu.memory_space<vmem>>, vector<16xf32>,
      tpu.vector_store %arg17[%swap3A_333, %swap3A_334], %mul3A_332 {strides = array<i32>} : memref<128x128xf32, #tpu.memory_space<vmem>>, vector<16xf32>,
      %get3A_336 = arith.index_cast %add3A_313 : i32 to index
      %get3A_337 = arith.constant 48 : index
      %get3A_338 = tpu.vector_load %arg17[%get3A_336, %get3A_337] {strides = array<i32>} : memref<128x128xf32, #tpu.memory_space<vmem>>, vector<16xf32>,
      %mul3A_339 = arith.mulf %get3A_338, %gather3A : vector<16xf32>
      %swap3A_340 = arith.index_cast %add3A_313 : i32 to index
      %swap3A_341 = arith.constant 48 : index
      %swap3A_342 = tpu.vector_load %arg17[%swap3A_340, %swap3A_341] {strides = array<i32>} : memref<128x128xf32, #tpu.memory_space<vmem>>, vector<16xf32>,
      tpu.vector_store %arg17[%swap3A_340, %swap3A_341], %mul3A_339 {strides = array<i32>} : memref<128x128xf32, #tpu.memory_space<vmem>>, vector<16xf32>,
      %get3A_343 = arith.index_cast %add3A_313 : i32 to index
      %get3A_344 = arith.constant 64 : index
      %get3A_345 = tpu.vector_load %arg17[%get3A_343, %get3A_344] {strides = array<i32>} : memref<128x128xf32, #tpu.memory_space<vmem>>, vector<16xf32>,
      %mul3A_346 = arith.mulf %get3A_345, %gather3A : vector<16xf32>
      %swap3A_347 = arith.index_cast %add3A_313 : i32 to index
      %swap3A_348 = arith.constant 64 : index
      %swap3A_349 = tpu.vector_load %arg17[%swap3A_347, %swap3A_348] {strides = array<i32>} : memref<128x128xf32, #tpu.memory_space<vmem>>, vector<16xf32>,
      tpu.vector_store %arg17[%swap3A_347, %swap3A_348], %mul3A_346 {strides = array<i32>} : memref<128x128xf32, #tpu.memory_space<vmem>>, vector<16xf32>,
      %get3A_350 = arith.index_cast %add3A_313 : i32 to index
      %get3A_351 = arith.constant 80 : index
      %get3A_352 = tpu.vector_load %arg17[%get3A_350, %get3A_351] {strides = array<i32>} : memref<128x128xf32, #tpu.memory_space<vmem>>, vector<16xf32>,
      %mul3A_353 = arith.mulf %get3A_352, %gather3A : vector<16xf32>
      %swap3A_354 = arith.index_cast %add3A_313 : i32 to index
      %swap3A_355 = arith.constant 80 : index
      %swap3A_356 = tpu.vector_load %arg17[%swap3A_354, %swap3A_355] {strides = array<i32>} : memref<128x128xf32, #tpu.memory_space<vmem>>, vector<16xf32>,
      tpu.vector_store %arg17[%swap3A_354, %swap3A_355], %mul3A_353 {strides = array<i32>} : memref<128x128xf32, #tpu.memory_space<vmem>>, vector<16xf32>,
      %get3A_357 = arith.index_cast %add3A_313 : i32 to index
      %get3A_358 = arith.constant 96 : index
      %get3A_359 = tpu.vector_load %arg17[%get3A_357, %get3A_358] {strides = array<i32>} : memref<128x128xf32, #tpu.memory_space<vmem>>, vector<16xf32>,
      %mul3A_360 = arith.mulf %get3A_359, %gather3A : vector<16xf32>
      %swap3A_361 = arith.index_cast %add3A_313 : i32 to index
      %swap3A_362 = arith.constant 96 : index
      %swap3A_363 = tpu.vector_load %arg17[%swap3A_361, %swap3A_362] {strides = array<i32>} : memref<128x128xf32, #tpu.memory_space<vmem>>, vector<16xf32>,
      tpu.vector_store %arg17[%swap3A_361, %swap3A_362], %mul3A_360 {strides = array<i32>} : memref<128x128xf32, #tpu.memory_space<vmem>>, vector<16xf32>,
      %get3A_364 = arith.index_cast %add3A_313 : i32 to index
      %get3A_365 = arith.constant 112 : index
      %get3A_366 = tpu.vector_load %arg17[%get3A_364, %get3A_365] {strides = array<i32>} : memref<128x128xf32, #tpu.memory_space<vmem>>, vector<16xf32>,
      %mul3A_367 = arith.mulf %get3A_366, %gather3A : vector<16xf32>
      %swap3A_368 = arith.index_cast %add3A_313 : i32 to index
      %swap3A_369 = arith.constant 112 : index
      %swap3A_370 = tpu.vector_load %arg17[%swap3A_368, %swap3A_369] {strides = array<i32>} : memref<128x128xf32, #tpu.memory_space<vmem>>, vector<16xf32>,
      tpu.vector_store %arg17[%swap3A_368, %swap3A_369], %mul3A_367 {strides = array<i32>} : memref<128x128xf32, #tpu.memory_space<vmem>>, vector<16xf32>,
    }
    %scan3A_187 = arith.constant 128 : i32
    %mul3A_188 = arith.constant 10240 : i32
    %mul3A_189 = arith.muli %arg0, %mul3A_188 : i32
    %mul3A_190 = arith.constant 640 : i32
    %mul3A_191 = arith.muli %arg1, %mul3A_190 : i32
    %add3A_192 = arith.addi %mul3A_189, %mul3A_191 : i32
    %add3A_193 = arith.constant 256 : i32
    %add3A_194 = arith.addi %add3A_192, %add3A_193 : i32
    %dma_start3A_195 = arith.constant 0 : i32
    %dma_start3A_196 = tpu.memref_slice %arg10[%add3A_194, %dma_start3A_195] : memref<20480x128xf32, #tpu.memory_space<hbm>> -> memref<128x128xf32, #tpu.memory_space<hbm>>
    %dma_start3A_197 = arith.constant 0 : i32
    %dma_start3A_198 = tpu.memref_slice %arg10[%add3A_194, %dma_start3A_197] : memref<20480x128xf32, #tpu.memory_space<hbm>> -> memref<128x128xf32, #tpu.memory_space<hbm>>
    tpu.enqueue_dma source(%arg17 : memref<128x128xf32, #tpu.memory_space<vmem>>) target(%dma_start3A_198 : memref<128x128xf32, #tpu.memory_space<hbm>>) target_semaphore(%arg33 : memref<!tpu.dma_semaphore, #tpu.memory_space<semaphore_mem>>)
    %dma_wait3A_199 = arith.constant 3 : i32
    %dma_wait3A_200 = arith.constant 0 : i32
    %dma_wait3A_201 = tpu.memref_slice %arg14[%dma_wait3A_199, %dma_wait3A_200] : memref<5x128xi32, #tpu.memory_space<vmem>> -> memref<1x128xi32, #tpu.memory_space<vmem>>
    %dma_wait3A_202 = tpu.memref_squeeze %dma_wait3A_201 : memref<1x128xi32, #tpu.memory_space<vmem>> -> memref<128xi32, #tpu.memory_space<vmem>>
    %dma_wait3A_203 = arith.constant 0 : i32
    %dma_wait3A_204 = arith.constant 0 : i32
    %dma_wait3A_205 = tpu.memref_slice %arg2[%dma_wait3A_203, %dma_wait3A_204] : memref<200000x128xf32, #tpu.memory_space<hbm>> -> memref<200000x128xf32, #tpu.memory_space<hbm>>
    tpu.wait_indirect_dma semaphore(%arg28 : memref<!tpu.dma_semaphore, #tpu.memory_space<semaphore_mem>>) src(%dma_wait3A_205 : memref<200000x128xf32, #tpu.memory_space<hbm>>) dst(%arg18 : memref<128x128xf32, #tpu.memory_space<vmem>>)
    %scan3A_206 = arith.constant 0 : i32
    %scan3A_207 = arith.constant 128 : i32
    %scan3A_208 = arith.addi %scan3A_206, %scan3A_207 : i32
    %scan3A_209 = arith.constant 1 : i32
    scf.for %scan3A_309 = %scan3A_206 to %scan3A_208 step %scan3A_209  : i32 {
      %mul3A_310 = arith.constant 1 : i32
      %mul3A_311 = arith.muli %scan3A_309, %mul3A_310 : i32
      %add3A_312 = arith.constant 0 : i32
      %add3A_313 = arith.addi %add3A_312, %mul3A_311 : i32
      %add3A_314 = arith.constant 384 : i32
      %add3A_315 = arith.addi %add3A_314, %add3A_313 : i32
      %broadcast_in_dim3A_316 = vector.broadcast %add3A_315 : i32 to vector<16xi32>
      %gather3A = tpu.vector_load_idx %arg19[%broadcast_in_dim3A_316] : memref<640xf32, #tpu.memory_space<vmem>>[vector<16xi32>], vector<16xf32>,
      %get3A = arith.index_cast %add3A_313 : i32 to index
      %get3A_317 = arith.constant 0 : index
      %get3A_318 = tpu.vector_load %arg18[%get3A, %get3A_317] {strides = array<i32>} : memref<128x128xf32, #tpu.memory_space<vmem>>, vector<16xf32>,
      %mul3A_319 = arith.mulf %get3A_318, %gather3A : vector<16xf32>
      %swap3A = arith.index_cast %add3A_313 : i32 to index
      %swap3A_320 = arith.constant 0 : index
      %swap3A_321 = tpu.vector_load %arg18[%swap3A, %swap3A_320] {strides = array<i32>} : memref<128x128xf32, #tpu.memory_space<vmem>>, vector<16xf32>,
      tpu.vector_store %arg18[%swap3A, %swap3A_320], %mul3A_319 {strides = array<i32>} : memref<128x128xf32, #tpu.memory_space<vmem>>, vector<16xf32>,
      %get3A_322 = arith.index_cast %add3A_313 : i32 to index
      %get3A_323 = arith.constant 16 : index
      %get3A_324 = tpu.vector_load %arg18[%get3A_322, %get3A_323] {strides = array<i32>} : memref<128x128xf32, #tpu.memory_space<vmem>>, vector<16xf32>,
      %mul3A_325 = arith.mulf %get3A_324, %gather3A : vector<16xf32>
      %swap3A_326 = arith.index_cast %add3A_313 : i32 to index
      %swap3A_327 = arith.constant 16 : index
      %swap3A_328 = tpu.vector_load %arg18[%swap3A_326, %swap3A_327] {strides = array<i32>} : memref<128x128xf32, #tpu.memory_space<vmem>>, vector<16xf32>,
      tpu.vector_store %arg18[%swap3A_326, %swap3A_327], %mul3A_325 {strides = array<i32>} : memref<128x128xf32, #tpu.memory_space<vmem>>, vector<16xf32>,
      %get3A_329 = arith.index_cast %add3A_313 : i32 to index
      %get3A_330 = arith.constant 32 : index
      %get3A_331 = tpu.vector_load %arg18[%get3A_329, %get3A_330] {strides = array<i32>} : memref<128x128xf32, #tpu.memory_space<vmem>>, vector<16xf32>,
      %mul3A_332 = arith.mulf %get3A_331, %gather3A : vector<16xf32>
      %swap3A_333 = arith.index_cast %add3A_313 : i32 to index
      %swap3A_334 = arith.constant 32 : index
      %swap3A_335 = tpu.vector_load %arg18[%swap3A_333, %swap3A_334] {strides = array<i32>} : memref<128x128xf32, #tpu.memory_space<vmem>>, vector<16xf32>,
      tpu.vector_store %arg18[%swap3A_333, %swap3A_334], %mul3A_332 {strides = array<i32>} : memref<128x128xf32, #tpu.memory_space<vmem>>, vector<16xf32>,
      %get3A_336 = arith.index_cast %add3A_313 : i32 to index
      %get3A_337 = arith.constant 48 : index
      %get3A_338 = tpu.vector_load %arg18[%get3A_336, %get3A_337] {strides = array<i32>} : memref<128x128xf32, #tpu.memory_space<vmem>>, vector<16xf32>,
      %mul3A_339 = arith.mulf %get3A_338, %gather3A : vector<16xf32>
      %swap3A_340 = arith.index_cast %add3A_313 : i32 to index
      %swap3A_341 = arith.constant 48 : index
      %swap3A_342 = tpu.vector_load %arg18[%swap3A_340, %swap3A_341] {strides = array<i32>} : memref<128x128xf32, #tpu.memory_space<vmem>>, vector<16xf32>,
      tpu.vector_store %arg18[%swap3A_340, %swap3A_341], %mul3A_339 {strides = array<i32>} : memref<128x128xf32, #tpu.memory_space<vmem>>, vector<16xf32>,
      %get3A_343 = arith.index_cast %add3A_313 : i32 to index
      %get3A_344 = arith.constant 64 : index
      %get3A_345 = tpu.vector_load %arg18[%get3A_343, %get3A_344] {strides = array<i32>} : memref<128x128xf32, #tpu.memory_space<vmem>>, vector<16xf32>,
      %mul3A_346 = arith.mulf %get3A_345, %gather3A : vector<16xf32>
      %swap3A_347 = arith.index_cast %add3A_313 : i32 to index
      %swap3A_348 = arith.constant 64 : index
      %swap3A_349 = tpu.vector_load %arg18[%swap3A_347, %swap3A_348] {strides = array<i32>} : memref<128x128xf32, #tpu.memory_space<vmem>>, vector<16xf32>,
      tpu.vector_store %arg18[%swap3A_347, %swap3A_348], %mul3A_346 {strides = array<i32>} : memref<128x128xf32, #tpu.memory_space<vmem>>, vector<16xf32>,
      %get3A_350 = arith.index_cast %add3A_313 : i32 to index
      %get3A_351 = arith.constant 80 : index
      %get3A_352 = tpu.vector_load %arg18[%get3A_350, %get3A_351] {strides = array<i32>} : memref<128x128xf32, #tpu.memory_space<vmem>>, vector<16xf32>,
      %mul3A_353 = arith.mulf %get3A_352, %gather3A : vector<16xf32>
      %swap3A_354 = arith.index_cast %add3A_313 : i32 to index
      %swap3A_355 = arith.constant 80 : index
      %swap3A_356 = tpu.vector_load %arg18[%swap3A_354, %swap3A_355] {strides = array<i32>} : memref<128x128xf32, #tpu.memory_space<vmem>>, vector<16xf32>,
      tpu.vector_store %arg18[%swap3A_354, %swap3A_355], %mul3A_353 {strides = array<i32>} : memref<128x128xf32, #tpu.memory_space<vmem>>, vector<16xf32>,
      %get3A_357 = arith.index_cast %add3A_313 : i32 to index
      %get3A_358 = arith.constant 96 : index
      %get3A_359 = tpu.vector_load %arg18[%get3A_357, %get3A_358] {strides = array<i32>} : memref<128x128xf32, #tpu.memory_space<vmem>>, vector<16xf32>,
      %mul3A_360 = arith.mulf %get3A_359, %gather3A : vector<16xf32>
      %swap3A_361 = arith.index_cast %add3A_313 : i32 to index
      %swap3A_362 = arith.constant 96 : index
      %swap3A_363 = tpu.vector_load %arg18[%swap3A_361, %swap3A_362] {strides = array<i32>} : memref<128x128xf32, #tpu.memory_space<vmem>>, vector<16xf32>,
      tpu.vector_store %arg18[%swap3A_361, %swap3A_362], %mul3A_360 {strides = array<i32>} : memref<128x128xf32, #tpu.memory_space<vmem>>, vector<16xf32>,
      %get3A_364 = arith.index_cast %add3A_313 : i32 to index
      %get3A_365 = arith.constant 112 : index
      %get3A_366 = tpu.vector_load %arg18[%get3A_364, %get3A_365] {strides = array<i32>} : memref<128x128xf32, #tpu.memory_space<vmem>>, vector<16xf32>,
      %mul3A_367 = arith.mulf %get3A_366, %gather3A : vector<16xf32>
      %swap3A_368 = arith.index_cast %add3A_313 : i32 to index
      %swap3A_369 = arith.constant 112 : index
      %swap3A_370 = tpu.vector_load %arg18[%swap3A_368, %swap3A_369] {strides = array<i32>} : memref<128x128xf32, #tpu.memory_space<vmem>>, vector<16xf32>,
      tpu.vector_store %arg18[%swap3A_368, %swap3A_369], %mul3A_367 {strides = array<i32>} : memref<128x128xf32, #tpu.memory_space<vmem>>, vector<16xf32>,
    }
    %scan3A_210 = arith.constant 128 : i32
    %mul3A_211 = arith.constant 10240 : i32
    %mul3A_212 = arith.muli %arg0, %mul3A_211 : i32
    %mul3A_213 = arith.constant 640 : i32
    %mul3A_214 = arith.muli %arg1, %mul3A_213 : i32
    %add3A_215 = arith.addi %mul3A_212, %mul3A_214 : i32
    %add3A_216 = arith.constant 384 : i32
    %add3A_217 = arith.addi %add3A_215, %add3A_216 : i32
    %dma_start3A_218 = arith.constant 0 : i32
    %dma_start3A_219 = tpu.memref_slice %arg10[%add3A_217, %dma_start3A_218] : memref<20480x128xf32, #tpu.memory_space<hbm>> -> memref<128x128xf32, #tpu.memory_space<hbm>>
    %dma_start3A_220 = arith.constant 0 : i32
    %dma_start3A_221 = tpu.memref_slice %arg10[%add3A_217, %dma_start3A_220] : memref<20480x128xf32, #tpu.memory_space<hbm>> -> memref<128x128xf32, #tpu.memory_space<hbm>>
    tpu.enqueue_dma source(%arg18 : memref<128x128xf32, #tpu.memory_space<vmem>>) target(%dma_start3A_221 : memref<128x128xf32, #tpu.memory_space<hbm>>) target_semaphore(%arg33 : memref<!tpu.dma_semaphore, #tpu.memory_space<semaphore_mem>>)
    %dma_wait3A_222 = arith.constant 4 : i32
    %dma_wait3A_223 = arith.constant 0 : i32
    %dma_wait3A_224 = tpu.memref_slice %arg14[%dma_wait3A_222, %dma_wait3A_223] : memref<5x128xi32, #tpu.memory_space<vmem>> -> memref<1x128xi32, #tpu.memory_space<vmem>>
    %dma_wait3A_225 = tpu.memref_squeeze %dma_wait3A_224 : memref<1x128xi32, #tpu.memory_space<vmem>> -> memref<128xi32, #tpu.memory_space<vmem>>
    %dma_wait3A_226 = arith.constant 0 : i32
    %dma_wait3A_227 = arith.constant 0 : i32
    %dma_wait3A_228 = tpu.memref_slice %arg2[%dma_wait3A_226, %dma_wait3A_227] : memref<200000x128xf32, #tpu.memory_space<hbm>> -> memref<200000x128xf32, #tpu.memory_space<hbm>>
    tpu.wait_indirect_dma semaphore(%arg25 : memref<!tpu.dma_semaphore, #tpu.memory_space<semaphore_mem>>) src(%dma_wait3A_228 : memref<200000x128xf32, #tpu.memory_space<hbm>>) dst(%arg15 : memref<128x128xf32, #tpu.memory_space<vmem>>)
    %scan3A_229 = arith.constant 0 : i32
    %scan3A_230 = arith.constant 128 : i32
    %scan3A_231 = arith.addi %scan3A_229, %scan3A_230 : i32
    %scan3A_232 = arith.constant 1 : i32
    scf.for %scan3A_309 = %scan3A_229 to %scan3A_231 step %scan3A_232  : i32 {
      %mul3A_310 = arith.constant 1 : i32
      %mul3A_311 = arith.muli %scan3A_309, %mul3A_310 : i32
      %add3A_312 = arith.constant 0 : i32
      %add3A_313 = arith.addi %add3A_312, %mul3A_311 : i32
      %add3A_314 = arith.constant 512 : i32
      %add3A_315 = arith.addi %add3A_314, %add3A_313 : i32
      %broadcast_in_dim3A_316 = vector.broadcast %add3A_315 : i32 to vector<16xi32>
      %gather3A = tpu.vector_load_idx %arg19[%broadcast_in_dim3A_316] : memref<640xf32, #tpu.memory_space<vmem>>[vector<16xi32>], vector<16xf32>,
      %get3A = arith.index_cast %add3A_313 : i32 to index
      %get3A_317 = arith.constant 0 : index
      %get3A_318 = tpu.vector_load %arg15[%get3A, %get3A_317] {strides = array<i32>} : memref<128x128xf32, #tpu.memory_space<vmem>>, vector<16xf32>,
      %mul3A_319 = arith.mulf %get3A_318, %gather3A : vector<16xf32>
      %swap3A = arith.index_cast %add3A_313 : i32 to index
      %swap3A_320 = arith.constant 0 : index
      %swap3A_321 = tpu.vector_load %arg15[%swap3A, %swap3A_320] {strides = array<i32>} : memref<128x128xf32, #tpu.memory_space<vmem>>, vector<16xf32>,
      tpu.vector_store %arg15[%swap3A, %swap3A_320], %mul3A_319 {strides = array<i32>} : memref<128x128xf32, #tpu.memory_space<vmem>>, vector<16xf32>,
      %get3A_322 = arith.index_cast %add3A_313 : i32 to index
      %get3A_323 = arith.constant 16 : index
      %get3A_324 = tpu.vector_load %arg15[%get3A_322, %get3A_323] {strides = array<i32>} : memref<128x128xf32, #tpu.memory_space<vmem>>, vector<16xf32>,
      %mul3A_325 = arith.mulf %get3A_324, %gather3A : vector<16xf32>
      %swap3A_326 = arith.index_cast %add3A_313 : i32 to index
      %swap3A_327 = arith.constant 16 : index
      %swap3A_328 = tpu.vector_load %arg15[%swap3A_326, %swap3A_327] {strides = array<i32>} : memref<128x128xf32, #tpu.memory_space<vmem>>, vector<16xf32>,
      tpu.vector_store %arg15[%swap3A_326, %swap3A_327], %mul3A_325 {strides = array<i32>} : memref<128x128xf32, #tpu.memory_space<vmem>>, vector<16xf32>,
      %get3A_329 = arith.index_cast %add3A_313 : i32 to index
      %get3A_330 = arith.constant 32 : index
      %get3A_331 = tpu.vector_load %arg15[%get3A_329, %get3A_330] {strides = array<i32>} : memref<128x128xf32, #tpu.memory_space<vmem>>, vector<16xf32>,
      %mul3A_332 = arith.mulf %get3A_331, %gather3A : vector<16xf32>
      %swap3A_333 = arith.index_cast %add3A_313 : i32 to index
      %swap3A_334 = arith.constant 32 : index
      %swap3A_335 = tpu.vector_load %arg15[%swap3A_333, %swap3A_334] {strides = array<i32>} : memref<128x128xf32, #tpu.memory_space<vmem>>, vector<16xf32>,
      tpu.vector_store %arg15[%swap3A_333, %swap3A_334], %mul3A_332 {strides = array<i32>} : memref<128x128xf32, #tpu.memory_space<vmem>>, vector<16xf32>,
      %get3A_336 = arith.index_cast %add3A_313 : i32 to index
      %get3A_337 = arith.constant 48 : index
      %get3A_338 = tpu.vector_load %arg15[%get3A_336, %get3A_337] {strides = array<i32>} : memref<128x128xf32, #tpu.memory_space<vmem>>, vector<16xf32>,
      %mul3A_339 = arith.mulf %get3A_338, %gather3A : vector<16xf32>
      %swap3A_340 = arith.index_cast %add3A_313 : i32 to index
      %swap3A_341 = arith.constant 48 : index
      %swap3A_342 = tpu.vector_load %arg15[%swap3A_340, %swap3A_341] {strides = array<i32>} : memref<128x128xf32, #tpu.memory_space<vmem>>, vector<16xf32>,
      tpu.vector_store %arg15[%swap3A_340, %swap3A_341], %mul3A_339 {strides = array<i32>} : memref<128x128xf32, #tpu.memory_space<vmem>>, vector<16xf32>,
      %get3A_343 = arith.index_cast %add3A_313 : i32 to index
      %get3A_344 = arith.constant 64 : index
      %get3A_345 = tpu.vector_load %arg15[%get3A_343, %get3A_344] {strides = array<i32>} : memref<128x128xf32, #tpu.memory_space<vmem>>, vector<16xf32>,
      %mul3A_346 = arith.mulf %get3A_345, %gather3A : vector<16xf32>
      %swap3A_347 = arith.index_cast %add3A_313 : i32 to index
      %swap3A_348 = arith.constant 64 : index
      %swap3A_349 = tpu.vector_load %arg15[%swap3A_347, %swap3A_348] {strides = array<i32>} : memref<128x128xf32, #tpu.memory_space<vmem>>, vector<16xf32>,
      tpu.vector_store %arg15[%swap3A_347, %swap3A_348], %mul3A_346 {strides = array<i32>} : memref<128x128xf32, #tpu.memory_space<vmem>>, vector<16xf32>,
      %get3A_350 = arith.index_cast %add3A_313 : i32 to index
      %get3A_351 = arith.constant 80 : index
      %get3A_352 = tpu.vector_load %arg15[%get3A_350, %get3A_351] {strides = array<i32>} : memref<128x128xf32, #tpu.memory_space<vmem>>, vector<16xf32>,
      %mul3A_353 = arith.mulf %get3A_352, %gather3A : vector<16xf32>
      %swap3A_354 = arith.index_cast %add3A_313 : i32 to index
      %swap3A_355 = arith.constant 80 : index
      %swap3A_356 = tpu.vector_load %arg15[%swap3A_354, %swap3A_355] {strides = array<i32>} : memref<128x128xf32, #tpu.memory_space<vmem>>, vector<16xf32>,
      tpu.vector_store %arg15[%swap3A_354, %swap3A_355], %mul3A_353 {strides = array<i32>} : memref<128x128xf32, #tpu.memory_space<vmem>>, vector<16xf32>,
      %get3A_357 = arith.index_cast %add3A_313 : i32 to index
      %get3A_358 = arith.constant 96 : index
      %get3A_359 = tpu.vector_load %arg15[%get3A_357, %get3A_358] {strides = array<i32>} : memref<128x128xf32, #tpu.memory_space<vmem>>, vector<16xf32>,
      %mul3A_360 = arith.mulf %get3A_359, %gather3A : vector<16xf32>
      %swap3A_361 = arith.index_cast %add3A_313 : i32 to index
      %swap3A_362 = arith.constant 96 : index
      %swap3A_363 = tpu.vector_load %arg15[%swap3A_361, %swap3A_362] {strides = array<i32>} : memref<128x128xf32, #tpu.memory_space<vmem>>, vector<16xf32>,
      tpu.vector_store %arg15[%swap3A_361, %swap3A_362], %mul3A_360 {strides = array<i32>} : memref<128x128xf32, #tpu.memory_space<vmem>>, vector<16xf32>,
      %get3A_364 = arith.index_cast %add3A_313 : i32 to index
      %get3A_365 = arith.constant 112 : index
      %get3A_366 = tpu.vector_load %arg15[%get3A_364, %get3A_365] {strides = array<i32>} : memref<128x128xf32, #tpu.memory_space<vmem>>, vector<16xf32>,
      %mul3A_367 = arith.mulf %get3A_366, %gather3A : vector<16xf32>
      %swap3A_368 = arith.index_cast %add3A_313 : i32 to index
      %swap3A_369 = arith.constant 112 : index
      %swap3A_370 = tpu.vector_load %arg15[%swap3A_368, %swap3A_369] {strides = array<i32>} : memref<128x128xf32, #tpu.memory_space<vmem>>, vector<16xf32>,
      tpu.vector_store %arg15[%swap3A_368, %swap3A_369], %mul3A_367 {strides = array<i32>} : memref<128x128xf32, #tpu.memory_space<vmem>>, vector<16xf32>,
    }
    %scan3A_233 = arith.constant 128 : i32
    %mul3A_234 = arith.constant 10240 : i32
    %mul3A_235 = arith.muli %arg0, %mul3A_234 : i32
    %mul3A_236 = arith.constant 640 : i32
    %mul3A_237 = arith.muli %arg1, %mul3A_236 : i32
    %add3A_238 = arith.addi %mul3A_235, %mul3A_237 : i32
    %add3A_239 = arith.constant 512 : i32
    %add3A_240 = arith.addi %add3A_238, %add3A_239 : i32
    %dma_start3A_241 = arith.constant 0 : i32
    %dma_start3A_242 = tpu.memref_slice %arg10[%add3A_240, %dma_start3A_241] : memref<20480x128xf32, #tpu.memory_space<hbm>> -> memref<128x128xf32, #tpu.memory_space<hbm>>
    %dma_start3A_243 = arith.constant 0 : i32
    %dma_start3A_244 = tpu.memref_slice %arg10[%add3A_240, %dma_start3A_243] : memref<20480x128xf32, #tpu.memory_space<hbm>> -> memref<128x128xf32, #tpu.memory_space<hbm>>
    tpu.enqueue_dma source(%arg15 : memref<128x128xf32, #tpu.memory_space<vmem>>) target(%dma_start3A_244 : memref<128x128xf32, #tpu.memory_space<hbm>>) target_semaphore(%arg33 : memref<!tpu.dma_semaphore, #tpu.memory_space<semaphore_mem>>)
    %scan3A_245 = arith.constant 0 : i32
    %scan3A_246 = arith.constant 80 : i32
    %scan3A_247 = arith.addi %scan3A_245, %scan3A_246 : i32
    %scan3A_248 = arith.constant 1 : i32
    scf.for %scan3A_309 = %scan3A_245 to %scan3A_247 step %scan3A_248  : i32 {
      %mul3A_310 = arith.constant 1 : i32
      %mul3A_311 = arith.muli %scan3A_309, %mul3A_310 : i32
      %add3A_312 = arith.constant 0 : i32
      %add3A_313 = arith.addi %add3A_312, %mul3A_311 : i32
      %get3A = arith.index_cast %add3A_313 : i32 to index
      %get3A_314 = arith.constant 0 : index
      %get3A_315 = tpu.vector_load %arg11[%get3A, %get3A_314] {strides = array<i32>} : memref<80x128xi32, #tpu.memory_space<vmem>>, vector<16xi32>,
      %mul3A_316 = arith.constant 10240 : i32
      %mul3A_317 = arith.muli %arg0, %mul3A_316 : i32
      %add3A_318 = vector.broadcast %mul3A_317 : i32 to vector<16xi32>
      %add3A_319 = arith.addi %get3A_315, %add3A_318 : vector<16xi32>
      %swap3A = arith.index_cast %add3A_313 : i32 to index
      %swap3A_320 = arith.constant 0 : index
      %swap3A_321 = tpu.vector_load %arg11[%swap3A, %swap3A_320] {strides = array<i32>} : memref<80x128xi32, #tpu.memory_space<vmem>>, vector<16xi32>,
      tpu.vector_store %arg11[%swap3A, %swap3A_320], %add3A_319 {strides = array<i32>} : memref<80x128xi32, #tpu.memory_space<vmem>>, vector<16xi32>,
      %get3A_322 = arith.index_cast %add3A_313 : i32 to index
      %get3A_323 = arith.constant 16 : index
      %get3A_324 = tpu.vector_load %arg11[%get3A_322, %get3A_323] {strides = array<i32>} : memref<80x128xi32, #tpu.memory_space<vmem>>, vector<16xi32>,
      %mul3A_325 = arith.constant 10240 : i32
      %mul3A_326 = arith.muli %arg0, %mul3A_325 : i32
      %add3A_327 = vector.broadcast %mul3A_326 : i32 to vector<16xi32>
      %add3A_328 = arith.addi %get3A_324, %add3A_327 : vector<16xi32>
      %swap3A_329 = arith.index_cast %add3A_313 : i32 to index
      %swap3A_330 = arith.constant 16 : index
      %swap3A_331 = tpu.vector_load %arg11[%swap3A_329, %swap3A_330] {strides = array<i32>} : memref<80x128xi32, #tpu.memory_space<vmem>>, vector<16xi32>,
      tpu.vector_store %arg11[%swap3A_329, %swap3A_330], %add3A_328 {strides = array<i32>} : memref<80x128xi32, #tpu.memory_space<vmem>>, vector<16xi32>,
      %get3A_332 = arith.index_cast %add3A_313 : i32 to index
      %get3A_333 = arith.constant 32 : index
      %get3A_334 = tpu.vector_load %arg11[%get3A_332, %get3A_333] {strides = array<i32>} : memref<80x128xi32, #tpu.memory_space<vmem>>, vector<16xi32>,
      %mul3A_335 = arith.constant 10240 : i32
      %mul3A_336 = arith.muli %arg0, %mul3A_335 : i32
      %add3A_337 = vector.broadcast %mul3A_336 : i32 to vector<16xi32>
      %add3A_338 = arith.addi %get3A_334, %add3A_337 : vector<16xi32>
      %swap3A_339 = arith.index_cast %add3A_313 : i32 to index
      %swap3A_340 = arith.constant 32 : index
      %swap3A_341 = tpu.vector_load %arg11[%swap3A_339, %swap3A_340] {strides = array<i32>} : memref<80x128xi32, #tpu.memory_space<vmem>>, vector<16xi32>,
      tpu.vector_store %arg11[%swap3A_339, %swap3A_340], %add3A_338 {strides = array<i32>} : memref<80x128xi32, #tpu.memory_space<vmem>>, vector<16xi32>,
      %get3A_342 = arith.index_cast %add3A_313 : i32 to index
      %get3A_343 = arith.constant 48 : index
      %get3A_344 = tpu.vector_load %arg11[%get3A_342, %get3A_343] {strides = array<i32>} : memref<80x128xi32, #tpu.memory_space<vmem>>, vector<16xi32>,
      %mul3A_345 = arith.constant 10240 : i32
      %mul3A_346 = arith.muli %arg0, %mul3A_345 : i32
      %add3A_347 = vector.broadcast %mul3A_346 : i32 to vector<16xi32>
      %add3A_348 = arith.addi %get3A_344, %add3A_347 : vector<16xi32>
      %swap3A_349 = arith.index_cast %add3A_313 : i32 to index
      %swap3A_350 = arith.constant 48 : index
      %swap3A_351 = tpu.vector_load %arg11[%swap3A_349, %swap3A_350] {strides = array<i32>} : memref<80x128xi32, #tpu.memory_space<vmem>>, vector<16xi32>,
      tpu.vector_store %arg11[%swap3A_349, %swap3A_350], %add3A_348 {strides = array<i32>} : memref<80x128xi32, #tpu.memory_space<vmem>>, vector<16xi32>,
      %get3A_352 = arith.index_cast %add3A_313 : i32 to index
      %get3A_353 = arith.constant 64 : index
      %get3A_354 = tpu.vector_load %arg11[%get3A_352, %get3A_353] {strides = array<i32>} : memref<80x128xi32, #tpu.memory_space<vmem>>, vector<16xi32>,
      %mul3A_355 = arith.constant 10240 : i32
      %mul3A_356 = arith.muli %arg0, %mul3A_355 : i32
      %add3A_357 = vector.broadcast %mul3A_356 : i32 to vector<16xi32>
      %add3A_358 = arith.addi %get3A_354, %add3A_357 : vector<16xi32>
      %swap3A_359 = arith.index_cast %add3A_313 : i32 to index
      %swap3A_360 = arith.constant 64 : index
      %swap3A_361 = tpu.vector_load %arg11[%swap3A_359, %swap3A_360] {strides = array<i32>} : memref<80x128xi32, #tpu.memory_space<vmem>>, vector<16xi32>,
      tpu.vector_store %arg11[%swap3A_359, %swap3A_360], %add3A_358 {strides = array<i32>} : memref<80x128xi32, #tpu.memory_space<vmem>>, vector<16xi32>,
      %get3A_362 = arith.index_cast %add3A_313 : i32 to index
      %get3A_363 = arith.constant 80 : index
      %get3A_364 = tpu.vector_load %arg11[%get3A_362, %get3A_363] {strides = array<i32>} : memref<80x128xi32, #tpu.memory_space<vmem>>, vector<16xi32>,
      %mul3A_365 = arith.constant 10240 : i32
      %mul3A_366 = arith.muli %arg0, %mul3A_365 : i32
      %add3A_367 = vector.broadcast %mul3A_366 : i32 to vector<16xi32>
      %add3A_368 = arith.addi %get3A_364, %add3A_367 : vector<16xi32>
      %swap3A_369 = arith.index_cast %add3A_313 : i32 to index
      %swap3A_370 = arith.constant 80 : index
      %swap3A_371 = tpu.vector_load %arg11[%swap3A_369, %swap3A_370] {strides = array<i32>} : memref<80x128xi32, #tpu.memory_space<vmem>>, vector<16xi32>,
      tpu.vector_store %arg11[%swap3A_369, %swap3A_370], %add3A_368 {strides = array<i32>} : memref<80x128xi32, #tpu.memory_space<vmem>>, vector<16xi32>,
      %get3A_372 = arith.index_cast %add3A_313 : i32 to index
      %get3A_373 = arith.constant 96 : index
      %get3A_374 = tpu.vector_load %arg11[%get3A_372, %get3A_373] {strides = array<i32>} : memref<80x128xi32, #tpu.memory_space<vmem>>, vector<16xi32>,
      %mul3A_375 = arith.constant 10240 : i32
      %mul3A_376 = arith.muli %arg0, %mul3A_375 : i32
      %add3A_377 = vector.broadcast %mul3A_376 : i32 to vector<16xi32>
      %add3A_378 = arith.addi %get3A_374, %add3A_377 : vector<16xi32>
      %swap3A_379 = arith.index_cast %add3A_313 : i32 to index
      %swap3A_380 = arith.constant 96 : index
      %swap3A_381 = tpu.vector_load %arg11[%swap3A_379, %swap3A_380] {strides = array<i32>} : memref<80x128xi32, #tpu.memory_space<vmem>>, vector<16xi32>,
      tpu.vector_store %arg11[%swap3A_379, %swap3A_380], %add3A_378 {strides = array<i32>} : memref<80x128xi32, #tpu.memory_space<vmem>>, vector<16xi32>,
      %get3A_382 = arith.index_cast %add3A_313 : i32 to index
      %get3A_383 = arith.constant 112 : index
      %get3A_384 = tpu.vector_load %arg11[%get3A_382, %get3A_383] {strides = array<i32>} : memref<80x128xi32, #tpu.memory_space<vmem>>, vector<16xi32>,
      %mul3A_385 = arith.constant 10240 : i32
      %mul3A_386 = arith.muli %arg0, %mul3A_385 : i32
      %add3A_387 = vector.broadcast %mul3A_386 : i32 to vector<16xi32>
      %add3A_388 = arith.addi %get3A_384, %add3A_387 : vector<16xi32>
      %swap3A_389 = arith.index_cast %add3A_313 : i32 to index
      %swap3A_390 = arith.constant 112 : index
      %swap3A_391 = tpu.vector_load %arg11[%swap3A_389, %swap3A_390] {strides = array<i32>} : memref<80x128xi32, #tpu.memory_space<vmem>>, vector<16xi32>,
      tpu.vector_store %arg11[%swap3A_389, %swap3A_390], %add3A_388 {strides = array<i32>} : memref<80x128xi32, #tpu.memory_space<vmem>>, vector<16xi32>,
    }
    %scan3A_249 = arith.constant 80 : i32
    %dma_wait3A_250 = arith.constant 0 : i32
    %dma_wait3A_251 = tpu.memref_slice %arg10[%add3A_171, %dma_wait3A_250] : memref<20480x128xf32, #tpu.memory_space<hbm>> -> memref<128x128xf32, #tpu.memory_space<hbm>>
    %dma_wait3A_252 = arith.constant 0 : i32
    %dma_wait3A_253 = tpu.memref_slice %arg10[%add3A_171, %dma_wait3A_252] : memref<20480x128xf32, #tpu.memory_space<hbm>> -> memref<128x128xf32, #tpu.memory_space<hbm>>
    tpu.wait_dma2 semaphore(%arg33 : memref<!tpu.dma_semaphore, #tpu.memory_space<semaphore_mem>>) src(%arg16 : memref<128x128xf32, #tpu.memory_space<vmem>>) dst(%dma_wait3A_253 : memref<128x128xf32, #tpu.memory_space<hbm>>)
    %dma_wait3A_254 = arith.constant 0 : i32
    %dma_wait3A_255 = tpu.memref_slice %arg10[%add3A_194, %dma_wait3A_254] : memref<20480x128xf32, #tpu.memory_space<hbm>> -> memref<128x128xf32, #tpu.memory_space<hbm>>
    %dma_wait3A_256 = arith.constant 0 : i32
    %dma_wait3A_257 = tpu.memref_slice %arg10[%add3A_194, %dma_wait3A_256] : memref<20480x128xf32, #tpu.memory_space<hbm>> -> memref<128x128xf32, #tpu.memory_space<hbm>>
    tpu.wait_dma2 semaphore(%arg33 : memref<!tpu.dma_semaphore, #tpu.memory_space<semaphore_mem>>) src(%arg17 : memref<128x128xf32, #tpu.memory_space<vmem>>) dst(%dma_wait3A_257 : memref<128x128xf32, #tpu.memory_space<hbm>>)
    %dma_wait3A_258 = arith.constant 0 : i32
    %dma_wait3A_259 = tpu.memref_slice %arg10[%add3A_217, %dma_wait3A_258] : memref<20480x128xf32, #tpu.memory_space<hbm>> -> memref<128x128xf32, #tpu.memory_space<hbm>>
    %dma_wait3A_260 = arith.constant 0 : i32
    %dma_wait3A_261 = tpu.memref_slice %arg10[%add3A_217, %dma_wait3A_260] : memref<20480x128xf32, #tpu.memory_space<hbm>> -> memref<128x128xf32, #tpu.memory_space<hbm>>
    tpu.wait_dma2 semaphore(%arg33 : memref<!tpu.dma_semaphore, #tpu.memory_space<semaphore_mem>>) src(%arg18 : memref<128x128xf32, #tpu.memory_space<vmem>>) dst(%dma_wait3A_261 : memref<128x128xf32, #tpu.memory_space<hbm>>)
    %dma_wait3A_262 = arith.constant 0 : i32
    %dma_wait3A_263 = tpu.memref_slice %arg10[%add3A_240, %dma_wait3A_262] : memref<20480x128xf32, #tpu.memory_space<hbm>> -> memref<128x128xf32, #tpu.memory_space<hbm>>
    %dma_wait3A_264 = arith.constant 0 : i32
    %dma_wait3A_265 = tpu.memref_slice %arg10[%add3A_240, %dma_wait3A_264] : memref<20480x128xf32, #tpu.memory_space<hbm>> -> memref<128x128xf32, #tpu.memory_space<hbm>>
    tpu.wait_dma2 semaphore(%arg33 : memref<!tpu.dma_semaphore, #tpu.memory_space<semaphore_mem>>) src(%arg15 : memref<128x128xf32, #tpu.memory_space<vmem>>) dst(%dma_wait3A_265 : memref<128x128xf32, #tpu.memory_space<hbm>>)
    %barrier3A_266 = arith.constant 0 : index
    tpu.barrier barrier_id(%barrier3A_266)
    %dma_start3A_267 = arith.constant 0 : i32
    %dma_start3A_268 = arith.constant 0 : i32
    %dma_start3A_269 = tpu.memref_slice %arg11[%dma_start3A_267, %dma_start3A_268] : memref<80x128xi32, #tpu.memory_space<vmem>> -> memref<1x128xi32, #tpu.memory_space<vmem>>
    %dma_start3A_270 = tpu.memref_squeeze %dma_start3A_269 : memref<1x128xi32, #tpu.memory_space<vmem>> -> memref<128xi32, #tpu.memory_space<vmem>>
    %dma_start3A_271 = arith.constant 0 : i32
    %dma_start3A_272 = arith.constant 0 : i32
    %dma_start3A_273 = tpu.memref_slice %arg10[%dma_start3A_271, %dma_start3A_272] : memref<20480x128xf32, #tpu.memory_space<hbm>> -> memref<20480x128xf32, #tpu.memory_space<hbm>>
    tpu.enqueue_indirect_dma source(%dma_start3A_273 : memref<20480x128xf32, #tpu.memory_space<hbm>>) target(%arg15 : memref<128x128xf32, #tpu.memory_space<vmem>>) offsets(%dma_start3A_270 : memref<128xi32, #tpu.memory_space<vmem>>) semaphore(%arg25 : memref<!tpu.dma_semaphore, #tpu.memory_space<semaphore_mem>>)
    %dma_start3A_274 = arith.constant 1 : i32
    %dma_start3A_275 = arith.constant 0 : i32
    %dma_start3A_276 = tpu.memref_slice %arg11[%dma_start3A_274, %dma_start3A_275] : memref<80x128xi32, #tpu.memory_space<vmem>> -> memref<1x128xi32, #tpu.memory_space<vmem>>
    %dma_start3A_277 = tpu.memref_squeeze %dma_start3A_276 : memref<1x128xi32, #tpu.memory_space<vmem>> -> memref<128xi32, #tpu.memory_space<vmem>>
    %dma_start3A_278 = arith.constant 0 : i32
    %dma_start3A_279 = arith.constant 0 : i32
    %dma_start3A_280 = tpu.memref_slice %arg10[%dma_start3A_278, %dma_start3A_279] : memref<20480x128xf32, #tpu.memory_space<hbm>> -> memref<20480x128xf32, #tpu.memory_space<hbm>>
    tpu.enqueue_indirect_dma source(%dma_start3A_280 : memref<20480x128xf32, #tpu.memory_space<hbm>>) target(%arg16 : memref<128x128xf32, #tpu.memory_space<vmem>>) offsets(%dma_start3A_277 : memref<128xi32, #tpu.memory_space<vmem>>) semaphore(%arg26 : memref<!tpu.dma_semaphore, #tpu.memory_space<semaphore_mem>>)
    %dma_start3A_281 = arith.constant 2 : i32
    %dma_start3A_282 = arith.constant 0 : i32
    %dma_start3A_283 = tpu.memref_slice %arg11[%dma_start3A_281, %dma_start3A_282] : memref<80x128xi32, #tpu.memory_space<vmem>> -> memref<1x128xi32, #tpu.memory_space<vmem>>
    %dma_start3A_284 = tpu.memref_squeeze %dma_start3A_283 : memref<1x128xi32, #tpu.memory_space<vmem>> -> memref<128xi32, #tpu.memory_space<vmem>>
    %dma_start3A_285 = arith.constant 0 : i32
    %dma_start3A_286 = arith.constant 0 : i32
    %dma_start3A_287 = tpu.memref_slice %arg10[%dma_start3A_285, %dma_start3A_286] : memref<20480x128xf32, #tpu.memory_space<hbm>> -> memref<20480x128xf32, #tpu.memory_space<hbm>>
    tpu.enqueue_indirect_dma source(%dma_start3A_287 : memref<20480x128xf32, #tpu.memory_space<hbm>>) target(%arg17 : memref<128x128xf32, #tpu.memory_space<vmem>>) offsets(%dma_start3A_284 : memref<128xi32, #tpu.memory_space<vmem>>) semaphore(%arg27 : memref<!tpu.dma_semaphore, #tpu.memory_space<semaphore_mem>>)
    %dma_start3A_288 = arith.constant 3 : i32
    %dma_start3A_289 = arith.constant 0 : i32
    %dma_start3A_290 = tpu.memref_slice %arg11[%dma_start3A_288, %dma_start3A_289] : memref<80x128xi32, #tpu.memory_space<vmem>> -> memref<1x128xi32, #tpu.memory_space<vmem>>
    %dma_start3A_291 = tpu.memref_squeeze %dma_start3A_290 : memref<1x128xi32, #tpu.memory_space<vmem>> -> memref<128xi32, #tpu.memory_space<vmem>>
    %dma_start3A_292 = arith.constant 0 : i32
    %dma_start3A_293 = arith.constant 0 : i32
    %dma_start3A_294 = tpu.memref_slice %arg10[%dma_start3A_292, %dma_start3A_293] : memref<20480x128xf32, #tpu.memory_space<hbm>> -> memref<20480x128xf32, #tpu.memory_space<hbm>>
    tpu.enqueue_indirect_dma source(%dma_start3A_294 : memref<20480x128xf32, #tpu.memory_space<hbm>>) target(%arg18 : memref<128x128xf32, #tpu.memory_space<vmem>>) offsets(%dma_start3A_291 : memref<128xi32, #tpu.memory_space<vmem>>) semaphore(%arg28 : memref<!tpu.dma_semaphore, #tpu.memory_space<semaphore_mem>>)
    %scan3A_295 = arith.constant 0 : i32
    %scan3A_296 = arith.constant 20 : i32
    %scan3A_297 = arith.addi %scan3A_295, %scan3A_296 : i32
    %scan3A_298 = arith.constant 1 : i32
    scf.for %scan3A_309 = %scan3A_295 to %scan3A_297 step %scan3A_298  : i32 {
      %mul3A_310 = arith.constant 1 : i32
      %mul3A_311 = arith.muli %scan3A_309, %mul3A_310 : i32
      %add3A_312 = arith.constant 0 : i32
      %add3A_313 = arith.addi %add3A_312, %mul3A_311 : i32
      %mul3A_314 = arith.constant 4 : i32
      %mul3A_315 = arith.muli %add3A_313, %mul3A_314 : i32
      %add3A_316 = arith.constant 0 : i32
      %add3A_317 = arith.addi %mul3A_315, %add3A_316 : i32
      %dma_wait3A_318 = arith.constant 0 : i32
      %dma_wait3A_319 = tpu.memref_slice %arg11[%add3A_317, %dma_wait3A_318] : memref<80x128xi32, #tpu.memory_space<vmem>> -> memref<1x128xi32, #tpu.memory_space<vmem>>
      %dma_wait3A_320 = tpu.memref_squeeze %dma_wait3A_319 : memref<1x128xi32, #tpu.memory_space<vmem>> -> memref<128xi32, #tpu.memory_space<vmem>>
      %dma_wait3A_321 = arith.constant 0 : i32
      %dma_wait3A_322 = arith.constant 0 : i32
      %dma_wait3A_323 = tpu.memref_slice %arg10[%dma_wait3A_321, %dma_wait3A_322] : memref<20480x128xf32, #tpu.memory_space<hbm>> -> memref<20480x128xf32, #tpu.memory_space<hbm>>
      tpu.wait_indirect_dma semaphore(%arg25 : memref<!tpu.dma_semaphore, #tpu.memory_space<semaphore_mem>>) src(%dma_wait3A_323 : memref<20480x128xf32, #tpu.memory_space<hbm>>) dst(%arg15 : memref<128x128xf32, #tpu.memory_space<vmem>>)
      %add3A_324 = arith.constant 0 : i32
      %add3A_325 = arith.addi %mul3A_315, %add3A_324 : i32
      %dma_start3A_326 = arith.constant 0 : i32
      %dma_start3A_327 = tpu.memref_slice %arg12[%add3A_325, %dma_start3A_326] : memref<80x128xi32, #tpu.memory_space<vmem>> -> memref<1x128xi32, #tpu.memory_space<vmem>>
      %dma_start3A_328 = tpu.memref_squeeze %dma_start3A_327 : memref<1x128xi32, #tpu.memory_space<vmem>> -> memref<128xi32, #tpu.memory_space<vmem>>
      %dma_start3A_329 = arith.constant 0 : i32
      %dma_start3A_330 = arith.constant 0 : i32
      %dma_start3A_331 = tpu.memref_slice %arg21[%dma_start3A_329, %dma_start3A_330] : memref<4096x128xf32, #tpu.memory_space<vmem_shared>> -> memref<4096x128xf32, #tpu.memory_space<vmem_shared>>
      tpu.enqueue_indirect_dma source(%arg15 : memref<128x128xf32, #tpu.memory_space<vmem>>) target(%dma_start3A_331 : memref<4096x128xf32, #tpu.memory_space<vmem_shared>>) offsets(%dma_start3A_328 : memref<128xi32, #tpu.memory_space<vmem>>) semaphore(%arg29 : memref<!tpu.dma_semaphore, #tpu.memory_space<semaphore_mem>>) {add = true}
      %add3A_332 = arith.constant 1 : i32
      %add3A_333 = arith.addi %mul3A_315, %add3A_332 : i32
      %dma_wait3A_334 = arith.constant 0 : i32
      %dma_wait3A_335 = tpu.memref_slice %arg11[%add3A_333, %dma_wait3A_334] : memref<80x128xi32, #tpu.memory_space<vmem>> -> memref<1x128xi32, #tpu.memory_space<vmem>>
      %dma_wait3A_336 = tpu.memref_squeeze %dma_wait3A_335 : memref<1x128xi32, #tpu.memory_space<vmem>> -> memref<128xi32, #tpu.memory_space<vmem>>
      %dma_wait3A_337 = arith.constant 0 : i32
      %dma_wait3A_338 = arith.constant 0 : i32
      %dma_wait3A_339 = tpu.memref_slice %arg10[%dma_wait3A_337, %dma_wait3A_338] : memref<20480x128xf32, #tpu.memory_space<hbm>> -> memref<20480x128xf32, #tpu.memory_space<hbm>>
      tpu.wait_indirect_dma semaphore(%arg26 : memref<!tpu.dma_semaphore, #tpu.memory_space<semaphore_mem>>) src(%dma_wait3A_339 : memref<20480x128xf32, #tpu.memory_space<hbm>>) dst(%arg16 : memref<128x128xf32, #tpu.memory_space<vmem>>)
      %add3A_340 = arith.constant 1 : i32
      %add3A_341 = arith.addi %mul3A_315, %add3A_340 : i32
      %dma_start3A_342 = arith.constant 0 : i32
      %dma_start3A_343 = tpu.memref_slice %arg12[%add3A_341, %dma_start3A_342] : memref<80x128xi32, #tpu.memory_space<vmem>> -> memref<1x128xi32, #tpu.memory_space<vmem>>
      %dma_start3A_344 = tpu.memref_squeeze %dma_start3A_343 : memref<1x128xi32, #tpu.memory_space<vmem>> -> memref<128xi32, #tpu.memory_space<vmem>>
      %dma_start3A_345 = arith.constant 0 : i32
      %dma_start3A_346 = arith.constant 0 : i32
      %dma_start3A_347 = tpu.memref_slice %arg21[%dma_start3A_345, %dma_start3A_346] : memref<4096x128xf32, #tpu.memory_space<vmem_shared>> -> memref<4096x128xf32, #tpu.memory_space<vmem_shared>>
      tpu.enqueue_indirect_dma source(%arg16 : memref<128x128xf32, #tpu.memory_space<vmem>>) target(%dma_start3A_347 : memref<4096x128xf32, #tpu.memory_space<vmem_shared>>) offsets(%dma_start3A_344 : memref<128xi32, #tpu.memory_space<vmem>>) semaphore(%arg30 : memref<!tpu.dma_semaphore, #tpu.memory_space<semaphore_mem>>) {add = true}
      %add3A_348 = arith.constant 2 : i32
      %add3A_349 = arith.addi %mul3A_315, %add3A_348 : i32
      %dma_wait3A_350 = arith.constant 0 : i32
      %dma_wait3A_351 = tpu.memref_slice %arg11[%add3A_349, %dma_wait3A_350] : memref<80x128xi32, #tpu.memory_space<vmem>> -> memref<1x128xi32, #tpu.memory_space<vmem>>
      %dma_wait3A_352 = tpu.memref_squeeze %dma_wait3A_351 : memref<1x128xi32, #tpu.memory_space<vmem>> -> memref<128xi32, #tpu.memory_space<vmem>>
      %dma_wait3A_353 = arith.constant 0 : i32
      %dma_wait3A_354 = arith.constant 0 : i32
      %dma_wait3A_355 = tpu.memref_slice %arg10[%dma_wait3A_353, %dma_wait3A_354] : memref<20480x128xf32, #tpu.memory_space<hbm>> -> memref<20480x128xf32, #tpu.memory_space<hbm>>
      tpu.wait_indirect_dma semaphore(%arg27 : memref<!tpu.dma_semaphore, #tpu.memory_space<semaphore_mem>>) src(%dma_wait3A_355 : memref<20480x128xf32, #tpu.memory_space<hbm>>) dst(%arg17 : memref<128x128xf32, #tpu.memory_space<vmem>>)
      %add3A_356 = arith.constant 2 : i32
      %add3A_357 = arith.addi %mul3A_315, %add3A_356 : i32
      %dma_start3A_358 = arith.constant 0 : i32
      %dma_start3A_359 = tpu.memref_slice %arg12[%add3A_357, %dma_start3A_358] : memref<80x128xi32, #tpu.memory_space<vmem>> -> memref<1x128xi32, #tpu.memory_space<vmem>>
      %dma_start3A_360 = tpu.memref_squeeze %dma_start3A_359 : memref<1x128xi32, #tpu.memory_space<vmem>> -> memref<128xi32, #tpu.memory_space<vmem>>
      %dma_start3A_361 = arith.constant 0 : i32
      %dma_start3A_362 = arith.constant 0 : i32
      %dma_start3A_363 = tpu.memref_slice %arg21[%dma_start3A_361, %dma_start3A_362] : memref<4096x128xf32, #tpu.memory_space<vmem_shared>> -> memref<4096x128xf32, #tpu.memory_space<vmem_shared>>
      tpu.enqueue_indirect_dma source(%arg17 : memref<128x128xf32, #tpu.memory_space<vmem>>) target(%dma_start3A_363 : memref<4096x128xf32, #tpu.memory_space<vmem_shared>>) offsets(%dma_start3A_360 : memref<128xi32, #tpu.memory_space<vmem>>) semaphore(%arg31 : memref<!tpu.dma_semaphore, #tpu.memory_space<semaphore_mem>>) {add = true}
      %add3A_364 = arith.constant 3 : i32
      %add3A_365 = arith.addi %mul3A_315, %add3A_364 : i32
      %dma_wait3A_366 = arith.constant 0 : i32
      %dma_wait3A_367 = tpu.memref_slice %arg11[%add3A_365, %dma_wait3A_366] : memref<80x128xi32, #tpu.memory_space<vmem>> -> memref<1x128xi32, #tpu.memory_space<vmem>>
      %dma_wait3A_368 = tpu.memref_squeeze %dma_wait3A_367 : memref<1x128xi32, #tpu.memory_space<vmem>> -> memref<128xi32, #tpu.memory_space<vmem>>
      %dma_wait3A_369 = arith.constant 0 : i32
      %dma_wait3A_370 = arith.constant 0 : i32
      %dma_wait3A_371 = tpu.memref_slice %arg10[%dma_wait3A_369, %dma_wait3A_370] : memref<20480x128xf32, #tpu.memory_space<hbm>> -> memref<20480x128xf32, #tpu.memory_space<hbm>>
      tpu.wait_indirect_dma semaphore(%arg28 : memref<!tpu.dma_semaphore, #tpu.memory_space<semaphore_mem>>) src(%dma_wait3A_371 : memref<20480x128xf32, #tpu.memory_space<hbm>>) dst(%arg18 : memref<128x128xf32, #tpu.memory_space<vmem>>)
      %add3A_372 = arith.constant 3 : i32
      %add3A_373 = arith.addi %mul3A_315, %add3A_372 : i32
      %dma_start3A_374 = arith.constant 0 : i32
      %dma_start3A_375 = tpu.memref_slice %arg12[%add3A_373, %dma_start3A_374] : memref<80x128xi32, #tpu.memory_space<vmem>> -> memref<1x128xi32, #tpu.memory_space<vmem>>
      %dma_start3A_376 = tpu.memref_squeeze %dma_start3A_375 : memref<1x128xi32, #tpu.memory_space<vmem>> -> memref<128xi32, #tpu.memory_space<vmem>>
      %dma_start3A_377 = arith.constant 0 : i32
      %dma_start3A_378 = arith.constant 0 : i32
      %dma_start3A_379 = tpu.memref_slice %arg21[%dma_start3A_377, %dma_start3A_378] : memref<4096x128xf32, #tpu.memory_space<vmem_shared>> -> memref<4096x128xf32, #tpu.memory_space<vmem_shared>>
      tpu.enqueue_indirect_dma source(%arg18 : memref<128x128xf32, #tpu.memory_space<vmem>>) target(%dma_start3A_379 : memref<4096x128xf32, #tpu.memory_space<vmem_shared>>) offsets(%dma_start3A_376 : memref<128xi32, #tpu.memory_space<vmem>>) semaphore(%arg32 : memref<!tpu.dma_semaphore, #tpu.memory_space<semaphore_mem>>) {add = true}
      %mul3A_380 = arith.constant 4 : i32
      %mul3A_381 = arith.muli %add3A_313, %mul3A_380 : i32
      %add3A_382 = arith.constant 0 : i32
      %add3A_383 = arith.addi %mul3A_381, %add3A_382 : i32
      %dma_start3A_384 = arith.constant 0 : i32
      %dma_start3A_385 = tpu.memref_slice %arg12[%add3A_383, %dma_start3A_384] : memref<80x128xi32, #tpu.memory_space<vmem>> -> memref<1x128xi32, #tpu.memory_space<vmem>>
      %dma_start3A_386 = tpu.memref_squeeze %dma_start3A_385 : memref<1x128xi32, #tpu.memory_space<vmem>> -> memref<128xi32, #tpu.memory_space<vmem>>
      %dma_start3A_387 = arith.constant 0 : i32
      %dma_start3A_388 = tpu.memref_slice %arg23[%dma_start3A_387] : memref<4096xf32, #tpu.memory_space<vmem_shared>> -> memref<4096xf32, #tpu.memory_space<vmem_shared>>
      tpu.enqueue_indirect_dma source(%arg20 : memref<128xf32, #tpu.memory_space<vmem>>) target(%dma_start3A_388 : memref<4096xf32, #tpu.memory_space<vmem_shared>>) offsets(%dma_start3A_386 : memref<128xi32, #tpu.memory_space<vmem>>) semaphore(%arg34 : memref<!tpu.dma_semaphore, #tpu.memory_space<semaphore_mem>>) {add = true}
      %mul3A_389 = arith.constant 4 : i32
      %mul3A_390 = arith.muli %add3A_313, %mul3A_389 : i32
      %add3A_391 = arith.constant 1 : i32
      %add3A_392 = arith.addi %mul3A_390, %add3A_391 : i32
      %dma_start3A_393 = arith.constant 0 : i32
      %dma_start3A_394 = tpu.memref_slice %arg12[%add3A_392, %dma_start3A_393] : memref<80x128xi32, #tpu.memory_space<vmem>> -> memref<1x128xi32, #tpu.memory_space<vmem>>
      %dma_start3A_395 = tpu.memref_squeeze %dma_start3A_394 : memref<1x128xi32, #tpu.memory_space<vmem>> -> memref<128xi32, #tpu.memory_space<vmem>>
      %dma_start3A_396 = arith.constant 0 : i32
      %dma_start3A_397 = tpu.memref_slice %arg23[%dma_start3A_396] : memref<4096xf32, #tpu.memory_space<vmem_shared>> -> memref<4096xf32, #tpu.memory_space<vmem_shared>>
      tpu.enqueue_indirect_dma source(%arg20 : memref<128xf32, #tpu.memory_space<vmem>>) target(%dma_start3A_397 : memref<4096xf32, #tpu.memory_space<vmem_shared>>) offsets(%dma_start3A_395 : memref<128xi32, #tpu.memory_space<vmem>>) semaphore(%arg34 : memref<!tpu.dma_semaphore, #tpu.memory_space<semaphore_mem>>) {add = true}
      %mul3A_398 = arith.constant 4 : i32
      %mul3A_399 = arith.muli %add3A_313, %mul3A_398 : i32
      %add3A_400 = arith.constant 2 : i32
      %add3A_401 = arith.addi %mul3A_399, %add3A_400 : i32
      %dma_start3A_402 = arith.constant 0 : i32
      %dma_start3A_403 = tpu.memref_slice %arg12[%add3A_401, %dma_start3A_402] : memref<80x128xi32, #tpu.memory_space<vmem>> -> memref<1x128xi32, #tpu.memory_space<vmem>>
      %dma_start3A_404 = tpu.memref_squeeze %dma_start3A_403 : memref<1x128xi32, #tpu.memory_space<vmem>> -> memref<128xi32, #tpu.memory_space<vmem>>
      %dma_start3A_405 = arith.constant 0 : i32
      %dma_start3A_406 = tpu.memref_slice %arg23[%dma_start3A_405] : memref<4096xf32, #tpu.memory_space<vmem_shared>> -> memref<4096xf32, #tpu.memory_space<vmem_shared>>
      tpu.enqueue_indirect_dma source(%arg20 : memref<128xf32, #tpu.memory_space<vmem>>) target(%dma_start3A_406 : memref<4096xf32, #tpu.memory_space<vmem_shared>>) offsets(%dma_start3A_404 : memref<128xi32, #tpu.memory_space<vmem>>) semaphore(%arg34 : memref<!tpu.dma_semaphore, #tpu.memory_space<semaphore_mem>>) {add = true}
      %mul3A_407 = arith.constant 4 : i32
      %mul3A_408 = arith.muli %add3A_313, %mul3A_407 : i32
      %add3A_409 = arith.constant 3 : i32
      %add3A_410 = arith.addi %mul3A_408, %add3A_409 : i32
      %dma_start3A_411 = arith.constant 0 : i32
      %dma_start3A_412 = tpu.memref_slice %arg12[%add3A_410, %dma_start3A_411] : memref<80x128xi32, #tpu.memory_space<vmem>> -> memref<1x128xi32, #tpu.memory_space<vmem>>
      %dma_start3A_413 = tpu.memref_squeeze %dma_start3A_412 : memref<1x128xi32, #tpu.memory_space<vmem>> -> memref<128xi32, #tpu.memory_space<vmem>>
      %dma_start3A_414 = arith.constant 0 : i32
      %dma_start3A_415 = tpu.memref_slice %arg23[%dma_start3A_414] : memref<4096xf32, #tpu.memory_space<vmem_shared>> -> memref<4096xf32, #tpu.memory_space<vmem_shared>>
      tpu.enqueue_indirect_dma source(%arg20 : memref<128xf32, #tpu.memory_space<vmem>>) target(%dma_start3A_415 : memref<4096xf32, #tpu.memory_space<vmem_shared>>) offsets(%dma_start3A_413 : memref<128xi32, #tpu.memory_space<vmem>>) semaphore(%arg34 : memref<!tpu.dma_semaphore, #tpu.memory_space<semaphore_mem>>) {add = true}
      %lt3A = arith.constant 8 : i32
      %lt3A_416 = arith.cmpi slt, %add3A_313, %lt3A : i32
      %convert_element_type3A_417 = arith.extui %lt3A_416 : i1 to i32
      %cond3A_418 = arith.constant 0 : i32
      %cond3A_419 = arith.cmpi ne, %convert_element_type3A_417, %cond3A_418 : i32
      scf.if %cond3A_419 {
        %mul3A_500 = arith.constant 4 : i32
        %mul3A_501 = arith.muli %add3A_313, %mul3A_500 : i32
        %add3A_502 = arith.constant 0 : i32
        %add3A_503 = arith.addi %mul3A_501, %add3A_502 : i32
        %dma_start3A_504 = arith.constant 0 : i32
        %dma_start3A_505 = tpu.memref_slice %arg13[%add3A_503, %dma_start3A_504] : memref<32x128xi32, #tpu.memory_space<vmem>> -> memref<1x128xi32, #tpu.memory_space<vmem>>
        %dma_start3A_506 = tpu.memref_squeeze %dma_start3A_505 : memref<1x128xi32, #tpu.memory_space<vmem>> -> memref<128xi32, #tpu.memory_space<vmem>>
        %dma_start3A_507 = arith.constant 0 : i32
        %dma_start3A_508 = tpu.memref_slice %arg24[%dma_start3A_507] : memref<4096xf32, #tpu.memory_space<vmem_shared>> -> memref<4096xf32, #tpu.memory_space<vmem_shared>>
        tpu.enqueue_indirect_dma source(%arg20 : memref<128xf32, #tpu.memory_space<vmem>>) target(%dma_start3A_508 : memref<4096xf32, #tpu.memory_space<vmem_shared>>) offsets(%dma_start3A_506 : memref<128xi32, #tpu.memory_space<vmem>>) semaphore(%arg34 : memref<!tpu.dma_semaphore, #tpu.memory_space<semaphore_mem>>) {add = true}
        %mul3A_509 = arith.constant 4 : i32
        %mul3A_510 = arith.muli %add3A_313, %mul3A_509 : i32
        %add3A_511 = arith.constant 1 : i32
        %add3A_512 = arith.addi %mul3A_510, %add3A_511 : i32
        %dma_start3A_513 = arith.constant 0 : i32
        %dma_start3A_514 = tpu.memref_slice %arg13[%add3A_512, %dma_start3A_513] : memref<32x128xi32, #tpu.memory_space<vmem>> -> memref<1x128xi32, #tpu.memory_space<vmem>>
        %dma_start3A_515 = tpu.memref_squeeze %dma_start3A_514 : memref<1x128xi32, #tpu.memory_space<vmem>> -> memref<128xi32, #tpu.memory_space<vmem>>
        %dma_start3A_516 = arith.constant 0 : i32
        %dma_start3A_517 = tpu.memref_slice %arg24[%dma_start3A_516] : memref<4096xf32, #tpu.memory_space<vmem_shared>> -> memref<4096xf32, #tpu.memory_space<vmem_shared>>
        tpu.enqueue_indirect_dma source(%arg20 : memref<128xf32, #tpu.memory_space<vmem>>) target(%dma_start3A_517 : memref<4096xf32, #tpu.memory_space<vmem_shared>>) offsets(%dma_start3A_515 : memref<128xi32, #tpu.memory_space<vmem>>) semaphore(%arg34 : memref<!tpu.dma_semaphore, #tpu.memory_space<semaphore_mem>>) {add = true}
        %mul3A_518 = arith.constant 4 : i32
        %mul3A_519 = arith.muli %add3A_313, %mul3A_518 : i32
        %add3A_520 = arith.constant 2 : i32
        %add3A_521 = arith.addi %mul3A_519, %add3A_520 : i32
        %dma_start3A_522 = arith.constant 0 : i32
        %dma_start3A_523 = tpu.memref_slice %arg13[%add3A_521, %dma_start3A_522] : memref<32x128xi32, #tpu.memory_space<vmem>> -> memref<1x128xi32, #tpu.memory_space<vmem>>
        %dma_start3A_524 = tpu.memref_squeeze %dma_start3A_523 : memref<1x128xi32, #tpu.memory_space<vmem>> -> memref<128xi32, #tpu.memory_space<vmem>>
        %dma_start3A_525 = arith.constant 0 : i32
        %dma_start3A_526 = tpu.memref_slice %arg24[%dma_start3A_525] : memref<4096xf32, #tpu.memory_space<vmem_shared>> -> memref<4096xf32, #tpu.memory_space<vmem_shared>>
        tpu.enqueue_indirect_dma source(%arg20 : memref<128xf32, #tpu.memory_space<vmem>>) target(%dma_start3A_526 : memref<4096xf32, #tpu.memory_space<vmem_shared>>) offsets(%dma_start3A_524 : memref<128xi32, #tpu.memory_space<vmem>>) semaphore(%arg34 : memref<!tpu.dma_semaphore, #tpu.memory_space<semaphore_mem>>) {add = true}
        %mul3A_527 = arith.constant 4 : i32
        %mul3A_528 = arith.muli %add3A_313, %mul3A_527 : i32
        %add3A_529 = arith.constant 3 : i32
        %add3A_530 = arith.addi %mul3A_528, %add3A_529 : i32
        %dma_start3A_531 = arith.constant 0 : i32
        %dma_start3A_532 = tpu.memref_slice %arg13[%add3A_530, %dma_start3A_531] : memref<32x128xi32, #tpu.memory_space<vmem>> -> memref<1x128xi32, #tpu.memory_space<vmem>>
        %dma_start3A_533 = tpu.memref_squeeze %dma_start3A_532 : memref<1x128xi32, #tpu.memory_space<vmem>> -> memref<128xi32, #tpu.memory_space<vmem>>
        %dma_start3A_534 = arith.constant 0 : i32
        %dma_start3A_535 = tpu.memref_slice %arg24[%dma_start3A_534] : memref<4096xf32, #tpu.memory_space<vmem_shared>> -> memref<4096xf32, #tpu.memory_space<vmem_shared>>
        tpu.enqueue_indirect_dma source(%arg20 : memref<128xf32, #tpu.memory_space<vmem>>) target(%dma_start3A_535 : memref<4096xf32, #tpu.memory_space<vmem_shared>>) offsets(%dma_start3A_533 : memref<128xi32, #tpu.memory_space<vmem>>) semaphore(%arg34 : memref<!tpu.dma_semaphore, #tpu.memory_space<semaphore_mem>>) {add = true}
        %dma_wait3A_536 = arith.constant 0 : i32
        %dma_wait3A_537 = tpu.memref_slice %arg13[%add3A_503, %dma_wait3A_536] : memref<32x128xi32, #tpu.memory_space<vmem>> -> memref<1x128xi32, #tpu.memory_space<vmem>>
        %dma_wait3A_538 = tpu.memref_squeeze %dma_wait3A_537 : memref<1x128xi32, #tpu.memory_space<vmem>> -> memref<128xi32, #tpu.memory_space<vmem>>
        %dma_wait3A_539 = arith.constant 0 : i32
        %dma_wait3A_540 = tpu.memref_slice %arg24[%dma_wait3A_539] : memref<4096xf32, #tpu.memory_space<vmem_shared>> -> memref<4096xf32, #tpu.memory_space<vmem_shared>>
        tpu.wait_indirect_dma semaphore(%arg34 : memref<!tpu.dma_semaphore, #tpu.memory_space<semaphore_mem>>) src(%arg20 : memref<128xf32, #tpu.memory_space<vmem>>) dst(%dma_wait3A_540 : memref<4096xf32, #tpu.memory_space<vmem_shared>>)
        %dma_wait3A_541 = arith.constant 0 : i32
        %dma_wait3A_542 = tpu.memref_slice %arg13[%add3A_512, %dma_wait3A_541] : memref<32x128xi32, #tpu.memory_space<vmem>> -> memref<1x128xi32, #tpu.memory_space<vmem>>
        %dma_wait3A_543 = tpu.memref_squeeze %dma_wait3A_542 : memref<1x128xi32, #tpu.memory_space<vmem>> -> memref<128xi32, #tpu.memory_space<vmem>>
        %dma_wait3A_544 = arith.constant 0 : i32
        %dma_wait3A_545 = tpu.memref_slice %arg24[%dma_wait3A_544] : memref<4096xf32, #tpu.memory_space<vmem_shared>> -> memref<4096xf32, #tpu.memory_space<vmem_shared>>
        tpu.wait_indirect_dma semaphore(%arg34 : memref<!tpu.dma_semaphore, #tpu.memory_space<semaphore_mem>>) src(%arg20 : memref<128xf32, #tpu.memory_space<vmem>>) dst(%dma_wait3A_545 : memref<4096xf32, #tpu.memory_space<vmem_shared>>)
        %dma_wait3A_546 = arith.constant 0 : i32
        %dma_wait3A_547 = tpu.memref_slice %arg13[%add3A_521, %dma_wait3A_546] : memref<32x128xi32, #tpu.memory_space<vmem>> -> memref<1x128xi32, #tpu.memory_space<vmem>>
        %dma_wait3A_548 = tpu.memref_squeeze %dma_wait3A_547 : memref<1x128xi32, #tpu.memory_space<vmem>> -> memref<128xi32, #tpu.memory_space<vmem>>
        %dma_wait3A_549 = arith.constant 0 : i32
        %dma_wait3A_550 = tpu.memref_slice %arg24[%dma_wait3A_549] : memref<4096xf32, #tpu.memory_space<vmem_shared>> -> memref<4096xf32, #tpu.memory_space<vmem_shared>>
        tpu.wait_indirect_dma semaphore(%arg34 : memref<!tpu.dma_semaphore, #tpu.memory_space<semaphore_mem>>) src(%arg20 : memref<128xf32, #tpu.memory_space<vmem>>) dst(%dma_wait3A_550 : memref<4096xf32, #tpu.memory_space<vmem_shared>>)
        %dma_wait3A_551 = arith.constant 0 : i32
        %dma_wait3A_552 = tpu.memref_slice %arg13[%add3A_530, %dma_wait3A_551] : memref<32x128xi32, #tpu.memory_space<vmem>> -> memref<1x128xi32, #tpu.memory_space<vmem>>
        %dma_wait3A_553 = tpu.memref_squeeze %dma_wait3A_552 : memref<1x128xi32, #tpu.memory_space<vmem>> -> memref<128xi32, #tpu.memory_space<vmem>>
        %dma_wait3A_554 = arith.constant 0 : i32
        %dma_wait3A_555 = tpu.memref_slice %arg24[%dma_wait3A_554] : memref<4096xf32, #tpu.memory_space<vmem_shared>> -> memref<4096xf32, #tpu.memory_space<vmem_shared>>
        tpu.wait_indirect_dma semaphore(%arg34 : memref<!tpu.dma_semaphore, #tpu.memory_space<semaphore_mem>>) src(%arg20 : memref<128xf32, #tpu.memory_space<vmem>>) dst(%dma_wait3A_555 : memref<4096xf32, #tpu.memory_space<vmem_shared>>)
      } else {
      }
      %dma_wait3A_420 = arith.constant 0 : i32
      %dma_wait3A_421 = tpu.memref_slice %arg12[%add3A_383, %dma_wait3A_420] : memref<80x128xi32, #tpu.memory_space<vmem>> -> memref<1x128xi32, #tpu.memory_space<vmem>>
      %dma_wait3A_422 = tpu.memref_squeeze %dma_wait3A_421 : memref<1x128xi32, #tpu.memory_space<vmem>> -> memref<128xi32, #tpu.memory_space<vmem>>
      %dma_wait3A_423 = arith.constant 0 : i32
      %dma_wait3A_424 = tpu.memref_slice %arg23[%dma_wait3A_423] : memref<4096xf32, #tpu.memory_space<vmem_shared>> -> memref<4096xf32, #tpu.memory_space<vmem_shared>>
      tpu.wait_indirect_dma semaphore(%arg34 : memref<!tpu.dma_semaphore, #tpu.memory_space<semaphore_mem>>) src(%arg20 : memref<128xf32, #tpu.memory_space<vmem>>) dst(%dma_wait3A_424 : memref<4096xf32, #tpu.memory_space<vmem_shared>>)
      %dma_wait3A_425 = arith.constant 0 : i32
      %dma_wait3A_426 = tpu.memref_slice %arg12[%add3A_392, %dma_wait3A_425] : memref<80x128xi32, #tpu.memory_space<vmem>> -> memref<1x128xi32, #tpu.memory_space<vmem>>
      %dma_wait3A_427 = tpu.memref_squeeze %dma_wait3A_426 : memref<1x128xi32, #tpu.memory_space<vmem>> -> memref<128xi32, #tpu.memory_space<vmem>>
      %dma_wait3A_428 = arith.constant 0 : i32
      %dma_wait3A_429 = tpu.memref_slice %arg23[%dma_wait3A_428] : memref<4096xf32, #tpu.memory_space<vmem_shared>> -> memref<4096xf32, #tpu.memory_space<vmem_shared>>
      tpu.wait_indirect_dma semaphore(%arg34 : memref<!tpu.dma_semaphore, #tpu.memory_space<semaphore_mem>>) src(%arg20 : memref<128xf32, #tpu.memory_space<vmem>>) dst(%dma_wait3A_429 : memref<4096xf32, #tpu.memory_space<vmem_shared>>)
      %dma_wait3A_430 = arith.constant 0 : i32
      %dma_wait3A_431 = tpu.memref_slice %arg12[%add3A_401, %dma_wait3A_430] : memref<80x128xi32, #tpu.memory_space<vmem>> -> memref<1x128xi32, #tpu.memory_space<vmem>>
      %dma_wait3A_432 = tpu.memref_squeeze %dma_wait3A_431 : memref<1x128xi32, #tpu.memory_space<vmem>> -> memref<128xi32, #tpu.memory_space<vmem>>
      %dma_wait3A_433 = arith.constant 0 : i32
      %dma_wait3A_434 = tpu.memref_slice %arg23[%dma_wait3A_433] : memref<4096xf32, #tpu.memory_space<vmem_shared>> -> memref<4096xf32, #tpu.memory_space<vmem_shared>>
      tpu.wait_indirect_dma semaphore(%arg34 : memref<!tpu.dma_semaphore, #tpu.memory_space<semaphore_mem>>) src(%arg20 : memref<128xf32, #tpu.memory_space<vmem>>) dst(%dma_wait3A_434 : memref<4096xf32, #tpu.memory_space<vmem_shared>>)
      %dma_wait3A_435 = arith.constant 0 : i32
      %dma_wait3A_436 = tpu.memref_slice %arg12[%add3A_410, %dma_wait3A_435] : memref<80x128xi32, #tpu.memory_space<vmem>> -> memref<1x128xi32, #tpu.memory_space<vmem>>
      %dma_wait3A_437 = tpu.memref_squeeze %dma_wait3A_436 : memref<1x128xi32, #tpu.memory_space<vmem>> -> memref<128xi32, #tpu.memory_space<vmem>>
      %dma_wait3A_438 = arith.constant 0 : i32
      %dma_wait3A_439 = tpu.memref_slice %arg23[%dma_wait3A_438] : memref<4096xf32, #tpu.memory_space<vmem_shared>> -> memref<4096xf32, #tpu.memory_space<vmem_shared>>
      tpu.wait_indirect_dma semaphore(%arg34 : memref<!tpu.dma_semaphore, #tpu.memory_space<semaphore_mem>>) src(%arg20 : memref<128xf32, #tpu.memory_space<vmem>>) dst(%dma_wait3A_439 : memref<4096xf32, #tpu.memory_space<vmem_shared>>)
      %dma_wait3A_440 = arith.constant 0 : i32
      %dma_wait3A_441 = tpu.memref_slice %arg12[%add3A_325, %dma_wait3A_440] : memref<80x128xi32, #tpu.memory_space<vmem>> -> memref<1x128xi32, #tpu.memory_space<vmem>>
      %dma_wait3A_442 = tpu.memref_squeeze %dma_wait3A_441 : memref<1x128xi32, #tpu.memory_space<vmem>> -> memref<128xi32, #tpu.memory_space<vmem>>
      %dma_wait3A_443 = arith.constant 0 : i32
      %dma_wait3A_444 = arith.constant 0 : i32
      %dma_wait3A_445 = tpu.memref_slice %arg21[%dma_wait3A_443, %dma_wait3A_444] : memref<4096x128xf32, #tpu.memory_space<vmem_shared>> -> memref<4096x128xf32, #tpu.memory_space<vmem_shared>>
      tpu.wait_indirect_dma semaphore(%arg29 : memref<!tpu.dma_semaphore, #tpu.memory_space<semaphore_mem>>) src(%arg15 : memref<128x128xf32, #tpu.memory_space<vmem>>) dst(%dma_wait3A_445 : memref<4096x128xf32, #tpu.memory_space<vmem_shared>>)
      %add3A_446 = arith.constant 0 : i32
      %add3A_447 = arith.addi %mul3A_315, %add3A_446 : i32
      %add3A_448 = arith.constant 4 : i32
      %add3A_449 = arith.addi %add3A_447, %add3A_448 : i32
      %lt3A_450 = arith.constant 80 : i32
      %lt3A_451 = arith.cmpi slt, %add3A_449, %lt3A_450 : i32
      %convert_element_type3A_452 = arith.extui %lt3A_451 : i1 to i32
      %cond3A_453 = arith.constant 0 : i32
      %cond3A_454 = arith.cmpi ne, %convert_element_type3A_452, %cond3A_453 : i32
      scf.if %cond3A_454 {
        %add3A_500 = arith.constant 4 : i32
        %add3A_501 = arith.addi %mul3A_315, %add3A_500 : i32
        %add3A_502 = arith.constant 0 : i32
        %add3A_503 = arith.addi %add3A_501, %add3A_502 : i32
        %dma_start3A_504 = arith.constant 0 : i32
        %dma_start3A_505 = tpu.memref_slice %arg11[%add3A_503, %dma_start3A_504] : memref<80x128xi32, #tpu.memory_space<vmem>> -> memref<1x128xi32, #tpu.memory_space<vmem>>
        %dma_start3A_506 = tpu.memref_squeeze %dma_start3A_505 : memref<1x128xi32, #tpu.memory_space<vmem>> -> memref<128xi32, #tpu.memory_space<vmem>>
        %dma_start3A_507 = arith.constant 0 : i32
        %dma_start3A_508 = arith.constant 0 : i32
        %dma_start3A_509 = tpu.memref_slice %arg10[%dma_start3A_507, %dma_start3A_508] : memref<20480x128xf32, #tpu.memory_space<hbm>> -> memref<20480x128xf32, #tpu.memory_space<hbm>>
        tpu.enqueue_indirect_dma source(%dma_start3A_509 : memref<20480x128xf32, #tpu.memory_space<hbm>>) target(%arg15 : memref<128x128xf32, #tpu.memory_space<vmem>>) offsets(%dma_start3A_506 : memref<128xi32, #tpu.memory_space<vmem>>) semaphore(%arg25 : memref<!tpu.dma_semaphore, #tpu.memory_space<semaphore_mem>>)
      } else {
      }
      %dma_wait3A_455 = arith.constant 0 : i32
      %dma_wait3A_456 = tpu.memref_slice %arg12[%add3A_341, %dma_wait3A_455] : memref<80x128xi32, #tpu.memory_space<vmem>> -> memref<1x128xi32, #tpu.memory_space<vmem>>
      %dma_wait3A_457 = tpu.memref_squeeze %dma_wait3A_456 : memref<1x128xi32, #tpu.memory_space<vmem>> -> memref<128xi32, #tpu.memory_space<vmem>>
      %dma_wait3A_458 = arith.constant 0 : i32
      %dma_wait3A_459 = arith.constant 0 : i32
      %dma_wait3A_460 = tpu.memref_slice %arg21[%dma_wait3A_458, %dma_wait3A_459] : memref<4096x128xf32, #tpu.memory_space<vmem_shared>> -> memref<4096x128xf32, #tpu.memory_space<vmem_shared>>
      tpu.wait_indirect_dma semaphore(%arg30 : memref<!tpu.dma_semaphore, #tpu.memory_space<semaphore_mem>>) src(%arg16 : memref<128x128xf32, #tpu.memory_space<vmem>>) dst(%dma_wait3A_460 : memref<4096x128xf32, #tpu.memory_space<vmem_shared>>)
      %add3A_461 = arith.constant 1 : i32
      %add3A_462 = arith.addi %mul3A_315, %add3A_461 : i32
      %add3A_463 = arith.constant 4 : i32
      %add3A_464 = arith.addi %add3A_462, %add3A_463 : i32
      %lt3A_465 = arith.constant 80 : i32
      %lt3A_466 = arith.cmpi slt, %add3A_464, %lt3A_465 : i32
      %convert_element_type3A_467 = arith.extui %lt3A_466 : i1 to i32
      %cond3A_468 = arith.constant 0 : i32
      %cond3A_469 = arith.cmpi ne, %convert_element_type3A_467, %cond3A_468 : i32
      scf.if %cond3A_469 {
        %add3A_500 = arith.constant 4 : i32
        %add3A_501 = arith.addi %mul3A_315, %add3A_500 : i32
        %add3A_502 = arith.constant 1 : i32
        %add3A_503 = arith.addi %add3A_501, %add3A_502 : i32
        %dma_start3A_504 = arith.constant 0 : i32
        %dma_start3A_505 = tpu.memref_slice %arg11[%add3A_503, %dma_start3A_504] : memref<80x128xi32, #tpu.memory_space<vmem>> -> memref<1x128xi32, #tpu.memory_space<vmem>>
        %dma_start3A_506 = tpu.memref_squeeze %dma_start3A_505 : memref<1x128xi32, #tpu.memory_space<vmem>> -> memref<128xi32, #tpu.memory_space<vmem>>
        %dma_start3A_507 = arith.constant 0 : i32
        %dma_start3A_508 = arith.constant 0 : i32
        %dma_start3A_509 = tpu.memref_slice %arg10[%dma_start3A_507, %dma_start3A_508] : memref<20480x128xf32, #tpu.memory_space<hbm>> -> memref<20480x128xf32, #tpu.memory_space<hbm>>
        tpu.enqueue_indirect_dma source(%dma_start3A_509 : memref<20480x128xf32, #tpu.memory_space<hbm>>) target(%arg16 : memref<128x128xf32, #tpu.memory_space<vmem>>) offsets(%dma_start3A_506 : memref<128xi32, #tpu.memory_space<vmem>>) semaphore(%arg26 : memref<!tpu.dma_semaphore, #tpu.memory_space<semaphore_mem>>)
      } else {
      }
      %dma_wait3A_470 = arith.constant 0 : i32
      %dma_wait3A_471 = tpu.memref_slice %arg12[%add3A_357, %dma_wait3A_470] : memref<80x128xi32, #tpu.memory_space<vmem>> -> memref<1x128xi32, #tpu.memory_space<vmem>>
      %dma_wait3A_472 = tpu.memref_squeeze %dma_wait3A_471 : memref<1x128xi32, #tpu.memory_space<vmem>> -> memref<128xi32, #tpu.memory_space<vmem>>
      %dma_wait3A_473 = arith.constant 0 : i32
      %dma_wait3A_474 = arith.constant 0 : i32
      %dma_wait3A_475 = tpu.memref_slice %arg21[%dma_wait3A_473, %dma_wait3A_474] : memref<4096x128xf32, #tpu.memory_space<vmem_shared>> -> memref<4096x128xf32, #tpu.memory_space<vmem_shared>>
      tpu.wait_indirect_dma semaphore(%arg31 : memref<!tpu.dma_semaphore, #tpu.memory_space<semaphore_mem>>) src(%arg17 : memref<128x128xf32, #tpu.memory_space<vmem>>) dst(%dma_wait3A_475 : memref<4096x128xf32, #tpu.memory_space<vmem_shared>>)
      %add3A_476 = arith.constant 2 : i32
      %add3A_477 = arith.addi %mul3A_315, %add3A_476 : i32
      %add3A_478 = arith.constant 4 : i32
      %add3A_479 = arith.addi %add3A_477, %add3A_478 : i32
      %lt3A_480 = arith.constant 80 : i32
      %lt3A_481 = arith.cmpi slt, %add3A_479, %lt3A_480 : i32
      %convert_element_type3A_482 = arith.extui %lt3A_481 : i1 to i32
      %cond3A_483 = arith.constant 0 : i32
      %cond3A_484 = arith.cmpi ne, %convert_element_type3A_482, %cond3A_483 : i32
      scf.if %cond3A_484 {
        %add3A_500 = arith.constant 4 : i32
        %add3A_501 = arith.addi %mul3A_315, %add3A_500 : i32
        %add3A_502 = arith.constant 2 : i32
        %add3A_503 = arith.addi %add3A_501, %add3A_502 : i32
        %dma_start3A_504 = arith.constant 0 : i32
        %dma_start3A_505 = tpu.memref_slice %arg11[%add3A_503, %dma_start3A_504] : memref<80x128xi32, #tpu.memory_space<vmem>> -> memref<1x128xi32, #tpu.memory_space<vmem>>
        %dma_start3A_506 = tpu.memref_squeeze %dma_start3A_505 : memref<1x128xi32, #tpu.memory_space<vmem>> -> memref<128xi32, #tpu.memory_space<vmem>>
        %dma_start3A_507 = arith.constant 0 : i32
        %dma_start3A_508 = arith.constant 0 : i32
        %dma_start3A_509 = tpu.memref_slice %arg10[%dma_start3A_507, %dma_start3A_508] : memref<20480x128xf32, #tpu.memory_space<hbm>> -> memref<20480x128xf32, #tpu.memory_space<hbm>>
        tpu.enqueue_indirect_dma source(%dma_start3A_509 : memref<20480x128xf32, #tpu.memory_space<hbm>>) target(%arg17 : memref<128x128xf32, #tpu.memory_space<vmem>>) offsets(%dma_start3A_506 : memref<128xi32, #tpu.memory_space<vmem>>) semaphore(%arg27 : memref<!tpu.dma_semaphore, #tpu.memory_space<semaphore_mem>>)
      } else {
      }
      %dma_wait3A_485 = arith.constant 0 : i32
      %dma_wait3A_486 = tpu.memref_slice %arg12[%add3A_373, %dma_wait3A_485] : memref<80x128xi32, #tpu.memory_space<vmem>> -> memref<1x128xi32, #tpu.memory_space<vmem>>
      %dma_wait3A_487 = tpu.memref_squeeze %dma_wait3A_486 : memref<1x128xi32, #tpu.memory_space<vmem>> -> memref<128xi32, #tpu.memory_space<vmem>>
      %dma_wait3A_488 = arith.constant 0 : i32
      %dma_wait3A_489 = arith.constant 0 : i32
      %dma_wait3A_490 = tpu.memref_slice %arg21[%dma_wait3A_488, %dma_wait3A_489] : memref<4096x128xf32, #tpu.memory_space<vmem_shared>> -> memref<4096x128xf32, #tpu.memory_space<vmem_shared>>
      tpu.wait_indirect_dma semaphore(%arg32 : memref<!tpu.dma_semaphore, #tpu.memory_space<semaphore_mem>>) src(%arg18 : memref<128x128xf32, #tpu.memory_space<vmem>>) dst(%dma_wait3A_490 : memref<4096x128xf32, #tpu.memory_space<vmem_shared>>)
      %add3A_491 = arith.constant 3 : i32
      %add3A_492 = arith.addi %mul3A_315, %add3A_491 : i32
      %add3A_493 = arith.constant 4 : i32
      %add3A_494 = arith.addi %add3A_492, %add3A_493 : i32
      %lt3A_495 = arith.constant 80 : i32
      %lt3A_496 = arith.cmpi slt, %add3A_494, %lt3A_495 : i32
      %convert_element_type3A_497 = arith.extui %lt3A_496 : i1 to i32
      %cond3A_498 = arith.constant 0 : i32
      %cond3A_499 = arith.cmpi ne, %convert_element_type3A_497, %cond3A_498 : i32
      scf.if %cond3A_499 {
        %add3A_500 = arith.constant 4 : i32
        %add3A_501 = arith.addi %mul3A_315, %add3A_500 : i32
        %add3A_502 = arith.constant 3 : i32
        %add3A_503 = arith.addi %add3A_501, %add3A_502 : i32
        %dma_start3A_504 = arith.constant 0 : i32
        %dma_start3A_505 = tpu.memref_slice %arg11[%add3A_503, %dma_start3A_504] : memref<80x128xi32, #tpu.memory_space<vmem>> -> memref<1x128xi32, #tpu.memory_space<vmem>>
        %dma_start3A_506 = tpu.memref_squeeze %dma_start3A_505 : memref<1x128xi32, #tpu.memory_space<vmem>> -> memref<128xi32, #tpu.memory_space<vmem>>
        %dma_start3A_507 = arith.constant 0 : i32
        %dma_start3A_508 = arith.constant 0 : i32
        %dma_start3A_509 = tpu.memref_slice %arg10[%dma_start3A_507, %dma_start3A_508] : memref<20480x128xf32, #tpu.memory_space<hbm>> -> memref<20480x128xf32, #tpu.memory_space<hbm>>
        tpu.enqueue_indirect_dma source(%dma_start3A_509 : memref<20480x128xf32, #tpu.memory_space<hbm>>) target(%arg18 : memref<128x128xf32, #tpu.memory_space<vmem>>) offsets(%dma_start3A_506 : memref<128xi32, #tpu.memory_space<vmem>>) semaphore(%arg28 : memref<!tpu.dma_semaphore, #tpu.memory_space<semaphore_mem>>)
      } else {
      }
    }
    %scan3A_299 = arith.constant 20 : i32
    %barrier3A_300 = arith.constant 0 : index
    tpu.barrier barrier_id(%barrier3A_300)
    %mul3A_301 = arith.constant 256 : i32
    %mul3A_302 = arith.muli %arg1, %mul3A_301 : i32
    %mul3A_303 = arith.constant 256 : i32
    %mul3A_304 = arith.muli %arg1, %mul3A_303 : i32
    "tpu.region"() ({
      %run_scoped3A = tpu.sem_alloc : memref<!tpu.dma_semaphore, #tpu.memory_space<semaphore_mem>>
      %dma_start3A_309 = arith.constant 0 : i32
      %dma_start3A_310 = tpu.memref_slice %arg7[%arg0, %mul3A_304, %dma_start3A_309] : memref<2x4096x128xf32, #tpu.memory_space<hbm>> -> memref<1x256x128xf32, #tpu.memory_space<hbm>>
      %dma_start3A_311 = tpu.memref_squeeze %dma_start3A_310 : memref<1x256x128xf32, #tpu.memory_space<hbm>> -> memref<256x128xf32, #tpu.memory_space<hbm>>
      %dma_start3A_312 = arith.constant 0 : i32
      %dma_start3A_313 = tpu.memref_slice %arg21[%mul3A_302, %dma_start3A_312] : memref<4096x128xf32, #tpu.memory_space<vmem_shared>> -> memref<256x128xf32, #tpu.memory_space<vmem_shared>>
      tpu.enqueue_dma source(%dma_start3A_313 : memref<256x128xf32, #tpu.memory_space<vmem_shared>>) target(%dma_start3A_311 : memref<256x128xf32, #tpu.memory_space<hbm>>) target_semaphore(%run_scoped3A : memref<!tpu.dma_semaphore, #tpu.memory_space<semaphore_mem>>)
      %dma_wait3A_314 = arith.constant 0 : i32
      %dma_wait3A_315 = tpu.memref_slice %arg7[%arg0, %mul3A_304, %dma_wait3A_314] : memref<2x4096x128xf32, #tpu.memory_space<hbm>> -> memref<1x256x128xf32, #tpu.memory_space<hbm>>
      %dma_wait3A_316 = tpu.memref_squeeze %dma_wait3A_315 : memref<1x256x128xf32, #tpu.memory_space<hbm>> -> memref<256x128xf32, #tpu.memory_space<hbm>>
      %dma_wait3A_317 = arith.constant 0 : i32
      %dma_wait3A_318 = tpu.memref_slice %arg21[%mul3A_302, %dma_wait3A_317] : memref<4096x128xf32, #tpu.memory_space<vmem_shared>> -> memref<256x128xf32, #tpu.memory_space<vmem_shared>>
      tpu.wait_dma2 semaphore(%run_scoped3A : memref<!tpu.dma_semaphore, #tpu.memory_space<semaphore_mem>>) src(%dma_wait3A_318 : memref<256x128xf32, #tpu.memory_space<vmem_shared>>) dst(%dma_wait3A_316 : memref<256x128xf32, #tpu.memory_space<hbm>>)
      tpu.yield
    }) : () -> ()
    %eq3A = arith.constant 0 : i32
    %eq3A_305 = arith.cmpi eq, %arg0, %eq3A : i32
    %eq3A_306 = arith.constant 0 : i32
    %eq3A_307 = arith.cmpi eq, %arg1, %eq3A_306 : i32
    %and3A = arith.andi %eq3A_305, %eq3A_307 : i1
    %convert_element_type3A = arith.extui %and3A : i1 to i32
    %cond3A = arith.constant 0 : i32
    %cond3A_308 = arith.cmpi ne, %convert_element_type3A, %cond3A : i32
    scf.if %cond3A_308 {
      "tpu.region"() ({
        %run_scoped3A = tpu.sem_alloc : memref<!tpu.dma_semaphore, #tpu.memory_space<semaphore_mem>>
        tpu.enqueue_dma source(%arg23 : memref<4096xf32, #tpu.memory_space<vmem_shared>>) target(%arg8 : memref<4096xf32, #tpu.memory_space<hbm>>) target_semaphore(%run_scoped3A : memref<!tpu.dma_semaphore, #tpu.memory_space<semaphore_mem>>)
        tpu.wait_dma2 semaphore(%run_scoped3A : memref<!tpu.dma_semaphore, #tpu.memory_space<semaphore_mem>>) src(%arg23 : memref<4096xf32, #tpu.memory_space<vmem_shared>>) dst(%arg8 : memref<4096xf32, #tpu.memory_space<hbm>>)
        tpu.yield
      }) : () -> ()
      "tpu.region"() ({
        %run_scoped3A = tpu.sem_alloc : memref<!tpu.dma_semaphore, #tpu.memory_space<semaphore_mem>>
        tpu.enqueue_dma source(%arg24 : memref<4096xf32, #tpu.memory_space<vmem_shared>>) target(%arg9 : memref<4096xf32, #tpu.memory_space<hbm>>) target_semaphore(%run_scoped3A : memref<!tpu.dma_semaphore, #tpu.memory_space<semaphore_mem>>)
        tpu.wait_dma2 semaphore(%run_scoped3A : memref<!tpu.dma_semaphore, #tpu.memory_space<semaphore_mem>>) src(%arg24 : memref<4096xf32, #tpu.memory_space<vmem_shared>>) dst(%arg9 : memref<4096xf32, #tpu.memory_space<hbm>>)
        tpu.yield
      }) : () -> ()
    } else {
    }
    return
  }
}

module attributes {stable_mosaic.version = 14 : i64} {
  func.func @_tc1_body(%arg0: memref<2x4096x128xf32, #tpu.memory_space<vmem>>, %arg1: memref<4096x1xf32, #tpu.memory_space<vmem>>, %arg2: memref<4096x1xf32, #tpu.memory_space<vmem>>, %arg3: memref<256x256xf32, #tpu.memory_space<vmem>>, %arg4: memref<1x256xf32, #tpu.memory_space<vmem>>, %arg5: memref<2x4096x128xf32, #tpu.memory_space<vmem>>) attributes {dimension_semantics = [], scalar_prefetch = 0 : i64, scratch_operands = 0 : i64, tpu.core_type = #tpu.core_type<tc>} {
    %get3A = arith.constant 0 : index
    %get3A_0 = arith.constant 0 : index
    %get3A_1 = arith.constant 0 : index
    %get3A_2 = vector.load %arg0[%get3A, %get3A_0, %get3A_1] : memref<2x4096x128xf32, #tpu.memory_space<vmem>>, vector<1x4096x128xf32>
    %get3A_3 = vector.shape_cast %get3A_2 : vector<1x4096x128xf32> to vector<4096x128xf32>
    %get3A_4 = arith.constant 1 : index
    %get3A_5 = arith.constant 0 : index
    %get3A_6 = arith.constant 0 : index
    %get3A_7 = vector.load %arg0[%get3A_4, %get3A_5, %get3A_6] : memref<2x4096x128xf32, #tpu.memory_space<vmem>>, vector<1x4096x128xf32>
    %get3A_8 = vector.shape_cast %get3A_7 : vector<1x4096x128xf32> to vector<4096x128xf32>
    %concatenate3A = tpu.concatenate %get3A_3, %get3A_8 in 1 : vector<4096x128xf32>, vector<4096x128xf32> -> vector<4096x256xf32>
    %get3A_9 = arith.constant 0 : index
    %get3A_10 = arith.constant 0 : index
    %get3A_11 = vector.load %arg1[%get3A_9, %get3A_10] : memref<4096x1xf32, #tpu.memory_space<vmem>>, vector<4096x1xf32>
    %max3A = arith.constant 1.000000e+00 : f32
    %max3A_12 = vector.broadcast %max3A : f32 to vector<4096x1xf32>
    %max3A_13 = arith.maximumf %get3A_11, %max3A_12 : vector<4096x1xf32>
    %rsqrt3A = math.rsqrt %max3A_13 : vector<4096x1xf32>
    %mul3A = vector.broadcast %rsqrt3A : vector<4096x1xf32> to vector<4096x256xf32>
    %mul3A_14 = arith.mulf %concatenate3A, %mul3A : vector<4096x256xf32>
    %get3A_15 = arith.constant 0 : index
    %get3A_16 = arith.constant 0 : index
    %get3A_17 = vector.load %arg3[%get3A_15, %get3A_16] : memref<256x256xf32, #tpu.memory_space<vmem>>, vector<256x256xf32>
    %dot_general3A = arith.constant dense<0.000000e+00> : vector<4096x256xf32>
    %dot_general3A_18 = tpu.matmul %mul3A_14, %get3A_17, %dot_general3A {dimension_numbers = #tpu.dot_dimension_numbers<[1], [0], [0], [1], [0, 0, 1, 1], [], []>, transpose_lhs_hint = false} : vector<4096x256xf32>, vector<256x256xf32>, vector<4096x256xf32> -> vector<4096x256xf32>
    %get3A_19 = arith.constant 0 : index
    %get3A_20 = arith.constant 0 : index
    %get3A_21 = vector.load %arg4[%get3A_19, %get3A_20] : memref<1x256xf32, #tpu.memory_space<vmem>>, vector<1x256xf32>
    %add3A = vector.broadcast %get3A_21 : vector<1x256xf32> to vector<4096x256xf32>
    %add3A_22 = arith.addf %dot_general3A_18, %add3A : vector<4096x256xf32>
    %max3A_23 = arith.constant 0.000000e+00 : f32
    %max3A_24 = vector.broadcast %max3A_23 : f32 to vector<4096x256xf32>
    %max3A_25 = arith.maximumf %add3A_22, %max3A_24 : vector<4096x256xf32>
    %get3A_26 = arith.constant 0 : index
    %get3A_27 = arith.constant 0 : index
    %get3A_28 = vector.load %arg2[%get3A_26, %get3A_27] : memref<4096x1xf32, #tpu.memory_space<vmem>>, vector<4096x1xf32>
    %max3A_29 = arith.constant 1.000000e+00 : f32
    %max3A_30 = vector.broadcast %max3A_29 : f32 to vector<4096x1xf32>
    %max3A_31 = arith.maximumf %get3A_28, %max3A_30 : vector<4096x1xf32>
    %rsqrt3A_32 = math.rsqrt %max3A_31 : vector<4096x1xf32>
    %mul3A_33 = vector.broadcast %rsqrt3A_32 : vector<4096x1xf32> to vector<4096x256xf32>
    %mul3A_34 = arith.mulf %max3A_25, %mul3A_33 : vector<4096x256xf32>
    %slice3A = vector.extract_strided_slice %mul3A_34 {offsets = [0, 0], sizes = [4096, 128], strides = [1, 1]} : vector<4096x256xf32> to vector<4096x128xf32>
    %swap3A = arith.constant 0 : index
    %swap3A_35 = arith.constant 0 : index
    %swap3A_36 = arith.constant 0 : index
    %swap3A_37 = vector.load %arg5[%swap3A, %swap3A_35, %swap3A_36] : memref<2x4096x128xf32, #tpu.memory_space<vmem>>, vector<1x4096x128xf32>
    %swap3A_38 = vector.shape_cast %swap3A_37 : vector<1x4096x128xf32> to vector<4096x128xf32>
    %swap3A_39 = vector.shape_cast %slice3A : vector<4096x128xf32> to vector<1x4096x128xf32>
    tpu.vector_store %arg5[%swap3A, %swap3A_35, %swap3A_36], %swap3A_39 {strides = array<i32>} : memref<2x4096x128xf32, #tpu.memory_space<vmem>>, vector<1x4096x128xf32>,
    %slice3A_40 = vector.extract_strided_slice %mul3A_34 {offsets = [0, 128], sizes = [4096, 128], strides = [1, 1]} : vector<4096x256xf32> to vector<4096x128xf32>
    %swap3A_41 = arith.constant 1 : index
    %swap3A_42 = arith.constant 0 : index
    %swap3A_43 = arith.constant 0 : index
    %swap3A_44 = vector.load %arg5[%swap3A_41, %swap3A_42, %swap3A_43] : memref<2x4096x128xf32, #tpu.memory_space<vmem>>, vector<1x4096x128xf32>
    %swap3A_45 = vector.shape_cast %swap3A_44 : vector<1x4096x128xf32> to vector<4096x128xf32>
    %swap3A_46 = vector.shape_cast %slice3A_40 : vector<4096x128xf32> to vector<1x4096x128xf32>
    tpu.vector_store %arg5[%swap3A_41, %swap3A_42, %swap3A_43], %swap3A_46 {strides = array<i32>} : memref<2x4096x128xf32, #tpu.memory_space<vmem>>, vector<1x4096x128xf32>,
    return
  }
}

module attributes {stable_mosaic.version = 14 : i64} {
  func.func @_tc2_body(%arg0: memref<2x1024x128xf32, #tpu.memory_space<vmem>>, %arg1: memref<1024x1xf32, #tpu.memory_space<vmem>>, %arg2: memref<256x256xf32, #tpu.memory_space<vmem>>, %arg3: memref<1x256xf32, #tpu.memory_space<vmem>>, %arg4: memref<256x4xf32, #tpu.memory_space<vmem>>, %arg5: memref<1x4xf32, #tpu.memory_space<vmem>>, %arg6: memref<1000x4xf32, #tpu.memory_space<vmem>>) attributes {dimension_semantics = [], scalar_prefetch = 0 : i64, scratch_operands = 0 : i64, tpu.core_type = #tpu.core_type<tc>} {
    %get3A = arith.constant 0 : index
    %get3A_0 = arith.constant 0 : index
    %get3A_1 = arith.constant 0 : index
    %get3A_2 = vector.load %arg0[%get3A, %get3A_0, %get3A_1] : memref<2x1024x128xf32, #tpu.memory_space<vmem>>, vector<1x1024x128xf32>
    %get3A_3 = vector.shape_cast %get3A_2 : vector<1x1024x128xf32> to vector<1024x128xf32>
    %get3A_4 = arith.constant 1 : index
    %get3A_5 = arith.constant 0 : index
    %get3A_6 = arith.constant 0 : index
    %get3A_7 = vector.load %arg0[%get3A_4, %get3A_5, %get3A_6] : memref<2x1024x128xf32, #tpu.memory_space<vmem>>, vector<1x1024x128xf32>
    %get3A_8 = vector.shape_cast %get3A_7 : vector<1x1024x128xf32> to vector<1024x128xf32>
    %concatenate3A = tpu.concatenate %get3A_3, %get3A_8 in 1 : vector<1024x128xf32>, vector<1024x128xf32> -> vector<1024x256xf32>
    %get3A_9 = arith.constant 0 : index
    %get3A_10 = arith.constant 0 : index
    %get3A_11 = vector.load %arg1[%get3A_9, %get3A_10] : memref<1024x1xf32, #tpu.memory_space<vmem>>, vector<1024x1xf32>
    %max3A = arith.constant 1.000000e+00 : f32
    %max3A_12 = vector.broadcast %max3A : f32 to vector<1024x1xf32>
    %max3A_13 = arith.maximumf %get3A_11, %max3A_12 : vector<1024x1xf32>
    %rsqrt3A = math.rsqrt %max3A_13 : vector<1024x1xf32>
    %mul3A = vector.broadcast %rsqrt3A : vector<1024x1xf32> to vector<1024x256xf32>
    %mul3A_14 = arith.mulf %concatenate3A, %mul3A : vector<1024x256xf32>
    %get3A_15 = arith.constant 0 : index
    %get3A_16 = arith.constant 0 : index
    %get3A_17 = vector.load %arg2[%get3A_15, %get3A_16] : memref<256x256xf32, #tpu.memory_space<vmem>>, vector<256x256xf32>
    %dot_general3A = arith.constant dense<0.000000e+00> : vector<1024x256xf32>
    %dot_general3A_18 = tpu.matmul %mul3A_14, %get3A_17, %dot_general3A {dimension_numbers = #tpu.dot_dimension_numbers<[1], [0], [0], [1], [0, 0, 1, 1], [], []>, transpose_lhs_hint = false} : vector<1024x256xf32>, vector<256x256xf32>, vector<1024x256xf32> -> vector<1024x256xf32>
    %get3A_19 = arith.constant 0 : index
    %get3A_20 = arith.constant 0 : index
    %get3A_21 = vector.load %arg3[%get3A_19, %get3A_20] : memref<1x256xf32, #tpu.memory_space<vmem>>, vector<1x256xf32>
    %add3A = vector.broadcast %get3A_21 : vector<1x256xf32> to vector<1024x256xf32>
    %add3A_22 = arith.addf %dot_general3A_18, %add3A : vector<1024x256xf32>
    %get3A_23 = arith.constant 0 : index
    %get3A_24 = arith.constant 0 : index
    %get3A_25 = vector.load %arg4[%get3A_23, %get3A_24] : memref<256x4xf32, #tpu.memory_space<vmem>>, vector<256x4xf32>
    %dot_general3A_26 = arith.constant dense<0.000000e+00> : vector<1024x4xf32>
    %dot_general3A_27 = tpu.matmul %add3A_22, %get3A_25, %dot_general3A_26 {dimension_numbers = #tpu.dot_dimension_numbers<[1], [0], [0], [1], [0, 0, 1, 1], [], []>, transpose_lhs_hint = false} : vector<1024x256xf32>, vector<256x4xf32>, vector<1024x4xf32> -> vector<1024x4xf32>
    %get3A_28 = arith.constant 0 : index
    %get3A_29 = arith.constant 0 : index
    %get3A_30 = vector.load %arg5[%get3A_28, %get3A_29] : memref<1x4xf32, #tpu.memory_space<vmem>>, vector<1x4xf32>
    %add3A_31 = vector.broadcast %get3A_30 : vector<1x4xf32> to vector<1024x4xf32>
    %add3A_32 = arith.addf %dot_general3A_27, %add3A_31 : vector<1024x4xf32>
    %slice3A = vector.extract_strided_slice %add3A_32 {offsets = [0, 0], sizes = [1000, 4], strides = [1, 1]} : vector<1024x4xf32> to vector<1000x4xf32>
    %swap3A = arith.constant 0 : index
    %swap3A_33 = arith.constant 0 : index
    %swap3A_34 = vector.load %arg6[%swap3A, %swap3A_33] : memref<1000x4xf32, #tpu.memory_space<vmem>>, vector<1000x4xf32>
    tpu.vector_store %arg6[%swap3A, %swap3A_33], %slice3A {strides = array<i32>} : memref<1000x4xf32, #tpu.memory_space<vmem>>, vector<1000x4xf32>,
    return
  }
}

</mosaic_0001>

<sc_bundles>
// kernel: kernel.6.cloned.1.call-start
scs
__scs_entry_jumppad:
0x0: {  	(pc) =	sbr.rel $0x88, $3  }
0x1: {  	(tag) =	ssettag $0x0;
	lr =	simm.s32 $0x1  }
0x2: {  	[smem:$0x3F95] =	sst lr;
	_ =	strace $0xD0000000  }
0x3: {  	_ = 	snop  }
0x4: {  	_ = 	snop  }
0x5: {  	_ = 	snop  }
0x6: {  	_ = 	snop  }
0x7: {  	_ = 	snop  }
__scs_overlays_trampoline_lowered:
0x8: {  	[smem:$0x3FA4] =	sst s0  }
0x9: {  	[smem:$0x3FA5] =	sst s1  }
0xa: {  	[smem:$0x3FA6] =	sst s2  }
0xb: {  	[smem:$0x3FA7] =	sst s3  }
0xc: {  	[smem:$0x3FA8] =	sst s4  }
0xd: {  	[smem:$0x3FA9] =	sst s5  }
0xe: {  	[smem:$0x3FAA] =	sst s6  }
0xf: {  	[smem:$0x3FAB] =	sst s7  }
0x10: {  	[smem:$0x3FAC] =	sst s8  }
0x11: {  	[smem:$0x3FAD] =	sst s9;
	s0 =	simm.s32 @!p0 $0x0  }
0x12: {  	s1 =	sld [smem:$0x3F93];
	s0 =	simm.s32 @p0 $0x1  }
0x13: {  	[smem:$0x3FAE] =	sst s0;
	s0 =	simm.s32 @!p1 $0x0  }
0x14: {  	s2 =	sld [smem:$0x3F92];
	s0 =	simm.s32 @p1 $0x1  }
0x15: {  	[smem:$0x3FAF] =	sst s0;
	s0 =	simm.s32 @!p2 $0x0  }
0x16: {  	s3 =	sld [smem:$0x3FDB];
	s0 =	simm.s32 @p2 $0x1  }
0x17: {  	s4 =	simm.s32 $0x1BF5;
	[smem:$0x3FB1] =	sst s0  }
0x18: {  	s0 =	sld [smem:$0x3F94];
	_ =	swait.ge [sflag:s4], $0x0  }
0x19: {  	s7 =	sld [smem:$0x3F95]  }
0x1a: {  	s8 =	sadd.s32 $0xFFFFE003, lr  }
0x1b: {  	s9 =	sadd.s32 $0xFFFFFEF7, lr;
	s5 =	simm.s32 $0xFFFFFFFF;
	p2 =	slt.u32 s8, $0xFFFFF086  }
0x1c: {  	p1 =	slt.u32 s9, $0xF7A;
	s5 =	simm.s32 @!p2 $0x0  }
0x1d: {  	s5 =	simm.s32 @p1 $0x1;
	p0 =	seq.s32 s7, s2  }
0x1e: {  	s7 =	smul.u32 @!p0 $0xF7A, s2;
	p2 =	seq.s32 @!p0 s5, $0x0  }
0x1f: {  	s9 =	smul.u32 $0xF7A, s1;
	s8 =	simm.s32 @!p0 $0x1BF5;
	p2 =	por !p2, p0  }
0x20: {  	[sflag:s8] =	ssyncset.s32 @!p0 $0xFFFFF086;
	s6 =	sadd.s32 @!p0 s3, s7;
	s7 =	simm.s32 @!p0 $0x108  }
0x21: {  	s3 =	sadd.s32 s3, s9;
	s6 =	sadd.s32 @!p0 $0x88, s6;
	s7 =	simm.s32 @p2 $0x1082  }
0x22: {  	[simem:s7], [sflag:s8] =	dma.local @!p0 [hbm:s6], $0xF7A  }
0x23: {  	s9 =	sor.u32 $0xD0000000, s2;
	s6 =	simm.s32 $0x108;
	_ =	swait.ge @!p0 [sflag:s8], $0x0  }
0x24: {  	s3 =	sadd.s32 $0x88, s3;
	s6 =	simm.s32 @!p1 $0x1082;
	[sflag:s4] =	ssyncset.s32 $0xFFFFF086  }
0x25: {  	[simem:s6], [sflag:s4] =	dma.local [hbm:s3], $0xF7A  }
0x26: {  	[smem:$0x3F95] =	sst s1;
	(tag) =	ssettag s2;
	_ =	strace s9  }
0x27: {  	s1 =	sld [smem:$0x3FA5]  }
0x28: {  	s2 =	sld [smem:$0x3FA6]  }
0x29: {  	s4 =	sld [smem:$0x3FA8]  }
0x2a: {  	p0 =	seq.s32 s5, $0x0;
	s5 =	sld [smem:$0x3FA9]  }
0x2b: {  	s6 =	sld [smem:$0x3FAA]  }
0x2c: {  	s7 =	sld [smem:$0x3FAB]  }
0x2d: {  	s3 =	simm.s32 $0x108;
	s8 =	sld [smem:$0x3FAC]  }
0x2e: {  	s3 =	simm.s32 @!p0 $0x1082;
	s9 =	sld [smem:$0x3FAD]  }
0x2f: {  	lr =	sadd.s32 s0, s3;
	s0 =	sld [smem:$0x3FA4]  }
0x30: {  	s3 =	sld [smem:$0x3FA7]  }
0x31: {  	[smem:$0x3FB0] =	sst s10  }
0x32: {  	s10 =	sld [smem:$0x3FAE];
	_ =	sdelay $0x3  }
0x33: {  	p0 =	seq.s32 s10, $0x1;
	s10 =	sld [smem:$0x3FB0];
	_ =	sdelay $0x3  }
0x34: {  	[smem:$0x3FB0] =	sst s10  }
0x35: {  	s10 =	sld [smem:$0x3FAF];
	_ =	sdelay $0x3  }
0x36: {  	p1 =	seq.s32 s10, $0x1;
	s10 =	sld [smem:$0x3FB0];
	_ =	sdelay $0x3  }
0x37: {  	[smem:$0x3FB0] =	sst s10  }
0x38: {  	s10 =	sld [smem:$0x3FB1]  }
0x39: {  	_ = 	snop;
	(pc) =	sbr.ind lr, $3  }
0x3a: {  	_ = 	snop  }
0x3b: {  	_ = 	snop  }
0x3c: {  	p2 =	seq.s32 s10, $0x1;
	s10 =	sld [smem:$0x3FB0]  }
0x3d: {  	_ =	shalt  }
0x3e: {  	_ =	shalt  }
0x3f: {  	_ =	shalt  }
0x40: {  	_ =	shalt  }
0x41: {  	_ =	shalt  }
0x42: {  	_ =	shalt  }
0x43: {  	_ =	shalt  }
0x44: {  	_ =	shalt  }
0x45: {  	_ =	shalt  }
0x46: {  	_ =	shalt  }
0x47: {  	_ =	shalt  }
0x48: {  	_ =	shalt  }
0x49: {  	_ =	shalt  }
0x4a: {  	_ =	shalt  }
0x4b: {  	_ =	shalt  }
0x4c: {  	_ =	shalt  }
0x4d: {  	_ =	shalt  }
0x4e: {  	_ =	shalt  }
0x4f: {  	_ =	shalt  }
0x50: {  	_ =	shalt  }
0x51: {  	_ =	shalt  }
0x52: {  	_ =	shalt  }
0x53: {  	_ =	shalt  }
0x54: {  	_ =	shalt  }
0x55: {  	_ =	shalt  }
0x56: {  	_ =	shalt  }
0x57: {  	_ =	shalt  }
0x58: {  	_ =	shalt  }
0x59: {  	_ =	shalt  }
0x5a: {  	_ =	shalt  }
0x5b: {  	_ =	shalt  }
0x5c: {  	_ =	shalt  }
0x5d: {  	_ =	shalt  }
0x5e: {  	_ =	shalt  }
0x5f: {  	_ =	shalt  }
0x60: {  	_ =	shalt  }
0x61: {  	_ =	shalt  }
0x62: {  	_ =	shalt  }
0x63: {  	_ =	shalt  }
0x64: {  	_ =	shalt  }
0x65: {  	_ =	shalt  }
0x66: {  	_ =	shalt  }
0x67: {  	_ =	shalt  }
0x68: {  	_ =	shalt  }
0x69: {  	_ =	shalt  }
0x6a: {  	_ =	shalt  }
0x6b: {  	_ =	shalt  }
0x6c: {  	_ =	shalt  }
0x6d: {  	_ =	shalt  }
0x6e: {  	_ =	shalt  }
0x6f: {  	_ =	shalt  }
0x70: {  	_ =	shalt  }
0x71: {  	_ =	shalt  }
0x72: {  	_ =	shalt  }
0x73: {  	_ =	shalt  }
0x74: {  	_ =	shalt  }
0x75: {  	_ =	shalt  }
0x76: {  	_ =	shalt  }
0x77: {  	_ =	shalt  }
0x78: {  	_ =	shalt  }
0x79: {  	_ =	shalt  }
0x7a: {  	_ =	shalt  }
0x7b: {  	_ =	shalt  }
0x7c: {  	_ =	shalt  }
0x7d: {  	_ =	shalt  }
0x7e: {  	_ =	shalt  }
0x7f: {  	_ =	shalt  }
0x80: {  	_ =	shalt  }
0x81: {  	_ =	shalt  }
0x82: {  	_ =	shalt  }
0x83: {  	_ =	shalt  }
0x84: {  	_ =	shalt  }
0x85: {  	_ =	shalt  }
0x86: {  	_ =	shalt  }
0x87: {  	_ =	shalt  }
.Lfunc_end0:
.L_simem_size_0:
called_computation_lowered:
.L_overlay_start_0:
0x88: {  	s2 =	sld [smem:$0x3FD9]  }
0x89: {  	s3 =	sld [smem:$0x3FFE];
	_ =	sdelay $0x1  }
0x8a: {  	s1 =	srdreg.scid  }
0x8b: {  	s0 =	sand.u32 $0x1, s1  }
0x8c: {  	s17 =	sshll.u32 s0, $0xA;
	s2 =	sadd.s32 s3, s2  }
0x8d: {  	s2 =	sadd.s32 s2, s17  }
0x8e: {  	[smem:$0x3FBC] =	sst s2  }
0x8f: {  	_ = 	snop  }
0x90: {  	s2 =	sld [smem:$0x3FD0];
	(tm) =	ssettm $0x1  }
0x91: {  	s18 =	sld [smem:$0x3FFB];
	_ =	sdelay $0x3  }
0x92: {  	_ =	strace s18  }
0x93: {  	s3 =	sld [smem:$0x3FFC];
	_ =	sdelay $0x3  }
0x94: {  	_ =	strace s3  }
0x95: {  	s3 =	sld [smem:$0x3FFD];
	_ =	sdelay $0x3  }
0x96: {  	_ =	strace s3  }
0x97: {  	_ =	strace $0x8FFFFFFF  }
0x98: {  	s19 =	sld [smem:$0x3FDB];
	_ =	sdelay $0x1  }
0x99: {  	s4 =	simm.s32 $_scs_section_size  }
0x9a: {  	s5 =	simm.s32 $_size__tile_overlayer_lowered;
	s6 =	simm.s32 $_tile_overlayer_lowered  }
0x9b: {  	s22 =	simm.s32 $0x1BFF;
	s21 =	sshll.u32 s6, $0x1;
	s3 =	sadd.s32 s4, s19  }
0x9c: {  	s7 =	simm.s32 $0x0;
	s20 =	sshll.u32 s5, $0x1;
	s5 =	sadd.s32 s21, s3  }
0x9d: {  	[timem:s7], [sflag:s22] =	dma.local [hbm:s5], s20  }
0x9e: {  	_ =	swait.ge [sflag:s22], s20  }
0x9f: {  	s4 =	ssub.s32 $0x0, s20;
	[sflag:s22] =	ssyncset.done $0x0  }
0xa0: {  	[sflag:s22] =	ssyncadd.s32 s4;
	_ =	sdelay $0x1  }
0xa1: {  	s23 =	simm.s32 $0x1B8B  }
0xa2: {  	_ =	swait.ge [sflag:s23], $0x1  }
0xa3: {  	[sflag:s23] =	ssyncset.done $0x0  }
0xa4: {  	s25 =	simm.s32 $0x1B8E;
	s24 =	sld [smem:$0x3FFE];
	[sflag:s23] =	ssyncadd.s32 $0xFFFFFFFF  }
0xa5: {  	s26 =	simm.s32 $execute0_lowered;
	[smem:$0x3FD2] =	sst s25  }
0xa6: {  	s5 =	sshll.u32 s26, $0x1;
	_ =	strace $0x80000046;
	[dreg:$0x1] =	wrdreg $0xFFFFFFFF  }
0xa7: {  	s28 =	simm.s32 $_size_execute0_lowered;
	s3 =	sadd.s32 s3, s5;
	[dreg:$0x0] =	wrdreg $0x0  }
0xa8: {  	s5 =	sshll.u32 s28, $0x1;
	[dreg:$0x2] =	wrdreg s3  }
0xa9: {  	[dreg:$0x3] =	wrdreg s5  }
0xaa: {  	[dreg:$0x4] =	wrdreg $0xC0  }
0xab: {  	_ =	task [dreg:s7], $0x5FFFF  }
0xac: {  	[dreg:$0x1] =	wrdreg $0xFFFFFFFF  }
0xad: {  	[dreg:$0x0] =	wrdreg $0x60  }
0xae: {  	[dreg:$0x2] =	wrdreg s24  }
0xaf: {  	[dreg:$0x3] =	wrdreg s2  }
0xb0: {  	[dreg:$0x4] =	wrdreg $0x167000  }
0xb1: {  	[dreg:$0x5] =	wrdreg $0x1E7000  }
0xb2: {  	[dreg:$0x6] =	wrdreg $0x1E9800  }
0xb3: {  	[dreg:$0x7] =	wrdreg $0x1EA800  }
0xb4: {  	[dreg:$0x8] =	wrdreg $0x9  }
0xb5: {  	_ =	task.clear_ibuf [dreg:s7], $0x9FFFF;
	_ =	strace $0x90000046  }
0xb6: {  	s29 =	simm.s32 $0x9;
	_ =	strace $0x80000048  }
0xb7: {  	_ =	swait.ge [sflag:s29], $0x1  }
0xb8: {  	[sflag:s29] =	ssyncadd.s32 $0xFFFFFFFF  }
0xb9: {  	_ =	strace $0x90000048  }
0xba: {  	_ =	sfence  }
0xbb: {  	s30 =	sld [smem:$0x0];
	_ =	sdelay $0x2  }
0xbc: {  	s31 =	sshll.u32 s1, $0xD;
	s1 =	sshrl.u32 s1, $0x2  }
0xbd: {  	s3 =	sand.u32 $0x4000, s31;
	s1 =	sadd.s32 s1, s30  }
0xbe: {  	s0 =	sor.u32 s3, s0;
	s1 =	sshll.u32 s1, $0x11  }
0xbf: {  	s0 =	sor.u32 s1, s0  }
0xc0: {  	s0 =	sadd.s32 $0x8F2B, s0  }
0xc1: {  	[sflag:s0] =	ssyncadd.remote.s32 $0x1  }
0xc2: {  	_ =	sfence.sel $0xFFFF  }
0xc3: {  	[dreg:$0x0] =	wrdreg $0xFFFFFFFF;
	(pc) =	sbr.abs _section_cstart, $3  }
0xc4: {  	[dreg:$0x1] =	wrdreg $0xFFFFFFFF  }
0xc5: {  	_ =	task.clear_ibuf [dreg:s7], $0x2FFFF;
	_ =	strace $0x9FFFFFFF  }
0xc6: {  	(tm) =	ssettm $0x7FFFFFFF  }
0xc7: {  	_ =	shalt  }
tec
execute0_lowered:
.L_overlay_start_1:
0x0: {  	(tag) =	ssettag $0x1  }
0x1: {  	s0 =	rddreg [dreg:$0x0]  }
0x2: {  	s2 =	rddreg [dreg:$0x2]  }
0x3: {  	s3 =	rddreg [dreg:$0x3]  }
0x4: {  	s4 =	rddreg [dreg:$0x4]  }
0x5: {  	s6 =	rddreg [dreg:$0x5];
	s8 =	simm.s32 $0x0  }
0x6: {  	s7 =	stileid.u32;
	s9 =	srdreg.scid;
	s28 =	simm.s32 $0xC  }
0x7: {  	s31 =	simm.s32 $0x6000;
	s30 =	simm.s32 $0x80;
	[smem:$0x7FF] =	sst s8  }
0x8: {  	s1 =	sshll.u32 s7, $0x7;
	s5 =	smul.u32 $0x500, s7;
	s29 =	sadd.s32 $0x2C00, s0  }
0x9: {  	s10 =	sshll.u32 s7, $0x9;
	s14 =	sand.u32 $0x1, s9;
	s19 =	sshll.u32 s7, $0xC  }
0xa: {  	s20 =	sadd.s32 $0x36C800, s0;
	s22 =	sshll.u32 s7, $0xF;
	s23 =	smul.u32 $0x280, s7  }
0xb: {  	s24 =	sshll.u32 s7, $0x8;
	_ =	strace $0x80000047;
	s1 =	sadd.s32 s1, s0  }
0xc: {  	s18 =	sadd.s32 s10, s0;
	s11 =	ssub.s32 $0x2, s14;
	s12 =	sadd.s32 s19, s0  }
0xd: {  	[dreg:$0x7] =	wrdreg s20;
	s10 =	sadd.s32 $0x31C800, s0;
	s26 =	sadd.s32 s22, s2  }
0xe: {  	s17 =	smul.u32 $0x2800, s14;
	s16 =	sshll.u32 s14, $0x10;
	s20 =	sor.u32 s7, s14  }
0xf: {  	v0 =	vmov s14;
	s14 =	simm.s32 $0x0;
	s5 =	sadd.s32 s5, s0;
	s13 =	sshrl.u32 s11, $0x1  }
0x10: {  	s9 =	sadd.s32 $0x310000, s18;
	s1 =	sadd.s32 $0x317000, s1;
	s25 =	sadd.s32 s23, s3  }
0x11: {  	s19 =	sadd.s32 s16, s12;
	p0 =	sne.s32 s20, $0x0;
	[dreg:$0xb] =	wrdreg s26  }
0x12: {  	s12 =	simm.s32 $0x16680;
	s16 =	simm.s32 $0x2;
	[dreg:$0xa] =	wrdreg s9  }
0x13: {  	s0 =	ssub.s32 s11, s13;
	s21 =	sadd.s32 $0x317800, s5;
	[dreg:$0xc] =	wrdreg s1  }
0x14: {  	s5 =	sadd.s32 $0x312000, s5;
	s9 =	sadd.s32 s24, s4;
	[dreg:$0x8] =	wrdreg s21  }
0x15: {  	s13 =	sadd.s32 s23, s17;
	s1 =	sadd.s32 s24, s6;
	[dreg:$0x9] =	wrdreg s5  }
0x16: {  	s11 =	simm.s32 $0x12400;
	s5 =	sadd.s32 $0x4000, s26;
	[dreg:$0xe] =	wrdreg s9  }
0x17: {  	[dreg:$0xf] =	wrdreg s1;
	s15 =	sshll.u32 s13, $0x4;
	s1 =	sadd.s32 $0x36CA00, s19  }
0x18: {  	s0 =	smax.u32 s0, $0x1;
	s9 =	simm.s32 $0xE400;
	[dreg:$0xd] =	wrdreg s5  }
0x19: {  	s13 =	simm.s32 $0xA;
	s19 =	simm.s32 $0x4;
	[dreg:$0x12] =	wrdreg s1  }
0x1a: {  	s18 =	sadd.s32 s10, s15;
	[dreg:$0x13] =	wrdreg s0;
	s0 =	simm.s32 $0x6400  }
0x1b: {  	s1 =	simm.s32 $0x16400;
	s21 =	sadd.s32 $0x800, s18;
	[dreg:$0x10] =	wrdreg s18  }
.Ltmp0:
0x1c: {  	s22 =	sadd.s32 $0x1000, s18;
	[dreg:$0x11] =	wrdreg s21;
	(pc) =	sbr.rel .LBB2_1-.Ltmp0, $4  }
0x1d: {  	s5 =	simm.s32 $0xA400;
	s23 =	sadd.s32 $0x1800, s18;
	[dreg:$0x14] =	wrdreg s22  }
0x1e: {  	s15 =	simm.s32 $0x1;
	s24 =	sadd.s32 $0x2000, s18;
	[dreg:$0x15] =	wrdreg s23  }
0x1f: {  	s18 =	simm.s32 $0x3;
	[dreg:$0x16] =	wrdreg s24;
	s21 =	simm.s32 $0x5  }
0x20: {  	v2 =	vimm.f32 $0.0e+00;
	v3 =	vimm.f32 $1.000000000e+00;
	v1 =	vmov s17;
	s22 =	simm.s32 $0x6;
	s23 =	simm.s32 $0x7;
	s24 =	simm.s32 $0x8  }
.LBB2_22:
0x21: {  	_ =	swait.ge [sflag:s22], $0x4000  }
0x22: {  	[sflag:s22] =	ssyncset.done $0x0  }
0x23: {  	[sflag:s22] =	ssyncadd.s32 $0xFFFFC000  }
0x24: {  	_ =	swait.ge [sflag:s23], $0x4000  }
0x25: {  	[sflag:s23] =	ssyncset.done $0x0  }
0x26: {  	[sflag:s23] =	ssyncadd.s32 $0xFFFFC000  }
0x27: {  	_ =	swait.ge [sflag:s24], $0x4000  }
0x28: {  	[sflag:s24] =	ssyncset.done $0x0  }
0x29: {  	[sflag:s24] =	ssyncadd.s32 $0xFFFFC000  }
0x2a: {  	s7 =	stileid.u32;
	[bflag:$0x0] =	sbarrier.arrive $0xFFFF  }
0x2b: {  	s7 =	sshll.u32 s7, $0x6;
	s26 =	rddreg [dreg:$0xb]  }
0x2c: {  	s7 =	sor.u32 $0x1C0C, s7;
	s14 =	rddreg [dreg:$0x12];
	s8 =	sshrl.u32 s26, $0x3  }
0x2d: {  	[hbm:s14], [sflag:s7] =	dma.local [spmem:s8], $0x1000  }
0x2e: {  	_ =	swait.ge [sflag:s28], $0x1000  }
0x2f: {  	[sflag:s28] =	ssyncset.done $0x0  }
0x30: {  	[sflag:s28] =	ssyncadd.s32 $0xFFFFF000  }
0x31: {  	s8 =	sshrl.u32 @!p0 s4, $0x3;
	s14 =	rddreg [dreg:$0x1]  }
0x32: {  	[hbm:s14], [sflag:s7] =	dma.local @!p0 [spmem:s8], $0x200  }
0x33: {  	s8 =	simm.s32 @!p0 $0xC  }
0x34: {  	_ =	swait.ge @!p0 [sflag:s8], $0x200  }
0x35: {  	[sflag:s8] =	ssyncset.done @!p0 $0x0  }
0x36: {  	s14 =	sshrl.u32 @!p0 s6, $0x3;
	s17 =	rddreg [dreg:$0x7];
	[sflag:s8] =	ssyncadd.s32 @!p0 $0xFFFFFE00  }
0x37: {  	[hbm:s17], [sflag:s7] =	dma.local @!p0 [spmem:s14], $0x200  }
0x38: {  	_ =	swait.ge @!p0 [sflag:s8], $0x200  }
0x39: {  	s17 =	rddreg [dreg:$0x17]  }
0x3a: {  	s20 =	rddreg [dreg:$0x13];
	s14 =	sadd.s32 $0x1, s17  }
0x3b: {  	p1 =	sne.s32 s14, s20  }
.Ltmp1:
0x3c: {  	_ = 	snop;
	(pc) =	sbr.rel @!p1 .LBB2_23-.Ltmp1, $3  }
0x3d: {  	_ =	sdelay $0x1  }
0x3e: {  	s29 =	smov.u32 s25;
	s25 =	smov.u32 s31;
	[sflag:s8] =	ssyncset.done @!p0 $0x0  }
0x3f: {  	s31 =	simm.s32 $0x6000;
	[sflag:s8] =	ssyncadd.s32 @!p0 $0xFFFFFE00;
	s8 =	simm.s32 $0x0  }
.LBB2_1:
0x40: {  	[dreg:$0x17] =	wrdreg s14  }
0x41: {  	s7 =	rddreg [dreg:$0x8]  }
0x42: {  	[tilespmem:s8], [sflag:$0xC] =	stream.linear.gather [hbm4b:s7+s8], $0x2800, $0x38;
	[tilespmem:$0x1EB80] =	vst v63  }
0x43: {  	_ =	swait.ge [sflag:s28], $0x2800  }
0x44: {  	[sflag:s28] =	ssyncset.done $0x0  }
0x45: {  	s20 =	simm.s32 $0x2800;
	s17 =	rddreg [dreg:$0x9];
	[sflag:s28] =	ssyncadd.s32 $0xFFFFD800  }
0x46: {  	[tilespmem:s20], [sflag:$0xB] =	stream.linear.gather [hbm4b:s17+s8], $0x2800, $0x38;
	[tilespmem:$0x1EB80] =	vst v63  }
0x47: {  	s14 =	rddreg [dreg:$0xa];
	s17 =	simm.s32 $0x5000  }
0x48: {  	[tilespmem:s17], [sflag:$0xB] =	stream.linear.gather [hbm4b:s14+s8], $0x1000, $0x38;
	[tilespmem:$0x1EB80] =	vst v63  }
0x49: {  	s20 =	rddreg [dreg:$0xc]  }
0x4a: {  	[tilespmem:s31], [sflag:$0xB] =	stream.linear.gather [hbm4b:s20+s8], $0x280, $0x38;
	[tilespmem:$0x1EB80] =	vst v63  }
0x4b: {  	s17 =	simm.s32 $0x0;
	s20 =	simm.s32 $0x200  }
.LBB2_2:
0x4c: {  	p1 =	sne.s32 s20, $0xFE00;
	[tilespmem:s17+$0x6470] =	vst v2  }
0x4d: {  	[tilespmem:s17+$0x6400] =	vst v2  }
0x4e: {  	[tilespmem:s17+$0x6410] =	vst v2  }
.Ltmp2:
0x4f: {  	[tilespmem:s17+$0x6420] =	vst v2;
	(pc) =	sbr.rel @p1 .LBB2_2-.Ltmp2, $4  }
0x50: {  	[tilespmem:s17+$0x6430] =	vst v2  }
0x51: {  	[tilespmem:s17+$0x6440] =	vst v2  }
0x52: {  	[tilespmem:s17+$0x6450] =	vst v2  }
0x53: {  	[tilespmem:s17+$0x6460] =	vst v2;
	s17 =	sshra.s32 s20, $0x2;
	s20 =	sadd.s32 $0x200, s20  }
0x54: {  	[tilespmem:s17+$0x6470] =	vst v2  }
0x55: {  	[tilespmem:s17+$0x6400] =	vst v2  }
0x56: {  	[tilespmem:s17+$0x6410] =	vst v2  }
0x57: {  	[tilespmem:s17+$0x6420] =	vst v2  }
0x58: {  	[tilespmem:s17+$0x6430] =	vst v2  }
0x59: {  	[tilespmem:s17+$0x6440] =	vst v2  }
0x5a: {  	[tilespmem:s17+$0x6450] =	vst v2  }
0x5b: {  	[tilespmem:s17+$0x6460] =	vst v2  }
0x5c: {  	[tilespmem:$0x16400] =	vst v2  }
0x5d: {  	[tilespmem:$0x16410] =	vst v2  }
0x5e: {  	[tilespmem:$0x16420] =	vst v2  }
0x5f: {  	[tilespmem:$0x16430] =	vst v2  }
0x60: {  	[tilespmem:$0x16440] =	vst v2  }
0x61: {  	[tilespmem:$0x16450] =	vst v2  }
0x62: {  	[tilespmem:$0x16460] =	vst v2  }
0x63: {  	[tilespmem:$0x16470] =	vst v2  }
0x64: {  	[tilespmem:$0x16480] =	vst v2  }
0x65: {  	[tilespmem:$0x16490] =	vst v2  }
0x66: {  	[tilespmem:$0x164A0] =	vst v2  }
0x67: {  	[tilespmem:$0x164B0] =	vst v2  }
0x68: {  	[tilespmem:$0x164C0] =	vst v2  }
0x69: {  	[tilespmem:$0x164D0] =	vst v2  }
0x6a: {  	[tilespmem:$0x164E0] =	vst v2  }
0x6b: {  	[tilespmem:$0x164F0] =	vst v2  }
0x6c: {  	[tilespmem:$0x16500] =	vst v2  }
0x6d: {  	[tilespmem:$0x16510] =	vst v2  }
0x6e: {  	[tilespmem:$0x16520] =	vst v2  }
0x6f: {  	[tilespmem:$0x16530] =	vst v2  }
0x70: {  	[tilespmem:$0x16540] =	vst v2  }
0x71: {  	[tilespmem:$0x16550] =	vst v2  }
0x72: {  	[tilespmem:$0x16560] =	vst v2  }
0x73: {  	[tilespmem:$0x16570] =	vst v2  }
0x74: {  	[tilespmem:$0x16580] =	vst v2  }
0x75: {  	[tilespmem:$0x16590] =	vst v2  }
0x76: {  	[tilespmem:$0x165A0] =	vst v2  }
0x77: {  	[tilespmem:$0x165B0] =	vst v2  }
0x78: {  	[tilespmem:$0x165C0] =	vst v2  }
0x79: {  	[tilespmem:$0x165D0] =	vst v2  }
0x7a: {  	[tilespmem:$0x165E0] =	vst v2  }
0x7b: {  	[tilespmem:$0x165F0] =	vst v2  }
0x7c: {  	[tilespmem:$0x16600] =	vst v2  }
0x7d: {  	[tilespmem:$0x16610] =	vst v2  }
0x7e: {  	[tilespmem:$0x16620] =	vst v2  }
0x7f: {  	[tilespmem:$0x16630] =	vst v2  }
0x80: {  	[tilespmem:$0x16640] =	vst v2  }
0x81: {  	[tilespmem:$0x16650] =	vst v2  }
0x82: {  	[tilespmem:$0x16660] =	vst v2  }
0x83: {  	[tilespmem:$0x16670] =	vst v2  }
0x84: {  	[tilespmem:$0x16680] =	vst v3  }
0x85: {  	[tilespmem:$0x16690] =	vst v3  }
0x86: {  	[tilespmem:$0x166A0] =	vst v3  }
0x87: {  	[tilespmem:$0x166B0] =	vst v3  }
0x88: {  	[tilespmem:$0x166C0] =	vst v3  }
0x89: {  	[tilespmem:$0x166D0] =	vst v3  }
0x8a: {  	[tilespmem:$0x166E0] =	vst v3  }
0x8b: {  	[tilespmem:$0x166F0] =	vst v3  }
0x8c: {  	[spmem:s26] =	stream.linear.scatter [tilespmem:s0], [sflag:$0xC], $0x4000, $0x38;
	[tilespmem:$0x1EB80] =	vst v63  }
0x8d: {  	_ =	swait.ge [sflag:s28], $0x4000  }
0x8e: {  	[sflag:s28] =	ssyncset.done $0x0  }
0x8f: {  	s7 =	rddreg [dreg:$0xd];
	[sflag:s28] =	ssyncadd.s32 $0xFFFFC000  }
0x90: {  	[spmem:s7] =	stream.linear.scatter [tilespmem:s0], [sflag:$0xC], $0x4000, $0x38;
	[tilespmem:$0x1EB80] =	vst v63  }
0x91: {  	_ =	swait.ge [sflag:s28], $0x4000  }
0x92: {  	[sflag:s28] =	ssyncset.done $0x0  }
0x93: {  	[sflag:s28] =	ssyncadd.s32 $0xFFFFC000  }
0x94: {  	[spmem:s25] =	stream.linear.scatter [tilespmem:s1], [sflag:$0xC], $0x280, $0x38;
	[tilespmem:$0x1EB80] =	vst v63  }
0x95: {  	_ =	swait.ge [sflag:s28], $0x280  }
0x96: {  	[sflag:s28] =	ssyncset.done $0x0  }
0x97: {  	s26 =	rddreg [dreg:$0xe];
	[sflag:s28] =	ssyncadd.s32 $0xFFFFFD80  }
0x98: {  	[spmem:s26] =	stream.linear.scatter [tilespmem:s1], [sflag:$0xC], $0x100, $0x38;
	[tilespmem:$0x1EB80] =	vst v63  }
0x99: {  	_ =	swait.ge [sflag:s28], $0x100  }
0x9a: {  	[sflag:s28] =	ssyncset.done $0x0  }
0x9b: {  	s14 =	rddreg [dreg:$0xf];
	[sflag:s28] =	ssyncadd.s32 $0xFFFFFF00  }
0x9c: {  	[spmem:s14] =	stream.linear.scatter [tilespmem:s1], [sflag:$0xC], $0x100, $0x38;
	[tilespmem:$0x1EB80] =	vst v63  }
0x9d: {  	_ =	swait.ge [sflag:s28], $0x100  }
0x9e: {  	[sflag:s28] =	ssyncset.done $0x0  }
0x9f: {  	s17 =	simm.s32 $0xB;
	[sflag:s28] =	ssyncadd.s32 $0xFFFFFF00  }
0xa0: {  	_ =	swait.ge [sflag:s17], $0x2800  }
0xa1: {  	[sflag:s17] =	ssyncset.done $0x0  }
0xa2: {  	[sflag:s17] =	ssyncadd.s32 $0xFFFFD800  }
0xa3: {  	_ =	swait.ge [sflag:s17], $0x1000  }
0xa4: {  	[sflag:s17] =	ssyncset.done $0x0  }
0xa5: {  	[sflag:s17] =	ssyncadd.s32 $0xFFFFF000  }
0xa6: {  	_ =	swait.ge [sflag:s17], $0x280  }
0xa7: {  	[sflag:s17] =	ssyncset.done $0x0  }
0xa8: {  	[sflag:s17] =	ssyncadd.s32 $0xFFFFFD80  }
0xa9: {  	v4 =	vld [tilespmem:$0x6000]  }
0xaa: {  	v5 =	vld [tilespmem:$0x6010]  }
0xab: {  	v6 =	vld [tilespmem:$0x6020]  }
0xac: {  	v7 =	vld [tilespmem:$0x6030]  }
0xad: {  	v8 =	vld [tilespmem:$0x6040]  }
0xae: {  	v9 =	vld [tilespmem:$0x6050];
	v4 =	vshll.u32 v4, $0x1  }
0xaf: {  	v10 =	vld [tilespmem:$0x6060];
	v5 =	vshll.u32 v5, $0x1;
	v4 =	vor.u32 v0, v4  }
0xb0: {  	v31 =	vld [tilespmem:$0x6070];
	[tilespmem:$0x6000] =	vst v4;
	v4 =	vor.u32 v0, v5;
	v5 =	vshll.u32 v6, $0x1  }
0xb1: {  	v32 =	vld [tilespmem:$0x6080];
	[tilespmem:$0x6010] =	vst v4;
	v4 =	vor.u32 v0, v5;
	v5 =	vshll.u32 v7, $0x1  }
0xb2: {  	v33 =	vld [tilespmem:$0x6090];
	[tilespmem:$0x6020] =	vst v4;
	v4 =	vor.u32 v0, v5;
	v5 =	vshll.u32 v8, $0x1  }
0xb3: {  	v34 =	vld [tilespmem:$0x60A0];
	[tilespmem:$0x6030] =	vst v4;
	v4 =	vor.u32 v0, v5;
	v5 =	vshll.u32 v9, $0x1  }
0xb4: {  	v35 =	vld [tilespmem:$0x60B0];
	[tilespmem:$0x6040] =	vst v4;
	v4 =	vor.u32 v0, v5;
	v5 =	vshll.u32 v10, $0x1  }
0xb5: {  	v36 =	vld [tilespmem:$0x60C0];
	[tilespmem:$0x6050] =	vst v4;
	v4 =	vor.u32 v0, v5;
	v5 =	vshll.u32 v31, $0x1  }
0xb6: {  	v37 =	vld [tilespmem:$0x60D0];
	[tilespmem:$0x6060] =	vst v4;
	v4 =	vor.u32 v0, v5;
	v5 =	vshll.u32 v32, $0x1  }
0xb7: {  	v38 =	vld [tilespmem:$0x60E0];
	[tilespmem:$0x6070] =	vst v4;
	v4 =	vor.u32 v0, v5;
	v5 =	vshll.u32 v33, $0x1  }
0xb8: {  	v39 =	vld [tilespmem:$0x60F0];
	[tilespmem:$0x6080] =	vst v4;
	v4 =	vor.u32 v0, v5;
	v5 =	vshll.u32 v34, $0x1  }
0xb9: {  	v40 =	vld [tilespmem:$0x6100];
	[tilespmem:$0x6090] =	vst v4;
	v4 =	vor.u32 v0, v5;
	v5 =	vshll.u32 v35, $0x1  }
0xba: {  	v41 =	vld [tilespmem:$0x6110];
	[tilespmem:$0x60A0] =	vst v4;
	v4 =	vor.u32 v0, v5;
	v5 =	vshll.u32 v36, $0x1  }
0xbb: {  	v42 =	vld [tilespmem:$0x6120];
	[tilespmem:$0x60B0] =	vst v4;
	v4 =	vor.u32 v0, v5;
	v5 =	vshll.u32 v37, $0x1  }
0xbc: {  	v43 =	vld [tilespmem:$0x6130];
	[tilespmem:$0x60C0] =	vst v4;
	v4 =	vor.u32 v0, v5;
	v5 =	vshll.u32 v38, $0x1  }
0xbd: {  	v44 =	vld [tilespmem:$0x6140];
	[tilespmem:$0x60D0] =	vst v4;
	v4 =	vor.u32 v0, v5;
	v5 =	vshll.u32 v39, $0x1  }
0xbe: {  	v45 =	vld [tilespmem:$0x6150];
	[tilespmem:$0x60E0] =	vst v4;
	v4 =	vor.u32 v0, v5;
	v5 =	vshll.u32 v40, $0x1  }
0xbf: {  	v46 =	vld [tilespmem:$0x6160];
	[tilespmem:$0x60F0] =	vst v4;
	v4 =	vor.u32 v0, v5;
	v5 =	vshll.u32 v41, $0x1  }
0xc0: {  	v47 =	vld [tilespmem:$0x6170];
	[tilespmem:$0x6100] =	vst v4;
	v4 =	vor.u32 v0, v5;
	v5 =	vshll.u32 v42, $0x1  }
0xc1: {  	v48 =	vld [tilespmem:$0x6180];
	[tilespmem:$0x6110] =	vst v4;
	v4 =	vor.u32 v0, v5;
	v5 =	vshll.u32 v43, $0x1  }
0xc2: {  	v49 =	vld [tilespmem:$0x6190];
	[tilespmem:$0x6120] =	vst v4;
	v4 =	vor.u32 v0, v5;
	v5 =	vshll.u32 v44, $0x1  }
0xc3: {  	v50 =	vld [tilespmem:$0x61A0];
	[tilespmem:$0x6130] =	vst v4;
	v4 =	vor.u32 v0, v5;
	v5 =	vshll.u32 v45, $0x1  }
0xc4: {  	v51 =	vld [tilespmem:$0x61B0];
	[tilespmem:$0x6140] =	vst v4;
	v4 =	vor.u32 v0, v5;
	v5 =	vshll.u32 v46, $0x1  }
0xc5: {  	v52 =	vld [tilespmem:$0x61C0];
	[tilespmem:$0x6150] =	vst v4;
	v4 =	vor.u32 v0, v5;
	v5 =	vshll.u32 v47, $0x1  }
0xc6: {  	v53 =	vld [tilespmem:$0x61D0];
	[tilespmem:$0x6160] =	vst v4;
	v4 =	vor.u32 v0, v5;
	v5 =	vshll.u32 v48, $0x1  }
0xc7: {  	v54 =	vld [tilespmem:$0x61E0];
	[tilespmem:$0x6170] =	vst v4;
	v4 =	vor.u32 v0, v5;
	v5 =	vshll.u32 v49, $0x1  }
0xc8: {  	v55 =	vld [tilespmem:$0x61F0];
	[tilespmem:$0x6180] =	vst v4;
	v4 =	vor.u32 v0, v5;
	v5 =	vshll.u32 v50, $0x1  }
0xc9: {  	v56 =	vld [tilespmem:$0x6200];
	[tilespmem:$0x6190] =	vst v4;
	v4 =	vor.u32 v0, v5;
	v5 =	vshll.u32 v51, $0x1  }
0xca: {  	v57 =	vld [tilespmem:$0x6210];
	[tilespmem:$0x61A0] =	vst v4;
	v4 =	vor.u32 v0, v5;
	v5 =	vshll.u32 v52, $0x1  }
0xcb: {  	v58 =	vld [tilespmem:$0x6220];
	[tilespmem:$0x61B0] =	vst v4;
	v4 =	vor.u32 v0, v5;
	v5 =	vshll.u32 v53, $0x1  }
0xcc: {  	v59 =	vld [tilespmem:$0x6230];
	[tilespmem:$0x61C0] =	vst v4;
	v4 =	vor.u32 v0, v5;
	v5 =	vshll.u32 v54, $0x1  }
0xcd: {  	v60 =	vld [tilespmem:$0x6240];
	[tilespmem:$0x61D0] =	vst v4;
	v4 =	vor.u32 v0, v5;
	v5 =	vshll.u32 v55, $0x1  }
0xce: {  	v61 =	vld [tilespmem:$0x6250];
	[tilespmem:$0x61E0] =	vst v4;
	v4 =	vor.u32 v0, v5;
	v5 =	vshll.u32 v56, $0x1  }
0xcf: {  	v62 =	vld [tilespmem:$0x6260];
	[tilespmem:$0x61F0] =	vst v4;
	v4 =	vor.u32 v0, v5;
	v5 =	vshll.u32 v57, $0x1  }
0xd0: {  	v63 =	vld [tilespmem:$0x6270];
	[tilespmem:$0x6200] =	vst v4;
	v4 =	vor.u32 v0, v5;
	v5 =	vshll.u32 v58, $0x1  }
0xd1: {  	[tilespmem:$0x6210] =	vst v4;
	v4 =	vor.u32 v0, v5;
	v5 =	vshll.u32 v59, $0x1  }
0xd2: {  	[tilespmem:$0x6220] =	vst v4;
	v4 =	vor.u32 v0, v5;
	v5 =	vshll.u32 v60, $0x1  }
0xd3: {  	[tilespmem:$0x6230] =	vst v4;
	v4 =	vor.u32 v0, v5;
	v5 =	vshll.u32 v61, $0x1  }
0xd4: {  	[tilespmem:$0x6240] =	vst v4;
	v4 =	vor.u32 v0, v5;
	v5 =	vshll.u32 v62, $0x1  }
0xd5: {  	[tilespmem:$0x6250] =	vst v4;
	v4 =	vor.u32 v0, v5;
	v5 =	vshll.u32 v63, $0x1  }
0xd6: {  	[tilespmem:$0x6260] =	vst v4;
	v4 =	vor.u32 v0, v5  }
0xd7: {  	[tilespmem:$0x6270] =	vst v4  }
0xd8: {  	[bflag:$0x0] =	sbarrier.arrive $0xFFFF  }
0xd9: {  	[tilespmem:s0], [sflag:$0x1] =	stream.indirect.gather [hbm4b:s29+s30], $0x80, s31, s30, $0xb8;
	[tilespmem:$0x1EB80] =	vst v63  }
0xda: {  	s20 =	simm.s32 $0x6080  }
0xdb: {  	[tilespmem:s5], [sflag:$0x2] =	stream.indirect.gather [hbm4b:s29+s30], $0x80, s20, s30, $0xb8;
	[tilespmem:$0x1EB80] =	vst v63  }
0xdc: {  	s26 =	simm.s32 $0x6100  }
0xdd: {  	[tilespmem:s9], [sflag:$0x3] =	stream.indirect.gather [hbm4b:s29+s30], $0x80, s26, s30, $0xb8;
	[tilespmem:$0x1EB80] =	vst v63  }
0xde: {  	s31 =	simm.s32 $0x6180  }
0xdf: {  	[tilespmem:s11], [sflag:$0x4] =	stream.indirect.gather [hbm4b:s29+s30], $0x80, s31, s30, $0xb8;
	[tilespmem:$0x1EB80] =	vst v63  }
0xe0: {  	s14 =	simm.s32 $0x0  }
0xe1: {  	[spmem:s3] =	stream.indirect.scatter.add.f32 [tilespmem:s12], [sflag:$0xA], $0x1, s14, s30, $0xb8;
	[tilespmem:$0x1EB80] =	vst v63  }
0xe2: {  	s7 =	simm.s32 $0x80  }
0xe3: {  	[spmem:s3] =	stream.indirect.scatter.add.f32 [tilespmem:s12], [sflag:$0xA], $0x1, s7, s30, $0xb8;
	[tilespmem:$0x1EB80] =	vst v63  }
0xe4: {  	s17 =	simm.s32 $0x100  }
0xe5: {  	[spmem:s3] =	stream.indirect.scatter.add.f32 [tilespmem:s12], [sflag:$0xA], $0x1, s17, s30, $0xb8;
	[tilespmem:$0x1EB80] =	vst v63  }
0xe6: {  	s20 =	simm.s32 $0x180  }
0xe7: {  	[spmem:s3] =	stream.indirect.scatter.add.f32 [tilespmem:s12], [sflag:$0xA], $0x1, s20, s30, $0xb8;
	[tilespmem:$0x1EB80] =	vst v63  }
0xe8: {  	s26 =	simm.s32 $0x200  }
0xe9: {  	[spmem:s3] =	stream.indirect.scatter.add.f32 [tilespmem:s12], [sflag:$0xA], $0x1, s26, s30, $0xb8;
	[tilespmem:$0x1EB80] =	vst v63  }
0xea: {  	s31 =	simm.s32 $0x280  }
0xeb: {  	[spmem:s3] =	stream.indirect.scatter.add.f32 [tilespmem:s12], [sflag:$0xA], $0x1, s31, s30, $0xb8;
	[tilespmem:$0x1EB80] =	vst v63  }
0xec: {  	s7 =	simm.s32 $0x300  }
0xed: {  	[spmem:s3] =	stream.indirect.scatter.add.f32 [tilespmem:s12], [sflag:$0xA], $0x1, s7, s30, $0xb8;
	[tilespmem:$0x1EB80] =	vst v63  }
0xee: {  	s17 =	simm.s32 $0x380  }
0xef: {  	[spmem:s3] =	stream.indirect.scatter.add.f32 [tilespmem:s12], [sflag:$0xA], $0x1, s17, s30, $0xb8;
	[tilespmem:$0x1EB80] =	vst v63  }
0xf0: {  	s20 =	simm.s32 $0x400  }
0xf1: {  	[spmem:s3] =	stream.indirect.scatter.add.f32 [tilespmem:s12], [sflag:$0xA], $0x1, s20, s30, $0xb8;
	[tilespmem:$0x1EB80] =	vst v63  }
0xf2: {  	s26 =	simm.s32 $0x480  }
0xf3: {  	[spmem:s3] =	stream.indirect.scatter.add.f32 [tilespmem:s12], [sflag:$0xA], $0x1, s26, s30, $0xb8;
	[tilespmem:$0x1EB80] =	vst v63  }
0xf4: {  	s31 =	simm.s32 $0x500  }
0xf5: {  	[spmem:s3] =	stream.indirect.scatter.add.f32 [tilespmem:s12], [sflag:$0xA], $0x1, s31, s30, $0xb8;
	[tilespmem:$0x1EB80] =	vst v63  }
0xf6: {  	s7 =	simm.s32 $0x580  }
0xf7: {  	[spmem:s3] =	stream.indirect.scatter.add.f32 [tilespmem:s12], [sflag:$0xA], $0x1, s7, s30, $0xb8;
	[tilespmem:$0x1EB80] =	vst v63  }
0xf8: {  	s17 =	simm.s32 $0x600  }
0xf9: {  	[spmem:s3] =	stream.indirect.scatter.add.f32 [tilespmem:s12], [sflag:$0xA], $0x1, s17, s30, $0xb8;
	[tilespmem:$0x1EB80] =	vst v63  }
0xfa: {  	s20 =	simm.s32 $0x680  }
0xfb: {  	[spmem:s3] =	stream.indirect.scatter.add.f32 [tilespmem:s12], [sflag:$0xA], $0x1, s20, s30, $0xb8;
	[tilespmem:$0x1EB80] =	vst v63  }
0xfc: {  	s26 =	simm.s32 $0x700  }
0xfd: {  	[spmem:s3] =	stream.indirect.scatter.add.f32 [tilespmem:s12], [sflag:$0xA], $0x1, s26, s30, $0xb8;
	[tilespmem:$0x1EB80] =	vst v63  }
0xfe: {  	s31 =	simm.s32 $0x780  }
0xff: {  	[spmem:s3] =	stream.indirect.scatter.add.f32 [tilespmem:s12], [sflag:$0xA], $0x1, s31, s30, $0xb8;
	[tilespmem:$0x1EB80] =	vst v63  }
0x100: {  	_ =	swait.ge [sflag:s13], $0x80  }
0x101: {  	[sflag:s13] =	ssyncset.done $0x0  }
0x102: {  	[sflag:s13] =	ssyncadd.s32 $0xFFFFFF80  }
0x103: {  	_ =	swait.ge [sflag:s13], $0x80  }
0x104: {  	[sflag:s13] =	ssyncset.done $0x0  }
0x105: {  	[sflag:s13] =	ssyncadd.s32 $0xFFFFFF80  }
0x106: {  	_ =	swait.ge [sflag:s13], $0x80  }
0x107: {  	[sflag:s13] =	ssyncset.done $0x0  }
0x108: {  	[sflag:s13] =	ssyncadd.s32 $0xFFFFFF80  }
0x109: {  	_ =	swait.ge [sflag:s13], $0x80  }
0x10a: {  	[sflag:s13] =	ssyncset.done $0x0  }
0x10b: {  	[sflag:s13] =	ssyncadd.s32 $0xFFFFFF80  }
0x10c: {  	_ =	swait.ge [sflag:s13], $0x80  }
0x10d: {  	[sflag:s13] =	ssyncset.done $0x0  }
0x10e: {  	[sflag:s13] =	ssyncadd.s32 $0xFFFFFF80  }
0x10f: {  	_ =	swait.ge [sflag:s13], $0x80  }
0x110: {  	[sflag:s13] =	ssyncset.done $0x0  }
0x111: {  	[sflag:s13] =	ssyncadd.s32 $0xFFFFFF80  }
0x112: {  	_ =	swait.ge [sflag:s13], $0x80  }
0x113: {  	[sflag:s13] =	ssyncset.done $0x0  }
0x114: {  	[sflag:s13] =	ssyncadd.s32 $0xFFFFFF80  }
0x115: {  	_ =	swait.ge [sflag:s13], $0x80  }
0x116: {  	[sflag:s13] =	ssyncset.done $0x0  }
0x117: {  	[sflag:s13] =	ssyncadd.s32 $0xFFFFFF80  }
0x118: {  	_ =	swait.ge [sflag:s13], $0x80  }
0x119: {  	[sflag:s13] =	ssyncset.done $0x0  }
0x11a: {  	[sflag:s13] =	ssyncadd.s32 $0xFFFFFF80  }
0x11b: {  	_ =	swait.ge [sflag:s13], $0x80  }
0x11c: {  	[sflag:s13] =	ssyncset.done $0x0  }
0x11d: {  	[sflag:s13] =	ssyncadd.s32 $0xFFFFFF80  }
0x11e: {  	_ =	swait.ge [sflag:s13], $0x80  }
0x11f: {  	[sflag:s13] =	ssyncset.done $0x0  }
0x120: {  	[sflag:s13] =	ssyncadd.s32 $0xFFFFFF80  }
0x121: {  	_ =	swait.ge [sflag:s13], $0x80  }
0x122: {  	[sflag:s13] =	ssyncset.done $0x0  }
0x123: {  	[sflag:s13] =	ssyncadd.s32 $0xFFFFFF80  }
0x124: {  	_ =	swait.ge [sflag:s13], $0x80  }
0x125: {  	[sflag:s13] =	ssyncset.done $0x0  }
0x126: {  	[sflag:s13] =	ssyncadd.s32 $0xFFFFFF80  }
0x127: {  	_ =	swait.ge [sflag:s13], $0x80  }
0x128: {  	[sflag:s13] =	ssyncset.done $0x0  }
0x129: {  	[sflag:s13] =	ssyncadd.s32 $0xFFFFFF80  }
0x12a: {  	_ =	swait.ge [sflag:s13], $0x80  }
0x12b: {  	[sflag:s13] =	ssyncset.done $0x0  }
0x12c: {  	[sflag:s13] =	ssyncadd.s32 $0xFFFFFF80  }
0x12d: {  	_ =	swait.ge [sflag:s13], $0x80  }
0x12e: {  	s20 =	simm.s32 $0x4000;
	s26 =	simm.s32 $0x2000;
	[sflag:s13] =	ssyncset.done $0x0  }
.LBB2_4:
0x12f: {  	s17 =	sshra.s32 s26, $0x2  }
0x130: {  	[sflag:s13] =	ssyncadd.s32 $0xFFFFFF80;
	s26 =	smov.u32 s20;
	s14 =	sadd.s32 $0x2000, s20  }
0x131: {  	[spmem:s3] =	stream.indirect.scatter.add.f32 [tilespmem:s12], [sflag:$0xA], $0x1, s17, s30, $0xb8;
	[tilespmem:$0x1EB80] =	vst v63  }
0x132: {  	p1 =	sne.s32 s20, $0x8000;
	s20 =	sadd.s32 $0x80, s17  }
0x133: {  	[spmem:s3] =	stream.indirect.scatter.add.f32 [tilespmem:s12], [sflag:$0xA], $0x1, s20, s30, $0xb8;
	[tilespmem:$0x1EB80] =	vst v63  }
0x134: {  	s20 =	sadd.s32 $0x100, s17  }
0x135: {  	[spmem:s3] =	stream.indirect.scatter.add.f32 [tilespmem:s12], [sflag:$0xA], $0x1, s20, s30, $0xb8;
	[tilespmem:$0x1EB80] =	vst v63  }
0x136: {  	s20 =	sadd.s32 $0x180, s17  }
0x137: {  	[spmem:s3] =	stream.indirect.scatter.add.f32 [tilespmem:s12], [sflag:$0xA], $0x1, s20, s30, $0xb8;
	[tilespmem:$0x1EB80] =	vst v63  }
0x138: {  	s20 =	sadd.s32 $0x200, s17  }
0x139: {  	[spmem:s3] =	stream.indirect.scatter.add.f32 [tilespmem:s12], [sflag:$0xA], $0x1, s20, s30, $0xb8;
	[tilespmem:$0x1EB80] =	vst v63  }
0x13a: {  	s20 =	sadd.s32 $0x280, s17  }
0x13b: {  	[spmem:s3] =	stream.indirect.scatter.add.f32 [tilespmem:s12], [sflag:$0xA], $0x1, s20, s30, $0xb8;
	[tilespmem:$0x1EB80] =	vst v63  }
0x13c: {  	s20 =	sadd.s32 $0x300, s17  }
0x13d: {  	[spmem:s3] =	stream.indirect.scatter.add.f32 [tilespmem:s12], [sflag:$0xA], $0x1, s20, s30, $0xb8;
	[tilespmem:$0x1EB80] =	vst v63  }
0x13e: {  	s20 =	sadd.s32 $0x380, s17  }
0x13f: {  	[spmem:s3] =	stream.indirect.scatter.add.f32 [tilespmem:s12], [sflag:$0xA], $0x1, s20, s30, $0xb8;
	[tilespmem:$0x1EB80] =	vst v63  }
0x140: {  	s20 =	sadd.s32 $0x400, s17  }
0x141: {  	[spmem:s3] =	stream.indirect.scatter.add.f32 [tilespmem:s12], [sflag:$0xA], $0x1, s20, s30, $0xb8;
	[tilespmem:$0x1EB80] =	vst v63  }
0x142: {  	s20 =	sadd.s32 $0x480, s17  }
0x143: {  	[spmem:s3] =	stream.indirect.scatter.add.f32 [tilespmem:s12], [sflag:$0xA], $0x1, s20, s30, $0xb8;
	[tilespmem:$0x1EB80] =	vst v63  }
0x144: {  	s20 =	sadd.s32 $0x500, s17  }
0x145: {  	[spmem:s3] =	stream.indirect.scatter.add.f32 [tilespmem:s12], [sflag:$0xA], $0x1, s20, s30, $0xb8;
	[tilespmem:$0x1EB80] =	vst v63  }
0x146: {  	s20 =	sadd.s32 $0x580, s17  }
0x147: {  	[spmem:s3] =	stream.indirect.scatter.add.f32 [tilespmem:s12], [sflag:$0xA], $0x1, s20, s30, $0xb8;
	[tilespmem:$0x1EB80] =	vst v63  }
0x148: {  	s20 =	sadd.s32 $0x600, s17  }
0x149: {  	[spmem:s3] =	stream.indirect.scatter.add.f32 [tilespmem:s12], [sflag:$0xA], $0x1, s20, s30, $0xb8;
	[tilespmem:$0x1EB80] =	vst v63  }
0x14a: {  	s20 =	sadd.s32 $0x680, s17  }
0x14b: {  	[spmem:s3] =	stream.indirect.scatter.add.f32 [tilespmem:s12], [sflag:$0xA], $0x1, s20, s30, $0xb8;
	[tilespmem:$0x1EB80] =	vst v63  }
0x14c: {  	s20 =	sadd.s32 $0x700, s17  }
0x14d: {  	[spmem:s3] =	stream.indirect.scatter.add.f32 [tilespmem:s12], [sflag:$0xA], $0x1, s20, s30, $0xb8;
	[tilespmem:$0x1EB80] =	vst v63  }
0x14e: {  	s17 =	sadd.s32 $0x780, s17  }
0x14f: {  	[spmem:s3] =	stream.indirect.scatter.add.f32 [tilespmem:s12], [sflag:$0xA], $0x1, s17, s30, $0xb8;
	[tilespmem:$0x1EB80] =	vst v63  }
0x150: {  	_ =	swait.ge [sflag:s13], $0x80  }
0x151: {  	[sflag:s13] =	ssyncset.done $0x0  }
0x152: {  	[sflag:s13] =	ssyncadd.s32 $0xFFFFFF80  }
0x153: {  	_ =	swait.ge [sflag:s13], $0x80  }
0x154: {  	[sflag:s13] =	ssyncset.done $0x0  }
0x155: {  	[sflag:s13] =	ssyncadd.s32 $0xFFFFFF80  }
0x156: {  	_ =	swait.ge [sflag:s13], $0x80  }
0x157: {  	[sflag:s13] =	ssyncset.done $0x0  }
0x158: {  	[sflag:s13] =	ssyncadd.s32 $0xFFFFFF80  }
0x159: {  	_ =	swait.ge [sflag:s13], $0x80  }
0x15a: {  	[sflag:s13] =	ssyncset.done $0x0  }
0x15b: {  	[sflag:s13] =	ssyncadd.s32 $0xFFFFFF80  }
0x15c: {  	_ =	swait.ge [sflag:s13], $0x80  }
0x15d: {  	[sflag:s13] =	ssyncset.done $0x0  }
0x15e: {  	[sflag:s13] =	ssyncadd.s32 $0xFFFFFF80  }
0x15f: {  	_ =	swait.ge [sflag:s13], $0x80  }
0x160: {  	[sflag:s13] =	ssyncset.done $0x0  }
0x161: {  	[sflag:s13] =	ssyncadd.s32 $0xFFFFFF80  }
0x162: {  	_ =	swait.ge [sflag:s13], $0x80  }
0x163: {  	[sflag:s13] =	ssyncset.done $0x0  }
0x164: {  	[sflag:s13] =	ssyncadd.s32 $0xFFFFFF80  }
0x165: {  	_ =	swait.ge [sflag:s13], $0x80  }
0x166: {  	[sflag:s13] =	ssyncset.done $0x0  }
0x167: {  	[sflag:s13] =	ssyncadd.s32 $0xFFFFFF80  }
0x168: {  	_ =	swait.ge [sflag:s13], $0x80  }
0x169: {  	[sflag:s13] =	ssyncset.done $0x0  }
0x16a: {  	[sflag:s13] =	ssyncadd.s32 $0xFFFFFF80  }
0x16b: {  	_ =	swait.ge [sflag:s13], $0x80  }
0x16c: {  	[sflag:s13] =	ssyncset.done $0x0  }
0x16d: {  	[sflag:s13] =	ssyncadd.s32 $0xFFFFFF80  }
0x16e: {  	_ =	swait.ge [sflag:s13], $0x80  }
0x16f: {  	[sflag:s13] =	ssyncset.done $0x0  }
0x170: {  	[sflag:s13] =	ssyncadd.s32 $0xFFFFFF80  }
0x171: {  	_ =	swait.ge [sflag:s13], $0x80  }
0x172: {  	[sflag:s13] =	ssyncset.done $0x0  }
0x173: {  	[sflag:s13] =	ssyncadd.s32 $0xFFFFFF80  }
0x174: {  	_ =	swait.ge [sflag:s13], $0x80  }
0x175: {  	[sflag:s13] =	ssyncset.done $0x0  }
0x176: {  	[sflag:s13] =	ssyncadd.s32 $0xFFFFFF80  }
0x177: {  	_ =	swait.ge [sflag:s13], $0x80  }
0x178: {  	[sflag:s13] =	ssyncset.done $0x0  }
0x179: {  	[sflag:s13] =	ssyncadd.s32 $0xFFFFFF80  }
.Ltmp3:
0x17a: {  	_ =	swait.ge [sflag:s13], $0x80;
	(pc) =	sbr.rel @p1 .LBB2_4-.Ltmp3, $4  }
0x17b: {  	[sflag:s13] =	ssyncset.done $0x0  }
0x17c: {  	[sflag:s13] =	ssyncadd.s32 $0xFFFFFF80  }
0x17d: {  	_ =	swait.ge [sflag:s13], $0x80  }
0x17e: {  	s20 =	smov.u32 s14;
	[sflag:s13] =	ssyncset.done $0x0  }
0x17f: {  	s14 =	sshra.s32 s26, $0x2;
	[sflag:s13] =	ssyncadd.s32 $0xFFFFFF80  }
0x180: {  	[spmem:s3] =	stream.indirect.scatter.add.f32 [tilespmem:s12], [sflag:$0xA], $0x1, s14, s30, $0xb8;
	[tilespmem:$0x1EB80] =	vst v63  }
0x181: {  	s17 =	sadd.s32 $0x80, s14  }
0x182: {  	[spmem:s3] =	stream.indirect.scatter.add.f32 [tilespmem:s12], [sflag:$0xA], $0x1, s17, s30, $0xb8;
	[tilespmem:$0x1EB80] =	vst v63  }
0x183: {  	s31 =	sadd.s32 $0x100, s14  }
0x184: {  	[spmem:s3] =	stream.indirect.scatter.add.f32 [tilespmem:s12], [sflag:$0xA], $0x1, s31, s30, $0xb8;
	[tilespmem:$0x1EB80] =	vst v63  }
0x185: {  	s7 =	sadd.s32 $0x180, s14  }
0x186: {  	[spmem:s3] =	stream.indirect.scatter.add.f32 [tilespmem:s12], [sflag:$0xA], $0x1, s7, s30, $0xb8;
	[tilespmem:$0x1EB80] =	vst v63  }
0x187: {  	s20 =	sadd.s32 $0x200, s14  }
0x188: {  	[spmem:s3] =	stream.indirect.scatter.add.f32 [tilespmem:s12], [sflag:$0xA], $0x1, s20, s30, $0xb8;
	[tilespmem:$0x1EB80] =	vst v63  }
0x189: {  	s26 =	sadd.s32 $0x280, s14  }
0x18a: {  	[spmem:s3] =	stream.indirect.scatter.add.f32 [tilespmem:s12], [sflag:$0xA], $0x1, s26, s30, $0xb8;
	[tilespmem:$0x1EB80] =	vst v63  }
0x18b: {  	s31 =	sadd.s32 $0x300, s14  }
0x18c: {  	[spmem:s3] =	stream.indirect.scatter.add.f32 [tilespmem:s12], [sflag:$0xA], $0x1, s31, s30, $0xb8;
	[tilespmem:$0x1EB80] =	vst v63  }
0x18d: {  	s7 =	sadd.s32 $0x380, s14  }
0x18e: {  	[spmem:s3] =	stream.indirect.scatter.add.f32 [tilespmem:s12], [sflag:$0xA], $0x1, s7, s30, $0xb8;
	[tilespmem:$0x1EB80] =	vst v63  }
0x18f: {  	s20 =	sadd.s32 $0x400, s14  }
0x190: {  	[spmem:s3] =	stream.indirect.scatter.add.f32 [tilespmem:s12], [sflag:$0xA], $0x1, s20, s30, $0xb8;
	[tilespmem:$0x1EB80] =	vst v63  }
0x191: {  	s26 =	sadd.s32 $0x480, s14  }
0x192: {  	[spmem:s3] =	stream.indirect.scatter.add.f32 [tilespmem:s12], [sflag:$0xA], $0x1, s26, s30, $0xb8;
	[tilespmem:$0x1EB80] =	vst v63  }
0x193: {  	s31 =	sadd.s32 $0x500, s14  }
0x194: {  	[spmem:s3] =	stream.indirect.scatter.add.f32 [tilespmem:s12], [sflag:$0xA], $0x1, s31, s30, $0xb8;
	[tilespmem:$0x1EB80] =	vst v63  }
0x195: {  	s7 =	sadd.s32 $0x580, s14  }
0x196: {  	[spmem:s3] =	stream.indirect.scatter.add.f32 [tilespmem:s12], [sflag:$0xA], $0x1, s7, s30, $0xb8;
	[tilespmem:$0x1EB80] =	vst v63  }
0x197: {  	s20 =	sadd.s32 $0x600, s14  }
0x198: {  	[spmem:s3] =	stream.indirect.scatter.add.f32 [tilespmem:s12], [sflag:$0xA], $0x1, s20, s30, $0xb8;
	[tilespmem:$0x1EB80] =	vst v63  }
0x199: {  	s26 =	sadd.s32 $0x680, s14  }
0x19a: {  	[spmem:s3] =	stream.indirect.scatter.add.f32 [tilespmem:s12], [sflag:$0xA], $0x1, s26, s30, $0xb8;
	[tilespmem:$0x1EB80] =	vst v63  }
0x19b: {  	s31 =	sadd.s32 $0x700, s14  }
0x19c: {  	[spmem:s3] =	stream.indirect.scatter.add.f32 [tilespmem:s12], [sflag:$0xA], $0x1, s31, s30, $0xb8;
	[tilespmem:$0x1EB80] =	vst v63  }
0x19d: {  	s14 =	sadd.s32 $0x780, s14  }
0x19e: {  	[spmem:s3] =	stream.indirect.scatter.add.f32 [tilespmem:s12], [sflag:$0xA], $0x1, s14, s30, $0xb8;
	[tilespmem:$0x1EB80] =	vst v63  }
0x19f: {  	_ =	swait.ge [sflag:s13], $0x80  }
0x1a0: {  	[sflag:s13] =	ssyncset.done $0x0  }
0x1a1: {  	[sflag:s13] =	ssyncadd.s32 $0xFFFFFF80  }
0x1a2: {  	_ =	swait.ge [sflag:s13], $0x80  }
0x1a3: {  	[sflag:s13] =	ssyncset.done $0x0  }
0x1a4: {  	[sflag:s13] =	ssyncadd.s32 $0xFFFFFF80  }
0x1a5: {  	_ =	swait.ge [sflag:s13], $0x80  }
0x1a6: {  	[sflag:s13] =	ssyncset.done $0x0  }
0x1a7: {  	[sflag:s13] =	ssyncadd.s32 $0xFFFFFF80  }
0x1a8: {  	_ =	swait.ge [sflag:s13], $0x80  }
0x1a9: {  	[sflag:s13] =	ssyncset.done $0x0  }
0x1aa: {  	[sflag:s13] =	ssyncadd.s32 $0xFFFFFF80  }
0x1ab: {  	_ =	swait.ge [sflag:s13], $0x80  }
0x1ac: {  	[sflag:s13] =	ssyncset.done $0x0  }
0x1ad: {  	[sflag:s13] =	ssyncadd.s32 $0xFFFFFF80  }
0x1ae: {  	_ =	swait.ge [sflag:s13], $0x80  }
0x1af: {  	[sflag:s13] =	ssyncset.done $0x0  }
0x1b0: {  	[sflag:s13] =	ssyncadd.s32 $0xFFFFFF80  }
0x1b1: {  	_ =	swait.ge [sflag:s13], $0x80  }
0x1b2: {  	[sflag:s13] =	ssyncset.done $0x0  }
0x1b3: {  	[sflag:s13] =	ssyncadd.s32 $0xFFFFFF80  }
0x1b4: {  	_ =	swait.ge [sflag:s13], $0x80  }
0x1b5: {  	[sflag:s13] =	ssyncset.done $0x0  }
0x1b6: {  	[sflag:s13] =	ssyncadd.s32 $0xFFFFFF80  }
0x1b7: {  	_ =	swait.ge [sflag:s13], $0x80  }
0x1b8: {  	[sflag:s13] =	ssyncset.done $0x0  }
0x1b9: {  	[sflag:s13] =	ssyncadd.s32 $0xFFFFFF80  }
0x1ba: {  	_ =	swait.ge [sflag:s13], $0x80  }
0x1bb: {  	[sflag:s13] =	ssyncset.done $0x0  }
0x1bc: {  	[sflag:s13] =	ssyncadd.s32 $0xFFFFFF80  }
0x1bd: {  	_ =	swait.ge [sflag:s13], $0x80  }
0x1be: {  	[sflag:s13] =	ssyncset.done $0x0  }
0x1bf: {  	[sflag:s13] =	ssyncadd.s32 $0xFFFFFF80  }
0x1c0: {  	_ =	swait.ge [sflag:s13], $0x80  }
0x1c1: {  	[sflag:s13] =	ssyncset.done $0x0  }
0x1c2: {  	[sflag:s13] =	ssyncadd.s32 $0xFFFFFF80  }
0x1c3: {  	_ =	swait.ge [sflag:s13], $0x80  }
0x1c4: {  	[sflag:s13] =	ssyncset.done $0x0  }
0x1c5: {  	[sflag:s13] =	ssyncadd.s32 $0xFFFFFF80  }
0x1c6: {  	_ =	swait.ge [sflag:s13], $0x80  }
0x1c7: {  	[sflag:s13] =	ssyncset.done $0x0  }
0x1c8: {  	[sflag:s13] =	ssyncadd.s32 $0xFFFFFF80  }
0x1c9: {  	_ =	swait.ge [sflag:s13], $0x80  }
0x1ca: {  	[sflag:s13] =	ssyncset.done $0x0  }
0x1cb: {  	[sflag:s13] =	ssyncadd.s32 $0xFFFFFF80  }
0x1cc: {  	_ =	swait.ge [sflag:s13], $0x80  }
0x1cd: {  	[sflag:s13] =	ssyncset.done $0x0  }
0x1ce: {  	[sflag:s13] =	ssyncadd.s32 $0xFFFFFF80  }
0x1cf: {  	[bflag:$0x0] =	sbarrier.arrive $0xFFFF  }
0x1d0: {  	[tilespmem:s1], [sflag:$0xC] =	stream.linear.gather [spmem:s25], $0x280, $0x38;
	[tilespmem:$0x1EB80] =	vst v63  }
0x1d1: {  	_ =	swait.ge [sflag:s28], $0x280  }
0x1d2: {  	[sflag:s28] =	ssyncset.done $0x0  }
0x1d3: {  	s17 =	simm.s32 $0x0;
	s20 =	simm.s32 $0x40;
	[sflag:s28] =	ssyncadd.s32 $0xFFFFFD80  }
.LBB2_6:
0x1d4: {  	p1 =	sne.s32 s20, $0x9C0;
	v4 =	vld [tilespmem:s17+$0x16400];
	_ =	sdelay $0x4  }
0x1d5: {  	v4 =	vmax.f32 v4, $1.000000000e+00  }
0x1d6: {  	v5 =	vshra.s32 v4, $0x1;
	v4 =	vmul.f32 $5.000000000e-01, v4  }
0x1d7: {  	v5 =	vsub.s32 $0x5F3759DF, v5  }
0x1d8: {  	v6 =	vmul.f32 v5, v4;
	_ =	sdelay $0x1  }
0x1d9: {  	v6 =	vmul.f32 v5, v6;
	_ =	sdelay $0x1  }
0x1da: {  	v6 =	vsub.f32 $1.500000000e+00, v6;
	_ =	sdelay $0x1  }
0x1db: {  	v5 =	vmul.f32 v5, v6;
	_ =	sdelay $0x1  }
0x1dc: {  	v6 =	vmul.f32 v5, v4;
	_ =	sdelay $0x1  }
0x1dd: {  	v6 =	vmul.f32 v6, v5;
	_ =	sdelay $0x1  }
0x1de: {  	v6 =	vsub.f32 $1.500000000e+00, v6;
	_ =	sdelay $0x1  }
0x1df: {  	v5 =	vmul.f32 v6, v5;
	_ =	sdelay $0x1  }
0x1e0: {  	v4 =	vmul.f32 v5, v4;
	_ =	sdelay $0x1  }
0x1e1: {  	v4 =	vmul.f32 v4, v5;
	_ =	sdelay $0x1  }
.Ltmp4:
0x1e2: {  	v4 =	vsub.f32 $1.500000000e+00, v4;
	(pc) =	sbr.rel @p1 .LBB2_6-.Ltmp4, $3  }
0x1e3: {  	_ = 	snop  }
0x1e4: {  	v4 =	vmul.f32 v4, v5;
	_ =	sdelay $0x1  }
0x1e5: {  	[tilespmem:s17+$0x16400] =	vst v4;
	s17 =	sshra.s32 s20, $0x2;
	s20 =	sadd.s32 $0x40, s20  }
0x1e6: {  	v4 =	vld [tilespmem:s17+$0x16400];
	_ =	sdelay $0x4  }
0x1e7: {  	v4 =	vmax.f32 v4, $1.000000000e+00  }
0x1e8: {  	v5 =	vshra.s32 v4, $0x1;
	v4 =	vmul.f32 $5.000000000e-01, v4  }
0x1e9: {  	v5 =	vsub.s32 $0x5F3759DF, v5  }
0x1ea: {  	v6 =	vmul.f32 v5, v4;
	_ =	sdelay $0x1  }
0x1eb: {  	v6 =	vmul.f32 v5, v6;
	_ =	sdelay $0x1  }
0x1ec: {  	v6 =	vsub.f32 $1.500000000e+00, v6;
	_ =	sdelay $0x1  }
0x1ed: {  	v5 =	vmul.f32 v5, v6;
	_ =	sdelay $0x1  }
0x1ee: {  	v6 =	vmul.f32 v5, v4;
	_ =	sdelay $0x1  }
0x1ef: {  	v6 =	vmul.f32 v6, v5;
	_ =	sdelay $0x1  }
0x1f0: {  	v6 =	vsub.f32 $1.500000000e+00, v6;
	_ =	sdelay $0x1  }
0x1f1: {  	v5 =	vmul.f32 v6, v5;
	_ =	sdelay $0x1  }
0x1f2: {  	v4 =	vmul.f32 v5, v4;
	_ =	sdelay $0x1  }
0x1f3: {  	v4 =	vmul.f32 v4, v5;
	_ =	sdelay $0x1  }
0x1f4: {  	v4 =	vsub.f32 $1.500000000e+00, v4;
	_ =	sdelay $0x1  }
0x1f5: {  	v4 =	vmul.f32 v4, v5;
	_ =	sdelay $0x1  }
0x1f6: {  	[tilespmem:s17+$0x16400] =	vst v4  }
0x1f7: {  	s14 =	simm.s32 $0x0;
	_ =	swait.ge [sflag:s15], $0x4000  }
0x1f8: {  	v4 =	vmov s14;
	[sflag:s15] =	ssyncset.done $0x0  }
0x1f9: {  	s17 =	simm.s32 $0x6440;
	[sflag:s15] =	ssyncadd.s32 $0xFFFFC000  }
0x1fa: {  	v8 =	vld [tilespmem:s17+$0x30]  }
0x1fb: {  	v11 =	vld [tilespmem:s17+$0x10]  }
0x1fc: {  	v9 =	vld [tilespmem:s17+$0xFFFFFFC0]  }
0x1fd: {  	v5 =	vld.idx.msk [tilespmem:v4+s1+$0x0], $0xffff  }
0x1fe: {  	v13 =	vld [tilespmem:s17+$0xFFFFFFE0]  }
0x1ff: {  	v6 =	vld [tilespmem:s17+$0x20]  }
0x200: {  	v7 =	vld [tilespmem:s17+$0xFFFFFFD0]  }
0x201: {  	v4 =	vld [tilespmem:s17+$0xFFFFFFF0]  }
0x202: {  	v12 =	vmul.f32 v8, v5;
	v8 =	vld [tilespmem:s17+$0x0]  }
0x203: {  	v10 =	vmul.f32 v9, v5  }
0x204: {  	s20 =	simm.s32 $0x1;
	s26 =	simm.s32 $0x6440;
	v9 =	vmul.f32 v13, v5;
	v11 =	vmul.f32 v11, v5  }
.LBB2_8:
0x205: {  	p1 =	sne.s32 s20, $0x7F  }
0x206: {  	v7 =	vmul.f32 v7, v5;
	v6 =	vmul.f32 v6, v5;
	[tilespmem:s17+$0x30] =	vst v12;
	s26 =	sadd.s32 $0x80, s26;
	s14 =	smov.u32 s20;
	s20 =	sadd.s32 $0x1, s20  }
0x207: {  	[tilespmem:s17+$0xFFFFFFC0] =	vst v10;
	v10 =	vmul.f32 v4, v5;
	v5 =	vmul.f32 v8, v5  }
0x208: {  	[tilespmem:s17+$0x10] =	vst v11  }
0x209: {  	v8 =	vmov s14;
	[tilespmem:s17+$0xFFFFFFE0] =	vst v9  }
0x20a: {  	v4 =	vld [tilespmem:s26+$0xFFFFFFF0];
	[tilespmem:s17+$0xFFFFFFF0] =	vst v10  }
0x20b: {  	v9 =	vld [tilespmem:s26+$0x30];
	[tilespmem:s17+$0x0] =	vst v5  }
0x20c: {  	v11 =	vld [tilespmem:s26+$0x10];
	[tilespmem:s17+$0x20] =	vst v6  }
0x20d: {  	v10 =	vld [tilespmem:s26+$0xFFFFFFC0];
	[tilespmem:s17+$0xFFFFFFD0] =	vst v7;
	s17 =	smov.u32 s26  }
0x20e: {  	v5 =	vld.idx.msk [tilespmem:v8+s1+$0x0], $0xffff  }
0x20f: {  	v13 =	vld [tilespmem:s26+$0xFFFFFFE0]  }
0x210: {  	v6 =	vld [tilespmem:s26+$0x20]  }
.Ltmp5:
0x211: {  	v7 =	vld [tilespmem:s26+$0xFFFFFFD0];
	(pc) =	sbr.rel @p1 .LBB2_8-.Ltmp5, $3  }
0x212: {  	v8 =	vld [tilespmem:s26+$0x0];
	_ =	sdelay $0x1  }
0x213: {  	v10 =	vmul.f32 v10, v5;
	v12 =	vmul.f32 v9, v5  }
0x214: {  	v11 =	vmul.f32 v11, v5;
	v9 =	vmul.f32 v13, v5  }
0x215: {  	[tilespmem:s17+$0x30] =	vst v12  }
0x216: {  	[tilespmem:s17+$0xFFFFFFC0] =	vst v10  }
0x217: {  	v4 =	vmul.f32 v4, v5;
	[tilespmem:s17+$0x10] =	vst v11  }
0x218: {  	v6 =	vmul.f32 v6, v5;
	[tilespmem:s17+$0xFFFFFFE0] =	vst v9  }
0x219: {  	v8 =	vmul.f32 v8, v5;
	[tilespmem:s17+$0xFFFFFFF0] =	vst v4  }
0x21a: {  	v4 =	vmul.f32 v7, v5;
	[tilespmem:s17+$0x20] =	vst v6  }
0x21b: {  	[tilespmem:s17+$0x0] =	vst v8  }
0x21c: {  	s7 =	rddreg [dreg:$0x10];
	s26 =	simm.s32 $0x9;
	[tilespmem:s17+$0xFFFFFFD0] =	vst v4  }
0x21d: {  	[hbm4b:s7+s8] =	stream.linear.scatter [tilespmem:s0], [sflag:$0x9], $0x4000, $0x38;
	[tilespmem:$0x1EB80] =	vst v63  }
0x21e: {  	_ =	swait.ge [sflag:s26], $0x4000  }
0x21f: {  	[sflag:s26] =	ssyncset.done $0x0  }
0x220: {  	s14 =	simm.s32 $0x80;
	s31 =	simm.s32 $0x6200;
	[sflag:s26] =	ssyncadd.s32 $0xFFFFC000  }
0x221: {  	[tilespmem:s0], [sflag:$0x1] =	stream.indirect.gather [hbm4b:s29+s14], $0x80, s31, s14, $0xb8;
	[tilespmem:$0x1EB80] =	vst v63  }
0x222: {  	_ =	swait.ge [sflag:s16], $0x4000  }
0x223: {  	v4 =	vmov s14;
	[sflag:s16] =	ssyncset.done $0x0  }
0x224: {  	s17 =	simm.s32 $0xA440;
	[sflag:s16] =	ssyncadd.s32 $0xFFFFC000  }
0x225: {  	v8 =	vld [tilespmem:s17+$0x30]  }
0x226: {  	v11 =	vld [tilespmem:s17+$0x10]  }
0x227: {  	v9 =	vld [tilespmem:s17+$0xFFFFFFC0]  }
0x228: {  	v5 =	vld.idx.msk [tilespmem:v4+s1+$0x0], $0xffff  }
0x229: {  	v13 =	vld [tilespmem:s17+$0xFFFFFFE0]  }
0x22a: {  	v4 =	vld [tilespmem:s17+$0xFFFFFFF0]  }
0x22b: {  	v6 =	vld [tilespmem:s17+$0x20]  }
0x22c: {  	v7 =	vld [tilespmem:s17+$0xFFFFFFD0]  }
0x22d: {  	v12 =	vmul.f32 v8, v5;
	v8 =	vld [tilespmem:s17+$0x0]  }
0x22e: {  	v10 =	vmul.f32 v9, v5  }
0x22f: {  	s20 =	simm.s32 $0x81;
	s26 =	simm.s32 $0xA440;
	v9 =	vmul.f32 v13, v5;
	v11 =	vmul.f32 v11, v5  }
.LBB2_10:
0x230: {  	p1 =	sne.s32 s20, $0xFF  }
0x231: {  	v7 =	vmul.f32 v7, v5;
	v6 =	vmul.f32 v6, v5;
	[tilespmem:s17+$0x30] =	vst v12;
	s26 =	sadd.s32 $0x80, s26;
	s14 =	smov.u32 s20;
	s20 =	sadd.s32 $0x1, s20  }
0x232: {  	[tilespmem:s17+$0xFFFFFFC0] =	vst v10;
	v10 =	vmul.f32 v4, v5;
	v5 =	vmul.f32 v8, v5  }
0x233: {  	[tilespmem:s17+$0x10] =	vst v11  }
0x234: {  	v8 =	vmov s14;
	[tilespmem:s17+$0xFFFFFFE0] =	vst v9  }
0x235: {  	v4 =	vld [tilespmem:s26+$0xFFFFFFF0];
	[tilespmem:s17+$0xFFFFFFF0] =	vst v10  }
0x236: {  	v9 =	vld [tilespmem:s26+$0x30];
	[tilespmem:s17+$0x0] =	vst v5  }
0x237: {  	v11 =	vld [tilespmem:s26+$0x10];
	[tilespmem:s17+$0x20] =	vst v6  }
0x238: {  	v10 =	vld [tilespmem:s26+$0xFFFFFFC0];
	[tilespmem:s17+$0xFFFFFFD0] =	vst v7;
	s17 =	smov.u32 s26  }
0x239: {  	v5 =	vld.idx.msk [tilespmem:v8+s1+$0x0], $0xffff  }
0x23a: {  	v13 =	vld [tilespmem:s26+$0xFFFFFFE0]  }
0x23b: {  	v6 =	vld [tilespmem:s26+$0x20]  }
.Ltmp6:
0x23c: {  	v7 =	vld [tilespmem:s26+$0xFFFFFFD0];
	(pc) =	sbr.rel @p1 .LBB2_10-.Ltmp6, $3  }
0x23d: {  	v8 =	vld [tilespmem:s26+$0x0];
	_ =	sdelay $0x1  }
0x23e: {  	v10 =	vmul.f32 v10, v5;
	v12 =	vmul.f32 v9, v5  }
0x23f: {  	v11 =	vmul.f32 v11, v5;
	v9 =	vmul.f32 v13, v5  }
0x240: {  	[tilespmem:s17+$0x30] =	vst v12  }
0x241: {  	[tilespmem:s17+$0xFFFFFFC0] =	vst v10  }
0x242: {  	v4 =	vmul.f32 v4, v5;
	[tilespmem:s17+$0x10] =	vst v11  }
0x243: {  	v6 =	vmul.f32 v6, v5;
	[tilespmem:s17+$0xFFFFFFE0] =	vst v9  }
0x244: {  	v8 =	vmul.f32 v8, v5;
	[tilespmem:s17+$0xFFFFFFF0] =	vst v4  }
0x245: {  	v4 =	vmul.f32 v7, v5;
	[tilespmem:s17+$0x20] =	vst v6  }
0x246: {  	[tilespmem:s17+$0x0] =	vst v8  }
0x247: {  	s7 =	rddreg [dreg:$0x11];
	[tilespmem:s17+$0xFFFFFFD0] =	vst v4  }
0x248: {  	[hbm4b:s7+s8] =	stream.linear.scatter [tilespmem:s5], [sflag:$0x9], $0x4000, $0x38;
	[tilespmem:$0x1EB80] =	vst v63  }
0x249: {  	s14 =	simm.s32 $0x100;
	_ =	swait.ge [sflag:s18], $0x4000  }
0x24a: {  	v4 =	vmov s14;
	[sflag:s18] =	ssyncset.done $0x0  }
0x24b: {  	s17 =	simm.s32 $0xE440;
	[sflag:s18] =	ssyncadd.s32 $0xFFFFC000  }
0x24c: {  	v8 =	vld [tilespmem:s17+$0x30]  }
0x24d: {  	v11 =	vld [tilespmem:s17+$0x10]  }
0x24e: {  	v9 =	vld [tilespmem:s17+$0xFFFFFFC0]  }
0x24f: {  	v5 =	vld.idx.msk [tilespmem:v4+s1+$0x0], $0xffff  }
0x250: {  	v13 =	vld [tilespmem:s17+$0xFFFFFFE0]  }
0x251: {  	v4 =	vld [tilespmem:s17+$0xFFFFFFF0]  }
0x252: {  	v6 =	vld [tilespmem:s17+$0x20]  }
0x253: {  	v7 =	vld [tilespmem:s17+$0xFFFFFFD0]  }
0x254: {  	v12 =	vmul.f32 v8, v5;
	v8 =	vld [tilespmem:s17+$0x0]  }
0x255: {  	v10 =	vmul.f32 v9, v5  }
0x256: {  	s20 =	simm.s32 $0x101;
	s26 =	simm.s32 $0xE440;
	v9 =	vmul.f32 v13, v5;
	v11 =	vmul.f32 v11, v5  }
.LBB2_12:
0x257: {  	p1 =	sne.s32 s20, $0x17F  }
0x258: {  	v7 =	vmul.f32 v7, v5;
	v6 =	vmul.f32 v6, v5;
	[tilespmem:s17+$0x30] =	vst v12;
	s26 =	sadd.s32 $0x80, s26;
	s14 =	smov.u32 s20;
	s20 =	sadd.s32 $0x1, s20  }
0x259: {  	[tilespmem:s17+$0xFFFFFFC0] =	vst v10;
	v10 =	vmul.f32 v4, v5;
	v5 =	vmul.f32 v8, v5  }
0x25a: {  	[tilespmem:s17+$0x10] =	vst v11  }
0x25b: {  	v8 =	vmov s14;
	[tilespmem:s17+$0xFFFFFFE0] =	vst v9  }
0x25c: {  	v4 =	vld [tilespmem:s26+$0xFFFFFFF0];
	[tilespmem:s17+$0xFFFFFFF0] =	vst v10  }
0x25d: {  	v9 =	vld [tilespmem:s26+$0x30];
	[tilespmem:s17+$0x0] =	vst v5  }
0x25e: {  	v11 =	vld [tilespmem:s26+$0x10];
	[tilespmem:s17+$0x20] =	vst v6  }
0x25f: {  	v10 =	vld [tilespmem:s26+$0xFFFFFFC0];
	[tilespmem:s17+$0xFFFFFFD0] =	vst v7;
	s17 =	smov.u32 s26  }
0x260: {  	v5 =	vld.idx.msk [tilespmem:v8+s1+$0x0], $0xffff  }
0x261: {  	v13 =	vld [tilespmem:s26+$0xFFFFFFE0]  }
0x262: {  	v6 =	vld [tilespmem:s26+$0x20]  }
.Ltmp7:
0x263: {  	v7 =	vld [tilespmem:s26+$0xFFFFFFD0];
	(pc) =	sbr.rel @p1 .LBB2_12-.Ltmp7, $3  }
0x264: {  	v8 =	vld [tilespmem:s26+$0x0];
	_ =	sdelay $0x1  }
0x265: {  	v10 =	vmul.f32 v10, v5;
	v12 =	vmul.f32 v9, v5  }
0x266: {  	v11 =	vmul.f32 v11, v5;
	v9 =	vmul.f32 v13, v5  }
0x267: {  	[tilespmem:s17+$0x30] =	vst v12  }
0x268: {  	[tilespmem:s17+$0xFFFFFFC0] =	vst v10  }
0x269: {  	v4 =	vmul.f32 v4, v5;
	[tilespmem:s17+$0x10] =	vst v11  }
0x26a: {  	v6 =	vmul.f32 v6, v5;
	[tilespmem:s17+$0xFFFFFFE0] =	vst v9  }
0x26b: {  	v8 =	vmul.f32 v8, v5;
	[tilespmem:s17+$0xFFFFFFF0] =	vst v4  }
0x26c: {  	v4 =	vmul.f32 v7, v5;
	[tilespmem:s17+$0x20] =	vst v6  }
0x26d: {  	[tilespmem:s17+$0x0] =	vst v8  }
0x26e: {  	s7 =	rddreg [dreg:$0x14];
	[tilespmem:s17+$0xFFFFFFD0] =	vst v4  }
0x26f: {  	[hbm4b:s7+s8] =	stream.linear.scatter [tilespmem:s9], [sflag:$0x9], $0x4000, $0x38;
	[tilespmem:$0x1EB80] =	vst v63  }
0x270: {  	s14 =	simm.s32 $0x180;
	_ =	swait.ge [sflag:s19], $0x4000  }
0x271: {  	v4 =	vmov s14;
	[sflag:s19] =	ssyncset.done $0x0  }
0x272: {  	s17 =	simm.s32 $0x12440;
	[sflag:s19] =	ssyncadd.s32 $0xFFFFC000  }
0x273: {  	v8 =	vld [tilespmem:s17+$0x30]  }
0x274: {  	v11 =	vld [tilespmem:s17+$0x10]  }
0x275: {  	v9 =	vld [tilespmem:s17+$0xFFFFFFC0]  }
0x276: {  	v5 =	vld.idx.msk [tilespmem:v4+s1+$0x0], $0xffff  }
0x277: {  	v13 =	vld [tilespmem:s17+$0xFFFFFFE0]  }
0x278: {  	v4 =	vld [tilespmem:s17+$0xFFFFFFF0]  }
0x279: {  	v6 =	vld [tilespmem:s17+$0x20]  }
0x27a: {  	v7 =	vld [tilespmem:s17+$0xFFFFFFD0]  }
0x27b: {  	v12 =	vmul.f32 v8, v5;
	v8 =	vld [tilespmem:s17+$0x0]  }
0x27c: {  	v10 =	vmul.f32 v9, v5  }
0x27d: {  	s20 =	simm.s32 $0x181;
	s26 =	simm.s32 $0x12440;
	v9 =	vmul.f32 v13, v5;
	v11 =	vmul.f32 v11, v5  }
.LBB2_14:
0x27e: {  	p1 =	sne.s32 s20, $0x1FF  }
0x27f: {  	v7 =	vmul.f32 v7, v5;
	v6 =	vmul.f32 v6, v5;
	[tilespmem:s17+$0x30] =	vst v12;
	s26 =	sadd.s32 $0x80, s26;
	s14 =	smov.u32 s20;
	s20 =	sadd.s32 $0x1, s20  }
0x280: {  	[tilespmem:s17+$0xFFFFFFC0] =	vst v10;
	v10 =	vmul.f32 v4, v5;
	v5 =	vmul.f32 v8, v5  }
0x281: {  	[tilespmem:s17+$0x10] =	vst v11  }
0x282: {  	v8 =	vmov s14;
	[tilespmem:s17+$0xFFFFFFE0] =	vst v9  }
0x283: {  	v4 =	vld [tilespmem:s26+$0xFFFFFFF0];
	[tilespmem:s17+$0xFFFFFFF0] =	vst v10  }
0x284: {  	v9 =	vld [tilespmem:s26+$0x30];
	[tilespmem:s17+$0x0] =	vst v5  }
0x285: {  	v11 =	vld [tilespmem:s26+$0x10];
	[tilespmem:s17+$0x20] =	vst v6  }
0x286: {  	v10 =	vld [tilespmem:s26+$0xFFFFFFC0];
	[tilespmem:s17+$0xFFFFFFD0] =	vst v7;
	s17 =	smov.u32 s26  }
0x287: {  	v5 =	vld.idx.msk [tilespmem:v8+s1+$0x0], $0xffff  }
0x288: {  	v13 =	vld [tilespmem:s26+$0xFFFFFFE0]  }
0x289: {  	v6 =	vld [tilespmem:s26+$0x20]  }
.Ltmp8:
0x28a: {  	v7 =	vld [tilespmem:s26+$0xFFFFFFD0];
	(pc) =	sbr.rel @p1 .LBB2_14-.Ltmp8, $3  }
0x28b: {  	v8 =	vld [tilespmem:s26+$0x0];
	_ =	sdelay $0x1  }
0x28c: {  	v10 =	vmul.f32 v10, v5;
	v12 =	vmul.f32 v9, v5  }
0x28d: {  	v11 =	vmul.f32 v11, v5;
	v9 =	vmul.f32 v13, v5  }
0x28e: {  	[tilespmem:s17+$0x30] =	vst v12  }
0x28f: {  	[tilespmem:s17+$0xFFFFFFC0] =	vst v10  }
0x290: {  	v4 =	vmul.f32 v4, v5;
	[tilespmem:s17+$0x10] =	vst v11  }
0x291: {  	v6 =	vmul.f32 v6, v5;
	[tilespmem:s17+$0xFFFFFFE0] =	vst v9  }
0x292: {  	v8 =	vmul.f32 v8, v5;
	[tilespmem:s17+$0xFFFFFFF0] =	vst v4  }
0x293: {  	v4 =	vmul.f32 v7, v5;
	[tilespmem:s17+$0x20] =	vst v6  }
0x294: {  	[tilespmem:s17+$0x0] =	vst v8  }
0x295: {  	s7 =	rddreg [dreg:$0x15];
	[tilespmem:s17+$0xFFFFFFD0] =	vst v4  }
0x296: {  	[hbm4b:s7+s8] =	stream.linear.scatter [tilespmem:s11], [sflag:$0x9], $0x4000, $0x38;
	[tilespmem:$0x1EB80] =	vst v63  }
0x297: {  	s14 =	simm.s32 $0x200;
	_ =	swait.ge [sflag:s15], $0x4000  }
0x298: {  	v4 =	vmov s14;
	[sflag:s15] =	ssyncset.done $0x0  }
0x299: {  	s17 =	simm.s32 $0x6440;
	[sflag:s15] =	ssyncadd.s32 $0xFFFFC000  }
0x29a: {  	v8 =	vld [tilespmem:s17+$0x30]  }
0x29b: {  	v11 =	vld [tilespmem:s17+$0x10]  }
0x29c: {  	v9 =	vld [tilespmem:s17+$0xFFFFFFC0]  }
0x29d: {  	v5 =	vld.idx.msk [tilespmem:v4+s1+$0x0], $0xffff  }
0x29e: {  	v13 =	vld [tilespmem:s17+$0xFFFFFFE0]  }
0x29f: {  	v4 =	vld [tilespmem:s17+$0xFFFFFFF0]  }
0x2a0: {  	v6 =	vld [tilespmem:s17+$0x20]  }
0x2a1: {  	v7 =	vld [tilespmem:s17+$0xFFFFFFD0]  }
0x2a2: {  	v12 =	vmul.f32 v8, v5;
	v8 =	vld [tilespmem:s17+$0x0]  }
0x2a3: {  	v10 =	vmul.f32 v9, v5  }
0x2a4: {  	s31 =	smov.u32 s25;
	s20 =	simm.s32 $0x201;
	s26 =	simm.s32 $0x6440;
	v9 =	vmul.f32 v13, v5;
	v11 =	vmul.f32 v11, v5  }
.LBB2_16:
0x2a5: {  	p1 =	sne.s32 s20, $0x27F  }
0x2a6: {  	v7 =	vmul.f32 v7, v5;
	v6 =	vmul.f32 v6, v5;
	[tilespmem:s17+$0x30] =	vst v12;
	s26 =	sadd.s32 $0x80, s26;
	s14 =	smov.u32 s20;
	s20 =	sadd.s32 $0x1, s20  }
0x2a7: {  	[tilespmem:s17+$0xFFFFFFC0] =	vst v10;
	v10 =	vmul.f32 v4, v5;
	v5 =	vmul.f32 v8, v5  }
0x2a8: {  	[tilespmem:s17+$0x10] =	vst v11  }
0x2a9: {  	v8 =	vmov s14;
	[tilespmem:s17+$0xFFFFFFE0] =	vst v9  }
0x2aa: {  	v4 =	vld [tilespmem:s26+$0xFFFFFFF0];
	[tilespmem:s17+$0xFFFFFFF0] =	vst v10  }
0x2ab: {  	v9 =	vld [tilespmem:s26+$0x30];
	[tilespmem:s17+$0x0] =	vst v5  }
0x2ac: {  	v11 =	vld [tilespmem:s26+$0x10];
	[tilespmem:s17+$0x20] =	vst v6  }
0x2ad: {  	v10 =	vld [tilespmem:s26+$0xFFFFFFC0];
	[tilespmem:s17+$0xFFFFFFD0] =	vst v7;
	s17 =	smov.u32 s26  }
0x2ae: {  	v5 =	vld.idx.msk [tilespmem:v8+s1+$0x0], $0xffff  }
0x2af: {  	v13 =	vld [tilespmem:s26+$0xFFFFFFE0]  }
0x2b0: {  	v6 =	vld [tilespmem:s26+$0x20]  }
.Ltmp9:
0x2b1: {  	v7 =	vld [tilespmem:s26+$0xFFFFFFD0];
	(pc) =	sbr.rel @p1 .LBB2_16-.Ltmp9, $3  }
0x2b2: {  	v8 =	vld [tilespmem:s26+$0x0];
	_ =	sdelay $0x1  }
0x2b3: {  	v10 =	vmul.f32 v10, v5;
	v12 =	vmul.f32 v9, v5  }
0x2b4: {  	v11 =	vmul.f32 v11, v5;
	v9 =	vmul.f32 v13, v5  }
0x2b5: {  	[tilespmem:s17+$0x30] =	vst v12  }
0x2b6: {  	[tilespmem:s17+$0xFFFFFFC0] =	vst v10  }
0x2b7: {  	v4 =	vmul.f32 v4, v5;
	[tilespmem:s17+$0x10] =	vst v11  }
0x2b8: {  	v6 =	vmul.f32 v6, v5;
	[tilespmem:s17+$0xFFFFFFE0] =	vst v9  }
0x2b9: {  	v8 =	vmul.f32 v8, v5;
	[tilespmem:s17+$0xFFFFFFF0] =	vst v4  }
0x2ba: {  	v4 =	vmul.f32 v7, v5;
	[tilespmem:s17+$0x20] =	vst v6  }
0x2bb: {  	[tilespmem:s17+$0x0] =	vst v8  }
0x2bc: {  	s14 =	simm.s32 $0x0;
	s7 =	rddreg [dreg:$0x16];
	[tilespmem:s17+$0xFFFFFFD0] =	vst v4;
	s17 =	simm.s32 $0x0  }
0x2bd: {  	[hbm4b:s7+s14] =	stream.linear.scatter [tilespmem:s0], [sflag:$0x9], $0x4000, $0x38;
	[tilespmem:$0x1EB80] =	vst v63  }
0x2be: {  	v6 =	vld [tilespmem:s17+$0x0]  }
0x2bf: {  	v8 =	vld [tilespmem:s17+$0x10]  }
0x2c0: {  	v7 =	vld [tilespmem:s17+$0x20]  }
0x2c1: {  	v5 =	vld [tilespmem:s17+$0x30]  }
0x2c2: {  	v4 =	vld [tilespmem:s17+$0x40]  }
0x2c3: {  	v9 =	vadd.s32 v1, v6;
	v6 =	vld [tilespmem:s17+$0x50]  }
0x2c4: {  	s25 =	smov.u32 s29;
	s20 =	simm.s32 $0x200;
	[tilespmem:s17+$0x0] =	vst v9;
	v9 =	vadd.s32 v1, v8;
	v8 =	vld [tilespmem:s17+$0x60]  }
.LBB2_18:
0x2c5: {  	s14 =	sshra.s32 s20, $0x2;
	p1 =	sne.s32 s20, $0x9E00;
	[tilespmem:s17+$0x10] =	vst v9;
	v7 =	vadd.s32 v1, v7;
	v9 =	vld [tilespmem:s17+$0x70]  }
0x2c6: {  	v10 =	vld [tilespmem:s14+$0x0];
	[tilespmem:s17+$0x20] =	vst v7;
	v5 =	vadd.s32 v1, v5  }
0x2c7: {  	v11 =	vld [tilespmem:s14+$0x10];
	[tilespmem:s17+$0x30] =	vst v5;
	v4 =	vadd.s32 v1, v4  }
.Ltmp10:
0x2c8: {  	v7 =	vld [tilespmem:s14+$0x20];
	[tilespmem:s17+$0x40] =	vst v4;
	v4 =	vadd.s32 v1, v6;
	(pc) =	sbr.rel @p1 .LBB2_18-.Ltmp10, $4  }
0x2c9: {  	v5 =	vld [tilespmem:s14+$0x30];
	[tilespmem:s17+$0x50] =	vst v4;
	v6 =	vadd.s32 v1, v8  }
0x2ca: {  	v4 =	vld [tilespmem:s14+$0x40];
	[tilespmem:s17+$0x60] =	vst v6;
	v8 =	vadd.s32 v1, v9  }
0x2cb: {  	v9 =	vadd.s32 v1, v10;
	v6 =	vld [tilespmem:s14+$0x50];
	[tilespmem:s17+$0x70] =	vst v8;
	s17 =	smov.u32 s14  }
0x2cc: {  	s20 =	sadd.s32 $0x200, s20;
	[tilespmem:s17+$0x0] =	vst v9;
	v9 =	vadd.s32 v1, v11;
	v8 =	vld [tilespmem:s17+$0x60]  }
0x2cd: {  	[tilespmem:s17+$0x10] =	vst v9;
	v7 =	vadd.s32 v1, v7;
	v63 =	vld [tilespmem:s17+$0x70]  }
0x2ce: {  	[tilespmem:s17+$0x20] =	vst v7;
	v5 =	vadd.s32 v1, v5  }
0x2cf: {  	[tilespmem:s17+$0x30] =	vst v5;
	v4 =	vadd.s32 v1, v4  }
0x2d0: {  	[tilespmem:s17+$0x40] =	vst v4;
	v4 =	vadd.s32 v1, v6  }
0x2d1: {  	[tilespmem:s17+$0x50] =	vst v4;
	v4 =	vadd.s32 v1, v8  }
0x2d2: {  	[tilespmem:s17+$0x60] =	vst v4;
	v4 =	vadd.s32 v1, v63  }
0x2d3: {  	s7 =	simm.s32 $0x9;
	[tilespmem:s17+$0x70] =	vst v4  }
0x2d4: {  	_ =	swait.ge [sflag:s7], $0x4000  }
0x2d5: {  	[sflag:s7] =	ssyncset.done $0x0  }
0x2d6: {  	[sflag:s7] =	ssyncadd.s32 $0xFFFFC000  }
0x2d7: {  	_ =	swait.ge [sflag:s7], $0x4000  }
0x2d8: {  	[sflag:s7] =	ssyncset.done $0x0  }
0x2d9: {  	[sflag:s7] =	ssyncadd.s32 $0xFFFFC000  }
0x2da: {  	_ =	swait.ge [sflag:s7], $0x4000  }
0x2db: {  	[sflag:s7] =	ssyncset.done $0x0  }
0x2dc: {  	[sflag:s7] =	ssyncadd.s32 $0xFFFFC000  }
0x2dd: {  	_ =	swait.ge [sflag:s7], $0x4000  }
0x2de: {  	[sflag:s7] =	ssyncset.done $0x0  }
0x2df: {  	[sflag:s7] =	ssyncadd.s32 $0xFFFFC000  }
0x2e0: {  	s20 =	simm.s32 $0x0;
	[bflag:$0x0] =	sbarrier.arrive $0xFFFF  }
0x2e1: {  	[tilespmem:s0], [sflag:$0x1] =	stream.indirect.gather [hbm4b:s10+s30], $0x80, s20, s30, $0xb8;
	[tilespmem:$0x1EB80] =	vst v63  }
0x2e2: {  	_ = 	snop  }
0x2e3: {  	[tilespmem:s5], [sflag:$0x2] =	stream.indirect.gather [hbm4b:s10+s30], $0x80, s30, s30, $0xb8;
	[tilespmem:$0x1EB80] =	vst v63  }
0x2e4: {  	s26 =	simm.s32 $0x100  }
0x2e5: {  	[tilespmem:s9], [sflag:$0x3] =	stream.indirect.gather [hbm4b:s10+s30], $0x80, s26, s30, $0xb8;
	[tilespmem:$0x1EB80] =	vst v63  }
0x2e6: {  	s29 =	simm.s32 $0x180;
	s26 =	simm.s32 $0x0  }
0x2e7: {  	[tilespmem:s11], [sflag:$0x4] =	stream.indirect.gather [hbm4b:s10+s30], $0x80, s29, s30, $0xb8;
	[tilespmem:$0x1EB80] =	vst v63  }
.LBB2_20:
0x2e8: {  	_ =	swait.ge [sflag:s15], $0x4000  }
0x2e9: {  	s17 =	sshra.s32 s20, $0x2;
	[sflag:s15] =	ssyncset.done $0x0  }
0x2ea: {  	s14 =	sadd.s32 $0x2800, s17;
	[sflag:s15] =	ssyncadd.s32 $0xFFFFC000  }
0x2eb: {  	[spmem:s2] =	stream.indirect.scatter.add.f32 [tilespmem:s0], [sflag:$0x5], $0x80, s14, s30, $0xb8;
	[tilespmem:$0x1EB80] =	vst v63  }
0x2ec: {  	_ =	swait.ge [sflag:s16], $0x4000  }
0x2ed: {  	[sflag:s16] =	ssyncset.done $0x0  }
0x2ee: {  	s7 =	sadd.s32 $0x2880, s17;
	[sflag:s16] =	ssyncadd.s32 $0xFFFFC000  }
0x2ef: {  	[spmem:s2] =	stream.indirect.scatter.add.f32 [tilespmem:s5], [sflag:$0x6], $0x80, s7, s30, $0xb8;
	[tilespmem:$0x1EB80] =	vst v63  }
0x2f0: {  	_ =	swait.ge [sflag:s18], $0x4000  }
0x2f1: {  	[sflag:s18] =	ssyncset.done $0x0  }
0x2f2: {  	s29 =	sadd.s32 $0x2900, s17;
	[sflag:s18] =	ssyncadd.s32 $0xFFFFC000  }
0x2f3: {  	[spmem:s2] =	stream.indirect.scatter.add.f32 [tilespmem:s9], [sflag:$0x7], $0x80, s29, s30, $0xb8;
	[tilespmem:$0x1EB80] =	vst v63  }
0x2f4: {  	_ =	swait.ge [sflag:s19], $0x4000  }
0x2f5: {  	[sflag:s19] =	ssyncset.done $0x0  }
0x2f6: {  	s8 =	sadd.s32 $0x2980, s17;
	[sflag:s19] =	ssyncadd.s32 $0xFFFFC000  }
0x2f7: {  	[spmem:s2] =	stream.indirect.scatter.add.f32 [tilespmem:s11], [sflag:$0x8], $0x80, s8, s30, $0xb8;
	[tilespmem:$0x1EB80] =	vst v63  }
0x2f8: {  	_ = 	snop  }
0x2f9: {  	[spmem:s4] =	stream.indirect.scatter.add.f32 [tilespmem:s12], [sflag:$0xA], $0x1, s14, s30, $0xb8;
	[tilespmem:$0x1EB80] =	vst v63  }
0x2fa: {  	_ = 	snop  }
0x2fb: {  	[spmem:s4] =	stream.indirect.scatter.add.f32 [tilespmem:s12], [sflag:$0xA], $0x1, s7, s30, $0xb8;
	[tilespmem:$0x1EB80] =	vst v63  }
0x2fc: {  	p1 =	sgt.u32 s26, $0x7  }
0x2fd: {  	[spmem:s4] =	stream.indirect.scatter.add.f32 [tilespmem:s12], [sflag:$0xA], $0x1, s29, s30, $0xb8;
	[tilespmem:$0x1EB80] =	vst v63  }
0x2fe: {  	s7 =	sshra.s32 @!p1 s20, $0x2  }
0x2ff: {  	[spmem:s4] =	stream.indirect.scatter.add.f32 [tilespmem:s12], [sflag:$0xA], $0x1, s8, s30, $0xb8;
	[tilespmem:$0x1EB80] =	vst v63  }
0x300: {  	s14 =	simm.s32 @!p1 $0x80;
	s29 =	simm.s32 @!p1 $0x16680;
	s8 =	sadd.s32 @!p1 $0x5000, s7  }
0x301: {  	[spmem:s6] =	stream.indirect.scatter.add.f32 @!p1 [tilespmem:s29], [sflag:$0xA], $0x1, s8, s14, $0xb8;
	[tilespmem:$0x1EB80] =	vst v63  }
0x302: {  	s8 =	sadd.s32 @!p1 $0x5080, s7  }
0x303: {  	[spmem:s6] =	stream.indirect.scatter.add.f32 @!p1 [tilespmem:s29], [sflag:$0xA], $0x1, s8, s14, $0xb8;
	[tilespmem:$0x1EB80] =	vst v63  }
0x304: {  	s8 =	sadd.s32 @!p1 $0x5100, s7  }
0x305: {  	[spmem:s6] =	stream.indirect.scatter.add.f32 @!p1 [tilespmem:s29], [sflag:$0xA], $0x1, s8, s14, $0xb8;
	[tilespmem:$0x1EB80] =	vst v63  }
0x306: {  	s7 =	sadd.s32 @!p1 $0x5180, s7  }
0x307: {  	[spmem:s6] =	stream.indirect.scatter.add.f32 @!p1 [tilespmem:s29], [sflag:$0xA], $0x1, s7, s14, $0xb8;
	[tilespmem:$0x1EB80] =	vst v63  }
0x308: {  	s7 =	simm.s32 @!p1 $0xA  }
0x309: {  	_ =	swait.ge @!p1 [sflag:s7], $0x80  }
0x30a: {  	[sflag:s7] =	ssyncset.done @!p1 $0x0  }
0x30b: {  	[sflag:s7] =	ssyncadd.s32 @!p1 $0xFFFFFF80  }
0x30c: {  	_ =	swait.ge @!p1 [sflag:s7], $0x80  }
0x30d: {  	[sflag:s7] =	ssyncset.done @!p1 $0x0  }
0x30e: {  	[sflag:s7] =	ssyncadd.s32 @!p1 $0xFFFFFF80  }
0x30f: {  	_ =	swait.ge @!p1 [sflag:s7], $0x80  }
0x310: {  	[sflag:s7] =	ssyncset.done @!p1 $0x0  }
0x311: {  	[sflag:s7] =	ssyncadd.s32 @!p1 $0xFFFFFF80  }
0x312: {  	_ =	swait.ge @!p1 [sflag:s7], $0x80  }
0x313: {  	[sflag:s7] =	ssyncset.done @!p1 $0x0  }
0x314: {  	[sflag:s7] =	ssyncadd.s32 @!p1 $0xFFFFFF80  }
0x315: {  	_ =	swait.ge [sflag:s13], $0x80  }
0x316: {  	[sflag:s13] =	ssyncset.done $0x0  }
0x317: {  	[sflag:s13] =	ssyncadd.s32 $0xFFFFFF80  }
0x318: {  	_ =	swait.ge [sflag:s13], $0x80  }
0x319: {  	[sflag:s13] =	ssyncset.done $0x0  }
0x31a: {  	[sflag:s13] =	ssyncadd.s32 $0xFFFFFF80  }
0x31b: {  	_ =	swait.ge [sflag:s13], $0x80  }
0x31c: {  	[sflag:s13] =	ssyncset.done $0x0  }
0x31d: {  	[sflag:s13] =	ssyncadd.s32 $0xFFFFFF80  }
0x31e: {  	p1 =	seq.s32 s20, $0x9800;
	_ =	swait.ge [sflag:s13], $0x80  }
.Ltmp11:
0x31f: {  	[sflag:s13] =	ssyncset.done $0x0;
	(pc) =	sbr.rel @p1 .LBB2_22-.Ltmp11, $4  }
0x320: {  	[sflag:s13] =	ssyncadd.s32 $0xFFFFFF80  }
0x321: {  	_ =	swait.ge [sflag:s21], $0x4000  }
0x322: {  	[sflag:s21] =	ssyncset.done $0x0  }
0x323: {  	[sflag:s21] =	ssyncadd.s32 $0xFFFFC000  }
0x324: {  	s7 =	sadd.s32 $0x200, s17  }
0x325: {  	[tilespmem:s0], [sflag:$0x1] =	stream.indirect.gather [hbm4b:s10+s30], $0x80, s7, s30, $0xb8;
	[tilespmem:$0x1EB80] =	vst v63  }
0x326: {  	_ =	swait.ge [sflag:s22], $0x4000  }
0x327: {  	[sflag:s22] =	ssyncset.done $0x0  }
0x328: {  	s8 =	sadd.s32 $0x280, s17;
	[sflag:s22] =	ssyncadd.s32 $0xFFFFC000  }
0x329: {  	[tilespmem:s5], [sflag:$0x2] =	stream.indirect.gather [hbm4b:s10+s30], $0x80, s8, s30, $0xb8;
	[tilespmem:$0x1EB80] =	vst v63  }
0x32a: {  	_ =	swait.ge [sflag:s23], $0x4000  }
0x32b: {  	[sflag:s23] =	ssyncset.done $0x0  }
0x32c: {  	s14 =	sadd.s32 $0x300, s17;
	[sflag:s23] =	ssyncadd.s32 $0xFFFFC000  }
0x32d: {  	[tilespmem:s9], [sflag:$0x3] =	stream.indirect.gather [hbm4b:s10+s30], $0x80, s14, s30, $0xb8;
	[tilespmem:$0x1EB80] =	vst v63  }
.Ltmp12:
0x32e: {  	_ = 	snop;
	(pc) =	sbr.rel .LBB2_20-.Ltmp12, $4  }
0x32f: {  	_ =	swait.ge [sflag:s24], $0x4000  }
0x330: {  	s29 =	sadd.s32 $0x380, s17;
	[sflag:s24] =	ssyncset.done $0x0  }
0x331: {  	s26 =	sadd.s32 $0x1, s26;
	s20 =	sadd.s32 $0x800, s20;
	[sflag:s24] =	ssyncadd.s32 $0xFFFFC000  }
0x332: {  	[tilespmem:s11], [sflag:$0x4] =	stream.indirect.gather [hbm4b:s10+s30], $0x80, s29, s30, $0xb8;
	[tilespmem:$0x1EB80] =	vst v63  }
.LBB2_23:
0x333: {  	_ =	sfence.sel $0x180000  }
0x334: {  	[bflag:$0x0] =	sbarrier.arrive $0xFFFF  }
0x335: {  	_ =	strace $0x90000047  }
0x336: {  	s0 =	stileid.u32;
	[bflag:$0x2] =	sbarrier.arrive $0xFFFF  }
0x337: {  	p0 =	sne.s32 s0, $0x0;
	s0 =	rddreg [dreg:$0x6]  }
0x338: {  	s0 =	sadd.s32 @!p0 $0x100000, s0  }
0x339: {  	[sflag:s0] =	ssyncadd.tile.s32 @!p0 $0x1;
	_ =	shalt  }
.Lfunc_end2:
_tile_overlayer_lowered:
.L_overlay_start_2:
0x33a: {  	(tag) =	ssettag $0x2  }
0x33b: {  	s0 =	rddreg [dreg:$0x0];
	s2 =	stileid.u32  }
0x33c: {  	s1 =	rddreg [dreg:$0x1];
	p0 =	sne.s32 s2, $0x0  }
0x33d: {  	s3 =	rddreg [dreg:$0x2];
	[bflag:$0x3] =	sbarrier.arrive $0xFFFF;
	s2 =	simm.s32 @!p0 $0x1C0C  }
0x33e: {  	[timem:s3], [sflag:s2] =	dma.local @!p0 [hbm:s0], s1  }
0x33f: {  	s0 =	simm.s32 @!p0 $0xC  }
0x340: {  	_ =	swait.ge @!p0 [sflag:s0], s1  }
0x341: {  	s1 =	ssub.s32 @!p0 $0x0, s1;
	[sflag:s0] =	ssyncset.done @!p0 $0x0  }
0x342: {  	[sflag:s0] =	ssyncadd.s32 @!p0 s1  }
0x343: {  	[bflag:$0x3] =	sbarrier.arrive $0xFFFF  }
0x344: {  	_ =	shalt  }

// kernel: kernel.9.cloned.1.call-start
scs
__scs_entry_jumppad:
0x0: {  	(pc) =	sbr.rel $0x88, $3  }
0x1: {  	(tag) =	ssettag $0x0;
	lr =	simm.s32 $0x1  }
0x2: {  	[smem:$0x3F95] =	sst lr;
	_ =	strace $0xD0000000  }
0x3: {  	_ = 	snop  }
0x4: {  	_ = 	snop  }
0x5: {  	_ = 	snop  }
0x6: {  	_ = 	snop  }
0x7: {  	_ = 	snop  }
__scs_overlays_trampoline_lowered:
0x8: {  	[smem:$0x3FA4] =	sst s0  }
0x9: {  	[smem:$0x3FA5] =	sst s1  }
0xa: {  	[smem:$0x3FA6] =	sst s2  }
0xb: {  	[smem:$0x3FA7] =	sst s3  }
0xc: {  	[smem:$0x3FA8] =	sst s4  }
0xd: {  	[smem:$0x3FA9] =	sst s5  }
0xe: {  	[smem:$0x3FAA] =	sst s6  }
0xf: {  	[smem:$0x3FAB] =	sst s7  }
0x10: {  	[smem:$0x3FAC] =	sst s8  }
0x11: {  	[smem:$0x3FAD] =	sst s9;
	s0 =	simm.s32 @!p0 $0x0  }
0x12: {  	s1 =	sld [smem:$0x3F93];
	s0 =	simm.s32 @p0 $0x1  }
0x13: {  	[smem:$0x3FAE] =	sst s0;
	s0 =	simm.s32 @!p1 $0x0  }
0x14: {  	s2 =	sld [smem:$0x3F92];
	s0 =	simm.s32 @p1 $0x1  }
0x15: {  	[smem:$0x3FAF] =	sst s0;
	s0 =	simm.s32 @!p2 $0x0  }
0x16: {  	s3 =	sld [smem:$0x3FDB];
	s0 =	simm.s32 @p2 $0x1  }
0x17: {  	s4 =	simm.s32 $0x1BF5;
	[smem:$0x3FB1] =	sst s0  }
0x18: {  	s0 =	sld [smem:$0x3F94];
	_ =	swait.ge [sflag:s4], $0x0  }
0x19: {  	s7 =	sld [smem:$0x3F95]  }
0x1a: {  	s8 =	sadd.s32 $0xFFFFE003, lr  }
0x1b: {  	s9 =	sadd.s32 $0xFFFFFEF7, lr;
	s5 =	simm.s32 $0xFFFFFFFF;
	p2 =	slt.u32 s8, $0xFFFFF086  }
0x1c: {  	p1 =	slt.u32 s9, $0xF7A;
	s5 =	simm.s32 @!p2 $0x0  }
0x1d: {  	s5 =	simm.s32 @p1 $0x1;
	p0 =	seq.s32 s7, s2  }
0x1e: {  	s7 =	smul.u32 @!p0 $0xF7A, s2;
	p2 =	seq.s32 @!p0 s5, $0x0  }
0x1f: {  	s9 =	smul.u32 $0xF7A, s1;
	s8 =	simm.s32 @!p0 $0x1BF5;
	p2 =	por !p2, p0  }
0x20: {  	[sflag:s8] =	ssyncset.s32 @!p0 $0xFFFFF086;
	s6 =	sadd.s32 @!p0 s3, s7;
	s7 =	simm.s32 @!p0 $0x108  }
0x21: {  	s3 =	sadd.s32 s3, s9;
	s6 =	sadd.s32 @!p0 $0x88, s6;
	s7 =	simm.s32 @p2 $0x1082  }
0x22: {  	[simem:s7], [sflag:s8] =	dma.local @!p0 [hbm:s6], $0xF7A  }
0x23: {  	s9 =	sor.u32 $0xD0000000, s2;
	s6 =	simm.s32 $0x108;
	_ =	swait.ge @!p0 [sflag:s8], $0x0  }
0x24: {  	s3 =	sadd.s32 $0x88, s3;
	s6 =	simm.s32 @!p1 $0x1082;
	[sflag:s4] =	ssyncset.s32 $0xFFFFF086  }
0x25: {  	[simem:s6], [sflag:s4] =	dma.local [hbm:s3], $0xF7A  }
0x26: {  	[smem:$0x3F95] =	sst s1;
	(tag) =	ssettag s2;
	_ =	strace s9  }
0x27: {  	s1 =	sld [smem:$0x3FA5]  }
0x28: {  	s2 =	sld [smem:$0x3FA6]  }
0x29: {  	s4 =	sld [smem:$0x3FA8]  }
0x2a: {  	p0 =	seq.s32 s5, $0x0;
	s5 =	sld [smem:$0x3FA9]  }
0x2b: {  	s6 =	sld [smem:$0x3FAA]  }
0x2c: {  	s7 =	sld [smem:$0x3FAB]  }
0x2d: {  	s3 =	simm.s32 $0x108;
	s8 =	sld [smem:$0x3FAC]  }
0x2e: {  	s3 =	simm.s32 @!p0 $0x1082;
	s9 =	sld [smem:$0x3FAD]  }
0x2f: {  	lr =	sadd.s32 s0, s3;
	s0 =	sld [smem:$0x3FA4]  }
0x30: {  	s3 =	sld [smem:$0x3FA7]  }
0x31: {  	[smem:$0x3FB0] =	sst s10  }
0x32: {  	s10 =	sld [smem:$0x3FAE];
	_ =	sdelay $0x3  }
0x33: {  	p0 =	seq.s32 s10, $0x1;
	s10 =	sld [smem:$0x3FB0];
	_ =	sdelay $0x3  }
0x34: {  	[smem:$0x3FB0] =	sst s10  }
0x35: {  	s10 =	sld [smem:$0x3FAF];
	_ =	sdelay $0x3  }
0x36: {  	p1 =	seq.s32 s10, $0x1;
	s10 =	sld [smem:$0x3FB0];
	_ =	sdelay $0x3  }
0x37: {  	[smem:$0x3FB0] =	sst s10  }
0x38: {  	s10 =	sld [smem:$0x3FB1]  }
0x39: {  	_ = 	snop;
	(pc) =	sbr.ind lr, $3  }
0x3a: {  	_ = 	snop  }
0x3b: {  	_ = 	snop  }
0x3c: {  	p2 =	seq.s32 s10, $0x1;
	s10 =	sld [smem:$0x3FB0]  }
0x3d: {  	_ =	shalt  }
0x3e: {  	_ =	shalt  }
0x3f: {  	_ =	shalt  }
0x40: {  	_ =	shalt  }
0x41: {  	_ =	shalt  }
0x42: {  	_ =	shalt  }
0x43: {  	_ =	shalt  }
0x44: {  	_ =	shalt  }
0x45: {  	_ =	shalt  }
0x46: {  	_ =	shalt  }
0x47: {  	_ =	shalt  }
0x48: {  	_ =	shalt  }
0x49: {  	_ =	shalt  }
0x4a: {  	_ =	shalt  }
0x4b: {  	_ =	shalt  }
0x4c: {  	_ =	shalt  }
0x4d: {  	_ =	shalt  }
0x4e: {  	_ =	shalt  }
0x4f: {  	_ =	shalt  }
0x50: {  	_ =	shalt  }
0x51: {  	_ =	shalt  }
0x52: {  	_ =	shalt  }
0x53: {  	_ =	shalt  }
0x54: {  	_ =	shalt  }
0x55: {  	_ =	shalt  }
0x56: {  	_ =	shalt  }
0x57: {  	_ =	shalt  }
0x58: {  	_ =	shalt  }
0x59: {  	_ =	shalt  }
0x5a: {  	_ =	shalt  }
0x5b: {  	_ =	shalt  }
0x5c: {  	_ =	shalt  }
0x5d: {  	_ =	shalt  }
0x5e: {  	_ =	shalt  }
0x5f: {  	_ =	shalt  }
0x60: {  	_ =	shalt  }
0x61: {  	_ =	shalt  }
0x62: {  	_ =	shalt  }
0x63: {  	_ =	shalt  }
0x64: {  	_ =	shalt  }
0x65: {  	_ =	shalt  }
0x66: {  	_ =	shalt  }
0x67: {  	_ =	shalt  }
0x68: {  	_ =	shalt  }
0x69: {  	_ =	shalt  }
0x6a: {  	_ =	shalt  }
0x6b: {  	_ =	shalt  }
0x6c: {  	_ =	shalt  }
0x6d: {  	_ =	shalt  }
0x6e: {  	_ =	shalt  }
0x6f: {  	_ =	shalt  }
0x70: {  	_ =	shalt  }
0x71: {  	_ =	shalt  }
0x72: {  	_ =	shalt  }
0x73: {  	_ =	shalt  }
0x74: {  	_ =	shalt  }
0x75: {  	_ =	shalt  }
0x76: {  	_ =	shalt  }
0x77: {  	_ =	shalt  }
0x78: {  	_ =	shalt  }
0x79: {  	_ =	shalt  }
0x7a: {  	_ =	shalt  }
0x7b: {  	_ =	shalt  }
0x7c: {  	_ =	shalt  }
0x7d: {  	_ =	shalt  }
0x7e: {  	_ =	shalt  }
0x7f: {  	_ =	shalt  }
0x80: {  	_ =	shalt  }
0x81: {  	_ =	shalt  }
0x82: {  	_ =	shalt  }
0x83: {  	_ =	shalt  }
0x84: {  	_ =	shalt  }
0x85: {  	_ =	shalt  }
0x86: {  	_ =	shalt  }
0x87: {  	_ =	shalt  }
.Lfunc_end0:
.L_simem_size_0:
called_computation.1_lowered:
.L_overlay_start_0:
0x88: {  	s2 =	sld [smem:$0x3FD9]  }
0x89: {  	s3 =	sld [smem:$0x3FFE];
	_ =	sdelay $0x1  }
0x8a: {  	s1 =	srdreg.scid  }
0x8b: {  	s0 =	sand.u32 $0x1, s1  }
0x8c: {  	s17 =	sshll.u32 s0, $0xA;
	s2 =	sadd.s32 s3, s2  }
0x8d: {  	s2 =	sadd.s32 s2, s17  }
0x8e: {  	[smem:$0x3FBC] =	sst s2  }
0x8f: {  	_ = 	snop  }
0x90: {  	s2 =	sld [smem:$0x3FD0];
	(tm) =	ssettm $0x1  }
0x91: {  	s18 =	sld [smem:$0x3FFB];
	_ =	sdelay $0x3  }
0x92: {  	_ =	strace s18  }
0x93: {  	s3 =	sld [smem:$0x3FFC];
	_ =	sdelay $0x3  }
0x94: {  	_ =	strace s3  }
0x95: {  	s3 =	sld [smem:$0x3FFD];
	_ =	sdelay $0x3  }
0x96: {  	_ =	strace s3  }
0x97: {  	_ =	strace $0x8FFFFFFF  }
0x98: {  	s19 =	sld [smem:$0x3FDB];
	_ =	sdelay $0x1  }
0x99: {  	s4 =	simm.s32 $_scs_section_size  }
0x9a: {  	s5 =	simm.s32 $_size__tile_overlayer_lowered;
	s6 =	simm.s32 $_tile_overlayer_lowered  }
0x9b: {  	s22 =	simm.s32 $0x1BFF;
	s21 =	sshll.u32 s6, $0x1;
	s3 =	sadd.s32 s4, s19  }
0x9c: {  	s7 =	simm.s32 $0x0;
	s20 =	sshll.u32 s5, $0x1;
	s5 =	sadd.s32 s21, s3  }
0x9d: {  	[timem:s7], [sflag:s22] =	dma.local [hbm:s5], s20  }
0x9e: {  	_ =	swait.ge [sflag:s22], s20  }
0x9f: {  	s4 =	ssub.s32 $0x0, s20;
	[sflag:s22] =	ssyncset.done $0x0  }
0xa0: {  	[sflag:s22] =	ssyncadd.s32 s4;
	_ =	sdelay $0x1  }
0xa1: {  	s23 =	simm.s32 $0x1B8B  }
0xa2: {  	_ =	swait.ge [sflag:s23], $0x1  }
0xa3: {  	[sflag:s23] =	ssyncset.done $0x0  }
0xa4: {  	s25 =	simm.s32 $0x1B8E;
	s24 =	sld [smem:$0x3FFE];
	[sflag:s23] =	ssyncadd.s32 $0xFFFFFFFF  }
0xa5: {  	s26 =	simm.s32 $execute0_lowered;
	[smem:$0x3FD2] =	sst s25  }
0xa6: {  	s5 =	sshll.u32 s26, $0x1;
	_ =	strace $0x80000049;
	[dreg:$0x1] =	wrdreg $0xFFFFFFFF  }
0xa7: {  	s28 =	simm.s32 $_size_execute0_lowered;
	s3 =	sadd.s32 s3, s5;
	[dreg:$0x0] =	wrdreg $0x0  }
0xa8: {  	s5 =	sshll.u32 s28, $0x1;
	[dreg:$0x2] =	wrdreg s3  }
0xa9: {  	[dreg:$0x3] =	wrdreg s5  }
0xaa: {  	[dreg:$0x4] =	wrdreg $0xC0  }
0xab: {  	_ =	task [dreg:s7], $0x5FFFF  }
0xac: {  	[dreg:$0x1] =	wrdreg $0xFFFFFFFF  }
0xad: {  	[dreg:$0x0] =	wrdreg $0x60  }
0xae: {  	[dreg:$0x2] =	wrdreg s24  }
0xaf: {  	[dreg:$0x3] =	wrdreg s2  }
0xb0: {  	[dreg:$0x4] =	wrdreg $0x121000  }
0xb1: {  	[dreg:$0x5] =	wrdreg $0x1A1000  }
0xb2: {  	[dreg:$0x6] =	wrdreg $0x1C1000  }
0xb3: {  	[dreg:$0x7] =	wrdreg $0x9  }
0xb4: {  	_ =	task.clear_ibuf [dreg:s7], $0x8FFFF;
	_ =	strace $0x90000049  }
0xb5: {  	s29 =	simm.s32 $0x9;
	_ =	strace $0x8000004B  }
0xb6: {  	_ =	swait.ge [sflag:s29], $0x1  }
0xb7: {  	[sflag:s29] =	ssyncadd.s32 $0xFFFFFFFF  }
0xb8: {  	_ =	strace $0x9000004B  }
0xb9: {  	_ =	sfence  }
0xba: {  	s30 =	sld [smem:$0x0];
	_ =	sdelay $0x2  }
0xbb: {  	s31 =	sshll.u32 s1, $0xD;
	s1 =	sshrl.u32 s1, $0x2  }
0xbc: {  	s3 =	sand.u32 $0x4000, s31;
	s1 =	sadd.s32 s1, s30  }
0xbd: {  	s0 =	sor.u32 s3, s0;
	s1 =	sshll.u32 s1, $0x11  }
0xbe: {  	s0 =	sor.u32 s1, s0  }
0xbf: {  	s0 =	sadd.s32 $0x8F2B, s0  }
0xc0: {  	[sflag:s0] =	ssyncadd.remote.s32 $0x1  }
0xc1: {  	_ =	sfence.sel $0xFFFF  }
0xc2: {  	[dreg:$0x0] =	wrdreg $0xFFFFFFFF;
	(pc) =	sbr.abs _section_cstart, $3  }
0xc3: {  	[dreg:$0x1] =	wrdreg $0xFFFFFFFF  }
0xc4: {  	_ =	task.clear_ibuf [dreg:s7], $0x2FFFF;
	_ =	strace $0x9FFFFFFF  }
0xc5: {  	(tm) =	ssettm $0x7FFFFFFF  }
tec
execute0_lowered:
.L_overlay_start_1:
0x0: {  	(tag) =	ssettag $0x1  }
0x1: {  	s0 =	rddreg [dreg:$0x0]  }
0x2: {  	s2 =	rddreg [dreg:$0x2]  }
0x3: {  	s1 =	srdreg.scid;
	s4 =	rddreg [dreg:$0x3]  }
0x4: {  	s12 =	stileid.u32;
	s5 =	rddreg [dreg:$0x4]  }
0x5: {  	s7 =	simm.s32 $0x0;
	s15 =	simm.s32 $0xA;
	s14 =	simm.s32 $0x1000  }
0x6: {  	s29 =	simm.s32 $0x1E00;
	s30 =	simm.s32 $0x1E80;
	s31 =	simm.s32 $0x1F00  }
0x7: {  	s28 =	simm.s32 $0x2;
	s16 =	simm.s32 $0x0;
	s1 =	sand.u32 $0x1, s1  }
0x8: {  	s6 =	sshll.u32 s12, $0xF;
	[smem:$0x7FF] =	sst s7;
	s19 =	sshll.u32 s12, $0x9  }
0x9: {  	s8 =	sshll.u32 s12, $0xA;
	s10 =	sshll.u32 s12, $0x6;
	s3 =	sshll.u32 s1, $0x13  }
0xa: {  	_ =	strace $0x8000004A;
	s9 =	ssub.s32 $0x2, s1;
	s7 =	sadd.s32 s19, s0  }
0xb: {  	s22 =	sadd.s32 s6, s2;
	s23 =	sshll.u32 s1, $0xE;
	s24 =	sadd.s32 s10, s5  }
0xc: {  	s25 =	sor.u32 s12, s1;
	s17 =	sor.u32 $0x1C01, s10;
	s19 =	simm.s32 $0x6000  }
0xd: {  	s1 =	simm.s32 $0x2000;
	s3 =	sor.u32 s6, s3;
	s20 =	sshrl.u32 s9, $0x1  }
0xe: {  	s21 =	sadd.s32 $0x310000, s7;
	s7 =	sadd.s32 $0x38CA00, s7;
	s6 =	sshrl.u32 s6, $0x2  }
0xf: {  	[dreg:$0x9] =	wrdreg s24;
	s18 =	sshrl.u32 s22, $0x3;
	s22 =	simm.s32 $0x12080  }
0x10: {  	p0 =	sne.s32 s25, $0x0;
	s25 =	simm.s32 $0xE000;
	[dreg:$0x6] =	wrdreg s21  }
0x11: {  	s24 =	simm.s32 $0x4;
	s3 =	sshrl.u32 s3, $0x3;
	[dreg:$0x7] =	wrdreg s7  }
0x12: {  	s11 =	sadd.s32 s6, s4;
	s21 =	simm.s32 $0x80;
	s6 =	simm.s32 $0x5  }
0x13: {  	s7 =	simm.s32 $0x6;
	s3 =	sadd.s32 s3, s0;
	s0 =	sadd.s32 s8, s0  }
0x14: {  	s8 =	ssub.s32 s9, s20;
	s20 =	simm.s32 $0x3;
	s9 =	simm.s32 $0x8  }
0x15: {  	s3 =	sadd.s32 $0x312000, s3;
	s0 =	sadd.s32 s23, s0;
	s26 =	smax.u32 s8, $0x1  }
0x16: {  	s23 =	simm.s32 $0xA000;
	s8 =	simm.s32 $0x7;
	[dreg:$0x8] =	wrdreg s3  }
0x17: {  	s0 =	sadd.s32 $0x332000, s0;
	[dreg:$0xb] =	wrdreg s26;
	s26 =	simm.s32 $0x9  }
0x18: {  	v0 =	vimm.f32 $0.0e+00;
	v1 =	vimm.f32 $1.000000000e+00;
	s3 =	simm.s32 $0x1F80;
	[dreg:$0xa] =	wrdreg s0;
	s0 =	simm.s32 $0x1  }
.LBB2_1:
0x19: {  	s12 =	simm.s32 $0x0;
	s13 =	rddreg [dreg:$0x6]  }
0x1a: {  	[tilespmem:s12], [sflag:$0xA] =	stream.linear.gather [hbm4b:s13+s12], $0x1000, $0x38;
	[tilespmem:$0x1C140] =	vst v63  }
0x1b: {  	_ =	swait.ge [sflag:s15], $0x1000  }
0x1c: {  	[sflag:s15] =	ssyncset.done $0x0  }
0x1d: {  	s13 =	rddreg [dreg:$0x7];
	[sflag:s15] =	ssyncadd.s32 $0xFFFFF000  }
0x1e: {  	[tilespmem:s14], [sflag:$0xA] =	stream.linear.gather [hbm4b:s13+s12], $0x1000, $0x38;
	[tilespmem:$0x1C140] =	vst v63  }
0x1f: {  	_ =	swait.ge [sflag:s15], $0x1000  }
0x20: {  	[sflag:s15] =	ssyncset.done $0x0  }
0x21: {  	s13 =	rddreg [dreg:$0x8];
	[sflag:s15] =	ssyncadd.s32 $0xFFFFF000  }
0x22: {  	[spmem:s18], [sflag:s17] =	dma.local [hbm:s13], $0x1000  }
0x23: {  	s12 =	simm.s32 $0x0;
	s13 =	simm.s32 $0x200  }
.LBB2_2:
0x24: {  	p1 =	sne.s32 s13, $0x7E00;
	[tilespmem:s12+$0x6070] =	vst v0  }
0x25: {  	[tilespmem:s12+$0x6000] =	vst v0  }
0x26: {  	[tilespmem:s12+$0x6010] =	vst v0  }
.Ltmp0:
0x27: {  	[tilespmem:s12+$0x6020] =	vst v0;
	(pc) =	sbr.rel @p1 .LBB2_2-.Ltmp0, $4  }
0x28: {  	[tilespmem:s12+$0x6030] =	vst v0  }
0x29: {  	[tilespmem:s12+$0x6040] =	vst v0  }
0x2a: {  	[tilespmem:s12+$0x6050] =	vst v0  }
0x2b: {  	[tilespmem:s12+$0x6060] =	vst v0;
	s12 =	sshra.s32 s13, $0x2;
	s13 =	sadd.s32 $0x200, s13  }
0x2c: {  	[tilespmem:s12+$0x6070] =	vst v0  }
0x2d: {  	[tilespmem:s12+$0x6000] =	vst v0  }
0x2e: {  	[tilespmem:s12+$0x6010] =	vst v0  }
0x2f: {  	[tilespmem:s12+$0x6020] =	vst v0  }
0x30: {  	[tilespmem:s12+$0x6030] =	vst v0  }
0x31: {  	[tilespmem:s12+$0x6040] =	vst v0  }
0x32: {  	[tilespmem:s12+$0x6050] =	vst v0  }
0x33: {  	[tilespmem:s12+$0x6060] =	vst v0  }
0x34: {  	[tilespmem:$0x12000] =	vst v0  }
0x35: {  	[tilespmem:$0x12010] =	vst v0  }
0x36: {  	[tilespmem:$0x12020] =	vst v0  }
0x37: {  	[tilespmem:$0x12030] =	vst v0  }
0x38: {  	[tilespmem:$0x12080] =	vst v1  }
0x39: {  	[tilespmem:$0x12090] =	vst v1  }
0x3a: {  	[tilespmem:$0x120A0] =	vst v1  }
0x3b: {  	[tilespmem:$0x120B0] =	vst v1  }
0x3c: {  	[tilespmem:$0x120C0] =	vst v1  }
0x3d: {  	[tilespmem:$0x120D0] =	vst v1  }
0x3e: {  	[tilespmem:$0x120E0] =	vst v1  }
0x3f: {  	[tilespmem:$0x120F0] =	vst v1  }
0x40: {  	[spmem:s11] =	stream.linear.scatter [tilespmem:s19], [sflag:$0xA], $0x2000, $0x38;
	[tilespmem:$0x1C140] =	vst v63  }
0x41: {  	_ =	swait.ge [sflag:s15], $0x2000  }
0x42: {  	[sflag:s15] =	ssyncset.done $0x0  }
0x43: {  	s13 =	simm.s32 $0x12000;
	s12 =	rddreg [dreg:$0x9];
	[sflag:s15] =	ssyncadd.s32 $0xFFFFE000  }
0x44: {  	[spmem:s12] =	stream.linear.scatter [tilespmem:s13], [sflag:$0xA], $0x40, $0x38;
	[tilespmem:$0x1C140] =	vst v63  }
0x45: {  	_ =	swait.ge [sflag:s15], $0x40  }
0x46: {  	[sflag:s15] =	ssyncset.done $0x0  }
0x47: {  	[sflag:s15] =	ssyncadd.s32 $0xFFFFFFC0  }
0x48: {  	[bflag:$0x0] =	sbarrier.arrive $0xFFFF  }
0x49: {  	[spmem:s5] =	stream.indirect.scatter.add.f32 [tilespmem:s22], [sflag:$0x9], $0x1, s14, s21, $0xb8;
	[tilespmem:$0x1C140] =	vst v63  }
0x4a: {  	s14 =	simm.s32 $0x1080  }
0x4b: {  	[spmem:s5] =	stream.indirect.scatter.add.f32 [tilespmem:s22], [sflag:$0x9], $0x1, s14, s21, $0xb8;
	[tilespmem:$0x1C140] =	vst v63  }
0x4c: {  	s13 =	simm.s32 $0x1100  }
0x4d: {  	[spmem:s5] =	stream.indirect.scatter.add.f32 [tilespmem:s22], [sflag:$0x9], $0x1, s13, s21, $0xb8;
	[tilespmem:$0x1C140] =	vst v63  }
0x4e: {  	s14 =	simm.s32 $0x1180  }
0x4f: {  	[spmem:s5] =	stream.indirect.scatter.add.f32 [tilespmem:s22], [sflag:$0x9], $0x1, s14, s21, $0xb8;
	[tilespmem:$0x1C140] =	vst v63  }
0x50: {  	s13 =	simm.s32 $0x1200  }
0x51: {  	[spmem:s5] =	stream.indirect.scatter.add.f32 [tilespmem:s22], [sflag:$0x9], $0x1, s13, s21, $0xb8;
	[tilespmem:$0x1C140] =	vst v63  }
0x52: {  	s14 =	simm.s32 $0x1280  }
0x53: {  	[spmem:s5] =	stream.indirect.scatter.add.f32 [tilespmem:s22], [sflag:$0x9], $0x1, s14, s21, $0xb8;
	[tilespmem:$0x1C140] =	vst v63  }
0x54: {  	s13 =	simm.s32 $0x1300  }
0x55: {  	[spmem:s5] =	stream.indirect.scatter.add.f32 [tilespmem:s22], [sflag:$0x9], $0x1, s13, s21, $0xb8;
	[tilespmem:$0x1C140] =	vst v63  }
0x56: {  	s14 =	simm.s32 $0x1380  }
0x57: {  	[spmem:s5] =	stream.indirect.scatter.add.f32 [tilespmem:s22], [sflag:$0x9], $0x1, s14, s21, $0xb8;
	[tilespmem:$0x1C140] =	vst v63  }
0x58: {  	s13 =	simm.s32 $0x1400  }
0x59: {  	[spmem:s5] =	stream.indirect.scatter.add.f32 [tilespmem:s22], [sflag:$0x9], $0x1, s13, s21, $0xb8;
	[tilespmem:$0x1C140] =	vst v63  }
0x5a: {  	s14 =	simm.s32 $0x1480  }
0x5b: {  	[spmem:s5] =	stream.indirect.scatter.add.f32 [tilespmem:s22], [sflag:$0x9], $0x1, s14, s21, $0xb8;
	[tilespmem:$0x1C140] =	vst v63  }
0x5c: {  	s13 =	simm.s32 $0x1500  }
0x5d: {  	[spmem:s5] =	stream.indirect.scatter.add.f32 [tilespmem:s22], [sflag:$0x9], $0x1, s13, s21, $0xb8;
	[tilespmem:$0x1C140] =	vst v63  }
0x5e: {  	s14 =	simm.s32 $0x1580  }
0x5f: {  	[spmem:s5] =	stream.indirect.scatter.add.f32 [tilespmem:s22], [sflag:$0x9], $0x1, s14, s21, $0xb8;
	[tilespmem:$0x1C140] =	vst v63  }
0x60: {  	s13 =	simm.s32 $0x1600  }
0x61: {  	[spmem:s5] =	stream.indirect.scatter.add.f32 [tilespmem:s22], [sflag:$0x9], $0x1, s13, s21, $0xb8;
	[tilespmem:$0x1C140] =	vst v63  }
0x62: {  	s14 =	simm.s32 $0x1680  }
0x63: {  	[spmem:s5] =	stream.indirect.scatter.add.f32 [tilespmem:s22], [sflag:$0x9], $0x1, s14, s21, $0xb8;
	[tilespmem:$0x1C140] =	vst v63  }
0x64: {  	s13 =	simm.s32 $0x1700  }
0x65: {  	[spmem:s5] =	stream.indirect.scatter.add.f32 [tilespmem:s22], [sflag:$0x9], $0x1, s13, s21, $0xb8;
	[tilespmem:$0x1C140] =	vst v63  }
0x66: {  	s14 =	simm.s32 $0x1780  }
0x67: {  	[spmem:s5] =	stream.indirect.scatter.add.f32 [tilespmem:s22], [sflag:$0x9], $0x1, s14, s21, $0xb8;
	[tilespmem:$0x1C140] =	vst v63  }
0x68: {  	_ =	swait.ge [sflag:s26], $0x80  }
0x69: {  	[sflag:s26] =	ssyncset.done $0x0  }
0x6a: {  	[sflag:s26] =	ssyncadd.s32 $0xFFFFFF80  }
0x6b: {  	_ =	swait.ge [sflag:s26], $0x80  }
0x6c: {  	[sflag:s26] =	ssyncset.done $0x0  }
0x6d: {  	[sflag:s26] =	ssyncadd.s32 $0xFFFFFF80  }
0x6e: {  	_ =	swait.ge [sflag:s26], $0x80  }
0x6f: {  	[sflag:s26] =	ssyncset.done $0x0  }
0x70: {  	[sflag:s26] =	ssyncadd.s32 $0xFFFFFF80  }
0x71: {  	_ =	swait.ge [sflag:s26], $0x80  }
0x72: {  	[sflag:s26] =	ssyncset.done $0x0  }
0x73: {  	[sflag:s26] =	ssyncadd.s32 $0xFFFFFF80  }
0x74: {  	_ =	swait.ge [sflag:s26], $0x80  }
0x75: {  	[sflag:s26] =	ssyncset.done $0x0  }
0x76: {  	[sflag:s26] =	ssyncadd.s32 $0xFFFFFF80  }
0x77: {  	_ =	swait.ge [sflag:s26], $0x80  }
0x78: {  	[sflag:s26] =	ssyncset.done $0x0  }
0x79: {  	[sflag:s26] =	ssyncadd.s32 $0xFFFFFF80  }
0x7a: {  	_ =	swait.ge [sflag:s26], $0x80  }
0x7b: {  	[sflag:s26] =	ssyncset.done $0x0  }
0x7c: {  	[sflag:s26] =	ssyncadd.s32 $0xFFFFFF80  }
0x7d: {  	_ =	swait.ge [sflag:s26], $0x80  }
0x7e: {  	[sflag:s26] =	ssyncset.done $0x0  }
0x7f: {  	[sflag:s26] =	ssyncadd.s32 $0xFFFFFF80  }
0x80: {  	_ =	swait.ge [sflag:s26], $0x80  }
0x81: {  	[sflag:s26] =	ssyncset.done $0x0  }
0x82: {  	[sflag:s26] =	ssyncadd.s32 $0xFFFFFF80  }
0x83: {  	_ =	swait.ge [sflag:s26], $0x80  }
0x84: {  	[sflag:s26] =	ssyncset.done $0x0  }
0x85: {  	[sflag:s26] =	ssyncadd.s32 $0xFFFFFF80  }
0x86: {  	_ =	swait.ge [sflag:s26], $0x80  }
0x87: {  	[sflag:s26] =	ssyncset.done $0x0  }
0x88: {  	[sflag:s26] =	ssyncadd.s32 $0xFFFFFF80  }
0x89: {  	_ =	swait.ge [sflag:s26], $0x80  }
0x8a: {  	[sflag:s26] =	ssyncset.done $0x0  }
0x8b: {  	[sflag:s26] =	ssyncadd.s32 $0xFFFFFF80  }
0x8c: {  	_ =	swait.ge [sflag:s26], $0x80  }
0x8d: {  	[sflag:s26] =	ssyncset.done $0x0  }
0x8e: {  	[sflag:s26] =	ssyncadd.s32 $0xFFFFFF80  }
0x8f: {  	_ =	swait.ge [sflag:s26], $0x80  }
0x90: {  	[sflag:s26] =	ssyncset.done $0x0  }
0x91: {  	[sflag:s26] =	ssyncadd.s32 $0xFFFFFF80  }
0x92: {  	_ =	swait.ge [sflag:s26], $0x80  }
0x93: {  	[sflag:s26] =	ssyncset.done $0x0  }
0x94: {  	[sflag:s26] =	ssyncadd.s32 $0xFFFFFF80  }
0x95: {  	_ =	swait.ge [sflag:s26], $0x80  }
0x96: {  	[sflag:s26] =	ssyncset.done $0x0  }
0x97: {  	s13 =	simm.s32 $0x1800;
	[sflag:s26] =	ssyncadd.s32 $0xFFFFFF80  }
0x98: {  	[spmem:s5] =	stream.indirect.scatter.add.f32 [tilespmem:s22], [sflag:$0x9], $0x1, s13, s21, $0xb8;
	[tilespmem:$0x1C140] =	vst v63  }
0x99: {  	s14 =	simm.s32 $0x1880  }
0x9a: {  	[spmem:s5] =	stream.indirect.scatter.add.f32 [tilespmem:s22], [sflag:$0x9], $0x1, s14, s21, $0xb8;
	[tilespmem:$0x1C140] =	vst v63  }
0x9b: {  	s13 =	simm.s32 $0x1900  }
0x9c: {  	[spmem:s5] =	stream.indirect.scatter.add.f32 [tilespmem:s22], [sflag:$0x9], $0x1, s13, s21, $0xb8;
	[tilespmem:$0x1C140] =	vst v63  }
0x9d: {  	s14 =	simm.s32 $0x1980  }
0x9e: {  	[spmem:s5] =	stream.indirect.scatter.add.f32 [tilespmem:s22], [sflag:$0x9], $0x1, s14, s21, $0xb8;
	[tilespmem:$0x1C140] =	vst v63  }
0x9f: {  	s13 =	simm.s32 $0x1A00  }
0xa0: {  	[spmem:s5] =	stream.indirect.scatter.add.f32 [tilespmem:s22], [sflag:$0x9], $0x1, s13, s21, $0xb8;
	[tilespmem:$0x1C140] =	vst v63  }
0xa1: {  	s14 =	simm.s32 $0x1A80  }
0xa2: {  	[spmem:s5] =	stream.indirect.scatter.add.f32 [tilespmem:s22], [sflag:$0x9], $0x1, s14, s21, $0xb8;
	[tilespmem:$0x1C140] =	vst v63  }
0xa3: {  	s13 =	simm.s32 $0x1B00  }
0xa4: {  	[spmem:s5] =	stream.indirect.scatter.add.f32 [tilespmem:s22], [sflag:$0x9], $0x1, s13, s21, $0xb8;
	[tilespmem:$0x1C140] =	vst v63  }
0xa5: {  	s14 =	simm.s32 $0x1B80  }
0xa6: {  	[spmem:s5] =	stream.indirect.scatter.add.f32 [tilespmem:s22], [sflag:$0x9], $0x1, s14, s21, $0xb8;
	[tilespmem:$0x1C140] =	vst v63  }
0xa7: {  	s13 =	simm.s32 $0x1C00  }
0xa8: {  	[spmem:s5] =	stream.indirect.scatter.add.f32 [tilespmem:s22], [sflag:$0x9], $0x1, s13, s21, $0xb8;
	[tilespmem:$0x1C140] =	vst v63  }
0xa9: {  	s14 =	simm.s32 $0x1C80  }
0xaa: {  	[spmem:s5] =	stream.indirect.scatter.add.f32 [tilespmem:s22], [sflag:$0x9], $0x1, s14, s21, $0xb8;
	[tilespmem:$0x1C140] =	vst v63  }
0xab: {  	s13 =	simm.s32 $0x1D00  }
0xac: {  	[spmem:s5] =	stream.indirect.scatter.add.f32 [tilespmem:s22], [sflag:$0x9], $0x1, s13, s21, $0xb8;
	[tilespmem:$0x1C140] =	vst v63  }
0xad: {  	s14 =	simm.s32 $0x1D80  }
0xae: {  	[spmem:s5] =	stream.indirect.scatter.add.f32 [tilespmem:s22], [sflag:$0x9], $0x1, s14, s21, $0xb8;
	[tilespmem:$0x1C140] =	vst v63  }
0xaf: {  	_ = 	snop  }
0xb0: {  	[spmem:s5] =	stream.indirect.scatter.add.f32 [tilespmem:s22], [sflag:$0x9], $0x1, s29, s21, $0xb8;
	[tilespmem:$0x1C140] =	vst v63  }
0xb1: {  	_ = 	snop  }
0xb2: {  	[spmem:s5] =	stream.indirect.scatter.add.f32 [tilespmem:s22], [sflag:$0x9], $0x1, s30, s21, $0xb8;
	[tilespmem:$0x1C140] =	vst v63  }
0xb3: {  	_ = 	snop  }
0xb4: {  	[spmem:s5] =	stream.indirect.scatter.add.f32 [tilespmem:s22], [sflag:$0x9], $0x1, s31, s21, $0xb8;
	[tilespmem:$0x1C140] =	vst v63  }
0xb5: {  	_ = 	snop  }
0xb6: {  	[spmem:s5] =	stream.indirect.scatter.add.f32 [tilespmem:s22], [sflag:$0x9], $0x1, s3, s21, $0xb8;
	[tilespmem:$0x1C140] =	vst v63  }
0xb7: {  	_ =	swait.ge [sflag:s26], $0x80  }
0xb8: {  	[sflag:s26] =	ssyncset.done $0x0  }
0xb9: {  	[sflag:s26] =	ssyncadd.s32 $0xFFFFFF80  }
0xba: {  	_ =	swait.ge [sflag:s26], $0x80  }
0xbb: {  	[sflag:s26] =	ssyncset.done $0x0  }
0xbc: {  	[sflag:s26] =	ssyncadd.s32 $0xFFFFFF80  }
0xbd: {  	_ =	swait.ge [sflag:s26], $0x80  }
0xbe: {  	[sflag:s26] =	ssyncset.done $0x0  }
0xbf: {  	[sflag:s26] =	ssyncadd.s32 $0xFFFFFF80  }
0xc0: {  	_ =	swait.ge [sflag:s26], $0x80  }
0xc1: {  	[sflag:s26] =	ssyncset.done $0x0  }
0xc2: {  	[sflag:s26] =	ssyncadd.s32 $0xFFFFFF80  }
0xc3: {  	_ =	swait.ge [sflag:s26], $0x80  }
0xc4: {  	[sflag:s26] =	ssyncset.done $0x0  }
0xc5: {  	[sflag:s26] =	ssyncadd.s32 $0xFFFFFF80  }
0xc6: {  	_ =	swait.ge [sflag:s26], $0x80  }
0xc7: {  	[sflag:s26] =	ssyncset.done $0x0  }
0xc8: {  	[sflag:s26] =	ssyncadd.s32 $0xFFFFFF80  }
0xc9: {  	_ =	swait.ge [sflag:s26], $0x80  }
0xca: {  	[sflag:s26] =	ssyncset.done $0x0  }
0xcb: {  	[sflag:s26] =	ssyncadd.s32 $0xFFFFFF80  }
0xcc: {  	_ =	swait.ge [sflag:s26], $0x80  }
0xcd: {  	[sflag:s26] =	ssyncset.done $0x0  }
0xce: {  	[sflag:s26] =	ssyncadd.s32 $0xFFFFFF80  }
0xcf: {  	_ =	swait.ge [sflag:s26], $0x80  }
0xd0: {  	[sflag:s26] =	ssyncset.done $0x0  }
0xd1: {  	[sflag:s26] =	ssyncadd.s32 $0xFFFFFF80  }
0xd2: {  	_ =	swait.ge [sflag:s26], $0x80  }
0xd3: {  	[sflag:s26] =	ssyncset.done $0x0  }
0xd4: {  	[sflag:s26] =	ssyncadd.s32 $0xFFFFFF80  }
0xd5: {  	_ =	swait.ge [sflag:s26], $0x80  }
0xd6: {  	[sflag:s26] =	ssyncset.done $0x0  }
0xd7: {  	[sflag:s26] =	ssyncadd.s32 $0xFFFFFF80  }
0xd8: {  	_ =	swait.ge [sflag:s26], $0x80  }
0xd9: {  	[sflag:s26] =	ssyncset.done $0x0  }
0xda: {  	[sflag:s26] =	ssyncadd.s32 $0xFFFFFF80  }
0xdb: {  	_ =	swait.ge [sflag:s26], $0x80  }
0xdc: {  	[sflag:s26] =	ssyncset.done $0x0  }
0xdd: {  	[sflag:s26] =	ssyncadd.s32 $0xFFFFFF80  }
0xde: {  	_ =	swait.ge [sflag:s26], $0x80  }
0xdf: {  	[sflag:s26] =	ssyncset.done $0x0  }
0xe0: {  	[sflag:s26] =	ssyncadd.s32 $0xFFFFFF80  }
0xe1: {  	_ =	swait.ge [sflag:s26], $0x80  }
0xe2: {  	[sflag:s26] =	ssyncset.done $0x0  }
0xe3: {  	[sflag:s26] =	ssyncadd.s32 $0xFFFFFF80  }
0xe4: {  	_ =	swait.ge [sflag:s26], $0x80  }
0xe5: {  	[sflag:s26] =	ssyncset.done $0x0  }
0xe6: {  	[sflag:s26] =	ssyncadd.s32 $0xFFFFFF80  }
0xe7: {  	_ =	swait.ge [sflag:s0], $0x1000  }
0xe8: {  	[sflag:s0] =	ssyncset.done $0x0  }
0xe9: {  	[sflag:s0] =	ssyncadd.s32 $0xFFFFF000  }
0xea: {  	s13 =	simm.s32 $0x0;
	[bflag:$0x0] =	sbarrier.arrive $0xFFFF  }
0xeb: {  	[tilespmem:s1], [sflag:$0x1] =	stream.indirect.gather [spmem:s2], $0x80, s13, s21, $0xb8;
	[tilespmem:$0x1C140] =	vst v63  }
0xec: {  	_ = 	snop  }
0xed: {  	[tilespmem:s19], [sflag:$0x2] =	stream.indirect.gather [spmem:s2], $0x80, s21, s21, $0xb8;
	[tilespmem:$0x1C140] =	vst v63  }
0xee: {  	s14 =	simm.s32 $0x100  }
0xef: {  	[tilespmem:s23], [sflag:$0x3] =	stream.indirect.gather [spmem:s2], $0x80, s14, s21, $0xb8;
	[tilespmem:$0x1C140] =	vst v63  }
0xf0: {  	s13 =	simm.s32 $0x180  }
0xf1: {  	[tilespmem:s25], [sflag:$0x4] =	stream.indirect.gather [spmem:s2], $0x80, s13, s21, $0xb8;
	[tilespmem:$0x1C140] =	vst v63  }
0xf2: {  	_ =	swait.ge [sflag:s0], $0x4000  }
0xf3: {  	[sflag:s0] =	ssyncset.done $0x0  }
0xf4: {  	s14 =	simm.s32 $0x1000;
	[sflag:s0] =	ssyncadd.s32 $0xFFFFC000  }
0xf5: {  	[spmem:s4] =	stream.indirect.scatter.add.f32 [tilespmem:s1], [sflag:$0x5], $0x80, s14, s21, $0xb8;
	[tilespmem:$0x1C140] =	vst v63  }
0xf6: {  	_ =	swait.ge [sflag:s28], $0x4000  }
0xf7: {  	[sflag:s28] =	ssyncset.done $0x0  }
0xf8: {  	s13 =	simm.s32 $0x1080;
	[sflag:s28] =	ssyncadd.s32 $0xFFFFC000  }
0xf9: {  	[spmem:s4] =	stream.indirect.scatter.add.f32 [tilespmem:s19], [sflag:$0x6], $0x80, s13, s21, $0xb8;
	[tilespmem:$0x1C140] =	vst v63  }
0xfa: {  	_ =	swait.ge [sflag:s20], $0x4000  }
0xfb: {  	[sflag:s20] =	ssyncset.done $0x0  }
0xfc: {  	s14 =	simm.s32 $0x1100;
	[sflag:s20] =	ssyncadd.s32 $0xFFFFC000  }
0xfd: {  	[spmem:s4] =	stream.indirect.scatter.add.f32 [tilespmem:s23], [sflag:$0x7], $0x80, s14, s21, $0xb8;
	[tilespmem:$0x1C140] =	vst v63  }
0xfe: {  	_ =	swait.ge [sflag:s24], $0x4000  }
0xff: {  	[sflag:s24] =	ssyncset.done $0x0  }
0x100: {  	s13 =	simm.s32 $0x1180;
	[sflag:s24] =	ssyncadd.s32 $0xFFFFC000  }
0x101: {  	[spmem:s4] =	stream.indirect.scatter.add.f32 [tilespmem:s25], [sflag:$0x8], $0x80, s13, s21, $0xb8;
	[tilespmem:$0x1C140] =	vst v63  }
0x102: {  	_ =	swait.ge [sflag:s6], $0x4000  }
0x103: {  	[sflag:s6] =	ssyncset.done $0x0  }
0x104: {  	s14 =	simm.s32 $0x200;
	[sflag:s6] =	ssyncadd.s32 $0xFFFFC000  }
0x105: {  	[tilespmem:s1], [sflag:$0x1] =	stream.indirect.gather [spmem:s2], $0x80, s14, s21, $0xb8;
	[tilespmem:$0x1C140] =	vst v63  }
0x106: {  	_ =	swait.ge [sflag:s7], $0x4000  }
0x107: {  	[sflag:s7] =	ssyncset.done $0x0  }
0x108: {  	s13 =	simm.s32 $0x280;
	[sflag:s7] =	ssyncadd.s32 $0xFFFFC000  }
0x109: {  	[tilespmem:s19], [sflag:$0x2] =	stream.indirect.gather [spmem:s2], $0x80, s13, s21, $0xb8;
	[tilespmem:$0x1C140] =	vst v63  }
0x10a: {  	_ =	swait.ge [sflag:s8], $0x4000  }
0x10b: {  	[sflag:s8] =	ssyncset.done $0x0  }
0x10c: {  	s14 =	simm.s32 $0x300;
	[sflag:s8] =	ssyncadd.s32 $0xFFFFC000  }
0x10d: {  	[tilespmem:s23], [sflag:$0x3] =	stream.indirect.gather [spmem:s2], $0x80, s14, s21, $0xb8;
	[tilespmem:$0x1C140] =	vst v63  }
0x10e: {  	_ =	swait.ge [sflag:s9], $0x4000  }
0x10f: {  	[sflag:s9] =	ssyncset.done $0x0  }
0x110: {  	s12 =	simm.s32 $0x800;
	s13 =	simm.s32 $0x380;
	[sflag:s9] =	ssyncadd.s32 $0xFFFFC000  }
.LBB2_4:
0x111: {  	[tilespmem:s25], [sflag:$0x4] =	stream.indirect.gather [spmem:s2], $0x80, s13, s21, $0xb8;
	[tilespmem:$0x1C140] =	vst v63  }
0x112: {  	s13 =	smov.u32 s12  }
0x113: {  	p1 =	sne.s32 s12, $0x3000;
	s12 =	sadd.s32 $0x800, s12;
	_ =	swait.ge [sflag:s0], $0x4000  }
0x114: {  	s13 =	sshra.s32 s13, $0x2;
	[sflag:s0] =	ssyncset.done $0x0  }
0x115: {  	s14 =	sadd.s32 $0x1000, s13;
	[sflag:s0] =	ssyncadd.s32 $0xFFFFC000  }
0x116: {  	[spmem:s4] =	stream.indirect.scatter.add.f32 [tilespmem:s1], [sflag:$0x5], $0x80, s14, s21, $0xb8;
	[tilespmem:$0x1C140] =	vst v63  }
0x117: {  	_ =	swait.ge [sflag:s28], $0x4000  }
0x118: {  	[sflag:s28] =	ssyncset.done $0x0  }
0x119: {  	s14 =	sadd.s32 $0x1080, s13;
	[sflag:s28] =	ssyncadd.s32 $0xFFFFC000  }
0x11a: {  	[spmem:s4] =	stream.indirect.scatter.add.f32 [tilespmem:s19], [sflag:$0x6], $0x80, s14, s21, $0xb8;
	[tilespmem:$0x1C140] =	vst v63  }
0x11b: {  	_ =	swait.ge [sflag:s20], $0x4000  }
0x11c: {  	[sflag:s20] =	ssyncset.done $0x0  }
0x11d: {  	s14 =	sadd.s32 $0x1100, s13;
	[sflag:s20] =	ssyncadd.s32 $0xFFFFC000  }
0x11e: {  	[spmem:s4] =	stream.indirect.scatter.add.f32 [tilespmem:s23], [sflag:$0x7], $0x80, s14, s21, $0xb8;
	[tilespmem:$0x1C140] =	vst v63  }
0x11f: {  	_ =	swait.ge [sflag:s24], $0x4000  }
0x120: {  	[sflag:s24] =	ssyncset.done $0x0  }
0x121: {  	s14 =	sadd.s32 $0x1180, s13;
	[sflag:s24] =	ssyncadd.s32 $0xFFFFC000  }
0x122: {  	[spmem:s4] =	stream.indirect.scatter.add.f32 [tilespmem:s25], [sflag:$0x8], $0x80, s14, s21, $0xb8;
	[tilespmem:$0x1C140] =	vst v63  }
0x123: {  	_ =	swait.ge [sflag:s6], $0x4000  }
0x124: {  	[sflag:s6] =	ssyncset.done $0x0  }
0x125: {  	s14 =	sadd.s32 $0x200, s13;
	[sflag:s6] =	ssyncadd.s32 $0xFFFFC000  }
0x126: {  	[tilespmem:s1], [sflag:$0x1] =	stream.indirect.gather [spmem:s2], $0x80, s14, s21, $0xb8;
	[tilespmem:$0x1C140] =	vst v63  }
0x127: {  	_ =	swait.ge [sflag:s7], $0x4000  }
0x128: {  	[sflag:s7] =	ssyncset.done $0x0  }
0x129: {  	s14 =	sadd.s32 $0x280, s13;
	[sflag:s7] =	ssyncadd.s32 $0xFFFFC000  }
0x12a: {  	[tilespmem:s19], [sflag:$0x2] =	stream.indirect.gather [spmem:s2], $0x80, s14, s21, $0xb8;
	[tilespmem:$0x1C140] =	vst v63  }
0x12b: {  	_ =	swait.ge [sflag:s8], $0x4000  }
0x12c: {  	[sflag:s8] =	ssyncset.done $0x0  }
.Ltmp1:
0x12d: {  	s14 =	sadd.s32 $0x300, s13;
	[sflag:s8] =	ssyncadd.s32 $0xFFFFC000;
	(pc) =	sbr.rel @p1 .LBB2_4-.Ltmp1, $4  }
0x12e: {  	[tilespmem:s23], [sflag:$0x3] =	stream.indirect.gather [spmem:s2], $0x80, s14, s21, $0xb8;
	[tilespmem:$0x1C140] =	vst v63  }
0x12f: {  	_ =	swait.ge [sflag:s9], $0x4000  }
0x130: {  	[sflag:s9] =	ssyncset.done $0x0  }
0x131: {  	s13 =	sadd.s32 $0x380, s13;
	[sflag:s9] =	ssyncadd.s32 $0xFFFFC000  }
0x132: {  	[tilespmem:s25], [sflag:$0x4] =	stream.indirect.gather [spmem:s2], $0x80, s13, s21, $0xb8;
	[tilespmem:$0x1C140] =	vst v63  }
0x133: {  	_ =	swait.ge [sflag:s0], $0x4000  }
0x134: {  	[sflag:s0] =	ssyncset.done $0x0  }
0x135: {  	[sflag:s0] =	ssyncadd.s32 $0xFFFFC000  }
0x136: {  	[spmem:s4] =	stream.indirect.scatter.add.f32 [tilespmem:s1], [sflag:$0x5], $0x80, s29, s21, $0xb8;
	[tilespmem:$0x1C140] =	vst v63  }
0x137: {  	_ =	swait.ge [sflag:s28], $0x4000  }
0x138: {  	[sflag:s28] =	ssyncset.done $0x0  }
0x139: {  	[sflag:s28] =	ssyncadd.s32 $0xFFFFC000  }
0x13a: {  	[spmem:s4] =	stream.indirect.scatter.add.f32 [tilespmem:s19], [sflag:$0x6], $0x80, s30, s21, $0xb8;
	[tilespmem:$0x1C140] =	vst v63  }
0x13b: {  	_ =	swait.ge [sflag:s20], $0x4000  }
0x13c: {  	[sflag:s20] =	ssyncset.done $0x0  }
0x13d: {  	[sflag:s20] =	ssyncadd.s32 $0xFFFFC000  }
0x13e: {  	[spmem:s4] =	stream.indirect.scatter.add.f32 [tilespmem:s23], [sflag:$0x7], $0x80, s31, s21, $0xb8;
	[tilespmem:$0x1C140] =	vst v63  }
0x13f: {  	_ =	swait.ge [sflag:s24], $0x4000  }
0x140: {  	[sflag:s24] =	ssyncset.done $0x0  }
0x141: {  	[sflag:s24] =	ssyncadd.s32 $0xFFFFC000  }
0x142: {  	[spmem:s4] =	stream.indirect.scatter.add.f32 [tilespmem:s25], [sflag:$0x8], $0x80, s3, s21, $0xb8;
	[tilespmem:$0x1C140] =	vst v63  }
0x143: {  	_ =	swait.ge [sflag:s6], $0x4000  }
0x144: {  	[sflag:s6] =	ssyncset.done $0x0  }
0x145: {  	[sflag:s6] =	ssyncadd.s32 $0xFFFFC000  }
0x146: {  	_ =	swait.ge [sflag:s7], $0x4000  }
0x147: {  	[sflag:s7] =	ssyncset.done $0x0  }
0x148: {  	[sflag:s7] =	ssyncadd.s32 $0xFFFFC000  }
0x149: {  	_ =	swait.ge [sflag:s8], $0x4000  }
0x14a: {  	[sflag:s8] =	ssyncset.done $0x0  }
0x14b: {  	[sflag:s8] =	ssyncadd.s32 $0xFFFFC000  }
0x14c: {  	_ =	swait.ge [sflag:s9], $0x4000  }
0x14d: {  	[sflag:s9] =	ssyncset.done $0x0  }
0x14e: {  	[sflag:s9] =	ssyncadd.s32 $0xFFFFC000  }
0x14f: {  	[bflag:$0x0] =	sbarrier.arrive $0xFFFF  }
0x150: {  	s12 =	sor.u32 $0x1C0A, s10;
	s13 =	sshrl.u32 s11, $0x3;
	s14 =	rddreg [dreg:$0xa]  }
0x151: {  	[hbm:s14], [sflag:s12] =	dma.local [spmem:s13], $0x400  }
0x152: {  	_ =	swait.ge [sflag:s15], $0x400  }
0x153: {  	[sflag:s15] =	ssyncset.done $0x0  }
0x154: {  	[sflag:s15] =	ssyncadd.s32 $0xFFFFFC00  }
0x155: {  	s13 =	sshrl.u32 @!p0 s5, $0x3;
	s14 =	rddreg [dreg:$0x1]  }
0x156: {  	[hbm:s14], [sflag:s12] =	dma.local @!p0 [spmem:s13], $0x80  }
0x157: {  	s12 =	simm.s32 @!p0 $0xA  }
0x158: {  	_ =	swait.ge @!p0 [sflag:s12], $0x80  }
0x159: {  	s16 =	sadd.s32 $0x1, s16;
	s14 =	rddreg [dreg:$0xb]  }
0x15a: {  	p1 =	sne.s32 s16, s14  }
.Ltmp2:
0x15b: {  	_ = 	snop;
	(pc) =	sbr.rel @p1 .LBB2_1-.Ltmp2, $3  }
0x15c: {  	_ =	sdelay $0x1  }
0x15d: {  	[sflag:s12] =	ssyncset.done @!p0 $0x0  }
0x15e: {  	[sflag:s12] =	ssyncadd.s32 @!p0 $0xFFFFFF80;
	s14 =	simm.s32 $0x1000  }
0x15f: {  	_ =	sfence.sel $0x180000  }
0x160: {  	[bflag:$0x0] =	sbarrier.arrive $0xFFFF  }
0x161: {  	_ =	strace $0x9000004A  }
0x162: {  	s0 =	stileid.u32;
	[bflag:$0x2] =	sbarrier.arrive $0xFFFF  }
0x163: {  	p0 =	sne.s32 s0, $0x0;
	s0 =	rddreg [dreg:$0x5]  }
0x164: {  	s0 =	sadd.s32 @!p0 $0x100000, s0  }
0x165: {  	[sflag:s0] =	ssyncadd.tile.s32 @!p0 $0x1;
	_ =	shalt  }
.Lfunc_end2:
_tile_overlayer_lowered:
.L_overlay_start_2:
0x166: {  	(tag) =	ssettag $0x2  }
0x167: {  	s0 =	rddreg [dreg:$0x0];
	s2 =	stileid.u32  }
0x168: {  	s1 =	rddreg [dreg:$0x1];
	p0 =	sne.s32 s2, $0x0  }
0x169: {  	s3 =	rddreg [dreg:$0x2];
	[bflag:$0x3] =	sbarrier.arrive $0xFFFF;
	s2 =	simm.s32 @!p0 $0x1C0A  }
0x16a: {  	[timem:s3], [sflag:s2] =	dma.local @!p0 [hbm:s0], s1  }
0x16b: {  	s0 =	simm.s32 @!p0 $0xA  }
0x16c: {  	_ =	swait.ge @!p0 [sflag:s0], s1  }
0x16d: {  	s1 =	ssub.s32 @!p0 $0x0, s1;
	[sflag:s0] =	ssyncset.done @!p0 $0x0  }
0x16e: {  	[sflag:s0] =	ssyncadd.s32 @!p0 s1  }
0x16f: {  	[bflag:$0x3] =	sbarrier.arrive $0xFFFF  }
0x170: {  	_ =	shalt  }

</sc_bundles>
